<compile_context>
chip_gen: v7x
topology: tpu7x:2x2x1
jax: 0.10.2.dev20260603
libtpu: 0.0.44.dev20260713+nightly
codegen_flags: <defaults>
</compile_context>

<pallas_src>
import functools

import jax
import jax.numpy as jnp
from jax import lax
from jax.experimental import pallas as pl
from jax.experimental.pallas import tpu as pltpu
from jax.experimental.pallas import tpu_sc as plsc

EMB = 32
EPS = 1e-12
HALF = 16
NW = 32
CHUNK = 128
UNIT_B = 1024
PITCH = 129


def kernel(entity_ids, table, gamma, beta):
    bsz, hist = entity_ids.shape
    nrows = bsz * hist
    rows_pw = nrows // NW
    nchunks = rows_pw // CHUNK
    units_pw = rows_pw // UNIT_B
    cpu_ = UNIT_B // CHUNK
    bhi_per_b = bsz // 128
    h_stride = EMB * bsz
    ids_flat = entity_ids.astype(jnp.int32).T.reshape(nrows)

    mesh = plsc.VectorSubcoreMesh(core_axis_name="c", subcore_axis_name="s")

    @functools.partial(
        pl.kernel,
        out_type=jax.ShapeDtypeStruct((hist, 4, bhi_per_b, 8, 128),
                                      jnp.float32),
        mesh=mesh,
        scratch_types=[
            pltpu.VMEM((rows_pw,), jnp.int32),
            pltpu.VMEM((4, CHUNK, EMB), jnp.float32),
            pltpu.VMEM((2, 4, 8, 8, PITCH), jnp.float32),
            pltpu.VMEM((EMB,), jnp.float32),
            pltpu.VMEM((EMB,), jnp.float32),
            pltpu.SemaphoreType.DMA,
            pltpu.SemaphoreType.DMA,
            pltpu.SemaphoreType.DMA,
            pltpu.SemaphoreType.DMA,
            pltpu.SemaphoreType.DMA((2,)),
        ],
        compiler_params=pltpu.CompilerParams(
            needs_layout_passes=False, use_tc_tiling_on_sc=False),
    )
    def sc_kernel(ids_hbm, table_hbm, gamma_hbm, beta_hbm, out_hbm,
                  idx_v, data_v, stage_v, gam_v, bet_v,
                  gsem0, gsem1, gsem2, gsem3, ssem):
        gsem = (gsem0, gsem1, gsem2, gsem3)
        wid = lax.axis_index("s") * 2 + lax.axis_index("c")
        pltpu.sync_copy(ids_hbm.at[pl.ds(wid * rows_pw, rows_pw)], idx_v)
        pltpu.sync_copy(gamma_hbm, gam_v)
        pltpu.sync_copy(beta_hbm, bet_v)
        g0 = gam_v[pl.ds(0, HALF)]
        g1 = gam_v[pl.ds(HALF, HALF)]
        b0 = bet_v[pl.ds(0, HALF)]
        b1 = bet_v[pl.ds(HALF, HALF)]
        lane15 = jnp.full((HALF, 1), 15, jnp.int32)
        dnums = lax.GatherDimensionNumbers(
            offset_dims=(), collapsed_slice_dims=(0,), start_index_map=(0,))

        def bcast_last(x):
            return lax.gather(x, lane15, dnums, (1,),
                              mode=lax.GatherScatterMode.PROMISE_IN_BOUNDS)

        iota = lax.iota(jnp.int32, HALF)
        d_ch = iota // 8
        d_clo = iota % 8
        u0 = wid * units_pw

        def start_gather(k, slot):
            pltpu.async_copy(
                table_hbm.at[idx_v.at[pl.ds(k * CHUNK, CHUNK)]],
                data_v.at[slot], gsem[slot])

        def stores(su, h, q8, wait):
            for ch in range(4):
                cp = pltpu.make_async_copy(
                    stage_v.at[su, ch, :, :, pl.ds(0, 128)],
                    out_hbm.at[h, ch, pl.ds(q8, 8)],
                    ssem.at[su])
                if wait:
                    cp.wait()
                else:
                    cp.start()

        def process_chunk(k, slot):
            pltpu.make_async_copy(
                table_hbm.at[idx_v.at[pl.ds(k * CHUNK, CHUNK)]],
                data_v.at[slot], gsem[slot]).wait()
            d_su = jnp.full((HALF,), (k // cpu_) % 2, jnp.int32)
            d_bhi = jnp.full((HALF,), k % cpu_, jnp.int32)

            def row(r):
                v0 = data_v[slot, r, pl.ds(0, HALF)]
                v1 = data_v[slot, r, pl.ds(HALF, HALF)]
                s = bcast_last(jnp.cumsum(v0 + v1))
                q2 = bcast_last(jnp.cumsum(v0 * v0 + v1 * v1))
                mean = s * (1.0 / EMB)
                var = jnp.maximum(q2 * (1.0 / EMB) - mean * mean, 0.0) + EPS
                i = lax.bitcast_convert_type(var, jnp.int32)
                i = jnp.int32(0x5F3759DF) - lax.shift_right_logical(i, 1)
                y = lax.bitcast_convert_type(i, jnp.float32)
                xh = var * 0.5
                y = y * (1.5 - xh * y * y)
                y = y * (1.5 - xh * y * y)
                d_r = jnp.full((HALF,), r, jnp.int32)
                plsc.store_scatter(stage_v, [d_su, d_ch, d_bhi, d_clo, d_r],
                                   (v0 - mean) * (y * g0) + b0)
                plsc.store_scatter(stage_v,
                                   [d_su, d_ch + 2, d_bhi, d_clo, d_r],
                                   (v1 - mean) * (y * g1) + b1)

            plsc.parallel_loop(0, CHUNK, 1, unroll=8)(row)

        def flush(k):
            m = k // cpu_
            u = u0 + m
            stores(m % 2, u // 4, (u % 4) * 8, wait=False)

            @pl.when(m >= 1)
            def _():
                stores((m - 1) % 2, 0, 0, wait=True)

        for k in range(3):
            start_gather(k, k)

        def quad(p, _):
            for j in range(4):
                k = 4 * p + j
                process_chunk(k, j)

                @pl.when(k + 3 < nchunks)
                def _():
                    start_gather(k + 3, (j + 3) % 4)

            @pl.when(p % 2 == 1)
            def _():
                flush(4 * p + 3)
            return 0

        lax.fori_loop(0, nchunks // 4, quad, 0)
        stores((units_pw - 1) % 2, 0, 0, wait=True)

    out5 = sc_kernel(ids_flat, table, gamma, beta)
    return out5.transpose(2, 4, 0, 1, 3).reshape(bsz, hist, EMB)

# --- scband reference (transcript-rebuilt; emitter-appended) ---
"""Pipeline reference for scband-entity-embeddings-89807766159375 (READ-ONLY COPY).

The authoritative reference and input builder live on the scoring server;
editing this copy changes nothing except your own understanding.
"""

import jax, jax.numpy as jnp
import numpy as np

VOCAB = 1000000
EMB = 32
EPS = 1e-12
BATCH = 4096
HIST = 200

def setup_inputs(seed: int = 0) -> dict:
    key = jax.random.key(seed)
    k1, k2 = jax.random.split(key, 2)
    entity_ids = jax.random.randint(k1, (BATCH, HIST), 0, VOCAB)
    table = jax.random.normal(k2, (VOCAB, EMB), dtype=jnp.float32) * 0.02
    # padding_idx=0: row 0 is zeros
    table = table.at[0].set(0.0)
    gamma = jnp.ones((EMB,), dtype=jnp.float32)
    beta = jnp.zeros((EMB,), dtype=jnp.float32)
    return {"entity_ids": entity_ids, "table": table, "gamma": gamma, "beta": beta}

def reference(entity_ids, table, gamma, beta):
    # nn.Embedding lookup (padding_idx=0 row already zeroed in table)
    emb = jnp.take(table, entity_ids, axis=0)
    # LayerNorm over last dim
    mean = jnp.mean(emb, axis=-1, keepdims=True)
    var = jnp.mean((emb - mean) ** 2, axis=-1, keepdims=True)
    normed = (emb - mean) / jnp.sqrt(var + EPS)
    out = normed * gamma + beta
    # dropout is identity in eval mode
    return out

if __name__ == "__main__":
    import jax
    _d = setup_inputs()
    print(jax.jit(kernel)(*tuple(_d.values())))

</pallas_src>

<mosaic_0001>
#map = affine_map<(d0, d1) -> (0)>
#map1 = affine_map<(d0, d1) -> (0, 0)>
#map2 = affine_map<(d0, d1) -> (0, 0, 0, 0, 0)>
module attributes {stable_mosaic.version = 14 : i64} {
  func.func @sc_kernel(%arg0: i32, %arg1: i32, %arg2: memref<819200xi32, #tpu.memory_space<hbm>>, %arg3: memref<1000000x32xf32, #tpu.memory_space<hbm>>, %arg4: memref<32xf32, #tpu.memory_space<hbm>>, %arg5: memref<32xf32, #tpu.memory_space<hbm>>, %arg6: memref<200x4x32x8x128xf32, #tpu.memory_space<hbm>>, %arg7: memref<25600xi32, #tpu.memory_space<vmem>>, %arg8: memref<4x128x32xf32, #tpu.memory_space<vmem>>, %arg9: memref<2x4x8x8x129xf32, #tpu.memory_space<vmem>>, %arg10: memref<32xf32, #tpu.memory_space<vmem>>, %arg11: memref<32xf32, #tpu.memory_space<vmem>>, %arg12: memref<!tpu.dma_semaphore, #tpu.memory_space<semaphore_mem>>, %arg13: memref<!tpu.dma_semaphore, #tpu.memory_space<semaphore_mem>>, %arg14: memref<!tpu.dma_semaphore, #tpu.memory_space<semaphore_mem>>, %arg15: memref<!tpu.dma_semaphore, #tpu.memory_space<semaphore_mem>>, %arg16: memref<2x!tpu.dma_semaphore, #tpu.memory_space<semaphore_mem>>) attributes {dimension_semantics = [#tpu.dimension_semantics<core_parallel>, #tpu.dimension_semantics<subcore_parallel>], iteration_bounds = array<i64: 2, 16>, scalar_prefetch = 0 : i64, scratch_operands = 10 : i64, tpu.core_type = #tpu.core_type<sc_vector_subcore>, window_params = [{transform_indices = #map}, {transform_indices = #map1}, {transform_indices = #map}, {transform_indices = #map}, {transform_indices = #map2}]} {
    %mul3A = arith.constant 2 : i32
    %mul3A_0 = arith.muli %arg1, %mul3A : i32
    %add3A = arith.addi %mul3A_0, %arg0 : i32
    %mul3A_1 = arith.constant 25600 : i32
    %mul3A_2 = arith.muli %add3A, %mul3A_1 : i32
    "tpu.region"() ({
      %run_scoped3A = tpu.sem_alloc : memref<!tpu.dma_semaphore, #tpu.memory_space<semaphore_mem>>
      %dma_start3A_198 = tpu.memref_slice %arg2[%mul3A_2] : memref<819200xi32, #tpu.memory_space<hbm>> -> memref<25600xi32, #tpu.memory_space<hbm>>
      %dma_start3A_199 = tpu.memref_slice %arg2[%mul3A_2] : memref<819200xi32, #tpu.memory_space<hbm>> -> memref<25600xi32, #tpu.memory_space<hbm>>
      tpu.enqueue_dma source(%dma_start3A_199 : memref<25600xi32, #tpu.memory_space<hbm>>) target(%arg7 : memref<25600xi32, #tpu.memory_space<vmem>>) target_semaphore(%run_scoped3A : memref<!tpu.dma_semaphore, #tpu.memory_space<semaphore_mem>>)
      %dma_wait3A_200 = tpu.memref_slice %arg2[%mul3A_2] : memref<819200xi32, #tpu.memory_space<hbm>> -> memref<25600xi32, #tpu.memory_space<hbm>>
      %dma_wait3A_201 = tpu.memref_slice %arg2[%mul3A_2] : memref<819200xi32, #tpu.memory_space<hbm>> -> memref<25600xi32, #tpu.memory_space<hbm>>
      tpu.wait_dma2 semaphore(%run_scoped3A : memref<!tpu.dma_semaphore, #tpu.memory_space<semaphore_mem>>) src(%dma_wait3A_201 : memref<25600xi32, #tpu.memory_space<hbm>>) dst(%arg7 : memref<25600xi32, #tpu.memory_space<vmem>>)
      tpu.yield
    }) : () -> ()
    "tpu.region"() ({
      %run_scoped3A = tpu.sem_alloc : memref<!tpu.dma_semaphore, #tpu.memory_space<semaphore_mem>>
      tpu.enqueue_dma source(%arg4 : memref<32xf32, #tpu.memory_space<hbm>>) target(%arg10 : memref<32xf32, #tpu.memory_space<vmem>>) target_semaphore(%run_scoped3A : memref<!tpu.dma_semaphore, #tpu.memory_space<semaphore_mem>>)
      tpu.wait_dma2 semaphore(%run_scoped3A : memref<!tpu.dma_semaphore, #tpu.memory_space<semaphore_mem>>) src(%arg4 : memref<32xf32, #tpu.memory_space<hbm>>) dst(%arg10 : memref<32xf32, #tpu.memory_space<vmem>>)
      tpu.yield
    }) : () -> ()
    "tpu.region"() ({
      %run_scoped3A = tpu.sem_alloc : memref<!tpu.dma_semaphore, #tpu.memory_space<semaphore_mem>>
      tpu.enqueue_dma source(%arg5 : memref<32xf32, #tpu.memory_space<hbm>>) target(%arg11 : memref<32xf32, #tpu.memory_space<vmem>>) target_semaphore(%run_scoped3A : memref<!tpu.dma_semaphore, #tpu.memory_space<semaphore_mem>>)
      tpu.wait_dma2 semaphore(%run_scoped3A : memref<!tpu.dma_semaphore, #tpu.memory_space<semaphore_mem>>) src(%arg5 : memref<32xf32, #tpu.memory_space<hbm>>) dst(%arg11 : memref<32xf32, #tpu.memory_space<vmem>>)
      tpu.yield
    }) : () -> ()
    %get3A = arith.constant 0 : index
    %get3A_3 = tpu.vector_load %arg10[%get3A] {strides = array<i32>} : memref<32xf32, #tpu.memory_space<vmem>>, vector<16xf32>,
    %get3A_4 = arith.constant 16 : index
    %get3A_5 = tpu.vector_load %arg10[%get3A_4] {strides = array<i32>} : memref<32xf32, #tpu.memory_space<vmem>>, vector<16xf32>,
    %get3A_6 = arith.constant 0 : index
    %get3A_7 = tpu.vector_load %arg11[%get3A_6] {strides = array<i32>} : memref<32xf32, #tpu.memory_space<vmem>>, vector<16xf32>,
    %get3A_8 = arith.constant 16 : index
    %get3A_9 = tpu.vector_load %arg11[%get3A_8] {strides = array<i32>} : memref<32xf32, #tpu.memory_space<vmem>>, vector<16xf32>,
    %broadcast_in_dim3A = arith.constant 15 : i32
    %broadcast_in_dim3A_10 = vector.broadcast %broadcast_in_dim3A : i32 to vector<16x1xi32>
    %iota3A = tpu.iota {dimensions = array<i32: 0>} : vector<16xi32>
    %jit3A = arith.constant 8 : i32
    %div3A = vector.broadcast %jit3A : i32 to vector<16xi32>
    %div3A_11 = arith.divsi %iota3A, %div3A : vector<16xi32>
    %sign3A = arith.constant 0 : i32
    %sign3A_12 = vector.broadcast %sign3A : i32 to vector<16xi32>
    %sign3A_13 = arith.cmpi sgt, %iota3A, %sign3A_12 : vector<16xi32>
    %sign3A_14 = arith.extui %sign3A_13 : vector<16xi1> to vector<16xi32>
    %sign3A_15 = arith.constant 0 : i32
    %sign3A_16 = vector.broadcast %sign3A_15 : i32 to vector<16xi32>
    %sign3A_17 = arith.cmpi slt, %iota3A, %sign3A_16 : vector<16xi32>
    %sign3A_18 = arith.extui %sign3A_17 : vector<16xi1> to vector<16xi32>
    %sign3A_19 = arith.subi %sign3A_14, %sign3A_18 : vector<16xi32>
    %sign3A_20 = arith.constant 0 : i32
    %sign3A_21 = arith.cmpi sgt, %jit3A, %sign3A_20 : i32
    %sign3A_22 = arith.extui %sign3A_21 : i1 to i32
    %sign3A_23 = arith.constant 0 : i32
    %sign3A_24 = arith.cmpi slt, %jit3A, %sign3A_23 : i32
    %sign3A_25 = arith.extui %sign3A_24 : i1 to i32
    %sign3A_26 = arith.subi %sign3A_22, %sign3A_25 : i32
    %ne3A = vector.broadcast %sign3A_26 : i32 to vector<16xi32>
    %ne3A_27 = arith.cmpi ne, %sign3A_19, %ne3A : vector<16xi32>
    %rem3A = vector.broadcast %jit3A : i32 to vector<16xi32>
    %rem3A_28 = arith.remsi %iota3A, %rem3A : vector<16xi32>
    %ne3A_29 = arith.constant 0 : i32
    %ne3A_30 = vector.broadcast %ne3A_29 : i32 to vector<16xi32>
    %ne3A_31 = arith.cmpi ne, %rem3A_28, %ne3A_30 : vector<16xi32>
    %and3A = arith.andi %ne3A_27, %ne3A_31 : vector<16xi1>
    %sub3A = arith.constant 1 : i32
    %sub3A_32 = vector.broadcast %sub3A : i32 to vector<16xi32>
    %sub3A_33 = arith.subi %div3A_11, %sub3A_32 : vector<16xi32>
    %select_n3A = arith.select %and3A, %sub3A_33, %div3A_11 : vector<16xi1>, vector<16xi32>
    %jit3A_34 = arith.constant 8 : i32
    %eq3A = arith.constant 0 : i32
    %eq3A_35 = arith.cmpi eq, %jit3A_34, %eq3A : i32
    %jit3A_36 = arith.constant 1 : i32
    %select_n3A_37 = arith.select %eq3A_35, %jit3A_36, %jit3A_34 : i32
    %rem3A_38 = vector.broadcast %select_n3A_37 : i32 to vector<16xi32>
    %rem3A_39 = arith.remsi %iota3A, %rem3A_38 : vector<16xi32>
    %ne3A_40 = arith.constant 0 : i32
    %ne3A_41 = vector.broadcast %ne3A_40 : i32 to vector<16xi32>
    %ne3A_42 = arith.cmpi ne, %rem3A_39, %ne3A_41 : vector<16xi32>
    %lt3A = arith.constant 0 : i32
    %lt3A_43 = vector.broadcast %lt3A : i32 to vector<16xi32>
    %lt3A_44 = arith.cmpi slt, %rem3A_39, %lt3A_43 : vector<16xi32>
    %lt3A_45 = arith.constant 0 : i32
    %lt3A_46 = arith.cmpi slt, %select_n3A_37, %lt3A_45 : i32
    %ne3A_47 = vector.broadcast %lt3A_46 : i1 to vector<16xi1>
    %ne3A_48 = vector.broadcast %ne3A_47 : vector<16xi1> to vector<16xi1>
    %ne3A_49 = arith.xori %lt3A_44, %ne3A_48 : vector<16xi1>
    %and3A_50 = arith.andi %ne3A_49, %ne3A_42 : vector<16xi1>
    %add3A_51 = vector.broadcast %select_n3A_37 : i32 to vector<16xi32>
    %add3A_52 = arith.addi %rem3A_39, %add3A_51 : vector<16xi32>
    %select_n3A_53 = arith.select %and3A_50, %add3A_52, %rem3A_39 : vector<16xi1>, vector<16xi32>
    %mul3A_54 = arith.constant 25 : i32
    %mul3A_55 = arith.muli %add3A, %mul3A_54 : i32
    %dma_start3A = arith.constant 0 : i32
    %dma_start3A_56 = arith.constant 0 : i32
    %dma_start3A_57 = arith.constant 0 : i32
    %dma_start3A_58 = tpu.memref_slice %arg8[%dma_start3A, %dma_start3A_56, %dma_start3A_57] : memref<4x128x32xf32, #tpu.memory_space<vmem>> -> memref<1x128x32xf32, #tpu.memory_space<vmem>>
    %dma_start3A_59 = tpu.memref_squeeze %dma_start3A_58 : memref<1x128x32xf32, #tpu.memory_space<vmem>> -> memref<128x32xf32, #tpu.memory_space<vmem>>
    %dma_start3A_60 = arith.constant 0 : i32
    %dma_start3A_61 = tpu.memref_slice %arg7[%dma_start3A_60] : memref<25600xi32, #tpu.memory_space<vmem>> -> memref<128xi32, #tpu.memory_space<vmem>>
    %dma_start3A_62 = arith.constant 0 : i32
    %dma_start3A_63 = arith.constant 0 : i32
    %dma_start3A_64 = tpu.memref_slice %arg3[%dma_start3A_62, %dma_start3A_63] : memref<1000000x32xf32, #tpu.memory_space<hbm>> -> memref<1000000x32xf32, #tpu.memory_space<hbm>>
    tpu.enqueue_indirect_dma source(%dma_start3A_64 : memref<1000000x32xf32, #tpu.memory_space<hbm>>) target(%dma_start3A_59 : memref<128x32xf32, #tpu.memory_space<vmem>>) offsets(%dma_start3A_61 : memref<128xi32, #tpu.memory_space<vmem>>) semaphore(%arg12 : memref<!tpu.dma_semaphore, #tpu.memory_space<semaphore_mem>>)
    %dma_start3A_65 = arith.constant 1 : i32
    %dma_start3A_66 = arith.constant 0 : i32
    %dma_start3A_67 = arith.constant 0 : i32
    %dma_start3A_68 = tpu.memref_slice %arg8[%dma_start3A_65, %dma_start3A_66, %dma_start3A_67] : memref<4x128x32xf32, #tpu.memory_space<vmem>> -> memref<1x128x32xf32, #tpu.memory_space<vmem>>
    %dma_start3A_69 = tpu.memref_squeeze %dma_start3A_68 : memref<1x128x32xf32, #tpu.memory_space<vmem>> -> memref<128x32xf32, #tpu.memory_space<vmem>>
    %dma_start3A_70 = arith.constant 128 : i32
    %dma_start3A_71 = tpu.memref_slice %arg7[%dma_start3A_70] : memref<25600xi32, #tpu.memory_space<vmem>> -> memref<128xi32, #tpu.memory_space<vmem>>
    %dma_start3A_72 = arith.constant 0 : i32
    %dma_start3A_73 = arith.constant 0 : i32
    %dma_start3A_74 = tpu.memref_slice %arg3[%dma_start3A_72, %dma_start3A_73] : memref<1000000x32xf32, #tpu.memory_space<hbm>> -> memref<1000000x32xf32, #tpu.memory_space<hbm>>
    tpu.enqueue_indirect_dma source(%dma_start3A_74 : memref<1000000x32xf32, #tpu.memory_space<hbm>>) target(%dma_start3A_69 : memref<128x32xf32, #tpu.memory_space<vmem>>) offsets(%dma_start3A_71 : memref<128xi32, #tpu.memory_space<vmem>>) semaphore(%arg13 : memref<!tpu.dma_semaphore, #tpu.memory_space<semaphore_mem>>)
    %dma_start3A_75 = arith.constant 2 : i32
    %dma_start3A_76 = arith.constant 0 : i32
    %dma_start3A_77 = arith.constant 0 : i32
    %dma_start3A_78 = tpu.memref_slice %arg8[%dma_start3A_75, %dma_start3A_76, %dma_start3A_77] : memref<4x128x32xf32, #tpu.memory_space<vmem>> -> memref<1x128x32xf32, #tpu.memory_space<vmem>>
    %dma_start3A_79 = tpu.memref_squeeze %dma_start3A_78 : memref<1x128x32xf32, #tpu.memory_space<vmem>> -> memref<128x32xf32, #tpu.memory_space<vmem>>
    %dma_start3A_80 = arith.constant 256 : i32
    %dma_start3A_81 = tpu.memref_slice %arg7[%dma_start3A_80] : memref<25600xi32, #tpu.memory_space<vmem>> -> memref<128xi32, #tpu.memory_space<vmem>>
    %dma_start3A_82 = arith.constant 0 : i32
    %dma_start3A_83 = arith.constant 0 : i32
    %dma_start3A_84 = tpu.memref_slice %arg3[%dma_start3A_82, %dma_start3A_83] : memref<1000000x32xf32, #tpu.memory_space<hbm>> -> memref<1000000x32xf32, #tpu.memory_space<hbm>>
    tpu.enqueue_indirect_dma source(%dma_start3A_84 : memref<1000000x32xf32, #tpu.memory_space<hbm>>) target(%dma_start3A_79 : memref<128x32xf32, #tpu.memory_space<vmem>>) offsets(%dma_start3A_81 : memref<128xi32, #tpu.memory_space<vmem>>) semaphore(%arg14 : memref<!tpu.dma_semaphore, #tpu.memory_space<semaphore_mem>>)
    %scan3A = arith.constant 0 : i32
    %scan3A_85 = arith.constant 0 : i32
    %scan3A_86 = arith.constant 50 : i32
    %scan3A_87 = arith.addi %scan3A_85, %scan3A_86 : i32
    %scan3A_88 = arith.constant 1 : i32
    %scan3A_89 = scf.for %scan3A_198 = %scan3A_85 to %scan3A_87 step %scan3A_88 iter_args(%scan3A_199 = %scan3A) -> (i32)  : i32 {
      %mul3A_200 = arith.constant 4 : i32
      %mul3A_201 = arith.muli %mul3A_200, %scan3A_198 : i32
      %add3A_202 = arith.constant 0 : i32
      %add3A_203 = arith.addi %mul3A_201, %add3A_202 : i32
      %mul3A_204 = arith.constant 128 : i32
      %mul3A_205 = arith.muli %add3A_203, %mul3A_204 : i32
      %dma_wait3A_206 = arith.constant 0 : i32
      %dma_wait3A_207 = arith.constant 0 : i32
      %dma_wait3A_208 = arith.constant 0 : i32
      %dma_wait3A_209 = tpu.memref_slice %arg8[%dma_wait3A_206, %dma_wait3A_207, %dma_wait3A_208] : memref<4x128x32xf32, #tpu.memory_space<vmem>> -> memref<1x128x32xf32, #tpu.memory_space<vmem>>
      %dma_wait3A_210 = tpu.memref_squeeze %dma_wait3A_209 : memref<1x128x32xf32, #tpu.memory_space<vmem>> -> memref<128x32xf32, #tpu.memory_space<vmem>>
      %dma_wait3A_211 = tpu.memref_slice %arg7[%mul3A_205] : memref<25600xi32, #tpu.memory_space<vmem>> -> memref<128xi32, #tpu.memory_space<vmem>>
      %dma_wait3A_212 = arith.constant 0 : i32
      %dma_wait3A_213 = arith.constant 0 : i32
      %dma_wait3A_214 = tpu.memref_slice %arg3[%dma_wait3A_212, %dma_wait3A_213] : memref<1000000x32xf32, #tpu.memory_space<hbm>> -> memref<1000000x32xf32, #tpu.memory_space<hbm>>
      tpu.wait_indirect_dma semaphore(%arg12 : memref<!tpu.dma_semaphore, #tpu.memory_space<semaphore_mem>>) src(%dma_wait3A_214 : memref<1000000x32xf32, #tpu.memory_space<hbm>>) dst(%dma_wait3A_210 : memref<128x32xf32, #tpu.memory_space<vmem>>)
      %jit3A_215 = arith.constant 8 : i32
      %div3A_216 = arith.divsi %add3A_203, %jit3A_215 : i32
      %sign3A_217 = arith.constant 0 : i32
      %sign3A_218 = arith.cmpi sgt, %add3A_203, %sign3A_217 : i32
      %sign3A_219 = arith.extui %sign3A_218 : i1 to i32
      %sign3A_220 = arith.constant 0 : i32
      %sign3A_221 = arith.cmpi slt, %add3A_203, %sign3A_220 : i32
      %sign3A_222 = arith.extui %sign3A_221 : i1 to i32
      %sign3A_223 = arith.subi %sign3A_219, %sign3A_222 : i32
      %sign3A_224 = arith.constant 0 : i32
      %sign3A_225 = arith.cmpi sgt, %jit3A_215, %sign3A_224 : i32
      %sign3A_226 = arith.extui %sign3A_225 : i1 to i32
      %sign3A_227 = arith.constant 0 : i32
      %sign3A_228 = arith.cmpi slt, %jit3A_215, %sign3A_227 : i32
      %sign3A_229 = arith.extui %sign3A_228 : i1 to i32
      %sign3A_230 = arith.subi %sign3A_226, %sign3A_229 : i32
      %ne3A_231 = arith.cmpi ne, %sign3A_223, %sign3A_230 : i32
      %rem3A_232 = arith.remsi %add3A_203, %jit3A_215 : i32
      %ne3A_233 = arith.constant 0 : i32
      %ne3A_234 = arith.cmpi ne, %rem3A_232, %ne3A_233 : i32
      %and3A_235 = arith.andi %ne3A_231, %ne3A_234 : i1
      %sub3A_236 = arith.constant 1 : i32
      %sub3A_237 = arith.subi %div3A_216, %sub3A_236 : i32
      %select_n3A_238 = arith.select %and3A_235, %sub3A_237, %div3A_216 : i32
      %jit3A_239 = arith.constant 2 : i32
      %eq3A_240 = arith.constant 0 : i32
      %eq3A_241 = arith.cmpi eq, %jit3A_239, %eq3A_240 : i32
      %jit3A_242 = arith.constant 1 : i32
      %select_n3A_243 = arith.select %eq3A_241, %jit3A_242, %jit3A_239 : i32
      %rem3A_244 = arith.remsi %select_n3A_238, %select_n3A_243 : i32
      %ne3A_245 = arith.constant 0 : i32
      %ne3A_246 = arith.cmpi ne, %rem3A_244, %ne3A_245 : i32
      %lt3A_247 = arith.constant 0 : i32
      %lt3A_248 = arith.cmpi slt, %rem3A_244, %lt3A_247 : i32
      %lt3A_249 = arith.constant 0 : i32
      %lt3A_250 = arith.cmpi slt, %select_n3A_243, %lt3A_249 : i32
      %ne3A_251 = arith.xori %lt3A_248, %lt3A_250 : i1
      %and3A_252 = arith.andi %ne3A_251, %ne3A_246 : i1
      %add3A_253 = arith.addi %rem3A_244, %select_n3A_243 : i32
      %select_n3A_254 = arith.select %and3A_252, %add3A_253, %rem3A_244 : i32
      %broadcast_in_dim3A_255 = vector.broadcast %select_n3A_254 : i32 to vector<16xi32>
      %jit3A_256 = arith.constant 8 : i32
      %eq3A_257 = arith.constant 0 : i32
      %eq3A_258 = arith.cmpi eq, %jit3A_256, %eq3A_257 : i32
      %jit3A_259 = arith.constant 1 : i32
      %select_n3A_260 = arith.select %eq3A_258, %jit3A_259, %jit3A_256 : i32
      %rem3A_261 = arith.remsi %add3A_203, %select_n3A_260 : i32
      %ne3A_262 = arith.constant 0 : i32
      %ne3A_263 = arith.cmpi ne, %rem3A_261, %ne3A_262 : i32
      %lt3A_264 = arith.constant 0 : i32
      %lt3A_265 = arith.cmpi slt, %rem3A_261, %lt3A_264 : i32
      %lt3A_266 = arith.constant 0 : i32
      %lt3A_267 = arith.cmpi slt, %select_n3A_260, %lt3A_266 : i32
      %ne3A_268 = arith.xori %lt3A_265, %lt3A_267 : i1
      %and3A_269 = arith.andi %ne3A_268, %ne3A_263 : i1
      %add3A_270 = arith.addi %rem3A_261, %select_n3A_260 : i32
      %select_n3A_271 = arith.select %and3A_269, %add3A_270, %rem3A_261 : i32
      %broadcast_in_dim3A_272 = vector.broadcast %select_n3A_271 : i32 to vector<16xi32>
      %parallel_loop3A = arith.constant 0 : i32
      %parallel_loop3A_273 = arith.constant 128 : i32
      %parallel_loop3A_274 = arith.constant 1 : i32
      scf.for %parallel_loop3A_551 = %parallel_loop3A to %parallel_loop3A_273 step %parallel_loop3A_274  : i32 {
        %parallel_loop3A_552 = arith.constant 0 : i32
        %parallel_loop3A_553 = arith.index_cast %parallel_loop3A_552 : i32 to index
        %parallel_loop3A_554 = arith.index_cast %parallel_loop3A_551 : i32 to index
        %parallel_loop3A_555 = arith.constant 0 : index
        %parallel_loop3A_556 = tpu.vector_load %arg8[%parallel_loop3A_553, %parallel_loop3A_554, %parallel_loop3A_555] {strides = array<i32>} : memref<4x128x32xf32, #tpu.memory_space<vmem>>, vector<16xf32>,
        %parallel_loop3A_557 = arith.constant 0 : i32
        %parallel_loop3A_558 = arith.index_cast %parallel_loop3A_557 : i32 to index
        %parallel_loop3A_559 = arith.index_cast %parallel_loop3A_551 : i32 to index
        %parallel_loop3A_560 = arith.constant 16 : index
        %parallel_loop3A_561 = tpu.vector_load %arg8[%parallel_loop3A_558, %parallel_loop3A_559, %parallel_loop3A_560] {strides = array<i32>} : memref<4x128x32xf32, #tpu.memory_space<vmem>>, vector<16xf32>,
        %parallel_loop3A_562 = arith.addf %parallel_loop3A_556, %parallel_loop3A_561 : vector<16xf32>
        %parallel_loop3A_563 = arith.constant true
        %parallel_loop3A_564 = vector.broadcast %parallel_loop3A_563 : i1 to vector<16xi1>
        %parallel_loop3A_565 = tpu.scan <sum>, %parallel_loop3A_562 masked %parallel_loop3A_564 : vector<16xf32>, vector<16xi1> -> vector<16xf32>
        %parallel_loop3A_566 = vector.shape_cast %broadcast_in_dim3A_10 : vector<16x1xi32> to vector<16xi32>
        %parallel_loop3A_567 = tpu.dynamic_gather %parallel_loop3A_565[%parallel_loop3A_566] in [0] : vector<16xf32>, vector<16xi32> -> vector<16xf32>
        %parallel_loop3A_568 = arith.mulf %parallel_loop3A_556, %parallel_loop3A_556 : vector<16xf32>
        %parallel_loop3A_569 = arith.mulf %parallel_loop3A_561, %parallel_loop3A_561 : vector<16xf32>
        %parallel_loop3A_570 = arith.addf %parallel_loop3A_568, %parallel_loop3A_569 : vector<16xf32>
        %parallel_loop3A_571 = arith.constant true
        %parallel_loop3A_572 = vector.broadcast %parallel_loop3A_571 : i1 to vector<16xi1>
        %parallel_loop3A_573 = tpu.scan <sum>, %parallel_loop3A_570 masked %parallel_loop3A_572 : vector<16xf32>, vector<16xi1> -> vector<16xf32>
        %parallel_loop3A_574 = vector.shape_cast %broadcast_in_dim3A_10 : vector<16x1xi32> to vector<16xi32>
        %parallel_loop3A_575 = tpu.dynamic_gather %parallel_loop3A_573[%parallel_loop3A_574] in [0] : vector<16xf32>, vector<16xi32> -> vector<16xf32>
        %parallel_loop3A_576 = arith.constant 3.125000e-02 : f32
        %parallel_loop3A_577 = vector.broadcast %parallel_loop3A_576 : f32 to vector<16xf32>
        %parallel_loop3A_578 = arith.mulf %parallel_loop3A_567, %parallel_loop3A_577 : vector<16xf32>
        %parallel_loop3A_579 = arith.constant 3.125000e-02 : f32
        %parallel_loop3A_580 = vector.broadcast %parallel_loop3A_579 : f32 to vector<16xf32>
        %parallel_loop3A_581 = arith.mulf %parallel_loop3A_575, %parallel_loop3A_580 : vector<16xf32>
        %parallel_loop3A_582 = arith.mulf %parallel_loop3A_578, %parallel_loop3A_578 : vector<16xf32>
        %parallel_loop3A_583 = arith.subf %parallel_loop3A_581, %parallel_loop3A_582 : vector<16xf32>
        %parallel_loop3A_584 = arith.constant 0.000000e+00 : f32
        %parallel_loop3A_585 = vector.broadcast %parallel_loop3A_584 : f32 to vector<16xf32>
        %parallel_loop3A_586 = arith.maximumf %parallel_loop3A_583, %parallel_loop3A_585 : vector<16xf32>
        %parallel_loop3A_587 = arith.constant 9.99999996E-13 : f32
        %parallel_loop3A_588 = vector.broadcast %parallel_loop3A_587 : f32 to vector<16xf32>
        %parallel_loop3A_589 = arith.addf %parallel_loop3A_586, %parallel_loop3A_588 : vector<16xf32>
        %parallel_loop3A_590 = tpu.bitcast %parallel_loop3A_589 : vector<16xf32> -> vector<16xi32>
        %parallel_loop3A_591 = arith.constant 1 : i32
        %parallel_loop3A_592 = vector.broadcast %parallel_loop3A_591 : i32 to vector<16xi32>
        %parallel_loop3A_593 = arith.shrui %parallel_loop3A_590, %parallel_loop3A_592 : vector<16xi32>
        %parallel_loop3A_594 = arith.constant 1597463007 : i32
        %parallel_loop3A_595 = vector.broadcast %parallel_loop3A_594 : i32 to vector<16xi32>
        %parallel_loop3A_596 = arith.subi %parallel_loop3A_595, %parallel_loop3A_593 : vector<16xi32>
        %parallel_loop3A_597 = tpu.bitcast %parallel_loop3A_596 : vector<16xi32> -> vector<16xf32>
        %parallel_loop3A_598 = arith.constant 5.000000e-01 : f32
        %parallel_loop3A_599 = vector.broadcast %parallel_loop3A_598 : f32 to vector<16xf32>
        %parallel_loop3A_600 = arith.mulf %parallel_loop3A_589, %parallel_loop3A_599 : vector<16xf32>
        %parallel_loop3A_601 = arith.mulf %parallel_loop3A_600, %parallel_loop3A_597 : vector<16xf32>
        %parallel_loop3A_602 = arith.mulf %parallel_loop3A_601, %parallel_loop3A_597 : vector<16xf32>
        %parallel_loop3A_603 = arith.constant 1.500000e+00 : f32
        %parallel_loop3A_604 = vector.broadcast %parallel_loop3A_603 : f32 to vector<16xf32>
        %parallel_loop3A_605 = arith.subf %parallel_loop3A_604, %parallel_loop3A_602 : vector<16xf32>
        %parallel_loop3A_606 = arith.mulf %parallel_loop3A_597, %parallel_loop3A_605 : vector<16xf32>
        %parallel_loop3A_607 = arith.mulf %parallel_loop3A_600, %parallel_loop3A_606 : vector<16xf32>
        %parallel_loop3A_608 = arith.mulf %parallel_loop3A_607, %parallel_loop3A_606 : vector<16xf32>
        %parallel_loop3A_609 = arith.constant 1.500000e+00 : f32
        %parallel_loop3A_610 = vector.broadcast %parallel_loop3A_609 : f32 to vector<16xf32>
        %parallel_loop3A_611 = arith.subf %parallel_loop3A_610, %parallel_loop3A_608 : vector<16xf32>
        %parallel_loop3A_612 = arith.mulf %parallel_loop3A_606, %parallel_loop3A_611 : vector<16xf32>
        %parallel_loop3A_613 = vector.broadcast %parallel_loop3A_551 : i32 to vector<16xi32>
        %parallel_loop3A_614 = arith.subf %parallel_loop3A_556, %parallel_loop3A_578 : vector<16xf32>
        %parallel_loop3A_615 = arith.mulf %parallel_loop3A_612, %get3A_3 : vector<16xf32>
        %parallel_loop3A_616 = arith.mulf %parallel_loop3A_614, %parallel_loop3A_615 : vector<16xf32>
        %parallel_loop3A_617 = arith.addf %parallel_loop3A_616, %get3A_7 : vector<16xf32>
        tpu.vector_store_idx %arg9[%broadcast_in_dim3A_255, %select_n3A, %broadcast_in_dim3A_272, %select_n3A_53, %parallel_loop3A_613], %parallel_loop3A_617 : memref<2x4x8x8x129xf32, #tpu.memory_space<vmem>>[vector<16xi32>, vector<16xi32>, vector<16xi32>, vector<16xi32>, vector<16xi32>], vector<16xf32>,
        %parallel_loop3A_618 = arith.constant 2 : i32
        %parallel_loop3A_619 = vector.broadcast %parallel_loop3A_618 : i32 to vector<16xi32>
        %parallel_loop3A_620 = arith.addi %select_n3A, %parallel_loop3A_619 : vector<16xi32>
        %parallel_loop3A_621 = arith.subf %parallel_loop3A_561, %parallel_loop3A_578 : vector<16xf32>
        %parallel_loop3A_622 = arith.mulf %parallel_loop3A_612, %get3A_5 : vector<16xf32>
        %parallel_loop3A_623 = arith.mulf %parallel_loop3A_621, %parallel_loop3A_622 : vector<16xf32>
        %parallel_loop3A_624 = arith.addf %parallel_loop3A_623, %get3A_9 : vector<16xf32>
        tpu.vector_store_idx %arg9[%broadcast_in_dim3A_255, %parallel_loop3A_620, %broadcast_in_dim3A_272, %select_n3A_53, %parallel_loop3A_613], %parallel_loop3A_624 : memref<2x4x8x8x129xf32, #tpu.memory_space<vmem>>[vector<16xi32>, vector<16xi32>, vector<16xi32>, vector<16xi32>, vector<16xi32>], vector<16xf32>,
      } {sc.loop_unroll_factor = 8 : i64, sc.parallel_access}
      %add3A_275 = arith.constant 3 : i32
      %add3A_276 = arith.addi %add3A_203, %add3A_275 : i32
      %lt3A_277 = arith.constant 200 : i32
      %lt3A_278 = arith.cmpi slt, %add3A_276, %lt3A_277 : i32
      %convert_element_type3A = arith.extui %lt3A_278 : i1 to i32
      %cond3A = arith.constant 0 : i32
      %cond3A_279 = arith.cmpi ne, %convert_element_type3A, %cond3A : i32
      scf.if %cond3A_279 {
        %add3A_551 = arith.constant 3 : i32
        %add3A_552 = arith.addi %add3A_203, %add3A_551 : i32
        %mul3A_553 = arith.constant 128 : i32
        %mul3A_554 = arith.muli %add3A_552, %mul3A_553 : i32
        %dma_start3A_555 = arith.constant 3 : i32
        %dma_start3A_556 = arith.constant 0 : i32
        %dma_start3A_557 = arith.constant 0 : i32
        %dma_start3A_558 = tpu.memref_slice %arg8[%dma_start3A_555, %dma_start3A_556, %dma_start3A_557] : memref<4x128x32xf32, #tpu.memory_space<vmem>> -> memref<1x128x32xf32, #tpu.memory_space<vmem>>
        %dma_start3A_559 = tpu.memref_squeeze %dma_start3A_558 : memref<1x128x32xf32, #tpu.memory_space<vmem>> -> memref<128x32xf32, #tpu.memory_space<vmem>>
        %dma_start3A_560 = tpu.memref_slice %arg7[%mul3A_554] : memref<25600xi32, #tpu.memory_space<vmem>> -> memref<128xi32, #tpu.memory_space<vmem>>
        %dma_start3A_561 = arith.constant 0 : i32
        %dma_start3A_562 = arith.constant 0 : i32
        %dma_start3A_563 = tpu.memref_slice %arg3[%dma_start3A_561, %dma_start3A_562] : memref<1000000x32xf32, #tpu.memory_space<hbm>> -> memref<1000000x32xf32, #tpu.memory_space<hbm>>
        tpu.enqueue_indirect_dma source(%dma_start3A_563 : memref<1000000x32xf32, #tpu.memory_space<hbm>>) target(%dma_start3A_559 : memref<128x32xf32, #tpu.memory_space<vmem>>) offsets(%dma_start3A_560 : memref<128xi32, #tpu.memory_space<vmem>>) semaphore(%arg15 : memref<!tpu.dma_semaphore, #tpu.memory_space<semaphore_mem>>)
      } else {
      }
      %mul3A_280 = arith.constant 4 : i32
      %mul3A_281 = arith.muli %mul3A_280, %scan3A_198 : i32
      %add3A_282 = arith.constant 1 : i32
      %add3A_283 = arith.addi %mul3A_281, %add3A_282 : i32
      %mul3A_284 = arith.constant 128 : i32
      %mul3A_285 = arith.muli %add3A_283, %mul3A_284 : i32
      %dma_wait3A_286 = arith.constant 1 : i32
      %dma_wait3A_287 = arith.constant 0 : i32
      %dma_wait3A_288 = arith.constant 0 : i32
      %dma_wait3A_289 = tpu.memref_slice %arg8[%dma_wait3A_286, %dma_wait3A_287, %dma_wait3A_288] : memref<4x128x32xf32, #tpu.memory_space<vmem>> -> memref<1x128x32xf32, #tpu.memory_space<vmem>>
      %dma_wait3A_290 = tpu.memref_squeeze %dma_wait3A_289 : memref<1x128x32xf32, #tpu.memory_space<vmem>> -> memref<128x32xf32, #tpu.memory_space<vmem>>
      %dma_wait3A_291 = tpu.memref_slice %arg7[%mul3A_285] : memref<25600xi32, #tpu.memory_space<vmem>> -> memref<128xi32, #tpu.memory_space<vmem>>
      %dma_wait3A_292 = arith.constant 0 : i32
      %dma_wait3A_293 = arith.constant 0 : i32
      %dma_wait3A_294 = tpu.memref_slice %arg3[%dma_wait3A_292, %dma_wait3A_293] : memref<1000000x32xf32, #tpu.memory_space<hbm>> -> memref<1000000x32xf32, #tpu.memory_space<hbm>>
      tpu.wait_indirect_dma semaphore(%arg13 : memref<!tpu.dma_semaphore, #tpu.memory_space<semaphore_mem>>) src(%dma_wait3A_294 : memref<1000000x32xf32, #tpu.memory_space<hbm>>) dst(%dma_wait3A_290 : memref<128x32xf32, #tpu.memory_space<vmem>>)
      %jit3A_295 = arith.constant 8 : i32
      %div3A_296 = arith.divsi %add3A_283, %jit3A_295 : i32
      %sign3A_297 = arith.constant 0 : i32
      %sign3A_298 = arith.cmpi sgt, %add3A_283, %sign3A_297 : i32
      %sign3A_299 = arith.extui %sign3A_298 : i1 to i32
      %sign3A_300 = arith.constant 0 : i32
      %sign3A_301 = arith.cmpi slt, %add3A_283, %sign3A_300 : i32
      %sign3A_302 = arith.extui %sign3A_301 : i1 to i32
      %sign3A_303 = arith.subi %sign3A_299, %sign3A_302 : i32
      %sign3A_304 = arith.constant 0 : i32
      %sign3A_305 = arith.cmpi sgt, %jit3A_295, %sign3A_304 : i32
      %sign3A_306 = arith.extui %sign3A_305 : i1 to i32
      %sign3A_307 = arith.constant 0 : i32
      %sign3A_308 = arith.cmpi slt, %jit3A_295, %sign3A_307 : i32
      %sign3A_309 = arith.extui %sign3A_308 : i1 to i32
      %sign3A_310 = arith.subi %sign3A_306, %sign3A_309 : i32
      %ne3A_311 = arith.cmpi ne, %sign3A_303, %sign3A_310 : i32
      %rem3A_312 = arith.remsi %add3A_283, %jit3A_295 : i32
      %ne3A_313 = arith.constant 0 : i32
      %ne3A_314 = arith.cmpi ne, %rem3A_312, %ne3A_313 : i32
      %and3A_315 = arith.andi %ne3A_311, %ne3A_314 : i1
      %sub3A_316 = arith.constant 1 : i32
      %sub3A_317 = arith.subi %div3A_296, %sub3A_316 : i32
      %select_n3A_318 = arith.select %and3A_315, %sub3A_317, %div3A_296 : i32
      %jit3A_319 = arith.constant 2 : i32
      %eq3A_320 = arith.constant 0 : i32
      %eq3A_321 = arith.cmpi eq, %jit3A_319, %eq3A_320 : i32
      %jit3A_322 = arith.constant 1 : i32
      %select_n3A_323 = arith.select %eq3A_321, %jit3A_322, %jit3A_319 : i32
      %rem3A_324 = arith.remsi %select_n3A_318, %select_n3A_323 : i32
      %ne3A_325 = arith.constant 0 : i32
      %ne3A_326 = arith.cmpi ne, %rem3A_324, %ne3A_325 : i32
      %lt3A_327 = arith.constant 0 : i32
      %lt3A_328 = arith.cmpi slt, %rem3A_324, %lt3A_327 : i32
      %lt3A_329 = arith.constant 0 : i32
      %lt3A_330 = arith.cmpi slt, %select_n3A_323, %lt3A_329 : i32
      %ne3A_331 = arith.xori %lt3A_328, %lt3A_330 : i1
      %and3A_332 = arith.andi %ne3A_331, %ne3A_326 : i1
      %add3A_333 = arith.addi %rem3A_324, %select_n3A_323 : i32
      %select_n3A_334 = arith.select %and3A_332, %add3A_333, %rem3A_324 : i32
      %broadcast_in_dim3A_335 = vector.broadcast %select_n3A_334 : i32 to vector<16xi32>
      %jit3A_336 = arith.constant 8 : i32
      %eq3A_337 = arith.constant 0 : i32
      %eq3A_338 = arith.cmpi eq, %jit3A_336, %eq3A_337 : i32
      %jit3A_339 = arith.constant 1 : i32
      %select_n3A_340 = arith.select %eq3A_338, %jit3A_339, %jit3A_336 : i32
      %rem3A_341 = arith.remsi %add3A_283, %select_n3A_340 : i32
      %ne3A_342 = arith.constant 0 : i32
      %ne3A_343 = arith.cmpi ne, %rem3A_341, %ne3A_342 : i32
      %lt3A_344 = arith.constant 0 : i32
      %lt3A_345 = arith.cmpi slt, %rem3A_341, %lt3A_344 : i32
      %lt3A_346 = arith.constant 0 : i32
      %lt3A_347 = arith.cmpi slt, %select_n3A_340, %lt3A_346 : i32
      %ne3A_348 = arith.xori %lt3A_345, %lt3A_347 : i1
      %and3A_349 = arith.andi %ne3A_348, %ne3A_343 : i1
      %add3A_350 = arith.addi %rem3A_341, %select_n3A_340 : i32
      %select_n3A_351 = arith.select %and3A_349, %add3A_350, %rem3A_341 : i32
      %broadcast_in_dim3A_352 = vector.broadcast %select_n3A_351 : i32 to vector<16xi32>
      %parallel_loop3A_353 = arith.constant 0 : i32
      %parallel_loop3A_354 = arith.constant 128 : i32
      %parallel_loop3A_355 = arith.constant 1 : i32
      scf.for %parallel_loop3A_551 = %parallel_loop3A_353 to %parallel_loop3A_354 step %parallel_loop3A_355  : i32 {
        %parallel_loop3A_552 = arith.constant 1 : i32
        %parallel_loop3A_553 = arith.index_cast %parallel_loop3A_552 : i32 to index
        %parallel_loop3A_554 = arith.index_cast %parallel_loop3A_551 : i32 to index
        %parallel_loop3A_555 = arith.constant 0 : index
        %parallel_loop3A_556 = tpu.vector_load %arg8[%parallel_loop3A_553, %parallel_loop3A_554, %parallel_loop3A_555] {strides = array<i32>} : memref<4x128x32xf32, #tpu.memory_space<vmem>>, vector<16xf32>,
        %parallel_loop3A_557 = arith.constant 1 : i32
        %parallel_loop3A_558 = arith.index_cast %parallel_loop3A_557 : i32 to index
        %parallel_loop3A_559 = arith.index_cast %parallel_loop3A_551 : i32 to index
        %parallel_loop3A_560 = arith.constant 16 : index
        %parallel_loop3A_561 = tpu.vector_load %arg8[%parallel_loop3A_558, %parallel_loop3A_559, %parallel_loop3A_560] {strides = array<i32>} : memref<4x128x32xf32, #tpu.memory_space<vmem>>, vector<16xf32>,
        %parallel_loop3A_562 = arith.addf %parallel_loop3A_556, %parallel_loop3A_561 : vector<16xf32>
        %parallel_loop3A_563 = arith.constant true
        %parallel_loop3A_564 = vector.broadcast %parallel_loop3A_563 : i1 to vector<16xi1>
        %parallel_loop3A_565 = tpu.scan <sum>, %parallel_loop3A_562 masked %parallel_loop3A_564 : vector<16xf32>, vector<16xi1> -> vector<16xf32>
        %parallel_loop3A_566 = vector.shape_cast %broadcast_in_dim3A_10 : vector<16x1xi32> to vector<16xi32>
        %parallel_loop3A_567 = tpu.dynamic_gather %parallel_loop3A_565[%parallel_loop3A_566] in [0] : vector<16xf32>, vector<16xi32> -> vector<16xf32>
        %parallel_loop3A_568 = arith.mulf %parallel_loop3A_556, %parallel_loop3A_556 : vector<16xf32>
        %parallel_loop3A_569 = arith.mulf %parallel_loop3A_561, %parallel_loop3A_561 : vector<16xf32>
        %parallel_loop3A_570 = arith.addf %parallel_loop3A_568, %parallel_loop3A_569 : vector<16xf32>
        %parallel_loop3A_571 = arith.constant true
        %parallel_loop3A_572 = vector.broadcast %parallel_loop3A_571 : i1 to vector<16xi1>
        %parallel_loop3A_573 = tpu.scan <sum>, %parallel_loop3A_570 masked %parallel_loop3A_572 : vector<16xf32>, vector<16xi1> -> vector<16xf32>
        %parallel_loop3A_574 = vector.shape_cast %broadcast_in_dim3A_10 : vector<16x1xi32> to vector<16xi32>
        %parallel_loop3A_575 = tpu.dynamic_gather %parallel_loop3A_573[%parallel_loop3A_574] in [0] : vector<16xf32>, vector<16xi32> -> vector<16xf32>
        %parallel_loop3A_576 = arith.constant 3.125000e-02 : f32
        %parallel_loop3A_577 = vector.broadcast %parallel_loop3A_576 : f32 to vector<16xf32>
        %parallel_loop3A_578 = arith.mulf %parallel_loop3A_567, %parallel_loop3A_577 : vector<16xf32>
        %parallel_loop3A_579 = arith.constant 3.125000e-02 : f32
        %parallel_loop3A_580 = vector.broadcast %parallel_loop3A_579 : f32 to vector<16xf32>
        %parallel_loop3A_581 = arith.mulf %parallel_loop3A_575, %parallel_loop3A_580 : vector<16xf32>
        %parallel_loop3A_582 = arith.mulf %parallel_loop3A_578, %parallel_loop3A_578 : vector<16xf32>
        %parallel_loop3A_583 = arith.subf %parallel_loop3A_581, %parallel_loop3A_582 : vector<16xf32>
        %parallel_loop3A_584 = arith.constant 0.000000e+00 : f32
        %parallel_loop3A_585 = vector.broadcast %parallel_loop3A_584 : f32 to vector<16xf32>
        %parallel_loop3A_586 = arith.maximumf %parallel_loop3A_583, %parallel_loop3A_585 : vector<16xf32>
        %parallel_loop3A_587 = arith.constant 9.99999996E-13 : f32
        %parallel_loop3A_588 = vector.broadcast %parallel_loop3A_587 : f32 to vector<16xf32>
        %parallel_loop3A_589 = arith.addf %parallel_loop3A_586, %parallel_loop3A_588 : vector<16xf32>
        %parallel_loop3A_590 = tpu.bitcast %parallel_loop3A_589 : vector<16xf32> -> vector<16xi32>
        %parallel_loop3A_591 = arith.constant 1 : i32
        %parallel_loop3A_592 = vector.broadcast %parallel_loop3A_591 : i32 to vector<16xi32>
        %parallel_loop3A_593 = arith.shrui %parallel_loop3A_590, %parallel_loop3A_592 : vector<16xi32>
        %parallel_loop3A_594 = arith.constant 1597463007 : i32
        %parallel_loop3A_595 = vector.broadcast %parallel_loop3A_594 : i32 to vector<16xi32>
        %parallel_loop3A_596 = arith.subi %parallel_loop3A_595, %parallel_loop3A_593 : vector<16xi32>
        %parallel_loop3A_597 = tpu.bitcast %parallel_loop3A_596 : vector<16xi32> -> vector<16xf32>
        %parallel_loop3A_598 = arith.constant 5.000000e-01 : f32
        %parallel_loop3A_599 = vector.broadcast %parallel_loop3A_598 : f32 to vector<16xf32>
        %parallel_loop3A_600 = arith.mulf %parallel_loop3A_589, %parallel_loop3A_599 : vector<16xf32>
        %parallel_loop3A_601 = arith.mulf %parallel_loop3A_600, %parallel_loop3A_597 : vector<16xf32>
        %parallel_loop3A_602 = arith.mulf %parallel_loop3A_601, %parallel_loop3A_597 : vector<16xf32>
        %parallel_loop3A_603 = arith.constant 1.500000e+00 : f32
        %parallel_loop3A_604 = vector.broadcast %parallel_loop3A_603 : f32 to vector<16xf32>
        %parallel_loop3A_605 = arith.subf %parallel_loop3A_604, %parallel_loop3A_602 : vector<16xf32>
        %parallel_loop3A_606 = arith.mulf %parallel_loop3A_597, %parallel_loop3A_605 : vector<16xf32>
        %parallel_loop3A_607 = arith.mulf %parallel_loop3A_600, %parallel_loop3A_606 : vector<16xf32>
        %parallel_loop3A_608 = arith.mulf %parallel_loop3A_607, %parallel_loop3A_606 : vector<16xf32>
        %parallel_loop3A_609 = arith.constant 1.500000e+00 : f32
        %parallel_loop3A_610 = vector.broadcast %parallel_loop3A_609 : f32 to vector<16xf32>
        %parallel_loop3A_611 = arith.subf %parallel_loop3A_610, %parallel_loop3A_608 : vector<16xf32>
        %parallel_loop3A_612 = arith.mulf %parallel_loop3A_606, %parallel_loop3A_611 : vector<16xf32>
        %parallel_loop3A_613 = vector.broadcast %parallel_loop3A_551 : i32 to vector<16xi32>
        %parallel_loop3A_614 = arith.subf %parallel_loop3A_556, %parallel_loop3A_578 : vector<16xf32>
        %parallel_loop3A_615 = arith.mulf %parallel_loop3A_612, %get3A_3 : vector<16xf32>
        %parallel_loop3A_616 = arith.mulf %parallel_loop3A_614, %parallel_loop3A_615 : vector<16xf32>
        %parallel_loop3A_617 = arith.addf %parallel_loop3A_616, %get3A_7 : vector<16xf32>
        tpu.vector_store_idx %arg9[%broadcast_in_dim3A_335, %select_n3A, %broadcast_in_dim3A_352, %select_n3A_53, %parallel_loop3A_613], %parallel_loop3A_617 : memref<2x4x8x8x129xf32, #tpu.memory_space<vmem>>[vector<16xi32>, vector<16xi32>, vector<16xi32>, vector<16xi32>, vector<16xi32>], vector<16xf32>,
        %parallel_loop3A_618 = arith.constant 2 : i32
        %parallel_loop3A_619 = vector.broadcast %parallel_loop3A_618 : i32 to vector<16xi32>
        %parallel_loop3A_620 = arith.addi %select_n3A, %parallel_loop3A_619 : vector<16xi32>
        %parallel_loop3A_621 = arith.subf %parallel_loop3A_561, %parallel_loop3A_578 : vector<16xf32>
        %parallel_loop3A_622 = arith.mulf %parallel_loop3A_612, %get3A_5 : vector<16xf32>
        %parallel_loop3A_623 = arith.mulf %parallel_loop3A_621, %parallel_loop3A_622 : vector<16xf32>
        %parallel_loop3A_624 = arith.addf %parallel_loop3A_623, %get3A_9 : vector<16xf32>
        tpu.vector_store_idx %arg9[%broadcast_in_dim3A_335, %parallel_loop3A_620, %broadcast_in_dim3A_352, %select_n3A_53, %parallel_loop3A_613], %parallel_loop3A_624 : memref<2x4x8x8x129xf32, #tpu.memory_space<vmem>>[vector<16xi32>, vector<16xi32>, vector<16xi32>, vector<16xi32>, vector<16xi32>], vector<16xf32>,
      } {sc.loop_unroll_factor = 8 : i64, sc.parallel_access}
      %add3A_356 = arith.constant 3 : i32
      %add3A_357 = arith.addi %add3A_283, %add3A_356 : i32
      %lt3A_358 = arith.constant 200 : i32
      %lt3A_359 = arith.cmpi slt, %add3A_357, %lt3A_358 : i32
      %convert_element_type3A_360 = arith.extui %lt3A_359 : i1 to i32
      %cond3A_361 = arith.constant 0 : i32
      %cond3A_362 = arith.cmpi ne, %convert_element_type3A_360, %cond3A_361 : i32
      scf.if %cond3A_362 {
        %add3A_551 = arith.constant 3 : i32
        %add3A_552 = arith.addi %add3A_283, %add3A_551 : i32
        %mul3A_553 = arith.constant 128 : i32
        %mul3A_554 = arith.muli %add3A_552, %mul3A_553 : i32
        %dma_start3A_555 = arith.constant 0 : i32
        %dma_start3A_556 = arith.constant 0 : i32
        %dma_start3A_557 = arith.constant 0 : i32
        %dma_start3A_558 = tpu.memref_slice %arg8[%dma_start3A_555, %dma_start3A_556, %dma_start3A_557] : memref<4x128x32xf32, #tpu.memory_space<vmem>> -> memref<1x128x32xf32, #tpu.memory_space<vmem>>
        %dma_start3A_559 = tpu.memref_squeeze %dma_start3A_558 : memref<1x128x32xf32, #tpu.memory_space<vmem>> -> memref<128x32xf32, #tpu.memory_space<vmem>>
        %dma_start3A_560 = tpu.memref_slice %arg7[%mul3A_554] : memref<25600xi32, #tpu.memory_space<vmem>> -> memref<128xi32, #tpu.memory_space<vmem>>
        %dma_start3A_561 = arith.constant 0 : i32
        %dma_start3A_562 = arith.constant 0 : i32
        %dma_start3A_563 = tpu.memref_slice %arg3[%dma_start3A_561, %dma_start3A_562] : memref<1000000x32xf32, #tpu.memory_space<hbm>> -> memref<1000000x32xf32, #tpu.memory_space<hbm>>
        tpu.enqueue_indirect_dma source(%dma_start3A_563 : memref<1000000x32xf32, #tpu.memory_space<hbm>>) target(%dma_start3A_559 : memref<128x32xf32, #tpu.memory_space<vmem>>) offsets(%dma_start3A_560 : memref<128xi32, #tpu.memory_space<vmem>>) semaphore(%arg12 : memref<!tpu.dma_semaphore, #tpu.memory_space<semaphore_mem>>)
      } else {
      }
      %mul3A_363 = arith.constant 4 : i32
      %mul3A_364 = arith.muli %mul3A_363, %scan3A_198 : i32
      %add3A_365 = arith.constant 2 : i32
      %add3A_366 = arith.addi %mul3A_364, %add3A_365 : i32
      %mul3A_367 = arith.constant 128 : i32
      %mul3A_368 = arith.muli %add3A_366, %mul3A_367 : i32
      %dma_wait3A_369 = arith.constant 2 : i32
      %dma_wait3A_370 = arith.constant 0 : i32
      %dma_wait3A_371 = arith.constant 0 : i32
      %dma_wait3A_372 = tpu.memref_slice %arg8[%dma_wait3A_369, %dma_wait3A_370, %dma_wait3A_371] : memref<4x128x32xf32, #tpu.memory_space<vmem>> -> memref<1x128x32xf32, #tpu.memory_space<vmem>>
      %dma_wait3A_373 = tpu.memref_squeeze %dma_wait3A_372 : memref<1x128x32xf32, #tpu.memory_space<vmem>> -> memref<128x32xf32, #tpu.memory_space<vmem>>
      %dma_wait3A_374 = tpu.memref_slice %arg7[%mul3A_368] : memref<25600xi32, #tpu.memory_space<vmem>> -> memref<128xi32, #tpu.memory_space<vmem>>
      %dma_wait3A_375 = arith.constant 0 : i32
      %dma_wait3A_376 = arith.constant 0 : i32
      %dma_wait3A_377 = tpu.memref_slice %arg3[%dma_wait3A_375, %dma_wait3A_376] : memref<1000000x32xf32, #tpu.memory_space<hbm>> -> memref<1000000x32xf32, #tpu.memory_space<hbm>>
      tpu.wait_indirect_dma semaphore(%arg14 : memref<!tpu.dma_semaphore, #tpu.memory_space<semaphore_mem>>) src(%dma_wait3A_377 : memref<1000000x32xf32, #tpu.memory_space<hbm>>) dst(%dma_wait3A_373 : memref<128x32xf32, #tpu.memory_space<vmem>>)
      %jit3A_378 = arith.constant 8 : i32
      %div3A_379 = arith.divsi %add3A_366, %jit3A_378 : i32
      %sign3A_380 = arith.constant 0 : i32
      %sign3A_381 = arith.cmpi sgt, %add3A_366, %sign3A_380 : i32
      %sign3A_382 = arith.extui %sign3A_381 : i1 to i32
      %sign3A_383 = arith.constant 0 : i32
      %sign3A_384 = arith.cmpi slt, %add3A_366, %sign3A_383 : i32
      %sign3A_385 = arith.extui %sign3A_384 : i1 to i32
      %sign3A_386 = arith.subi %sign3A_382, %sign3A_385 : i32
      %sign3A_387 = arith.constant 0 : i32
      %sign3A_388 = arith.cmpi sgt, %jit3A_378, %sign3A_387 : i32
      %sign3A_389 = arith.extui %sign3A_388 : i1 to i32
      %sign3A_390 = arith.constant 0 : i32
      %sign3A_391 = arith.cmpi slt, %jit3A_378, %sign3A_390 : i32
      %sign3A_392 = arith.extui %sign3A_391 : i1 to i32
      %sign3A_393 = arith.subi %sign3A_389, %sign3A_392 : i32
      %ne3A_394 = arith.cmpi ne, %sign3A_386, %sign3A_393 : i32
      %rem3A_395 = arith.remsi %add3A_366, %jit3A_378 : i32
      %ne3A_396 = arith.constant 0 : i32
      %ne3A_397 = arith.cmpi ne, %rem3A_395, %ne3A_396 : i32
      %and3A_398 = arith.andi %ne3A_394, %ne3A_397 : i1
      %sub3A_399 = arith.constant 1 : i32
      %sub3A_400 = arith.subi %div3A_379, %sub3A_399 : i32
      %select_n3A_401 = arith.select %and3A_398, %sub3A_400, %div3A_379 : i32
      %jit3A_402 = arith.constant 2 : i32
      %eq3A_403 = arith.constant 0 : i32
      %eq3A_404 = arith.cmpi eq, %jit3A_402, %eq3A_403 : i32
      %jit3A_405 = arith.constant 1 : i32
      %select_n3A_406 = arith.select %eq3A_404, %jit3A_405, %jit3A_402 : i32
      %rem3A_407 = arith.remsi %select_n3A_401, %select_n3A_406 : i32
      %ne3A_408 = arith.constant 0 : i32
      %ne3A_409 = arith.cmpi ne, %rem3A_407, %ne3A_408 : i32
      %lt3A_410 = arith.constant 0 : i32
      %lt3A_411 = arith.cmpi slt, %rem3A_407, %lt3A_410 : i32
      %lt3A_412 = arith.constant 0 : i32
      %lt3A_413 = arith.cmpi slt, %select_n3A_406, %lt3A_412 : i32
      %ne3A_414 = arith.xori %lt3A_411, %lt3A_413 : i1
      %and3A_415 = arith.andi %ne3A_414, %ne3A_409 : i1
      %add3A_416 = arith.addi %rem3A_407, %select_n3A_406 : i32
      %select_n3A_417 = arith.select %and3A_415, %add3A_416, %rem3A_407 : i32
      %broadcast_in_dim3A_418 = vector.broadcast %select_n3A_417 : i32 to vector<16xi32>
      %jit3A_419 = arith.constant 8 : i32
      %eq3A_420 = arith.constant 0 : i32
      %eq3A_421 = arith.cmpi eq, %jit3A_419, %eq3A_420 : i32
      %jit3A_422 = arith.constant 1 : i32
      %select_n3A_423 = arith.select %eq3A_421, %jit3A_422, %jit3A_419 : i32
      %rem3A_424 = arith.remsi %add3A_366, %select_n3A_423 : i32
      %ne3A_425 = arith.constant 0 : i32
      %ne3A_426 = arith.cmpi ne, %rem3A_424, %ne3A_425 : i32
      %lt3A_427 = arith.constant 0 : i32
      %lt3A_428 = arith.cmpi slt, %rem3A_424, %lt3A_427 : i32
      %lt3A_429 = arith.constant 0 : i32
      %lt3A_430 = arith.cmpi slt, %select_n3A_423, %lt3A_429 : i32
      %ne3A_431 = arith.xori %lt3A_428, %lt3A_430 : i1
      %and3A_432 = arith.andi %ne3A_431, %ne3A_426 : i1
      %add3A_433 = arith.addi %rem3A_424, %select_n3A_423 : i32
      %select_n3A_434 = arith.select %and3A_432, %add3A_433, %rem3A_424 : i32
      %broadcast_in_dim3A_435 = vector.broadcast %select_n3A_434 : i32 to vector<16xi32>
      %parallel_loop3A_436 = arith.constant 0 : i32
      %parallel_loop3A_437 = arith.constant 128 : i32
      %parallel_loop3A_438 = arith.constant 1 : i32
      scf.for %parallel_loop3A_551 = %parallel_loop3A_436 to %parallel_loop3A_437 step %parallel_loop3A_438  : i32 {
        %parallel_loop3A_552 = arith.constant 2 : i32
        %parallel_loop3A_553 = arith.index_cast %parallel_loop3A_552 : i32 to index
        %parallel_loop3A_554 = arith.index_cast %parallel_loop3A_551 : i32 to index
        %parallel_loop3A_555 = arith.constant 0 : index
        %parallel_loop3A_556 = tpu.vector_load %arg8[%parallel_loop3A_553, %parallel_loop3A_554, %parallel_loop3A_555] {strides = array<i32>} : memref<4x128x32xf32, #tpu.memory_space<vmem>>, vector<16xf32>,
        %parallel_loop3A_557 = arith.constant 2 : i32
        %parallel_loop3A_558 = arith.index_cast %parallel_loop3A_557 : i32 to index
        %parallel_loop3A_559 = arith.index_cast %parallel_loop3A_551 : i32 to index
        %parallel_loop3A_560 = arith.constant 16 : index
        %parallel_loop3A_561 = tpu.vector_load %arg8[%parallel_loop3A_558, %parallel_loop3A_559, %parallel_loop3A_560] {strides = array<i32>} : memref<4x128x32xf32, #tpu.memory_space<vmem>>, vector<16xf32>,
        %parallel_loop3A_562 = arith.addf %parallel_loop3A_556, %parallel_loop3A_561 : vector<16xf32>
        %parallel_loop3A_563 = arith.constant true
        %parallel_loop3A_564 = vector.broadcast %parallel_loop3A_563 : i1 to vector<16xi1>
        %parallel_loop3A_565 = tpu.scan <sum>, %parallel_loop3A_562 masked %parallel_loop3A_564 : vector<16xf32>, vector<16xi1> -> vector<16xf32>
        %parallel_loop3A_566 = vector.shape_cast %broadcast_in_dim3A_10 : vector<16x1xi32> to vector<16xi32>
        %parallel_loop3A_567 = tpu.dynamic_gather %parallel_loop3A_565[%parallel_loop3A_566] in [0] : vector<16xf32>, vector<16xi32> -> vector<16xf32>
        %parallel_loop3A_568 = arith.mulf %parallel_loop3A_556, %parallel_loop3A_556 : vector<16xf32>
        %parallel_loop3A_569 = arith.mulf %parallel_loop3A_561, %parallel_loop3A_561 : vector<16xf32>
        %parallel_loop3A_570 = arith.addf %parallel_loop3A_568, %parallel_loop3A_569 : vector<16xf32>
        %parallel_loop3A_571 = arith.constant true
        %parallel_loop3A_572 = vector.broadcast %parallel_loop3A_571 : i1 to vector<16xi1>
        %parallel_loop3A_573 = tpu.scan <sum>, %parallel_loop3A_570 masked %parallel_loop3A_572 : vector<16xf32>, vector<16xi1> -> vector<16xf32>
        %parallel_loop3A_574 = vector.shape_cast %broadcast_in_dim3A_10 : vector<16x1xi32> to vector<16xi32>
        %parallel_loop3A_575 = tpu.dynamic_gather %parallel_loop3A_573[%parallel_loop3A_574] in [0] : vector<16xf32>, vector<16xi32> -> vector<16xf32>
        %parallel_loop3A_576 = arith.constant 3.125000e-02 : f32
        %parallel_loop3A_577 = vector.broadcast %parallel_loop3A_576 : f32 to vector<16xf32>
        %parallel_loop3A_578 = arith.mulf %parallel_loop3A_567, %parallel_loop3A_577 : vector<16xf32>
        %parallel_loop3A_579 = arith.constant 3.125000e-02 : f32
        %parallel_loop3A_580 = vector.broadcast %parallel_loop3A_579 : f32 to vector<16xf32>
        %parallel_loop3A_581 = arith.mulf %parallel_loop3A_575, %parallel_loop3A_580 : vector<16xf32>
        %parallel_loop3A_582 = arith.mulf %parallel_loop3A_578, %parallel_loop3A_578 : vector<16xf32>
        %parallel_loop3A_583 = arith.subf %parallel_loop3A_581, %parallel_loop3A_582 : vector<16xf32>
        %parallel_loop3A_584 = arith.constant 0.000000e+00 : f32
        %parallel_loop3A_585 = vector.broadcast %parallel_loop3A_584 : f32 to vector<16xf32>
        %parallel_loop3A_586 = arith.maximumf %parallel_loop3A_583, %parallel_loop3A_585 : vector<16xf32>
        %parallel_loop3A_587 = arith.constant 9.99999996E-13 : f32
        %parallel_loop3A_588 = vector.broadcast %parallel_loop3A_587 : f32 to vector<16xf32>
        %parallel_loop3A_589 = arith.addf %parallel_loop3A_586, %parallel_loop3A_588 : vector<16xf32>
        %parallel_loop3A_590 = tpu.bitcast %parallel_loop3A_589 : vector<16xf32> -> vector<16xi32>
        %parallel_loop3A_591 = arith.constant 1 : i32
        %parallel_loop3A_592 = vector.broadcast %parallel_loop3A_591 : i32 to vector<16xi32>
        %parallel_loop3A_593 = arith.shrui %parallel_loop3A_590, %parallel_loop3A_592 : vector<16xi32>
        %parallel_loop3A_594 = arith.constant 1597463007 : i32
        %parallel_loop3A_595 = vector.broadcast %parallel_loop3A_594 : i32 to vector<16xi32>
        %parallel_loop3A_596 = arith.subi %parallel_loop3A_595, %parallel_loop3A_593 : vector<16xi32>
        %parallel_loop3A_597 = tpu.bitcast %parallel_loop3A_596 : vector<16xi32> -> vector<16xf32>
        %parallel_loop3A_598 = arith.constant 5.000000e-01 : f32
        %parallel_loop3A_599 = vector.broadcast %parallel_loop3A_598 : f32 to vector<16xf32>
        %parallel_loop3A_600 = arith.mulf %parallel_loop3A_589, %parallel_loop3A_599 : vector<16xf32>
        %parallel_loop3A_601 = arith.mulf %parallel_loop3A_600, %parallel_loop3A_597 : vector<16xf32>
        %parallel_loop3A_602 = arith.mulf %parallel_loop3A_601, %parallel_loop3A_597 : vector<16xf32>
        %parallel_loop3A_603 = arith.constant 1.500000e+00 : f32
        %parallel_loop3A_604 = vector.broadcast %parallel_loop3A_603 : f32 to vector<16xf32>
        %parallel_loop3A_605 = arith.subf %parallel_loop3A_604, %parallel_loop3A_602 : vector<16xf32>
        %parallel_loop3A_606 = arith.mulf %parallel_loop3A_597, %parallel_loop3A_605 : vector<16xf32>
        %parallel_loop3A_607 = arith.mulf %parallel_loop3A_600, %parallel_loop3A_606 : vector<16xf32>
        %parallel_loop3A_608 = arith.mulf %parallel_loop3A_607, %parallel_loop3A_606 : vector<16xf32>
        %parallel_loop3A_609 = arith.constant 1.500000e+00 : f32
        %parallel_loop3A_610 = vector.broadcast %parallel_loop3A_609 : f32 to vector<16xf32>
        %parallel_loop3A_611 = arith.subf %parallel_loop3A_610, %parallel_loop3A_608 : vector<16xf32>
        %parallel_loop3A_612 = arith.mulf %parallel_loop3A_606, %parallel_loop3A_611 : vector<16xf32>
        %parallel_loop3A_613 = vector.broadcast %parallel_loop3A_551 : i32 to vector<16xi32>
        %parallel_loop3A_614 = arith.subf %parallel_loop3A_556, %parallel_loop3A_578 : vector<16xf32>
        %parallel_loop3A_615 = arith.mulf %parallel_loop3A_612, %get3A_3 : vector<16xf32>
        %parallel_loop3A_616 = arith.mulf %parallel_loop3A_614, %parallel_loop3A_615 : vector<16xf32>
        %parallel_loop3A_617 = arith.addf %parallel_loop3A_616, %get3A_7 : vector<16xf32>
        tpu.vector_store_idx %arg9[%broadcast_in_dim3A_418, %select_n3A, %broadcast_in_dim3A_435, %select_n3A_53, %parallel_loop3A_613], %parallel_loop3A_617 : memref<2x4x8x8x129xf32, #tpu.memory_space<vmem>>[vector<16xi32>, vector<16xi32>, vector<16xi32>, vector<16xi32>, vector<16xi32>], vector<16xf32>,
        %parallel_loop3A_618 = arith.constant 2 : i32
        %parallel_loop3A_619 = vector.broadcast %parallel_loop3A_618 : i32 to vector<16xi32>
        %parallel_loop3A_620 = arith.addi %select_n3A, %parallel_loop3A_619 : vector<16xi32>
        %parallel_loop3A_621 = arith.subf %parallel_loop3A_561, %parallel_loop3A_578 : vector<16xf32>
        %parallel_loop3A_622 = arith.mulf %parallel_loop3A_612, %get3A_5 : vector<16xf32>
        %parallel_loop3A_623 = arith.mulf %parallel_loop3A_621, %parallel_loop3A_622 : vector<16xf32>
        %parallel_loop3A_624 = arith.addf %parallel_loop3A_623, %get3A_9 : vector<16xf32>
        tpu.vector_store_idx %arg9[%broadcast_in_dim3A_418, %parallel_loop3A_620, %broadcast_in_dim3A_435, %select_n3A_53, %parallel_loop3A_613], %parallel_loop3A_624 : memref<2x4x8x8x129xf32, #tpu.memory_space<vmem>>[vector<16xi32>, vector<16xi32>, vector<16xi32>, vector<16xi32>, vector<16xi32>], vector<16xf32>,
      } {sc.loop_unroll_factor = 8 : i64, sc.parallel_access}
      %add3A_439 = arith.constant 3 : i32
      %add3A_440 = arith.addi %add3A_366, %add3A_439 : i32
      %lt3A_441 = arith.constant 200 : i32
      %lt3A_442 = arith.cmpi slt, %add3A_440, %lt3A_441 : i32
      %convert_element_type3A_443 = arith.extui %lt3A_442 : i1 to i32
      %cond3A_444 = arith.constant 0 : i32
      %cond3A_445 = arith.cmpi ne, %convert_element_type3A_443, %cond3A_444 : i32
      scf.if %cond3A_445 {
        %add3A_551 = arith.constant 3 : i32
        %add3A_552 = arith.addi %add3A_366, %add3A_551 : i32
        %mul3A_553 = arith.constant 128 : i32
        %mul3A_554 = arith.muli %add3A_552, %mul3A_553 : i32
        %dma_start3A_555 = arith.constant 1 : i32
        %dma_start3A_556 = arith.constant 0 : i32
        %dma_start3A_557 = arith.constant 0 : i32
        %dma_start3A_558 = tpu.memref_slice %arg8[%dma_start3A_555, %dma_start3A_556, %dma_start3A_557] : memref<4x128x32xf32, #tpu.memory_space<vmem>> -> memref<1x128x32xf32, #tpu.memory_space<vmem>>
        %dma_start3A_559 = tpu.memref_squeeze %dma_start3A_558 : memref<1x128x32xf32, #tpu.memory_space<vmem>> -> memref<128x32xf32, #tpu.memory_space<vmem>>
        %dma_start3A_560 = tpu.memref_slice %arg7[%mul3A_554] : memref<25600xi32, #tpu.memory_space<vmem>> -> memref<128xi32, #tpu.memory_space<vmem>>
        %dma_start3A_561 = arith.constant 0 : i32
        %dma_start3A_562 = arith.constant 0 : i32
        %dma_start3A_563 = tpu.memref_slice %arg3[%dma_start3A_561, %dma_start3A_562] : memref<1000000x32xf32, #tpu.memory_space<hbm>> -> memref<1000000x32xf32, #tpu.memory_space<hbm>>
        tpu.enqueue_indirect_dma source(%dma_start3A_563 : memref<1000000x32xf32, #tpu.memory_space<hbm>>) target(%dma_start3A_559 : memref<128x32xf32, #tpu.memory_space<vmem>>) offsets(%dma_start3A_560 : memref<128xi32, #tpu.memory_space<vmem>>) semaphore(%arg13 : memref<!tpu.dma_semaphore, #tpu.memory_space<semaphore_mem>>)
      } else {
      }
      %mul3A_446 = arith.constant 4 : i32
      %mul3A_447 = arith.muli %mul3A_446, %scan3A_198 : i32
      %add3A_448 = arith.constant 3 : i32
      %add3A_449 = arith.addi %mul3A_447, %add3A_448 : i32
      %mul3A_450 = arith.constant 128 : i32
      %mul3A_451 = arith.muli %add3A_449, %mul3A_450 : i32
      %dma_wait3A_452 = arith.constant 3 : i32
      %dma_wait3A_453 = arith.constant 0 : i32
      %dma_wait3A_454 = arith.constant 0 : i32
      %dma_wait3A_455 = tpu.memref_slice %arg8[%dma_wait3A_452, %dma_wait3A_453, %dma_wait3A_454] : memref<4x128x32xf32, #tpu.memory_space<vmem>> -> memref<1x128x32xf32, #tpu.memory_space<vmem>>
      %dma_wait3A_456 = tpu.memref_squeeze %dma_wait3A_455 : memref<1x128x32xf32, #tpu.memory_space<vmem>> -> memref<128x32xf32, #tpu.memory_space<vmem>>
      %dma_wait3A_457 = tpu.memref_slice %arg7[%mul3A_451] : memref<25600xi32, #tpu.memory_space<vmem>> -> memref<128xi32, #tpu.memory_space<vmem>>
      %dma_wait3A_458 = arith.constant 0 : i32
      %dma_wait3A_459 = arith.constant 0 : i32
      %dma_wait3A_460 = tpu.memref_slice %arg3[%dma_wait3A_458, %dma_wait3A_459] : memref<1000000x32xf32, #tpu.memory_space<hbm>> -> memref<1000000x32xf32, #tpu.memory_space<hbm>>
      tpu.wait_indirect_dma semaphore(%arg15 : memref<!tpu.dma_semaphore, #tpu.memory_space<semaphore_mem>>) src(%dma_wait3A_460 : memref<1000000x32xf32, #tpu.memory_space<hbm>>) dst(%dma_wait3A_456 : memref<128x32xf32, #tpu.memory_space<vmem>>)
      %jit3A_461 = arith.constant 8 : i32
      %div3A_462 = arith.divsi %add3A_449, %jit3A_461 : i32
      %sign3A_463 = arith.constant 0 : i32
      %sign3A_464 = arith.cmpi sgt, %add3A_449, %sign3A_463 : i32
      %sign3A_465 = arith.extui %sign3A_464 : i1 to i32
      %sign3A_466 = arith.constant 0 : i32
      %sign3A_467 = arith.cmpi slt, %add3A_449, %sign3A_466 : i32
      %sign3A_468 = arith.extui %sign3A_467 : i1 to i32
      %sign3A_469 = arith.subi %sign3A_465, %sign3A_468 : i32
      %sign3A_470 = arith.constant 0 : i32
      %sign3A_471 = arith.cmpi sgt, %jit3A_461, %sign3A_470 : i32
      %sign3A_472 = arith.extui %sign3A_471 : i1 to i32
      %sign3A_473 = arith.constant 0 : i32
      %sign3A_474 = arith.cmpi slt, %jit3A_461, %sign3A_473 : i32
      %sign3A_475 = arith.extui %sign3A_474 : i1 to i32
      %sign3A_476 = arith.subi %sign3A_472, %sign3A_475 : i32
      %ne3A_477 = arith.cmpi ne, %sign3A_469, %sign3A_476 : i32
      %rem3A_478 = arith.remsi %add3A_449, %jit3A_461 : i32
      %ne3A_479 = arith.constant 0 : i32
      %ne3A_480 = arith.cmpi ne, %rem3A_478, %ne3A_479 : i32
      %and3A_481 = arith.andi %ne3A_477, %ne3A_480 : i1
      %sub3A_482 = arith.constant 1 : i32
      %sub3A_483 = arith.subi %div3A_462, %sub3A_482 : i32
      %select_n3A_484 = arith.select %and3A_481, %sub3A_483, %div3A_462 : i32
      %jit3A_485 = arith.constant 2 : i32
      %eq3A_486 = arith.constant 0 : i32
      %eq3A_487 = arith.cmpi eq, %jit3A_485, %eq3A_486 : i32
      %jit3A_488 = arith.constant 1 : i32
      %select_n3A_489 = arith.select %eq3A_487, %jit3A_488, %jit3A_485 : i32
      %rem3A_490 = arith.remsi %select_n3A_484, %select_n3A_489 : i32
      %ne3A_491 = arith.constant 0 : i32
      %ne3A_492 = arith.cmpi ne, %rem3A_490, %ne3A_491 : i32
      %lt3A_493 = arith.constant 0 : i32
      %lt3A_494 = arith.cmpi slt, %rem3A_490, %lt3A_493 : i32
      %lt3A_495 = arith.constant 0 : i32
      %lt3A_496 = arith.cmpi slt, %select_n3A_489, %lt3A_495 : i32
      %ne3A_497 = arith.xori %lt3A_494, %lt3A_496 : i1
      %and3A_498 = arith.andi %ne3A_497, %ne3A_492 : i1
      %add3A_499 = arith.addi %rem3A_490, %select_n3A_489 : i32
      %select_n3A_500 = arith.select %and3A_498, %add3A_499, %rem3A_490 : i32
      %broadcast_in_dim3A_501 = vector.broadcast %select_n3A_500 : i32 to vector<16xi32>
      %jit3A_502 = arith.constant 8 : i32
      %eq3A_503 = arith.constant 0 : i32
      %eq3A_504 = arith.cmpi eq, %jit3A_502, %eq3A_503 : i32
      %jit3A_505 = arith.constant 1 : i32
      %select_n3A_506 = arith.select %eq3A_504, %jit3A_505, %jit3A_502 : i32
      %rem3A_507 = arith.remsi %add3A_449, %select_n3A_506 : i32
      %ne3A_508 = arith.constant 0 : i32
      %ne3A_509 = arith.cmpi ne, %rem3A_507, %ne3A_508 : i32
      %lt3A_510 = arith.constant 0 : i32
      %lt3A_511 = arith.cmpi slt, %rem3A_507, %lt3A_510 : i32
      %lt3A_512 = arith.constant 0 : i32
      %lt3A_513 = arith.cmpi slt, %select_n3A_506, %lt3A_512 : i32
      %ne3A_514 = arith.xori %lt3A_511, %lt3A_513 : i1
      %and3A_515 = arith.andi %ne3A_514, %ne3A_509 : i1
      %add3A_516 = arith.addi %rem3A_507, %select_n3A_506 : i32
      %select_n3A_517 = arith.select %and3A_515, %add3A_516, %rem3A_507 : i32
      %broadcast_in_dim3A_518 = vector.broadcast %select_n3A_517 : i32 to vector<16xi32>
      %parallel_loop3A_519 = arith.constant 0 : i32
      %parallel_loop3A_520 = arith.constant 128 : i32
      %parallel_loop3A_521 = arith.constant 1 : i32
      scf.for %parallel_loop3A_551 = %parallel_loop3A_519 to %parallel_loop3A_520 step %parallel_loop3A_521  : i32 {
        %parallel_loop3A_552 = arith.constant 3 : i32
        %parallel_loop3A_553 = arith.index_cast %parallel_loop3A_552 : i32 to index
        %parallel_loop3A_554 = arith.index_cast %parallel_loop3A_551 : i32 to index
        %parallel_loop3A_555 = arith.constant 0 : index
        %parallel_loop3A_556 = tpu.vector_load %arg8[%parallel_loop3A_553, %parallel_loop3A_554, %parallel_loop3A_555] {strides = array<i32>} : memref<4x128x32xf32, #tpu.memory_space<vmem>>, vector<16xf32>,
        %parallel_loop3A_557 = arith.constant 3 : i32
        %parallel_loop3A_558 = arith.index_cast %parallel_loop3A_557 : i32 to index
        %parallel_loop3A_559 = arith.index_cast %parallel_loop3A_551 : i32 to index
        %parallel_loop3A_560 = arith.constant 16 : index
        %parallel_loop3A_561 = tpu.vector_load %arg8[%parallel_loop3A_558, %parallel_loop3A_559, %parallel_loop3A_560] {strides = array<i32>} : memref<4x128x32xf32, #tpu.memory_space<vmem>>, vector<16xf32>,
        %parallel_loop3A_562 = arith.addf %parallel_loop3A_556, %parallel_loop3A_561 : vector<16xf32>
        %parallel_loop3A_563 = arith.constant true
        %parallel_loop3A_564 = vector.broadcast %parallel_loop3A_563 : i1 to vector<16xi1>
        %parallel_loop3A_565 = tpu.scan <sum>, %parallel_loop3A_562 masked %parallel_loop3A_564 : vector<16xf32>, vector<16xi1> -> vector<16xf32>
        %parallel_loop3A_566 = vector.shape_cast %broadcast_in_dim3A_10 : vector<16x1xi32> to vector<16xi32>
        %parallel_loop3A_567 = tpu.dynamic_gather %parallel_loop3A_565[%parallel_loop3A_566] in [0] : vector<16xf32>, vector<16xi32> -> vector<16xf32>
        %parallel_loop3A_568 = arith.mulf %parallel_loop3A_556, %parallel_loop3A_556 : vector<16xf32>
        %parallel_loop3A_569 = arith.mulf %parallel_loop3A_561, %parallel_loop3A_561 : vector<16xf32>
        %parallel_loop3A_570 = arith.addf %parallel_loop3A_568, %parallel_loop3A_569 : vector<16xf32>
        %parallel_loop3A_571 = arith.constant true
        %parallel_loop3A_572 = vector.broadcast %parallel_loop3A_571 : i1 to vector<16xi1>
        %parallel_loop3A_573 = tpu.scan <sum>, %parallel_loop3A_570 masked %parallel_loop3A_572 : vector<16xf32>, vector<16xi1> -> vector<16xf32>
        %parallel_loop3A_574 = vector.shape_cast %broadcast_in_dim3A_10 : vector<16x1xi32> to vector<16xi32>
        %parallel_loop3A_575 = tpu.dynamic_gather %parallel_loop3A_573[%parallel_loop3A_574] in [0] : vector<16xf32>, vector<16xi32> -> vector<16xf32>
        %parallel_loop3A_576 = arith.constant 3.125000e-02 : f32
        %parallel_loop3A_577 = vector.broadcast %parallel_loop3A_576 : f32 to vector<16xf32>
        %parallel_loop3A_578 = arith.mulf %parallel_loop3A_567, %parallel_loop3A_577 : vector<16xf32>
        %parallel_loop3A_579 = arith.constant 3.125000e-02 : f32
        %parallel_loop3A_580 = vector.broadcast %parallel_loop3A_579 : f32 to vector<16xf32>
        %parallel_loop3A_581 = arith.mulf %parallel_loop3A_575, %parallel_loop3A_580 : vector<16xf32>
        %parallel_loop3A_582 = arith.mulf %parallel_loop3A_578, %parallel_loop3A_578 : vector<16xf32>
        %parallel_loop3A_583 = arith.subf %parallel_loop3A_581, %parallel_loop3A_582 : vector<16xf32>
        %parallel_loop3A_584 = arith.constant 0.000000e+00 : f32
        %parallel_loop3A_585 = vector.broadcast %parallel_loop3A_584 : f32 to vector<16xf32>
        %parallel_loop3A_586 = arith.maximumf %parallel_loop3A_583, %parallel_loop3A_585 : vector<16xf32>
        %parallel_loop3A_587 = arith.constant 9.99999996E-13 : f32
        %parallel_loop3A_588 = vector.broadcast %parallel_loop3A_587 : f32 to vector<16xf32>
        %parallel_loop3A_589 = arith.addf %parallel_loop3A_586, %parallel_loop3A_588 : vector<16xf32>
        %parallel_loop3A_590 = tpu.bitcast %parallel_loop3A_589 : vector<16xf32> -> vector<16xi32>
        %parallel_loop3A_591 = arith.constant 1 : i32
        %parallel_loop3A_592 = vector.broadcast %parallel_loop3A_591 : i32 to vector<16xi32>
        %parallel_loop3A_593 = arith.shrui %parallel_loop3A_590, %parallel_loop3A_592 : vector<16xi32>
        %parallel_loop3A_594 = arith.constant 1597463007 : i32
        %parallel_loop3A_595 = vector.broadcast %parallel_loop3A_594 : i32 to vector<16xi32>
        %parallel_loop3A_596 = arith.subi %parallel_loop3A_595, %parallel_loop3A_593 : vector<16xi32>
        %parallel_loop3A_597 = tpu.bitcast %parallel_loop3A_596 : vector<16xi32> -> vector<16xf32>
        %parallel_loop3A_598 = arith.constant 5.000000e-01 : f32
        %parallel_loop3A_599 = vector.broadcast %parallel_loop3A_598 : f32 to vector<16xf32>
        %parallel_loop3A_600 = arith.mulf %parallel_loop3A_589, %parallel_loop3A_599 : vector<16xf32>
        %parallel_loop3A_601 = arith.mulf %parallel_loop3A_600, %parallel_loop3A_597 : vector<16xf32>
        %parallel_loop3A_602 = arith.mulf %parallel_loop3A_601, %parallel_loop3A_597 : vector<16xf32>
        %parallel_loop3A_603 = arith.constant 1.500000e+00 : f32
        %parallel_loop3A_604 = vector.broadcast %parallel_loop3A_603 : f32 to vector<16xf32>
        %parallel_loop3A_605 = arith.subf %parallel_loop3A_604, %parallel_loop3A_602 : vector<16xf32>
        %parallel_loop3A_606 = arith.mulf %parallel_loop3A_597, %parallel_loop3A_605 : vector<16xf32>
        %parallel_loop3A_607 = arith.mulf %parallel_loop3A_600, %parallel_loop3A_606 : vector<16xf32>
        %parallel_loop3A_608 = arith.mulf %parallel_loop3A_607, %parallel_loop3A_606 : vector<16xf32>
        %parallel_loop3A_609 = arith.constant 1.500000e+00 : f32
        %parallel_loop3A_610 = vector.broadcast %parallel_loop3A_609 : f32 to vector<16xf32>
        %parallel_loop3A_611 = arith.subf %parallel_loop3A_610, %parallel_loop3A_608 : vector<16xf32>
        %parallel_loop3A_612 = arith.mulf %parallel_loop3A_606, %parallel_loop3A_611 : vector<16xf32>
        %parallel_loop3A_613 = vector.broadcast %parallel_loop3A_551 : i32 to vector<16xi32>
        %parallel_loop3A_614 = arith.subf %parallel_loop3A_556, %parallel_loop3A_578 : vector<16xf32>
        %parallel_loop3A_615 = arith.mulf %parallel_loop3A_612, %get3A_3 : vector<16xf32>
        %parallel_loop3A_616 = arith.mulf %parallel_loop3A_614, %parallel_loop3A_615 : vector<16xf32>
        %parallel_loop3A_617 = arith.addf %parallel_loop3A_616, %get3A_7 : vector<16xf32>
        tpu.vector_store_idx %arg9[%broadcast_in_dim3A_501, %select_n3A, %broadcast_in_dim3A_518, %select_n3A_53, %parallel_loop3A_613], %parallel_loop3A_617 : memref<2x4x8x8x129xf32, #tpu.memory_space<vmem>>[vector<16xi32>, vector<16xi32>, vector<16xi32>, vector<16xi32>, vector<16xi32>], vector<16xf32>,
        %parallel_loop3A_618 = arith.constant 2 : i32
        %parallel_loop3A_619 = vector.broadcast %parallel_loop3A_618 : i32 to vector<16xi32>
        %parallel_loop3A_620 = arith.addi %select_n3A, %parallel_loop3A_619 : vector<16xi32>
        %parallel_loop3A_621 = arith.subf %parallel_loop3A_561, %parallel_loop3A_578 : vector<16xf32>
        %parallel_loop3A_622 = arith.mulf %parallel_loop3A_612, %get3A_5 : vector<16xf32>
        %parallel_loop3A_623 = arith.mulf %parallel_loop3A_621, %parallel_loop3A_622 : vector<16xf32>
        %parallel_loop3A_624 = arith.addf %parallel_loop3A_623, %get3A_9 : vector<16xf32>
        tpu.vector_store_idx %arg9[%broadcast_in_dim3A_501, %parallel_loop3A_620, %broadcast_in_dim3A_518, %select_n3A_53, %parallel_loop3A_613], %parallel_loop3A_624 : memref<2x4x8x8x129xf32, #tpu.memory_space<vmem>>[vector<16xi32>, vector<16xi32>, vector<16xi32>, vector<16xi32>, vector<16xi32>], vector<16xf32>,
      } {sc.loop_unroll_factor = 8 : i64, sc.parallel_access}
      %add3A_522 = arith.constant 3 : i32
      %add3A_523 = arith.addi %add3A_449, %add3A_522 : i32
      %lt3A_524 = arith.constant 200 : i32
      %lt3A_525 = arith.cmpi slt, %add3A_523, %lt3A_524 : i32
      %convert_element_type3A_526 = arith.extui %lt3A_525 : i1 to i32
      %cond3A_527 = arith.constant 0 : i32
      %cond3A_528 = arith.cmpi ne, %convert_element_type3A_526, %cond3A_527 : i32
      scf.if %cond3A_528 {
        %add3A_551 = arith.constant 3 : i32
        %add3A_552 = arith.addi %add3A_449, %add3A_551 : i32
        %mul3A_553 = arith.constant 128 : i32
        %mul3A_554 = arith.muli %add3A_552, %mul3A_553 : i32
        %dma_start3A_555 = arith.constant 2 : i32
        %dma_start3A_556 = arith.constant 0 : i32
        %dma_start3A_557 = arith.constant 0 : i32
        %dma_start3A_558 = tpu.memref_slice %arg8[%dma_start3A_555, %dma_start3A_556, %dma_start3A_557] : memref<4x128x32xf32, #tpu.memory_space<vmem>> -> memref<1x128x32xf32, #tpu.memory_space<vmem>>
        %dma_start3A_559 = tpu.memref_squeeze %dma_start3A_558 : memref<1x128x32xf32, #tpu.memory_space<vmem>> -> memref<128x32xf32, #tpu.memory_space<vmem>>
        %dma_start3A_560 = tpu.memref_slice %arg7[%mul3A_554] : memref<25600xi32, #tpu.memory_space<vmem>> -> memref<128xi32, #tpu.memory_space<vmem>>
        %dma_start3A_561 = arith.constant 0 : i32
        %dma_start3A_562 = arith.constant 0 : i32
        %dma_start3A_563 = tpu.memref_slice %arg3[%dma_start3A_561, %dma_start3A_562] : memref<1000000x32xf32, #tpu.memory_space<hbm>> -> memref<1000000x32xf32, #tpu.memory_space<hbm>>
        tpu.enqueue_indirect_dma source(%dma_start3A_563 : memref<1000000x32xf32, #tpu.memory_space<hbm>>) target(%dma_start3A_559 : memref<128x32xf32, #tpu.memory_space<vmem>>) offsets(%dma_start3A_560 : memref<128xi32, #tpu.memory_space<vmem>>) semaphore(%arg14 : memref<!tpu.dma_semaphore, #tpu.memory_space<semaphore_mem>>)
      } else {
      }
      %jit3A_529 = arith.constant 2 : i32
      %eq3A_530 = arith.constant 0 : i32
      %eq3A_531 = arith.cmpi eq, %jit3A_529, %eq3A_530 : i32
      %jit3A_532 = arith.constant 1 : i32
      %select_n3A_533 = arith.select %eq3A_531, %jit3A_532, %jit3A_529 : i32
      %rem3A_534 = arith.remsi %scan3A_198, %select_n3A_533 : i32
      %ne3A_535 = arith.constant 0 : i32
      %ne3A_536 = arith.cmpi ne, %rem3A_534, %ne3A_535 : i32
      %lt3A_537 = arith.constant 0 : i32
      %lt3A_538 = arith.cmpi slt, %rem3A_534, %lt3A_537 : i32
      %lt3A_539 = arith.constant 0 : i32
      %lt3A_540 = arith.cmpi slt, %select_n3A_533, %lt3A_539 : i32
      %ne3A_541 = arith.xori %lt3A_538, %lt3A_540 : i1
      %and3A_542 = arith.andi %ne3A_541, %ne3A_536 : i1
      %add3A_543 = arith.addi %rem3A_534, %select_n3A_533 : i32
      %select_n3A_544 = arith.select %and3A_542, %add3A_543, %rem3A_534 : i32
      %eq3A_545 = arith.constant 1 : i32
      %eq3A_546 = arith.cmpi eq, %select_n3A_544, %eq3A_545 : i32
      %convert_element_type3A_547 = arith.extui %eq3A_546 : i1 to i32
      %cond3A_548 = arith.constant 0 : i32
      %cond3A_549 = arith.cmpi ne, %convert_element_type3A_547, %cond3A_548 : i32
      scf.if %cond3A_549 {
        %mul3A_551 = arith.constant 4 : i32
        %mul3A_552 = arith.muli %mul3A_551, %scan3A_198 : i32
        %add3A_553 = arith.constant 3 : i32
        %add3A_554 = arith.addi %mul3A_552, %add3A_553 : i32
        %jit3A_555 = arith.constant 8 : i32
        %div3A_556 = arith.divsi %add3A_554, %jit3A_555 : i32
        %sign3A_557 = arith.constant 0 : i32
        %sign3A_558 = arith.cmpi sgt, %add3A_554, %sign3A_557 : i32
        %sign3A_559 = arith.extui %sign3A_558 : i1 to i32
        %sign3A_560 = arith.constant 0 : i32
        %sign3A_561 = arith.cmpi slt, %add3A_554, %sign3A_560 : i32
        %sign3A_562 = arith.extui %sign3A_561 : i1 to i32
        %sign3A_563 = arith.subi %sign3A_559, %sign3A_562 : i32
        %sign3A_564 = arith.constant 0 : i32
        %sign3A_565 = arith.cmpi sgt, %jit3A_555, %sign3A_564 : i32
        %sign3A_566 = arith.extui %sign3A_565 : i1 to i32
        %sign3A_567 = arith.constant 0 : i32
        %sign3A_568 = arith.cmpi slt, %jit3A_555, %sign3A_567 : i32
        %sign3A_569 = arith.extui %sign3A_568 : i1 to i32
        %sign3A_570 = arith.subi %sign3A_566, %sign3A_569 : i32
        %ne3A_571 = arith.cmpi ne, %sign3A_563, %sign3A_570 : i32
        %rem3A_572 = arith.remsi %add3A_554, %jit3A_555 : i32
        %ne3A_573 = arith.constant 0 : i32
        %ne3A_574 = arith.cmpi ne, %rem3A_572, %ne3A_573 : i32
        %and3A_575 = arith.andi %ne3A_571, %ne3A_574 : i1
        %sub3A_576 = arith.constant 1 : i32
        %sub3A_577 = arith.subi %div3A_556, %sub3A_576 : i32
        %select_n3A_578 = arith.select %and3A_575, %sub3A_577, %div3A_556 : i32
        %add3A_579 = arith.addi %mul3A_55, %select_n3A_578 : i32
        %jit3A_580 = arith.constant 2 : i32
        %eq3A_581 = arith.constant 0 : i32
        %eq3A_582 = arith.cmpi eq, %jit3A_580, %eq3A_581 : i32
        %jit3A_583 = arith.constant 1 : i32
        %select_n3A_584 = arith.select %eq3A_582, %jit3A_583, %jit3A_580 : i32
        %rem3A_585 = arith.remsi %select_n3A_578, %select_n3A_584 : i32
        %ne3A_586 = arith.constant 0 : i32
        %ne3A_587 = arith.cmpi ne, %rem3A_585, %ne3A_586 : i32
        %lt3A_588 = arith.constant 0 : i32
        %lt3A_589 = arith.cmpi slt, %rem3A_585, %lt3A_588 : i32
        %lt3A_590 = arith.constant 0 : i32
        %lt3A_591 = arith.cmpi slt, %select_n3A_584, %lt3A_590 : i32
        %ne3A_592 = arith.xori %lt3A_589, %lt3A_591 : i1
        %and3A_593 = arith.andi %ne3A_592, %ne3A_587 : i1
        %add3A_594 = arith.addi %rem3A_585, %select_n3A_584 : i32
        %select_n3A_595 = arith.select %and3A_593, %add3A_594, %rem3A_585 : i32
        %jit3A_596 = arith.constant 4 : i32
        %div3A_597 = arith.divsi %add3A_579, %jit3A_596 : i32
        %sign3A_598 = arith.constant 0 : i32
        %sign3A_599 = arith.cmpi sgt, %add3A_579, %sign3A_598 : i32
        %sign3A_600 = arith.extui %sign3A_599 : i1 to i32
        %sign3A_601 = arith.constant 0 : i32
        %sign3A_602 = arith.cmpi slt, %add3A_579, %sign3A_601 : i32
        %sign3A_603 = arith.extui %sign3A_602 : i1 to i32
        %sign3A_604 = arith.subi %sign3A_600, %sign3A_603 : i32
        %sign3A_605 = arith.constant 0 : i32
        %sign3A_606 = arith.cmpi sgt, %jit3A_596, %sign3A_605 : i32
        %sign3A_607 = arith.extui %sign3A_606 : i1 to i32
        %sign3A_608 = arith.constant 0 : i32
        %sign3A_609 = arith.cmpi slt, %jit3A_596, %sign3A_608 : i32
        %sign3A_610 = arith.extui %sign3A_609 : i1 to i32
        %sign3A_611 = arith.subi %sign3A_607, %sign3A_610 : i32
        %ne3A_612 = arith.cmpi ne, %sign3A_604, %sign3A_611 : i32
        %rem3A_613 = arith.remsi %add3A_579, %jit3A_596 : i32
        %ne3A_614 = arith.constant 0 : i32
        %ne3A_615 = arith.cmpi ne, %rem3A_613, %ne3A_614 : i32
        %and3A_616 = arith.andi %ne3A_612, %ne3A_615 : i1
        %sub3A_617 = arith.constant 1 : i32
        %sub3A_618 = arith.subi %div3A_597, %sub3A_617 : i32
        %select_n3A_619 = arith.select %and3A_616, %sub3A_618, %div3A_597 : i32
        %jit3A_620 = arith.constant 4 : i32
        %eq3A_621 = arith.constant 0 : i32
        %eq3A_622 = arith.cmpi eq, %jit3A_620, %eq3A_621 : i32
        %jit3A_623 = arith.constant 1 : i32
        %select_n3A_624 = arith.select %eq3A_622, %jit3A_623, %jit3A_620 : i32
        %rem3A_625 = arith.remsi %add3A_579, %select_n3A_624 : i32
        %ne3A_626 = arith.constant 0 : i32
        %ne3A_627 = arith.cmpi ne, %rem3A_625, %ne3A_626 : i32
        %lt3A_628 = arith.constant 0 : i32
        %lt3A_629 = arith.cmpi slt, %rem3A_625, %lt3A_628 : i32
        %lt3A_630 = arith.constant 0 : i32
        %lt3A_631 = arith.cmpi slt, %select_n3A_624, %lt3A_630 : i32
        %ne3A_632 = arith.xori %lt3A_629, %lt3A_631 : i1
        %and3A_633 = arith.andi %ne3A_632, %ne3A_627 : i1
        %add3A_634 = arith.addi %rem3A_625, %select_n3A_624 : i32
        %select_n3A_635 = arith.select %and3A_633, %add3A_634, %rem3A_625 : i32
        %mul3A_636 = arith.constant 8 : i32
        %mul3A_637 = arith.muli %select_n3A_635, %mul3A_636 : i32
        %dma_start3A_638 = arith.constant 0 : i32
        %dma_start3A_639 = arith.constant 0 : i32
        %dma_start3A_640 = arith.constant 0 : i32
        %dma_start3A_641 = arith.constant 0 : i32
        %dma_start3A_642 = arith.constant 0 : i32
        %dma_start3A_643 = tpu.memref_slice %arg9[%select_n3A_595, %dma_start3A_638, %dma_start3A_640, %dma_start3A_641, %dma_start3A_642] : memref<2x4x8x8x129xf32, #tpu.memory_space<vmem>> -> memref<1x1x8x8x128xf32, #tpu.memory_space<vmem>>
        %dma_start3A_644 = tpu.memref_squeeze %dma_start3A_643 : memref<1x1x8x8x128xf32, #tpu.memory_space<vmem>> -> memref<8x8x128xf32, #tpu.memory_space<vmem>>
        %dma_start3A_645 = arith.constant 0 : i32
        %dma_start3A_646 = arith.constant 0 : i32
        %dma_start3A_647 = tpu.memref_slice %arg6[%select_n3A_619, %dma_start3A_639, %mul3A_637, %dma_start3A_645, %dma_start3A_646] : memref<200x4x32x8x128xf32, #tpu.memory_space<hbm>> -> memref<1x1x8x8x128xf32, #tpu.memory_space<hbm>>
        %dma_start3A_648 = tpu.memref_squeeze %dma_start3A_647 : memref<1x1x8x8x128xf32, #tpu.memory_space<hbm>> -> memref<8x8x128xf32, #tpu.memory_space<hbm>>
        %dma_start3A_649 = tpu.memref_slice %arg16[%select_n3A_595] : memref<2x!tpu.dma_semaphore, #tpu.memory_space<semaphore_mem>> -> memref<1x!tpu.dma_semaphore, #tpu.memory_space<semaphore_mem>>
        %dma_start3A_650 = tpu.memref_squeeze %dma_start3A_649 : memref<1x!tpu.dma_semaphore, #tpu.memory_space<semaphore_mem>> -> memref<!tpu.dma_semaphore, #tpu.memory_space<semaphore_mem>>
        %dma_start3A_651 = arith.constant 0 : i32
        %dma_start3A_652 = arith.constant 0 : i32
        %dma_start3A_653 = tpu.memref_slice %arg6[%select_n3A_619, %dma_start3A_639, %mul3A_637, %dma_start3A_651, %dma_start3A_652] : memref<200x4x32x8x128xf32, #tpu.memory_space<hbm>> -> memref<1x1x8x8x128xf32, #tpu.memory_space<hbm>>
        %dma_start3A_654 = tpu.memref_squeeze %dma_start3A_653 : memref<1x1x8x8x128xf32, #tpu.memory_space<hbm>> -> memref<8x8x128xf32, #tpu.memory_space<hbm>>
        %dma_start3A_655 = arith.constant 0 : i32
        %dma_start3A_656 = arith.constant 0 : i32
        %dma_start3A_657 = arith.constant 0 : i32
        %dma_start3A_658 = tpu.memref_slice %arg9[%select_n3A_595, %dma_start3A_638, %dma_start3A_655, %dma_start3A_656, %dma_start3A_657] : memref<2x4x8x8x129xf32, #tpu.memory_space<vmem>> -> memref<1x1x8x8x128xf32, #tpu.memory_space<vmem>>
        %dma_start3A_659 = tpu.memref_squeeze %dma_start3A_658 : memref<1x1x8x8x128xf32, #tpu.memory_space<vmem>> -> memref<8x8x128xf32, #tpu.memory_space<vmem>>
        tpu.enqueue_dma source(%dma_start3A_659 : memref<8x8x128xf32, #tpu.memory_space<vmem>>) target(%dma_start3A_654 : memref<8x8x128xf32, #tpu.memory_space<hbm>>) target_semaphore(%dma_start3A_650 : memref<!tpu.dma_semaphore, #tpu.memory_space<semaphore_mem>>)
        %dma_start3A_660 = arith.constant 1 : i32
        %dma_start3A_661 = arith.constant 1 : i32
        %dma_start3A_662 = arith.constant 0 : i32
        %dma_start3A_663 = arith.constant 0 : i32
        %dma_start3A_664 = arith.constant 0 : i32
        %dma_start3A_665 = tpu.memref_slice %arg9[%select_n3A_595, %dma_start3A_660, %dma_start3A_662, %dma_start3A_663, %dma_start3A_664] : memref<2x4x8x8x129xf32, #tpu.memory_space<vmem>> -> memref<1x1x8x8x128xf32, #tpu.memory_space<vmem>>
        %dma_start3A_666 = tpu.memref_squeeze %dma_start3A_665 : memref<1x1x8x8x128xf32, #tpu.memory_space<vmem>> -> memref<8x8x128xf32, #tpu.memory_space<vmem>>
        %dma_start3A_667 = arith.constant 0 : i32
        %dma_start3A_668 = arith.constant 0 : i32
        %dma_start3A_669 = tpu.memref_slice %arg6[%select_n3A_619, %dma_start3A_661, %mul3A_637, %dma_start3A_667, %dma_start3A_668] : memref<200x4x32x8x128xf32, #tpu.memory_space<hbm>> -> memref<1x1x8x8x128xf32, #tpu.memory_space<hbm>>
        %dma_start3A_670 = tpu.memref_squeeze %dma_start3A_669 : memref<1x1x8x8x128xf32, #tpu.memory_space<hbm>> -> memref<8x8x128xf32, #tpu.memory_space<hbm>>
        %dma_start3A_671 = tpu.memref_slice %arg16[%select_n3A_595] : memref<2x!tpu.dma_semaphore, #tpu.memory_space<semaphore_mem>> -> memref<1x!tpu.dma_semaphore, #tpu.memory_space<semaphore_mem>>
        %dma_start3A_672 = tpu.memref_squeeze %dma_start3A_671 : memref<1x!tpu.dma_semaphore, #tpu.memory_space<semaphore_mem>> -> memref<!tpu.dma_semaphore, #tpu.memory_space<semaphore_mem>>
        %dma_start3A_673 = arith.constant 0 : i32
        %dma_start3A_674 = arith.constant 0 : i32
        %dma_start3A_675 = tpu.memref_slice %arg6[%select_n3A_619, %dma_start3A_661, %mul3A_637, %dma_start3A_673, %dma_start3A_674] : memref<200x4x32x8x128xf32, #tpu.memory_space<hbm>> -> memref<1x1x8x8x128xf32, #tpu.memory_space<hbm>>
        %dma_start3A_676 = tpu.memref_squeeze %dma_start3A_675 : memref<1x1x8x8x128xf32, #tpu.memory_space<hbm>> -> memref<8x8x128xf32, #tpu.memory_space<hbm>>
        %dma_start3A_677 = arith.constant 0 : i32
        %dma_start3A_678 = arith.constant 0 : i32
        %dma_start3A_679 = arith.constant 0 : i32
        %dma_start3A_680 = tpu.memref_slice %arg9[%select_n3A_595, %dma_start3A_660, %dma_start3A_677, %dma_start3A_678, %dma_start3A_679] : memref<2x4x8x8x129xf32, #tpu.memory_space<vmem>> -> memref<1x1x8x8x128xf32, #tpu.memory_space<vmem>>
        %dma_start3A_681 = tpu.memref_squeeze %dma_start3A_680 : memref<1x1x8x8x128xf32, #tpu.memory_space<vmem>> -> memref<8x8x128xf32, #tpu.memory_space<vmem>>
        tpu.enqueue_dma source(%dma_start3A_681 : memref<8x8x128xf32, #tpu.memory_space<vmem>>) target(%dma_start3A_676 : memref<8x8x128xf32, #tpu.memory_space<hbm>>) target_semaphore(%dma_start3A_672 : memref<!tpu.dma_semaphore, #tpu.memory_space<semaphore_mem>>)
        %dma_start3A_682 = arith.constant 2 : i32
        %dma_start3A_683 = arith.constant 2 : i32
        %dma_start3A_684 = arith.constant 0 : i32
        %dma_start3A_685 = arith.constant 0 : i32
        %dma_start3A_686 = arith.constant 0 : i32
        %dma_start3A_687 = tpu.memref_slice %arg9[%select_n3A_595, %dma_start3A_682, %dma_start3A_684, %dma_start3A_685, %dma_start3A_686] : memref<2x4x8x8x129xf32, #tpu.memory_space<vmem>> -> memref<1x1x8x8x128xf32, #tpu.memory_space<vmem>>
        %dma_start3A_688 = tpu.memref_squeeze %dma_start3A_687 : memref<1x1x8x8x128xf32, #tpu.memory_space<vmem>> -> memref<8x8x128xf32, #tpu.memory_space<vmem>>
        %dma_start3A_689 = arith.constant 0 : i32
        %dma_start3A_690 = arith.constant 0 : i32
        %dma_start3A_691 = tpu.memref_slice %arg6[%select_n3A_619, %dma_start3A_683, %mul3A_637, %dma_start3A_689, %dma_start3A_690] : memref<200x4x32x8x128xf32, #tpu.memory_space<hbm>> -> memref<1x1x8x8x128xf32, #tpu.memory_space<hbm>>
        %dma_start3A_692 = tpu.memref_squeeze %dma_start3A_691 : memref<1x1x8x8x128xf32, #tpu.memory_space<hbm>> -> memref<8x8x128xf32, #tpu.memory_space<hbm>>
        %dma_start3A_693 = tpu.memref_slice %arg16[%select_n3A_595] : memref<2x!tpu.dma_semaphore, #tpu.memory_space<semaphore_mem>> -> memref<1x!tpu.dma_semaphore, #tpu.memory_space<semaphore_mem>>
        %dma_start3A_694 = tpu.memref_squeeze %dma_start3A_693 : memref<1x!tpu.dma_semaphore, #tpu.memory_space<semaphore_mem>> -> memref<!tpu.dma_semaphore, #tpu.memory_space<semaphore_mem>>
        %dma_start3A_695 = arith.constant 0 : i32
        %dma_start3A_696 = arith.constant 0 : i32
        %dma_start3A_697 = tpu.memref_slice %arg6[%select_n3A_619, %dma_start3A_683, %mul3A_637, %dma_start3A_695, %dma_start3A_696] : memref<200x4x32x8x128xf32, #tpu.memory_space<hbm>> -> memref<1x1x8x8x128xf32, #tpu.memory_space<hbm>>
        %dma_start3A_698 = tpu.memref_squeeze %dma_start3A_697 : memref<1x1x8x8x128xf32, #tpu.memory_space<hbm>> -> memref<8x8x128xf32, #tpu.memory_space<hbm>>
        %dma_start3A_699 = arith.constant 0 : i32
        %dma_start3A_700 = arith.constant 0 : i32
        %dma_start3A_701 = arith.constant 0 : i32
        %dma_start3A_702 = tpu.memref_slice %arg9[%select_n3A_595, %dma_start3A_682, %dma_start3A_699, %dma_start3A_700, %dma_start3A_701] : memref<2x4x8x8x129xf32, #tpu.memory_space<vmem>> -> memref<1x1x8x8x128xf32, #tpu.memory_space<vmem>>
        %dma_start3A_703 = tpu.memref_squeeze %dma_start3A_702 : memref<1x1x8x8x128xf32, #tpu.memory_space<vmem>> -> memref<8x8x128xf32, #tpu.memory_space<vmem>>
        tpu.enqueue_dma source(%dma_start3A_703 : memref<8x8x128xf32, #tpu.memory_space<vmem>>) target(%dma_start3A_698 : memref<8x8x128xf32, #tpu.memory_space<hbm>>) target_semaphore(%dma_start3A_694 : memref<!tpu.dma_semaphore, #tpu.memory_space<semaphore_mem>>)
        %dma_start3A_704 = arith.constant 3 : i32
        %dma_start3A_705 = arith.constant 3 : i32
        %dma_start3A_706 = arith.constant 0 : i32
        %dma_start3A_707 = arith.constant 0 : i32
        %dma_start3A_708 = arith.constant 0 : i32
        %dma_start3A_709 = tpu.memref_slice %arg9[%select_n3A_595, %dma_start3A_704, %dma_start3A_706, %dma_start3A_707, %dma_start3A_708] : memref<2x4x8x8x129xf32, #tpu.memory_space<vmem>> -> memref<1x1x8x8x128xf32, #tpu.memory_space<vmem>>
        %dma_start3A_710 = tpu.memref_squeeze %dma_start3A_709 : memref<1x1x8x8x128xf32, #tpu.memory_space<vmem>> -> memref<8x8x128xf32, #tpu.memory_space<vmem>>
        %dma_start3A_711 = arith.constant 0 : i32
        %dma_start3A_712 = arith.constant 0 : i32
        %dma_start3A_713 = tpu.memref_slice %arg6[%select_n3A_619, %dma_start3A_705, %mul3A_637, %dma_start3A_711, %dma_start3A_712] : memref<200x4x32x8x128xf32, #tpu.memory_space<hbm>> -> memref<1x1x8x8x128xf32, #tpu.memory_space<hbm>>
        %dma_start3A_714 = tpu.memref_squeeze %dma_start3A_713 : memref<1x1x8x8x128xf32, #tpu.memory_space<hbm>> -> memref<8x8x128xf32, #tpu.memory_space<hbm>>
        %dma_start3A_715 = tpu.memref_slice %arg16[%select_n3A_595] : memref<2x!tpu.dma_semaphore, #tpu.memory_space<semaphore_mem>> -> memref<1x!tpu.dma_semaphore, #tpu.memory_space<semaphore_mem>>
        %dma_start3A_716 = tpu.memref_squeeze %dma_start3A_715 : memref<1x!tpu.dma_semaphore, #tpu.memory_space<semaphore_mem>> -> memref<!tpu.dma_semaphore, #tpu.memory_space<semaphore_mem>>
        %dma_start3A_717 = arith.constant 0 : i32
        %dma_start3A_718 = arith.constant 0 : i32
        %dma_start3A_719 = tpu.memref_slice %arg6[%select_n3A_619, %dma_start3A_705, %mul3A_637, %dma_start3A_717, %dma_start3A_718] : memref<200x4x32x8x128xf32, #tpu.memory_space<hbm>> -> memref<1x1x8x8x128xf32, #tpu.memory_space<hbm>>
        %dma_start3A_720 = tpu.memref_squeeze %dma_start3A_719 : memref<1x1x8x8x128xf32, #tpu.memory_space<hbm>> -> memref<8x8x128xf32, #tpu.memory_space<hbm>>
        %dma_start3A_721 = arith.constant 0 : i32
        %dma_start3A_722 = arith.constant 0 : i32
        %dma_start3A_723 = arith.constant 0 : i32
        %dma_start3A_724 = tpu.memref_slice %arg9[%select_n3A_595, %dma_start3A_704, %dma_start3A_721, %dma_start3A_722, %dma_start3A_723] : memref<2x4x8x8x129xf32, #tpu.memory_space<vmem>> -> memref<1x1x8x8x128xf32, #tpu.memory_space<vmem>>
        %dma_start3A_725 = tpu.memref_squeeze %dma_start3A_724 : memref<1x1x8x8x128xf32, #tpu.memory_space<vmem>> -> memref<8x8x128xf32, #tpu.memory_space<vmem>>
        tpu.enqueue_dma source(%dma_start3A_725 : memref<8x8x128xf32, #tpu.memory_space<vmem>>) target(%dma_start3A_720 : memref<8x8x128xf32, #tpu.memory_space<hbm>>) target_semaphore(%dma_start3A_716 : memref<!tpu.dma_semaphore, #tpu.memory_space<semaphore_mem>>)
        %ge3A = arith.constant 1 : i32
        %ge3A_726 = arith.cmpi sge, %select_n3A_578, %ge3A : i32
        %convert_element_type3A_727 = arith.extui %ge3A_726 : i1 to i32
        %cond3A_728 = arith.constant 0 : i32
        %cond3A_729 = arith.cmpi ne, %convert_element_type3A_727, %cond3A_728 : i32
        scf.if %cond3A_729 {
          %sub3A_730 = arith.constant 1 : i32
          %sub3A_731 = arith.subi %select_n3A_578, %sub3A_730 : i32
          %jit3A_732 = arith.constant 2 : i32
          %eq3A_733 = arith.constant 0 : i32
          %eq3A_734 = arith.cmpi eq, %jit3A_732, %eq3A_733 : i32
          %jit3A_735 = arith.constant 1 : i32
          %select_n3A_736 = arith.select %eq3A_734, %jit3A_735, %jit3A_732 : i32
          %rem3A_737 = arith.remsi %sub3A_731, %select_n3A_736 : i32
          %ne3A_738 = arith.constant 0 : i32
          %ne3A_739 = arith.cmpi ne, %rem3A_737, %ne3A_738 : i32
          %lt3A_740 = arith.constant 0 : i32
          %lt3A_741 = arith.cmpi slt, %rem3A_737, %lt3A_740 : i32
          %lt3A_742 = arith.constant 0 : i32
          %lt3A_743 = arith.cmpi slt, %select_n3A_736, %lt3A_742 : i32
          %ne3A_744 = arith.xori %lt3A_741, %lt3A_743 : i1
          %and3A_745 = arith.andi %ne3A_744, %ne3A_739 : i1
          %add3A_746 = arith.addi %rem3A_737, %select_n3A_736 : i32
          %select_n3A_747 = arith.select %and3A_745, %add3A_746, %rem3A_737 : i32
          %dma_wait3A_748 = arith.constant 0 : i32
          %dma_wait3A_749 = arith.constant 0 : i32
          %dma_wait3A_750 = arith.constant 0 : i32
          %dma_wait3A_751 = arith.constant 0 : i32
          %dma_wait3A_752 = arith.constant 0 : i32
          %dma_wait3A_753 = arith.constant 0 : i32
          %dma_wait3A_754 = tpu.memref_slice %arg9[%select_n3A_747, %dma_wait3A_748, %dma_wait3A_751, %dma_wait3A_752, %dma_wait3A_753] : memref<2x4x8x8x129xf32, #tpu.memory_space<vmem>> -> memref<1x1x8x8x128xf32, #tpu.memory_space<vmem>>
          %dma_wait3A_755 = tpu.memref_squeeze %dma_wait3A_754 : memref<1x1x8x8x128xf32, #tpu.memory_space<vmem>> -> memref<8x8x128xf32, #tpu.memory_space<vmem>>
          %dma_wait3A_756 = arith.constant 0 : i32
          %dma_wait3A_757 = arith.constant 0 : i32
          %dma_wait3A_758 = arith.constant 0 : i32
          %dma_wait3A_759 = tpu.memref_slice %arg6[%dma_wait3A_749, %dma_wait3A_750, %dma_wait3A_756, %dma_wait3A_757, %dma_wait3A_758] : memref<200x4x32x8x128xf32, #tpu.memory_space<hbm>> -> memref<1x1x8x8x128xf32, #tpu.memory_space<hbm>>
          %dma_wait3A_760 = tpu.memref_squeeze %dma_wait3A_759 : memref<1x1x8x8x128xf32, #tpu.memory_space<hbm>> -> memref<8x8x128xf32, #tpu.memory_space<hbm>>
          %dma_wait3A_761 = tpu.memref_slice %arg16[%select_n3A_747] : memref<2x!tpu.dma_semaphore, #tpu.memory_space<semaphore_mem>> -> memref<1x!tpu.dma_semaphore, #tpu.memory_space<semaphore_mem>>
          %dma_wait3A_762 = tpu.memref_squeeze %dma_wait3A_761 : memref<1x!tpu.dma_semaphore, #tpu.memory_space<semaphore_mem>> -> memref<!tpu.dma_semaphore, #tpu.memory_space<semaphore_mem>>
          %dma_wait3A_763 = arith.constant 0 : i32
          %dma_wait3A_764 = arith.constant 0 : i32
          %dma_wait3A_765 = arith.constant 0 : i32
          %dma_wait3A_766 = tpu.memref_slice %arg6[%dma_wait3A_749, %dma_wait3A_750, %dma_wait3A_763, %dma_wait3A_764, %dma_wait3A_765] : memref<200x4x32x8x128xf32, #tpu.memory_space<hbm>> -> memref<1x1x8x8x128xf32, #tpu.memory_space<hbm>>
          %dma_wait3A_767 = tpu.memref_squeeze %dma_wait3A_766 : memref<1x1x8x8x128xf32, #tpu.memory_space<hbm>> -> memref<8x8x128xf32, #tpu.memory_space<hbm>>
          %dma_wait3A_768 = arith.constant 0 : i32
          %dma_wait3A_769 = arith.constant 0 : i32
          %dma_wait3A_770 = arith.constant 0 : i32
          %dma_wait3A_771 = tpu.memref_slice %arg9[%select_n3A_747, %dma_wait3A_748, %dma_wait3A_768, %dma_wait3A_769, %dma_wait3A_770] : memref<2x4x8x8x129xf32, #tpu.memory_space<vmem>> -> memref<1x1x8x8x128xf32, #tpu.memory_space<vmem>>
          %dma_wait3A_772 = tpu.memref_squeeze %dma_wait3A_771 : memref<1x1x8x8x128xf32, #tpu.memory_space<vmem>> -> memref<8x8x128xf32, #tpu.memory_space<vmem>>
          tpu.wait_dma2 semaphore(%dma_wait3A_762 : memref<!tpu.dma_semaphore, #tpu.memory_space<semaphore_mem>>) src(%dma_wait3A_772 : memref<8x8x128xf32, #tpu.memory_space<vmem>>) dst(%dma_wait3A_767 : memref<8x8x128xf32, #tpu.memory_space<hbm>>)
          %dma_wait3A_773 = arith.constant 1 : i32
          %dma_wait3A_774 = arith.constant 0 : i32
          %dma_wait3A_775 = arith.constant 1 : i32
          %dma_wait3A_776 = arith.constant 0 : i32
          %dma_wait3A_777 = arith.constant 0 : i32
          %dma_wait3A_778 = arith.constant 0 : i32
          %dma_wait3A_779 = tpu.memref_slice %arg9[%select_n3A_747, %dma_wait3A_773, %dma_wait3A_776, %dma_wait3A_777, %dma_wait3A_778] : memref<2x4x8x8x129xf32, #tpu.memory_space<vmem>> -> memref<1x1x8x8x128xf32, #tpu.memory_space<vmem>>
          %dma_wait3A_780 = tpu.memref_squeeze %dma_wait3A_779 : memref<1x1x8x8x128xf32, #tpu.memory_space<vmem>> -> memref<8x8x128xf32, #tpu.memory_space<vmem>>
          %dma_wait3A_781 = arith.constant 0 : i32
          %dma_wait3A_782 = arith.constant 0 : i32
          %dma_wait3A_783 = arith.constant 0 : i32
          %dma_wait3A_784 = tpu.memref_slice %arg6[%dma_wait3A_774, %dma_wait3A_775, %dma_wait3A_781, %dma_wait3A_782, %dma_wait3A_783] : memref<200x4x32x8x128xf32, #tpu.memory_space<hbm>> -> memref<1x1x8x8x128xf32, #tpu.memory_space<hbm>>
          %dma_wait3A_785 = tpu.memref_squeeze %dma_wait3A_784 : memref<1x1x8x8x128xf32, #tpu.memory_space<hbm>> -> memref<8x8x128xf32, #tpu.memory_space<hbm>>
          %dma_wait3A_786 = tpu.memref_slice %arg16[%select_n3A_747] : memref<2x!tpu.dma_semaphore, #tpu.memory_space<semaphore_mem>> -> memref<1x!tpu.dma_semaphore, #tpu.memory_space<semaphore_mem>>
          %dma_wait3A_787 = tpu.memref_squeeze %dma_wait3A_786 : memref<1x!tpu.dma_semaphore, #tpu.memory_space<semaphore_mem>> -> memref<!tpu.dma_semaphore, #tpu.memory_space<semaphore_mem>>
          %dma_wait3A_788 = arith.constant 0 : i32
          %dma_wait3A_789 = arith.constant 0 : i32
          %dma_wait3A_790 = arith.constant 0 : i32
          %dma_wait3A_791 = tpu.memref_slice %arg6[%dma_wait3A_774, %dma_wait3A_775, %dma_wait3A_788, %dma_wait3A_789, %dma_wait3A_790] : memref<200x4x32x8x128xf32, #tpu.memory_space<hbm>> -> memref<1x1x8x8x128xf32, #tpu.memory_space<hbm>>
          %dma_wait3A_792 = tpu.memref_squeeze %dma_wait3A_791 : memref<1x1x8x8x128xf32, #tpu.memory_space<hbm>> -> memref<8x8x128xf32, #tpu.memory_space<hbm>>
          %dma_wait3A_793 = arith.constant 0 : i32
          %dma_wait3A_794 = arith.constant 0 : i32
          %dma_wait3A_795 = arith.constant 0 : i32
          %dma_wait3A_796 = tpu.memref_slice %arg9[%select_n3A_747, %dma_wait3A_773, %dma_wait3A_793, %dma_wait3A_794, %dma_wait3A_795] : memref<2x4x8x8x129xf32, #tpu.memory_space<vmem>> -> memref<1x1x8x8x128xf32, #tpu.memory_space<vmem>>
          %dma_wait3A_797 = tpu.memref_squeeze %dma_wait3A_796 : memref<1x1x8x8x128xf32, #tpu.memory_space<vmem>> -> memref<8x8x128xf32, #tpu.memory_space<vmem>>
          tpu.wait_dma2 semaphore(%dma_wait3A_787 : memref<!tpu.dma_semaphore, #tpu.memory_space<semaphore_mem>>) src(%dma_wait3A_797 : memref<8x8x128xf32, #tpu.memory_space<vmem>>) dst(%dma_wait3A_792 : memref<8x8x128xf32, #tpu.memory_space<hbm>>)
          %dma_wait3A_798 = arith.constant 2 : i32
          %dma_wait3A_799 = arith.constant 0 : i32
          %dma_wait3A_800 = arith.constant 2 : i32
          %dma_wait3A_801 = arith.constant 0 : i32
          %dma_wait3A_802 = arith.constant 0 : i32
          %dma_wait3A_803 = arith.constant 0 : i32
          %dma_wait3A_804 = tpu.memref_slice %arg9[%select_n3A_747, %dma_wait3A_798, %dma_wait3A_801, %dma_wait3A_802, %dma_wait3A_803] : memref<2x4x8x8x129xf32, #tpu.memory_space<vmem>> -> memref<1x1x8x8x128xf32, #tpu.memory_space<vmem>>
          %dma_wait3A_805 = tpu.memref_squeeze %dma_wait3A_804 : memref<1x1x8x8x128xf32, #tpu.memory_space<vmem>> -> memref<8x8x128xf32, #tpu.memory_space<vmem>>
          %dma_wait3A_806 = arith.constant 0 : i32
          %dma_wait3A_807 = arith.constant 0 : i32
          %dma_wait3A_808 = arith.constant 0 : i32
          %dma_wait3A_809 = tpu.memref_slice %arg6[%dma_wait3A_799, %dma_wait3A_800, %dma_wait3A_806, %dma_wait3A_807, %dma_wait3A_808] : memref<200x4x32x8x128xf32, #tpu.memory_space<hbm>> -> memref<1x1x8x8x128xf32, #tpu.memory_space<hbm>>
          %dma_wait3A_810 = tpu.memref_squeeze %dma_wait3A_809 : memref<1x1x8x8x128xf32, #tpu.memory_space<hbm>> -> memref<8x8x128xf32, #tpu.memory_space<hbm>>
          %dma_wait3A_811 = tpu.memref_slice %arg16[%select_n3A_747] : memref<2x!tpu.dma_semaphore, #tpu.memory_space<semaphore_mem>> -> memref<1x!tpu.dma_semaphore, #tpu.memory_space<semaphore_mem>>
          %dma_wait3A_812 = tpu.memref_squeeze %dma_wait3A_811 : memref<1x!tpu.dma_semaphore, #tpu.memory_space<semaphore_mem>> -> memref<!tpu.dma_semaphore, #tpu.memory_space<semaphore_mem>>
          %dma_wait3A_813 = arith.constant 0 : i32
          %dma_wait3A_814 = arith.constant 0 : i32
          %dma_wait3A_815 = arith.constant 0 : i32
          %dma_wait3A_816 = tpu.memref_slice %arg6[%dma_wait3A_799, %dma_wait3A_800, %dma_wait3A_813, %dma_wait3A_814, %dma_wait3A_815] : memref<200x4x32x8x128xf32, #tpu.memory_space<hbm>> -> memref<1x1x8x8x128xf32, #tpu.memory_space<hbm>>
          %dma_wait3A_817 = tpu.memref_squeeze %dma_wait3A_816 : memref<1x1x8x8x128xf32, #tpu.memory_space<hbm>> -> memref<8x8x128xf32, #tpu.memory_space<hbm>>
          %dma_wait3A_818 = arith.constant 0 : i32
          %dma_wait3A_819 = arith.constant 0 : i32
          %dma_wait3A_820 = arith.constant 0 : i32
          %dma_wait3A_821 = tpu.memref_slice %arg9[%select_n3A_747, %dma_wait3A_798, %dma_wait3A_818, %dma_wait3A_819, %dma_wait3A_820] : memref<2x4x8x8x129xf32, #tpu.memory_space<vmem>> -> memref<1x1x8x8x128xf32, #tpu.memory_space<vmem>>
          %dma_wait3A_822 = tpu.memref_squeeze %dma_wait3A_821 : memref<1x1x8x8x128xf32, #tpu.memory_space<vmem>> -> memref<8x8x128xf32, #tpu.memory_space<vmem>>
          tpu.wait_dma2 semaphore(%dma_wait3A_812 : memref<!tpu.dma_semaphore, #tpu.memory_space<semaphore_mem>>) src(%dma_wait3A_822 : memref<8x8x128xf32, #tpu.memory_space<vmem>>) dst(%dma_wait3A_817 : memref<8x8x128xf32, #tpu.memory_space<hbm>>)
          %dma_wait3A_823 = arith.constant 3 : i32
          %dma_wait3A_824 = arith.constant 0 : i32
          %dma_wait3A_825 = arith.constant 3 : i32
          %dma_wait3A_826 = arith.constant 0 : i32
          %dma_wait3A_827 = arith.constant 0 : i32
          %dma_wait3A_828 = arith.constant 0 : i32
          %dma_wait3A_829 = tpu.memref_slice %arg9[%select_n3A_747, %dma_wait3A_823, %dma_wait3A_826, %dma_wait3A_827, %dma_wait3A_828] : memref<2x4x8x8x129xf32, #tpu.memory_space<vmem>> -> memref<1x1x8x8x128xf32, #tpu.memory_space<vmem>>
          %dma_wait3A_830 = tpu.memref_squeeze %dma_wait3A_829 : memref<1x1x8x8x128xf32, #tpu.memory_space<vmem>> -> memref<8x8x128xf32, #tpu.memory_space<vmem>>
          %dma_wait3A_831 = arith.constant 0 : i32
          %dma_wait3A_832 = arith.constant 0 : i32
          %dma_wait3A_833 = arith.constant 0 : i32
          %dma_wait3A_834 = tpu.memref_slice %arg6[%dma_wait3A_824, %dma_wait3A_825, %dma_wait3A_831, %dma_wait3A_832, %dma_wait3A_833] : memref<200x4x32x8x128xf32, #tpu.memory_space<hbm>> -> memref<1x1x8x8x128xf32, #tpu.memory_space<hbm>>
          %dma_wait3A_835 = tpu.memref_squeeze %dma_wait3A_834 : memref<1x1x8x8x128xf32, #tpu.memory_space<hbm>> -> memref<8x8x128xf32, #tpu.memory_space<hbm>>
          %dma_wait3A_836 = tpu.memref_slice %arg16[%select_n3A_747] : memref<2x!tpu.dma_semaphore, #tpu.memory_space<semaphore_mem>> -> memref<1x!tpu.dma_semaphore, #tpu.memory_space<semaphore_mem>>
          %dma_wait3A_837 = tpu.memref_squeeze %dma_wait3A_836 : memref<1x!tpu.dma_semaphore, #tpu.memory_space<semaphore_mem>> -> memref<!tpu.dma_semaphore, #tpu.memory_space<semaphore_mem>>
          %dma_wait3A_838 = arith.constant 0 : i32
          %dma_wait3A_839 = arith.constant 0 : i32
          %dma_wait3A_840 = arith.constant 0 : i32
          %dma_wait3A_841 = tpu.memref_slice %arg6[%dma_wait3A_824, %dma_wait3A_825, %dma_wait3A_838, %dma_wait3A_839, %dma_wait3A_840] : memref<200x4x32x8x128xf32, #tpu.memory_space<hbm>> -> memref<1x1x8x8x128xf32, #tpu.memory_space<hbm>>
          %dma_wait3A_842 = tpu.memref_squeeze %dma_wait3A_841 : memref<1x1x8x8x128xf32, #tpu.memory_space<hbm>> -> memref<8x8x128xf32, #tpu.memory_space<hbm>>
          %dma_wait3A_843 = arith.constant 0 : i32
          %dma_wait3A_844 = arith.constant 0 : i32
          %dma_wait3A_845 = arith.constant 0 : i32
          %dma_wait3A_846 = tpu.memref_slice %arg9[%select_n3A_747, %dma_wait3A_823, %dma_wait3A_843, %dma_wait3A_844, %dma_wait3A_845] : memref<2x4x8x8x129xf32, #tpu.memory_space<vmem>> -> memref<1x1x8x8x128xf32, #tpu.memory_space<vmem>>
          %dma_wait3A_847 = tpu.memref_squeeze %dma_wait3A_846 : memref<1x1x8x8x128xf32, #tpu.memory_space<vmem>> -> memref<8x8x128xf32, #tpu.memory_space<vmem>>
          tpu.wait_dma2 semaphore(%dma_wait3A_837 : memref<!tpu.dma_semaphore, #tpu.memory_space<semaphore_mem>>) src(%dma_wait3A_847 : memref<8x8x128xf32, #tpu.memory_space<vmem>>) dst(%dma_wait3A_842 : memref<8x8x128xf32, #tpu.memory_space<hbm>>)
        } else {
        }
      } else {
      }
      %scan3A_550 = arith.constant 0 : i32
      scf.yield %scan3A_550 : i32
    }
    %scan3A_90 = arith.constant 50 : i32
    %dma_wait3A = arith.constant 0 : i32
    %dma_wait3A_91 = arith.constant 0 : i32
    %dma_wait3A_92 = arith.constant 0 : i32
    %dma_wait3A_93 = arith.constant 0 : i32
    %dma_wait3A_94 = arith.constant 0 : i32
    %dma_wait3A_95 = arith.constant 0 : i32
    %dma_wait3A_96 = arith.constant 0 : i32
    %dma_wait3A_97 = arith.constant 0 : i32
    %dma_wait3A_98 = tpu.memref_slice %arg9[%dma_wait3A, %dma_wait3A_91, %dma_wait3A_95, %dma_wait3A_96, %dma_wait3A_97] : memref<2x4x8x8x129xf32, #tpu.memory_space<vmem>> -> memref<1x1x8x8x128xf32, #tpu.memory_space<vmem>>
    %dma_wait3A_99 = tpu.memref_squeeze %dma_wait3A_98 : memref<1x1x8x8x128xf32, #tpu.memory_space<vmem>> -> memref<8x8x128xf32, #tpu.memory_space<vmem>>
    %dma_wait3A_100 = arith.constant 0 : i32
    %dma_wait3A_101 = arith.constant 0 : i32
    %dma_wait3A_102 = arith.constant 0 : i32
    %dma_wait3A_103 = tpu.memref_slice %arg6[%dma_wait3A_92, %dma_wait3A_93, %dma_wait3A_100, %dma_wait3A_101, %dma_wait3A_102] : memref<200x4x32x8x128xf32, #tpu.memory_space<hbm>> -> memref<1x1x8x8x128xf32, #tpu.memory_space<hbm>>
    %dma_wait3A_104 = tpu.memref_squeeze %dma_wait3A_103 : memref<1x1x8x8x128xf32, #tpu.memory_space<hbm>> -> memref<8x8x128xf32, #tpu.memory_space<hbm>>
    %dma_wait3A_105 = tpu.memref_slice %arg16[%dma_wait3A_94] : memref<2x!tpu.dma_semaphore, #tpu.memory_space<semaphore_mem>> -> memref<1x!tpu.dma_semaphore, #tpu.memory_space<semaphore_mem>>
    %dma_wait3A_106 = tpu.memref_squeeze %dma_wait3A_105 : memref<1x!tpu.dma_semaphore, #tpu.memory_space<semaphore_mem>> -> memref<!tpu.dma_semaphore, #tpu.memory_space<semaphore_mem>>
    %dma_wait3A_107 = arith.constant 0 : i32
    %dma_wait3A_108 = arith.constant 0 : i32
    %dma_wait3A_109 = arith.constant 0 : i32
    %dma_wait3A_110 = tpu.memref_slice %arg6[%dma_wait3A_92, %dma_wait3A_93, %dma_wait3A_107, %dma_wait3A_108, %dma_wait3A_109] : memref<200x4x32x8x128xf32, #tpu.memory_space<hbm>> -> memref<1x1x8x8x128xf32, #tpu.memory_space<hbm>>
    %dma_wait3A_111 = tpu.memref_squeeze %dma_wait3A_110 : memref<1x1x8x8x128xf32, #tpu.memory_space<hbm>> -> memref<8x8x128xf32, #tpu.memory_space<hbm>>
    %dma_wait3A_112 = arith.constant 0 : i32
    %dma_wait3A_113 = arith.constant 0 : i32
    %dma_wait3A_114 = arith.constant 0 : i32
    %dma_wait3A_115 = tpu.memref_slice %arg9[%dma_wait3A, %dma_wait3A_91, %dma_wait3A_112, %dma_wait3A_113, %dma_wait3A_114] : memref<2x4x8x8x129xf32, #tpu.memory_space<vmem>> -> memref<1x1x8x8x128xf32, #tpu.memory_space<vmem>>
    %dma_wait3A_116 = tpu.memref_squeeze %dma_wait3A_115 : memref<1x1x8x8x128xf32, #tpu.memory_space<vmem>> -> memref<8x8x128xf32, #tpu.memory_space<vmem>>
    tpu.wait_dma2 semaphore(%dma_wait3A_106 : memref<!tpu.dma_semaphore, #tpu.memory_space<semaphore_mem>>) src(%dma_wait3A_116 : memref<8x8x128xf32, #tpu.memory_space<vmem>>) dst(%dma_wait3A_111 : memref<8x8x128xf32, #tpu.memory_space<hbm>>)
    %dma_wait3A_117 = arith.constant 0 : i32
    %dma_wait3A_118 = arith.constant 1 : i32
    %dma_wait3A_119 = arith.constant 0 : i32
    %dma_wait3A_120 = arith.constant 1 : i32
    %dma_wait3A_121 = arith.constant 0 : i32
    %dma_wait3A_122 = arith.constant 0 : i32
    %dma_wait3A_123 = arith.constant 0 : i32
    %dma_wait3A_124 = arith.constant 0 : i32
    %dma_wait3A_125 = tpu.memref_slice %arg9[%dma_wait3A_117, %dma_wait3A_118, %dma_wait3A_122, %dma_wait3A_123, %dma_wait3A_124] : memref<2x4x8x8x129xf32, #tpu.memory_space<vmem>> -> memref<1x1x8x8x128xf32, #tpu.memory_space<vmem>>
    %dma_wait3A_126 = tpu.memref_squeeze %dma_wait3A_125 : memref<1x1x8x8x128xf32, #tpu.memory_space<vmem>> -> memref<8x8x128xf32, #tpu.memory_space<vmem>>
    %dma_wait3A_127 = arith.constant 0 : i32
    %dma_wait3A_128 = arith.constant 0 : i32
    %dma_wait3A_129 = arith.constant 0 : i32
    %dma_wait3A_130 = tpu.memref_slice %arg6[%dma_wait3A_119, %dma_wait3A_120, %dma_wait3A_127, %dma_wait3A_128, %dma_wait3A_129] : memref<200x4x32x8x128xf32, #tpu.memory_space<hbm>> -> memref<1x1x8x8x128xf32, #tpu.memory_space<hbm>>
    %dma_wait3A_131 = tpu.memref_squeeze %dma_wait3A_130 : memref<1x1x8x8x128xf32, #tpu.memory_space<hbm>> -> memref<8x8x128xf32, #tpu.memory_space<hbm>>
    %dma_wait3A_132 = tpu.memref_slice %arg16[%dma_wait3A_121] : memref<2x!tpu.dma_semaphore, #tpu.memory_space<semaphore_mem>> -> memref<1x!tpu.dma_semaphore, #tpu.memory_space<semaphore_mem>>
    %dma_wait3A_133 = tpu.memref_squeeze %dma_wait3A_132 : memref<1x!tpu.dma_semaphore, #tpu.memory_space<semaphore_mem>> -> memref<!tpu.dma_semaphore, #tpu.memory_space<semaphore_mem>>
    %dma_wait3A_134 = arith.constant 0 : i32
    %dma_wait3A_135 = arith.constant 0 : i32
    %dma_wait3A_136 = arith.constant 0 : i32
    %dma_wait3A_137 = tpu.memref_slice %arg6[%dma_wait3A_119, %dma_wait3A_120, %dma_wait3A_134, %dma_wait3A_135, %dma_wait3A_136] : memref<200x4x32x8x128xf32, #tpu.memory_space<hbm>> -> memref<1x1x8x8x128xf32, #tpu.memory_space<hbm>>
    %dma_wait3A_138 = tpu.memref_squeeze %dma_wait3A_137 : memref<1x1x8x8x128xf32, #tpu.memory_space<hbm>> -> memref<8x8x128xf32, #tpu.memory_space<hbm>>
    %dma_wait3A_139 = arith.constant 0 : i32
    %dma_wait3A_140 = arith.constant 0 : i32
    %dma_wait3A_141 = arith.constant 0 : i32
    %dma_wait3A_142 = tpu.memref_slice %arg9[%dma_wait3A_117, %dma_wait3A_118, %dma_wait3A_139, %dma_wait3A_140, %dma_wait3A_141] : memref<2x4x8x8x129xf32, #tpu.memory_space<vmem>> -> memref<1x1x8x8x128xf32, #tpu.memory_space<vmem>>
    %dma_wait3A_143 = tpu.memref_squeeze %dma_wait3A_142 : memref<1x1x8x8x128xf32, #tpu.memory_space<vmem>> -> memref<8x8x128xf32, #tpu.memory_space<vmem>>
    tpu.wait_dma2 semaphore(%dma_wait3A_133 : memref<!tpu.dma_semaphore, #tpu.memory_space<semaphore_mem>>) src(%dma_wait3A_143 : memref<8x8x128xf32, #tpu.memory_space<vmem>>) dst(%dma_wait3A_138 : memref<8x8x128xf32, #tpu.memory_space<hbm>>)
    %dma_wait3A_144 = arith.constant 0 : i32
    %dma_wait3A_145 = arith.constant 2 : i32
    %dma_wait3A_146 = arith.constant 0 : i32
    %dma_wait3A_147 = arith.constant 2 : i32
    %dma_wait3A_148 = arith.constant 0 : i32
    %dma_wait3A_149 = arith.constant 0 : i32
    %dma_wait3A_150 = arith.constant 0 : i32
    %dma_wait3A_151 = arith.constant 0 : i32
    %dma_wait3A_152 = tpu.memref_slice %arg9[%dma_wait3A_144, %dma_wait3A_145, %dma_wait3A_149, %dma_wait3A_150, %dma_wait3A_151] : memref<2x4x8x8x129xf32, #tpu.memory_space<vmem>> -> memref<1x1x8x8x128xf32, #tpu.memory_space<vmem>>
    %dma_wait3A_153 = tpu.memref_squeeze %dma_wait3A_152 : memref<1x1x8x8x128xf32, #tpu.memory_space<vmem>> -> memref<8x8x128xf32, #tpu.memory_space<vmem>>
    %dma_wait3A_154 = arith.constant 0 : i32
    %dma_wait3A_155 = arith.constant 0 : i32
    %dma_wait3A_156 = arith.constant 0 : i32
    %dma_wait3A_157 = tpu.memref_slice %arg6[%dma_wait3A_146, %dma_wait3A_147, %dma_wait3A_154, %dma_wait3A_155, %dma_wait3A_156] : memref<200x4x32x8x128xf32, #tpu.memory_space<hbm>> -> memref<1x1x8x8x128xf32, #tpu.memory_space<hbm>>
    %dma_wait3A_158 = tpu.memref_squeeze %dma_wait3A_157 : memref<1x1x8x8x128xf32, #tpu.memory_space<hbm>> -> memref<8x8x128xf32, #tpu.memory_space<hbm>>
    %dma_wait3A_159 = tpu.memref_slice %arg16[%dma_wait3A_148] : memref<2x!tpu.dma_semaphore, #tpu.memory_space<semaphore_mem>> -> memref<1x!tpu.dma_semaphore, #tpu.memory_space<semaphore_mem>>
    %dma_wait3A_160 = tpu.memref_squeeze %dma_wait3A_159 : memref<1x!tpu.dma_semaphore, #tpu.memory_space<semaphore_mem>> -> memref<!tpu.dma_semaphore, #tpu.memory_space<semaphore_mem>>
    %dma_wait3A_161 = arith.constant 0 : i32
    %dma_wait3A_162 = arith.constant 0 : i32
    %dma_wait3A_163 = arith.constant 0 : i32
    %dma_wait3A_164 = tpu.memref_slice %arg6[%dma_wait3A_146, %dma_wait3A_147, %dma_wait3A_161, %dma_wait3A_162, %dma_wait3A_163] : memref<200x4x32x8x128xf32, #tpu.memory_space<hbm>> -> memref<1x1x8x8x128xf32, #tpu.memory_space<hbm>>
    %dma_wait3A_165 = tpu.memref_squeeze %dma_wait3A_164 : memref<1x1x8x8x128xf32, #tpu.memory_space<hbm>> -> memref<8x8x128xf32, #tpu.memory_space<hbm>>
    %dma_wait3A_166 = arith.constant 0 : i32
    %dma_wait3A_167 = arith.constant 0 : i32
    %dma_wait3A_168 = arith.constant 0 : i32
    %dma_wait3A_169 = tpu.memref_slice %arg9[%dma_wait3A_144, %dma_wait3A_145, %dma_wait3A_166, %dma_wait3A_167, %dma_wait3A_168] : memref<2x4x8x8x129xf32, #tpu.memory_space<vmem>> -> memref<1x1x8x8x128xf32, #tpu.memory_space<vmem>>
    %dma_wait3A_170 = tpu.memref_squeeze %dma_wait3A_169 : memref<1x1x8x8x128xf32, #tpu.memory_space<vmem>> -> memref<8x8x128xf32, #tpu.memory_space<vmem>>
    tpu.wait_dma2 semaphore(%dma_wait3A_160 : memref<!tpu.dma_semaphore, #tpu.memory_space<semaphore_mem>>) src(%dma_wait3A_170 : memref<8x8x128xf32, #tpu.memory_space<vmem>>) dst(%dma_wait3A_165 : memref<8x8x128xf32, #tpu.memory_space<hbm>>)
    %dma_wait3A_171 = arith.constant 0 : i32
    %dma_wait3A_172 = arith.constant 3 : i32
    %dma_wait3A_173 = arith.constant 0 : i32
    %dma_wait3A_174 = arith.constant 3 : i32
    %dma_wait3A_175 = arith.constant 0 : i32
    %dma_wait3A_176 = arith.constant 0 : i32
    %dma_wait3A_177 = arith.constant 0 : i32
    %dma_wait3A_178 = arith.constant 0 : i32
    %dma_wait3A_179 = tpu.memref_slice %arg9[%dma_wait3A_171, %dma_wait3A_172, %dma_wait3A_176, %dma_wait3A_177, %dma_wait3A_178] : memref<2x4x8x8x129xf32, #tpu.memory_space<vmem>> -> memref<1x1x8x8x128xf32, #tpu.memory_space<vmem>>
    %dma_wait3A_180 = tpu.memref_squeeze %dma_wait3A_179 : memref<1x1x8x8x128xf32, #tpu.memory_space<vmem>> -> memref<8x8x128xf32, #tpu.memory_space<vmem>>
    %dma_wait3A_181 = arith.constant 0 : i32
    %dma_wait3A_182 = arith.constant 0 : i32
    %dma_wait3A_183 = arith.constant 0 : i32
    %dma_wait3A_184 = tpu.memref_slice %arg6[%dma_wait3A_173, %dma_wait3A_174, %dma_wait3A_181, %dma_wait3A_182, %dma_wait3A_183] : memref<200x4x32x8x128xf32, #tpu.memory_space<hbm>> -> memref<1x1x8x8x128xf32, #tpu.memory_space<hbm>>
    %dma_wait3A_185 = tpu.memref_squeeze %dma_wait3A_184 : memref<1x1x8x8x128xf32, #tpu.memory_space<hbm>> -> memref<8x8x128xf32, #tpu.memory_space<hbm>>
    %dma_wait3A_186 = tpu.memref_slice %arg16[%dma_wait3A_175] : memref<2x!tpu.dma_semaphore, #tpu.memory_space<semaphore_mem>> -> memref<1x!tpu.dma_semaphore, #tpu.memory_space<semaphore_mem>>
    %dma_wait3A_187 = tpu.memref_squeeze %dma_wait3A_186 : memref<1x!tpu.dma_semaphore, #tpu.memory_space<semaphore_mem>> -> memref<!tpu.dma_semaphore, #tpu.memory_space<semaphore_mem>>
    %dma_wait3A_188 = arith.constant 0 : i32
    %dma_wait3A_189 = arith.constant 0 : i32
    %dma_wait3A_190 = arith.constant 0 : i32
    %dma_wait3A_191 = tpu.memref_slice %arg6[%dma_wait3A_173, %dma_wait3A_174, %dma_wait3A_188, %dma_wait3A_189, %dma_wait3A_190] : memref<200x4x32x8x128xf32, #tpu.memory_space<hbm>> -> memref<1x1x8x8x128xf32, #tpu.memory_space<hbm>>
    %dma_wait3A_192 = tpu.memref_squeeze %dma_wait3A_191 : memref<1x1x8x8x128xf32, #tpu.memory_space<hbm>> -> memref<8x8x128xf32, #tpu.memory_space<hbm>>
    %dma_wait3A_193 = arith.constant 0 : i32
    %dma_wait3A_194 = arith.constant 0 : i32
    %dma_wait3A_195 = arith.constant 0 : i32
    %dma_wait3A_196 = tpu.memref_slice %arg9[%dma_wait3A_171, %dma_wait3A_172, %dma_wait3A_193, %dma_wait3A_194, %dma_wait3A_195] : memref<2x4x8x8x129xf32, #tpu.memory_space<vmem>> -> memref<1x1x8x8x128xf32, #tpu.memory_space<vmem>>
    %dma_wait3A_197 = tpu.memref_squeeze %dma_wait3A_196 : memref<1x1x8x8x128xf32, #tpu.memory_space<vmem>> -> memref<8x8x128xf32, #tpu.memory_space<vmem>>
    tpu.wait_dma2 semaphore(%dma_wait3A_187 : memref<!tpu.dma_semaphore, #tpu.memory_space<semaphore_mem>>) src(%dma_wait3A_197 : memref<8x8x128xf32, #tpu.memory_space<vmem>>) dst(%dma_wait3A_192 : memref<8x8x128xf32, #tpu.memory_space<hbm>>)
    return
  }
}

</mosaic_0001>

<sc_bundles>
// kernel: kernel.3.cloned.1.call-start
scs
__scs_entry_jumppad:
0x0: {  	(pc) =	sbr.rel $0x88, $3  }
0x1: {  	(tag) =	ssettag $0x0;
	lr =	simm.s32 $0x1  }
0x2: {  	[smem:$0x3F9D] =	sst lr;
	_ =	strace $0xD0000000  }
0x3: {  	_ = 	snop  }
0x4: {  	_ = 	snop  }
0x5: {  	_ = 	snop  }
0x6: {  	_ = 	snop  }
0x7: {  	_ = 	snop  }
__scs_overlays_trampoline_lowered:
0x8: {  	[smem:$0x3FAC] =	sst s0  }
0x9: {  	[smem:$0x3FAD] =	sst s1  }
0xa: {  	[smem:$0x3FAE] =	sst s2  }
0xb: {  	[smem:$0x3FAF] =	sst s3  }
0xc: {  	[smem:$0x3FB0] =	sst s4  }
0xd: {  	[smem:$0x3FB1] =	sst s5  }
0xe: {  	[smem:$0x3FB2] =	sst s6  }
0xf: {  	[smem:$0x3FB3] =	sst s7  }
0x10: {  	[smem:$0x3FB4] =	sst s8  }
0x11: {  	[smem:$0x3FB5] =	sst s9;
	s0 =	simm.s32 @!p0 $0x0  }
0x12: {  	s1 =	sld [smem:$0x3F9B];
	s0 =	simm.s32 @p0 $0x1  }
0x13: {  	[smem:$0x3FB6] =	sst s0;
	s0 =	simm.s32 @!p1 $0x0  }
0x14: {  	s2 =	sld [smem:$0x3F9A];
	s0 =	simm.s32 @p1 $0x1  }
0x15: {  	[smem:$0x3FB7] =	sst s0;
	s0 =	simm.s32 @!p2 $0x0  }
0x16: {  	s3 =	sld [smem:$0x3FDB];
	s0 =	simm.s32 @p2 $0x1  }
0x17: {  	s4 =	simm.s32 $0x1BF5;
	[smem:$0x3FB9] =	sst s0  }
0x18: {  	s0 =	sld [smem:$0x3F9C];
	_ =	swait.ge [sflag:s4], $0x0  }
0x19: {  	s7 =	sld [smem:$0x3F9D]  }
0x1a: {  	s8 =	sadd.s32 $0xFFFFE003, lr  }
0x1b: {  	s9 =	sadd.s32 $0xFFFFFEF7, lr;
	s5 =	simm.s32 $0xFFFFFFFF;
	p2 =	slt.u32 s8, $0xFFFFF086  }
0x1c: {  	p1 =	slt.u32 s9, $0xF7A;
	s5 =	simm.s32 @!p2 $0x0  }
0x1d: {  	s5 =	simm.s32 @p1 $0x1;
	p0 =	seq.s32 s7, s2  }
0x1e: {  	s7 =	smul.u32 @!p0 $0xF7A, s2;
	p2 =	seq.s32 @!p0 s5, $0x0  }
0x1f: {  	s9 =	smul.u32 $0xF7A, s1;
	s8 =	simm.s32 @!p0 $0x1BF5;
	p2 =	por !p2, p0  }
0x20: {  	[sflag:s8] =	ssyncset.s32 @!p0 $0xFFFFF086;
	s6 =	sadd.s32 @!p0 s3, s7;
	s7 =	simm.s32 @!p0 $0x108  }
0x21: {  	s3 =	sadd.s32 s3, s9;
	s6 =	sadd.s32 @!p0 $0x88, s6;
	s7 =	simm.s32 @p2 $0x1082  }
0x22: {  	[simem:s7], [sflag:s8] =	dma.local @!p0 [hbm:s6], $0xF7A  }
0x23: {  	s9 =	sor.u32 $0xD0000000, s2;
	s6 =	simm.s32 $0x108;
	_ =	swait.ge @!p0 [sflag:s8], $0x0  }
0x24: {  	s3 =	sadd.s32 $0x88, s3;
	s6 =	simm.s32 @!p1 $0x1082;
	[sflag:s4] =	ssyncset.s32 $0xFFFFF086  }
0x25: {  	[simem:s6], [sflag:s4] =	dma.local [hbm:s3], $0xF7A  }
0x26: {  	[smem:$0x3F9D] =	sst s1;
	(tag) =	ssettag s2;
	_ =	strace s9  }
0x27: {  	s1 =	sld [smem:$0x3FAD]  }
0x28: {  	s2 =	sld [smem:$0x3FAE]  }
0x29: {  	s4 =	sld [smem:$0x3FB0]  }
0x2a: {  	p0 =	seq.s32 s5, $0x0;
	s5 =	sld [smem:$0x3FB1]  }
0x2b: {  	s6 =	sld [smem:$0x3FB2]  }
0x2c: {  	s7 =	sld [smem:$0x3FB3]  }
0x2d: {  	s3 =	simm.s32 $0x108;
	s8 =	sld [smem:$0x3FB4]  }
0x2e: {  	s3 =	simm.s32 @!p0 $0x1082;
	s9 =	sld [smem:$0x3FB5]  }
0x2f: {  	lr =	sadd.s32 s0, s3;
	s0 =	sld [smem:$0x3FAC]  }
0x30: {  	s3 =	sld [smem:$0x3FAF]  }
0x31: {  	[smem:$0x3FB8] =	sst s10  }
0x32: {  	s10 =	sld [smem:$0x3FB6];
	_ =	sdelay $0x3  }
0x33: {  	p0 =	seq.s32 s10, $0x1;
	s10 =	sld [smem:$0x3FB8];
	_ =	sdelay $0x3  }
0x34: {  	[smem:$0x3FB8] =	sst s10  }
0x35: {  	s10 =	sld [smem:$0x3FB7];
	_ =	sdelay $0x3  }
0x36: {  	p1 =	seq.s32 s10, $0x1;
	s10 =	sld [smem:$0x3FB8];
	_ =	sdelay $0x3  }
0x37: {  	[smem:$0x3FB8] =	sst s10  }
0x38: {  	s10 =	sld [smem:$0x3FB9]  }
0x39: {  	_ = 	snop;
	(pc) =	sbr.ind lr, $3  }
0x3a: {  	_ = 	snop  }
0x3b: {  	_ = 	snop  }
0x3c: {  	p2 =	seq.s32 s10, $0x1;
	s10 =	sld [smem:$0x3FB8]  }
0x3d: {  	_ =	shalt  }
0x3e: {  	_ =	shalt  }
0x3f: {  	_ =	shalt  }
0x40: {  	_ =	shalt  }
0x41: {  	_ =	shalt  }
0x42: {  	_ =	shalt  }
0x43: {  	_ =	shalt  }
0x44: {  	_ =	shalt  }
0x45: {  	_ =	shalt  }
0x46: {  	_ =	shalt  }
0x47: {  	_ =	shalt  }
0x48: {  	_ =	shalt  }
0x49: {  	_ =	shalt  }
0x4a: {  	_ =	shalt  }
0x4b: {  	_ =	shalt  }
0x4c: {  	_ =	shalt  }
0x4d: {  	_ =	shalt  }
0x4e: {  	_ =	shalt  }
0x4f: {  	_ =	shalt  }
0x50: {  	_ =	shalt  }
0x51: {  	_ =	shalt  }
0x52: {  	_ =	shalt  }
0x53: {  	_ =	shalt  }
0x54: {  	_ =	shalt  }
0x55: {  	_ =	shalt  }
0x56: {  	_ =	shalt  }
0x57: {  	_ =	shalt  }
0x58: {  	_ =	shalt  }
0x59: {  	_ =	shalt  }
0x5a: {  	_ =	shalt  }
0x5b: {  	_ =	shalt  }
0x5c: {  	_ =	shalt  }
0x5d: {  	_ =	shalt  }
0x5e: {  	_ =	shalt  }
0x5f: {  	_ =	shalt  }
0x60: {  	_ =	shalt  }
0x61: {  	_ =	shalt  }
0x62: {  	_ =	shalt  }
0x63: {  	_ =	shalt  }
0x64: {  	_ =	shalt  }
0x65: {  	_ =	shalt  }
0x66: {  	_ =	shalt  }
0x67: {  	_ =	shalt  }
0x68: {  	_ =	shalt  }
0x69: {  	_ =	shalt  }
0x6a: {  	_ =	shalt  }
0x6b: {  	_ =	shalt  }
0x6c: {  	_ =	shalt  }
0x6d: {  	_ =	shalt  }
0x6e: {  	_ =	shalt  }
0x6f: {  	_ =	shalt  }
0x70: {  	_ =	shalt  }
0x71: {  	_ =	shalt  }
0x72: {  	_ =	shalt  }
0x73: {  	_ =	shalt  }
0x74: {  	_ =	shalt  }
0x75: {  	_ =	shalt  }
0x76: {  	_ =	shalt  }
0x77: {  	_ =	shalt  }
0x78: {  	_ =	shalt  }
0x79: {  	_ =	shalt  }
0x7a: {  	_ =	shalt  }
0x7b: {  	_ =	shalt  }
0x7c: {  	_ =	shalt  }
0x7d: {  	_ =	shalt  }
0x7e: {  	_ =	shalt  }
0x7f: {  	_ =	shalt  }
0x80: {  	_ =	shalt  }
0x81: {  	_ =	shalt  }
0x82: {  	_ =	shalt  }
0x83: {  	_ =	shalt  }
0x84: {  	_ =	shalt  }
0x85: {  	_ =	shalt  }
0x86: {  	_ =	shalt  }
0x87: {  	_ =	shalt  }
.Lfunc_end0:
.L_simem_size_0:
called_computation_lowered:
.L_overlay_start_0:
0x88: {  	s2 =	sld [smem:$0x3FD9]  }
0x89: {  	s3 =	sld [smem:$0x3FFE];
	_ =	sdelay $0x1  }
0x8a: {  	s1 =	srdreg.scid  }
0x8b: {  	s0 =	sand.u32 $0x1, s1  }
0x8c: {  	s17 =	sshll.u32 s0, $0xA;
	s2 =	sadd.s32 s3, s2  }
0x8d: {  	s2 =	sadd.s32 s2, s17  }
0x8e: {  	[smem:$0x3FC4] =	sst s2  }
0x8f: {  	_ = 	snop  }
0x90: {  	s2 =	sld [smem:$0x3FC7]  }
0x91: {  	s18 =	sld [smem:$0x3FC6]  }
0x92: {  	s4 =	sld [smem:$0x3FD0];
	(tm) =	ssettm $0x1  }
0x93: {  	s5 =	sld [smem:$0x3FFB];
	_ =	sdelay $0x3  }
0x94: {  	_ =	strace s5  }
0x95: {  	s5 =	sld [smem:$0x3FFC];
	_ =	sdelay $0x3  }
0x96: {  	_ =	strace s5  }
0x97: {  	s5 =	sld [smem:$0x3FFD];
	_ =	sdelay $0x3  }
0x98: {  	_ =	strace s5  }
0x99: {  	_ =	strace $0x8FFFFFFF  }
0x9a: {  	s19 =	sld [smem:$0x3FDB];
	_ =	sdelay $0x1  }
0x9b: {  	s6 =	simm.s32 $_scs_section_size  }
0x9c: {  	s7 =	simm.s32 $_size__tile_overlayer_lowered;
	s8 =	simm.s32 $_tile_overlayer_lowered  }
0x9d: {  	s22 =	simm.s32 $0x1BFF;
	s21 =	sshll.u32 s8, $0x1;
	s5 =	sadd.s32 s6, s19  }
0x9e: {  	s9 =	simm.s32 $0x0;
	s20 =	sshll.u32 s7, $0x1;
	s7 =	sadd.s32 s21, s5  }
0x9f: {  	[timem:s9], [sflag:s22] =	dma.local [hbm:s7], s20  }
0xa0: {  	_ =	swait.ge [sflag:s22], s20  }
0xa1: {  	s6 =	ssub.s32 $0x0, s20;
	[sflag:s22] =	ssyncset.done $0x0  }
0xa2: {  	[sflag:s22] =	ssyncadd.s32 s6;
	_ =	sdelay $0x1  }
0xa3: {  	s23 =	simm.s32 $0x1B8B  }
0xa4: {  	_ =	swait.ge [sflag:s23], $0x1  }
0xa5: {  	[sflag:s23] =	ssyncset.done $0x0  }
0xa6: {  	s25 =	simm.s32 $0x1B8E;
	s24 =	sld [smem:$0x3FFE];
	[sflag:s23] =	ssyncadd.s32 $0xFFFFFFFF  }
0xa7: {  	s26 =	simm.s32 $execute0_lowered;
	[smem:$0x3FD2] =	sst s25  }
0xa8: {  	s7 =	sshll.u32 s26, $0x1;
	_ =	strace $0x80000046;
	[dreg:$0x1] =	wrdreg $0xFFFFFFFF  }
0xa9: {  	s28 =	simm.s32 $_size_execute0_lowered;
	s5 =	sadd.s32 s5, s7;
	[dreg:$0x0] =	wrdreg $0x0  }
0xaa: {  	s7 =	sshll.u32 s28, $0x1;
	[dreg:$0x2] =	wrdreg s5  }
0xab: {  	[dreg:$0x3] =	wrdreg s7  }
0xac: {  	[dreg:$0x4] =	wrdreg $0xC0  }
0xad: {  	_ =	task [dreg:s9], $0x5FFFF  }
0xae: {  	[dreg:$0x1] =	wrdreg $0xFFFFFFFF  }
0xaf: {  	[dreg:$0x0] =	wrdreg $0x60  }
0xb0: {  	[dreg:$0x2] =	wrdreg s24  }
0xb1: {  	[dreg:$0x3] =	wrdreg s2  }
0xb2: {  	[dreg:$0x4] =	wrdreg s18  }
0xb3: {  	[dreg:$0x5] =	wrdreg s4  }
0xb4: {  	[dreg:$0x6] =	wrdreg $0x9  }
0xb5: {  	_ =	task.clear_ibuf [dreg:s9], $0x7FFFF;
	_ =	strace $0x90000046  }
0xb6: {  	s29 =	simm.s32 $0x9;
	_ =	strace $0x80000048  }
0xb7: {  	_ =	swait.ge [sflag:s29], $0x1  }
0xb8: {  	[sflag:s29] =	ssyncadd.s32 $0xFFFFFFFF  }
0xb9: {  	_ =	strace $0x90000048  }
0xba: {  	_ =	sfence  }
0xbb: {  	s30 =	sld [smem:$0x0];
	_ =	sdelay $0x2  }
0xbc: {  	s31 =	sshll.u32 s1, $0xD;
	s1 =	sshrl.u32 s1, $0x2  }
0xbd: {  	s3 =	sand.u32 $0x4000, s31;
	s1 =	sadd.s32 s1, s30  }
0xbe: {  	s0 =	sor.u32 s3, s0;
	s1 =	sshll.u32 s1, $0x11  }
0xbf: {  	s0 =	sor.u32 s1, s0  }
0xc0: {  	s0 =	sadd.s32 $0x8F2B, s0  }
0xc1: {  	[sflag:s0] =	ssyncadd.remote.s32 $0x1  }
0xc2: {  	_ =	sfence.sel $0xFFFF  }
0xc3: {  	[dreg:$0x0] =	wrdreg $0xFFFFFFFF;
	(pc) =	sbr.abs _section_cstart, $3  }
0xc4: {  	[dreg:$0x1] =	wrdreg $0xFFFFFFFF  }
0xc5: {  	_ =	task.clear_ibuf [dreg:s9], $0x2FFFF;
	_ =	strace $0x9FFFFFFF  }
0xc6: {  	(tm) =	ssettm $0x7FFFFFFF  }
0xc7: {  	_ =	shalt  }
tec
execute0_lowered:
.L_overlay_start_1:
0x0: {  	(tag) =	ssettag $0x1  }
0x1: {  	v0 =	vimm.s32 $0x25B8;
	vm0 =	vcmask $0x300  }
0x2: {  	vm14 =	vcmask $0x704;
	v0 =	vsel vm0, $0x0, v0  }
0x3: {  	vm13 =	vcmask $0xB08;
	v0 =	vsel vm14, $0x88, v0  }
0x4: {  	vm12 =	vcmask $0xF0C;
	v0 =	vsel vm13, $0x110, v0  }
0x5: {  	vm11 =	vcmask $0x1310;
	v0 =	vsel vm12, $0x198, v0  }
0x6: {  	vm10 =	vcmask $0x1714;
	v0 =	vsel vm11, $0x220, v0  }
0x7: {  	vm9 =	vcmask $0x1B18;
	v0 =	vsel vm10, $0x2A8, v0  }
0x8: {  	vm8 =	vcmask $0x1F1C;
	v0 =	vsel vm9, $0x330, v0  }
0x9: {  	vm7 =	vcmask $0x2320;
	v0 =	vsel vm8, $0x3B8, v0  }
0xa: {  	vm6 =	vcmask $0x2724;
	v0 =	vsel vm7, $0x2200, v0  }
0xb: {  	vm5 =	vcmask $0x2B28;
	v0 =	vsel vm6, $0x2288, v0  }
0xc: {  	vm4 =	vcmask $0x2F2C;
	v0 =	vsel vm5, $0x2310, v0  }
0xd: {  	vm3 =	vcmask $0x3330;
	v0 =	vsel vm4, $0x2398, v0  }
0xe: {  	vm2 =	vcmask $0x3734;
	v0 =	vsel vm3, $0x2420, v0  }
0xf: {  	vm1 =	vcmask $0x3B38;
	v1 =	vimm.s32 $0x69B8;
	v0 =	vsel vm2, $0x24A8, v0  }
0x10: {  	v31 =	vimm.s32 $0x25B9;
	v30 =	vsel vm0, $0x4400, v1;
	v0 =	vsel vm1, $0x2530, v0  }
0x11: {  	v2 =	vimm.s32 $0x69B9;
	v1 =	vsel vm0, $0x1, v31;
	[tilespmem:$0x1FF00] =	vst v0;
	v0 =	vsel vm14, $0x4488, v30  }
0x12: {  	v2 =	vsel vm0, $0x4401, v2;
	v1 =	vsel vm14, $0x89, v1;
	v0 =	vsel vm13, $0x4510, v0  }
0x13: {  	v2 =	vsel vm14, $0x4489, v2;
	v1 =	vsel vm13, $0x111, v1;
	v0 =	vsel vm12, $0x4598, v0  }
0x14: {  	v2 =	vsel vm13, $0x4511, v2;
	v1 =	vsel vm12, $0x199, v1;
	v0 =	vsel vm11, $0x4620, v0  }
0x15: {  	v2 =	vsel vm12, $0x4599, v2;
	v1 =	vsel vm11, $0x221, v1;
	v0 =	vsel vm10, $0x46A8, v0  }
0x16: {  	v2 =	vsel vm11, $0x4621, v2;
	v1 =	vsel vm10, $0x2A9, v1;
	v0 =	vsel vm9, $0x4730, v0  }
0x17: {  	v2 =	vsel vm10, $0x46A9, v2;
	v1 =	vsel vm9, $0x331, v1;
	v0 =	vsel vm8, $0x47B8, v0  }
0x18: {  	v2 =	vsel vm9, $0x4731, v2;
	v1 =	vsel vm8, $0x3B9, v1;
	v0 =	vsel vm7, $0x6600, v0  }
0x19: {  	v2 =	vsel vm8, $0x47B9, v2;
	v1 =	vsel vm7, $0x2201, v1;
	v0 =	vsel vm6, $0x6688, v0  }
0x1a: {  	v2 =	vsel vm7, $0x6601, v2;
	v1 =	vsel vm6, $0x2289, v1;
	v0 =	vsel vm5, $0x6710, v0  }
0x1b: {  	v2 =	vsel vm6, $0x6689, v2;
	v1 =	vsel vm5, $0x2311, v1;
	v0 =	vsel vm4, $0x6798, v0  }
0x1c: {  	v2 =	vsel vm5, $0x6711, v2;
	v1 =	vsel vm4, $0x2399, v1;
	v0 =	vsel vm3, $0x6820, v0  }
0x1d: {  	v2 =	vsel vm4, $0x6799, v2;
	v1 =	vsel vm3, $0x2421, v1;
	v0 =	vsel vm2, $0x68A8, v0  }
0x1e: {  	v33 =	vsel vm3, $0x6821, v2;
	v32 =	vsel vm2, $0x24A9, v1;
	v0 =	vsel vm1, $0x6930, v0  }
0x1f: {  	v35 =	vimm.s32 $0x25BA;
	v34 =	vsel vm2, $0x68A9, v33;
	[tilespmem:$0x1FF10] =	vst v0;
	v0 =	vsel vm1, $0x2531, v32  }
0x20: {  	v37 =	vimm.s32 $0x69BA;
	v36 =	vsel vm0, $0x2, v35;
	[tilespmem:$0x1FF20] =	vst v0;
	v0 =	vsel vm1, $0x6931, v34  }
0x21: {  	v38 =	vimm.s32 $0x25BB;
	v1 =	vsel vm0, $0x4402, v37;
	[tilespmem:$0x1FF30] =	vst v0;
	v0 =	vsel vm14, $0x8A, v36  }
0x22: {  	v2 =	vsel vm0, $0x3, v38;
	v1 =	vsel vm14, $0x448A, v1;
	v0 =	vsel vm13, $0x112, v0  }
0x23: {  	v2 =	vsel vm14, $0x8B, v2;
	v1 =	vsel vm13, $0x4512, v1;
	v0 =	vsel vm12, $0x19A, v0  }
0x24: {  	v2 =	vsel vm13, $0x113, v2;
	v1 =	vsel vm12, $0x459A, v1;
	v0 =	vsel vm11, $0x222, v0  }
0x25: {  	v2 =	vsel vm12, $0x19B, v2;
	v1 =	vsel vm11, $0x4622, v1;
	v0 =	vsel vm10, $0x2AA, v0  }
0x26: {  	v2 =	vsel vm11, $0x223, v2;
	v1 =	vsel vm10, $0x46AA, v1;
	v0 =	vsel vm9, $0x332, v0  }
0x27: {  	v2 =	vsel vm10, $0x2AB, v2;
	v1 =	vsel vm9, $0x4732, v1;
	v0 =	vsel vm8, $0x3BA, v0  }
0x28: {  	v2 =	vsel vm9, $0x333, v2;
	v1 =	vsel vm8, $0x47BA, v1;
	v0 =	vsel vm7, $0x2202, v0  }
0x29: {  	v2 =	vsel vm8, $0x3BB, v2;
	v1 =	vsel vm7, $0x6602, v1;
	v0 =	vsel vm6, $0x228A, v0  }
0x2a: {  	v2 =	vsel vm7, $0x2203, v2;
	v1 =	vsel vm6, $0x668A, v1;
	v0 =	vsel vm5, $0x2312, v0  }
0x2b: {  	v2 =	vsel vm6, $0x228B, v2;
	v1 =	vsel vm5, $0x6712, v1;
	v0 =	vsel vm4, $0x239A, v0  }
0x2c: {  	v2 =	vsel vm5, $0x2313, v2;
	v1 =	vsel vm4, $0x679A, v1;
	v0 =	vsel vm3, $0x2422, v0  }
0x2d: {  	v2 =	vsel vm4, $0x239B, v2;
	v1 =	vsel vm3, $0x6822, v1;
	v0 =	vsel vm2, $0x24AA, v0  }
0x2e: {  	v40 =	vsel vm3, $0x2423, v2;
	v39 =	vsel vm2, $0x68AA, v1;
	v0 =	vsel vm1, $0x2532, v0  }
0x2f: {  	v42 =	vimm.s32 $0x69BB;
	v41 =	vsel vm2, $0x24AB, v40;
	[tilespmem:$0x1FF40] =	vst v0;
	v0 =	vsel vm1, $0x6932, v39  }
0x30: {  	v44 =	vimm.s32 $0x25BC;
	v43 =	vsel vm0, $0x4403, v42;
	[tilespmem:$0x1FF50] =	vst v0;
	v0 =	vsel vm1, $0x2533, v41  }
0x31: {  	v45 =	vimm.s32 $0x69BC;
	v1 =	vsel vm0, $0x4, v44;
	[tilespmem:$0x1FF60] =	vst v0;
	v0 =	vsel vm14, $0x448B, v43  }
0x32: {  	v2 =	vsel vm0, $0x4404, v45;
	v1 =	vsel vm14, $0x8C, v1;
	v0 =	vsel vm13, $0x4513, v0  }
0x33: {  	v2 =	vsel vm14, $0x448C, v2;
	v1 =	vsel vm13, $0x114, v1;
	v0 =	vsel vm12, $0x459B, v0  }
0x34: {  	v2 =	vsel vm13, $0x4514, v2;
	v1 =	vsel vm12, $0x19C, v1;
	v0 =	vsel vm11, $0x4623, v0  }
0x35: {  	v2 =	vsel vm12, $0x459C, v2;
	v1 =	vsel vm11, $0x224, v1;
	v0 =	vsel vm10, $0x46AB, v0  }
0x36: {  	v2 =	vsel vm11, $0x4624, v2;
	v1 =	vsel vm10, $0x2AC, v1;
	v0 =	vsel vm9, $0x4733, v0  }
0x37: {  	v2 =	vsel vm10, $0x46AC, v2;
	v1 =	vsel vm9, $0x334, v1;
	v0 =	vsel vm8, $0x47BB, v0  }
0x38: {  	v2 =	vsel vm9, $0x4734, v2;
	v1 =	vsel vm8, $0x3BC, v1;
	v0 =	vsel vm7, $0x6603, v0  }
0x39: {  	v2 =	vsel vm8, $0x47BC, v2;
	v1 =	vsel vm7, $0x2204, v1;
	v0 =	vsel vm6, $0x668B, v0  }
0x3a: {  	v2 =	vsel vm7, $0x6604, v2;
	v1 =	vsel vm6, $0x228C, v1;
	v0 =	vsel vm5, $0x6713, v0  }
0x3b: {  	v2 =	vsel vm6, $0x668C, v2;
	v1 =	vsel vm5, $0x2314, v1;
	v0 =	vsel vm4, $0x679B, v0  }
0x3c: {  	v2 =	vsel vm5, $0x6714, v2;
	v1 =	vsel vm4, $0x239C, v1;
	v0 =	vsel vm3, $0x6823, v0  }
0x3d: {  	v2 =	vsel vm4, $0x679C, v2;
	v1 =	vsel vm3, $0x2424, v1;
	v0 =	vsel vm2, $0x68AB, v0  }
0x3e: {  	v47 =	vsel vm3, $0x6824, v2;
	v46 =	vsel vm2, $0x24AC, v1;
	v0 =	vsel vm1, $0x6933, v0  }
0x3f: {  	v49 =	vimm.s32 $0x25BD;
	v48 =	vsel vm2, $0x68AC, v47;
	[tilespmem:$0x1FF70] =	vst v0;
	v0 =	vsel vm1, $0x2534, v46  }
0x40: {  	v51 =	vimm.s32 $0x69BD;
	v50 =	vsel vm0, $0x5, v49;
	[tilespmem:$0x1FF80] =	vst v0;
	v0 =	vsel vm1, $0x6934, v48  }
0x41: {  	v52 =	vimm.s32 $0x25BE;
	v1 =	vsel vm0, $0x4405, v51;
	[tilespmem:$0x1FF90] =	vst v0;
	v0 =	vsel vm14, $0x8D, v50  }
0x42: {  	v2 =	vsel vm0, $0x6, v52;
	v1 =	vsel vm14, $0x448D, v1;
	v0 =	vsel vm13, $0x115, v0  }
0x43: {  	v2 =	vsel vm14, $0x8E, v2;
	v1 =	vsel vm13, $0x4515, v1;
	v0 =	vsel vm12, $0x19D, v0  }
0x44: {  	v2 =	vsel vm13, $0x116, v2;
	v1 =	vsel vm12, $0x459D, v1;
	v0 =	vsel vm11, $0x225, v0  }
0x45: {  	v2 =	vsel vm12, $0x19E, v2;
	v1 =	vsel vm11, $0x4625, v1;
	v0 =	vsel vm10, $0x2AD, v0  }
0x46: {  	v2 =	vsel vm11, $0x226, v2;
	v1 =	vsel vm10, $0x46AD, v1;
	v0 =	vsel vm9, $0x335, v0  }
0x47: {  	v2 =	vsel vm10, $0x2AE, v2;
	v1 =	vsel vm9, $0x4735, v1;
	v0 =	vsel vm8, $0x3BD, v0  }
0x48: {  	v2 =	vsel vm9, $0x336, v2;
	v1 =	vsel vm8, $0x47BD, v1;
	v0 =	vsel vm7, $0x2205, v0  }
0x49: {  	v2 =	vsel vm8, $0x3BE, v2;
	v1 =	vsel vm7, $0x6605, v1;
	v0 =	vsel vm6, $0x228D, v0  }
0x4a: {  	v2 =	vsel vm7, $0x2206, v2;
	v1 =	vsel vm6, $0x668D, v1;
	v0 =	vsel vm5, $0x2315, v0  }
0x4b: {  	v2 =	vsel vm6, $0x228E, v2;
	v1 =	vsel vm5, $0x6715, v1;
	v0 =	vsel vm4, $0x239D, v0  }
0x4c: {  	v2 =	vsel vm5, $0x2316, v2;
	v1 =	vsel vm4, $0x679D, v1;
	v0 =	vsel vm3, $0x2425, v0  }
0x4d: {  	v2 =	vsel vm4, $0x239E, v2;
	v1 =	vsel vm3, $0x6825, v1;
	v0 =	vsel vm2, $0x24AD, v0  }
0x4e: {  	v54 =	vsel vm3, $0x2426, v2;
	v53 =	vsel vm2, $0x68AD, v1;
	v0 =	vsel vm1, $0x2535, v0  }
0x4f: {  	v56 =	vimm.s32 $0x69BE;
	v55 =	vsel vm2, $0x24AE, v54;
	[tilespmem:$0x1FFA0] =	vst v0;
	v0 =	vsel vm1, $0x6935, v53  }
0x50: {  	v58 =	vimm.s32 $0x25BF;
	v57 =	vsel vm0, $0x4406, v56;
	[tilespmem:$0x1FFB0] =	vst v0;
	v0 =	vsel vm1, $0x2536, v55  }
0x51: {  	v59 =	vimm.s32 $0x69BF;
	v1 =	vsel vm0, $0x7, v58;
	[tilespmem:$0x1FFC0] =	vst v0;
	v0 =	vsel vm14, $0x448E, v57  }
0x52: {  	v2 =	vsel vm0, $0x4407, v59;
	v1 =	vsel vm14, $0x8F, v1;
	v0 =	vsel vm13, $0x4516, v0  }
0x53: {  	v2 =	vsel vm14, $0x448F, v2;
	v1 =	vsel vm13, $0x117, v1;
	v0 =	vsel vm12, $0x459E, v0  }
0x54: {  	v2 =	vsel vm13, $0x4517, v2;
	v1 =	vsel vm12, $0x19F, v1;
	v0 =	vsel vm11, $0x4626, v0  }
0x55: {  	v2 =	vsel vm12, $0x459F, v2;
	v1 =	vsel vm11, $0x227, v1;
	v0 =	vsel vm10, $0x46AE, v0  }
0x56: {  	s0 =	rddreg [dreg:$0x0];
	s1 =	srdreg.scid;
	v2 =	vsel vm11, $0x4627, v2;
	v1 =	vsel vm10, $0x2AF, v1;
	v0 =	vsel vm9, $0x4736, v0  }
0x57: {  	s2 =	stileid.u32;
	s4 =	rddreg [dreg:$0x3];
	v2 =	vsel vm10, $0x46AF, v2;
	v1 =	vsel vm9, $0x337, v1;
	v0 =	vsel vm8, $0x47BE, v0  }
0x58: {  	s5 =	simm.s32 $0x0;
	s13 =	simm.s32 $0x7;
	s16 =	simm.s32 $0x80;
	v2 =	vsel vm9, $0x4737, v2;
	v1 =	vsel vm8, $0x3BF, v1;
	v0 =	vsel vm7, $0x6606, v0  }
0x59: {  	s21 =	simm.s32 $0x1;
	s22 =	simm.s32 $0xA400;
	s23 =	simm.s32 $0x9400;
	v2 =	vsel vm8, $0x47BF, v2;
	v1 =	vsel vm7, $0x2207, v1;
	v0 =	vsel vm6, $0x668E, v0  }
0x5a: {  	s24 =	simm.s32 $0x2;
	s1 =	sand.u32 $0x1, s1;
	s2 =	sshll.u32 s2, $0x1;
	v2 =	vsel vm7, $0x6607, v2;
	v1 =	vsel vm6, $0x228F, v1;
	v0 =	vsel vm5, $0x6716, v0  }
0x5b: {  	s25 =	simm.s32 $0x3;
	s26 =	simm.s32 $0x4;
	s2 =	sor.u32 s1, s2;
	v2 =	vsel vm6, $0x668F, v2;
	v1 =	vsel vm5, $0x2317, v1;
	v0 =	vsel vm4, $0x679E, v0  }
0x5c: {  	s28 =	simm.s32 $0x5;
	[smem:$0x7FF] =	sst s5;
	s3 =	smul.u32 $0xC80, s2;
	v2 =	vsel vm5, $0x6717, v2;
	v1 =	vsel vm4, $0x239F, v1;
	v0 =	vsel vm3, $0x6826, v0  }
.Ltmp0:
0x5d: {  	s29 =	simm.s32 $0x0;
	s6 =	sadd.s32 $0xF42A00, s0;
	v2 =	vsel vm4, $0x679F, v2;
	v1 =	vsel vm3, $0x2427, v1;
	v0 =	vsel vm2, $0x68AE, v0;
	(pc) =	sbr.rel .LBB2_1-.Ltmp0, $4  }
0x5e: {  	s9 =	sadd.s32 $0x1000, s4;
	s10 =	sadd.s32 $0x2000, s4;
	s1 =	ssub.s32 $0x2, s1;
	v61 =	vsel vm3, $0x6827, v2;
	v60 =	vsel vm2, $0x24AF, v1;
	v0 =	vsel vm1, $0x6936, v0  }
0x5f: {  	s7 =	sshrl.u32 s1, $0x1;
	s3 =	sadd.s32 s3, s0;
	v62 =	vsel vm2, $0x68AF, v61;
	_ =	strace $0x80000047;
	[tilespmem:$0x1FFD0] =	vst v0;
	v0 =	vsel vm1, $0x2537, v60  }
0x60: {  	v63 =	vimm.s32 $0x0;
	s11 =	sadd.s32 $0x3000, s4;
	s30 =	ssub.s32 s1, s7;
	s31 =	sadd.s32 $0x600, s3;
	[tilespmem:$0x1FFE0] =	vst v0;
	v0 =	vsel vm1, $0x6937, v62  }
0x61: {  	v16 =	vimm.s32 $0xF;
	v19 =	vsel vm0, $0x3, v63;
	s8 =	smul.u32 $0x19, s2;
	s12 =	smax.u32 s30, $0x1;
	[dreg:$0x5] =	wrdreg s31;
	[tilespmem:$0x1FFF0] =	vst v0  }
.LBB2_21:
0x62: {  	_ =	swait.ge [sflag:s28], $0x2000  }
0x63: {  	[sflag:s28] =	ssyncset.done $0x0  }
0x64: {  	[sflag:s28] =	ssyncadd.s32 $0xFFFFE000  }
0x65: {  	_ =	swait.ge [sflag:s28], $0x2000  }
0x66: {  	[sflag:s28] =	ssyncset.done $0x0  }
0x67: {  	s29 =	sadd.s32 $0x1, s29;
	[sflag:s28] =	ssyncadd.s32 $0xFFFFE000  }
0x68: {  	p0 =	sne.s32 s29, s12;
	_ =	swait.ge [sflag:s28], $0x2000  }
.Ltmp1:
0x69: {  	[sflag:s28] =	ssyncset.done $0x0;
	(pc) =	sbr.rel @!p0 .LBB2_22-.Ltmp1, $4  }
0x6a: {  	[sflag:s28] =	ssyncadd.s32 $0xFFFFE000  }
0x6b: {  	_ =	swait.ge [sflag:s28], $0x2000  }
0x6c: {  	[sflag:s28] =	ssyncset.done $0x0  }
0x6d: {  	[sflag:s28] =	ssyncadd.s32 $0xFFFFE000  }
.LBB2_1:
0x6e: {  	s0 =	rddreg [dreg:$0x5]  }
0x6f: {  	[tilespmem:s5], [sflag:$0x7] =	stream.linear.gather [hbm4b:s0+s5], $0x6400, $0x38;
	[tilespmem:$0x1B440] =	vst v63  }
0x70: {  	_ =	swait.ge [sflag:s13], $0x6400  }
0x71: {  	[sflag:s13] =	ssyncset.done $0x0  }
0x72: {  	[sflag:s13] =	ssyncadd.s32 $0xFFFF9C00  }
0x73: {  	s1 =	simm.s32 $0x1B400;
	s14 =	rddreg [dreg:$0x1]  }
0x74: {  	[tilespmem:s1], [sflag:$0x7] =	stream.linear.gather [hbm4b:s14+s5], $0x20, $0x38;
	[tilespmem:$0x1B440] =	vst v63  }
0x75: {  	_ =	swait.ge [sflag:s13], $0x20  }
0x76: {  	[sflag:s13] =	ssyncset.done $0x0  }
0x77: {  	[sflag:s13] =	ssyncadd.s32 $0xFFFFFFE0  }
0x78: {  	s17 =	simm.s32 $0x1B420;
	s15 =	rddreg [dreg:$0x2]  }
0x79: {  	[tilespmem:s17], [sflag:$0x7] =	stream.linear.gather [hbm4b:s15+s5], $0x20, $0x38;
	[tilespmem:$0x1B440] =	vst v63  }
0x7a: {  	_ =	swait.ge [sflag:s13], $0x20  }
0x7b: {  	[sflag:s13] =	ssyncset.done $0x0  }
0x7c: {  	[sflag:s13] =	ssyncadd.s32 $0xFFFFFFE0  }
0x7d: {  	v17 =	vld [tilespmem:$0x1B400]  }
0x7e: {  	v18 =	vld [tilespmem:$0x1B410]  }
0x7f: {  	s18 =	simm.s32 $0x6400;
	v20 =	vld [tilespmem:$0x1B420]  }
0x80: {  	v21 =	vld [tilespmem:$0x1B430];
	[tilespmem:s18], [sflag:$0x1] =	stream.indirect.gather [hbm4b:s6+s16], $0x20, s5, s16, $0xb8  }
0x81: {  	s19 =	simm.s32 $0x7400  }
0x82: {  	[tilespmem:s19], [sflag:$0x2] =	stream.indirect.gather [hbm4b:s6+s16], $0x20, s16, s16, $0xb8;
	[tilespmem:$0x1B440] =	vst v63  }
.Ltmp2:
0x83: {  	_ = 	snop;
	(pc) =	sbr.rel .LBB2_2-.Ltmp2, $4  }
0x84: {  	s20 =	simm.s32 $0x100;
	s31 =	simm.s32 $0x8400  }
0x85: {  	[tilespmem:s31], [sflag:$0x3] =	stream.indirect.gather [hbm4b:s6+s16], $0x20, s20, s16, $0xb8;
	[tilespmem:$0x1B440] =	vst v63  }
0x86: {  	[tilespmem:$0x1FEE0] =	vst v17  }
0x87: {  	s30 =	simm.s32 $0x0;
	[tilespmem:$0x1FEF0] =	vst v18  }
.LBB2_20:
0x88: {  	s30 =	sadd.s32 $0x1, s30  }
0x89: {  	p0 =	sne.s32 s30, $0x32  }
.Ltmp3:
0x8a: {  	_ = 	snop;
	(pc) =	sbr.rel @!p0 .LBB2_21-.Ltmp3, $2  }
0x8b: {  	_ =	sdelay $0x2  }
0x8c: {  	v16 =	vimm.s32 $0xF  }
.LBB2_2:
0x8d: {  	_ =	swait.ge [sflag:s21], $0x1000  }
0x8e: {  	[sflag:s21] =	ssyncset.done $0x0  }
0x8f: {  	s0 =	simm.s32 $0x6480;
	[sflag:s21] =	ssyncadd.s32 $0xFFFFF000  }
0x90: {  	s31 =	sshrl.u32 s30, $0x1;
	s15 =	sshll.u32 s30, $0x2;
	v9 =	vld [tilespmem:s0+$0x60]  }
0x91: {  	s3 =	sand.u32 $0x1, s31;
	s17 =	sand.u32 $0x4, s15;
	v8 =	vld [tilespmem:s0+$0x70]  }
0x92: {  	v0 =	vmov s3;
	v1 =	vmov s17  }
0x93: {  	v2 =	vmul.u32 $0x8800, v0;
	v0 =	vmul.u32 $0x440, v1;
	_ =	sdelay $0x1  }
0x94: {  	v0 =	vadd.s32 v2, v0  }
0x95: {  	[tilespmem:$0x1FDD0] =	vst v2;
	v2 =	vadd.f32 v8, v9;
	v3 =	vmul.f32 v9, v9;
	v4 =	vmul.f32 v8, v8;
	_ =	sdelay $0x1  }
0x96: {  	(xrf2) =	vadd.scan.msk.f32 $0xffff, v2;
	v2 =	vadd.f32 v4, v3;
	v3 =	vld [tilespmem:$0x1FF00];
	_ =	sdelay $0x2  }
0x97: {  	v0 =	vbroadcast v0, $0x0  }
0x98: {  	(xrf2) =	vadd.scan.msk.f32 $0xffff, v2;
	v2 =	vld [tilespmem:$0x1FF60]  }
0x99: {  	v31 =	vadd.s32 v3, v0;
	v3 =	vld [tilespmem:$0x1FF10];
	_ =	sdelay $0x2  }
0x9a: {  	v1 =	vld [tilespmem:s0+$0xFFFFFFA0]  }
0x9b: {  	v25 =	vadd.s32 v2, v0;
	v2 =	vld [tilespmem:$0x1FF70]  }
0x9c: {  	v30 =	vadd.s32 v3, v0;
	v3 =	vld [tilespmem:$0x1FF20]  }
0x9d: {  	v5 =	vld [tilespmem:s0+$0xFFFFFFB0]  }
0x9e: {  	v6 =	vld [tilespmem:s0+$0xFFFFFFC0]  }
0x9f: {  	v10 =	vld [tilespmem:s0+$0xFFFFFF90]  }
0xa0: {  	v4 =	vld [tilespmem:s0+$0xFFFFFFD0]  }
0xa1: {  	v2 =	vadd.s32 v2, v0;
	v29 =	vadd.s32 v3, v0;
	v3 =	vld [tilespmem:$0x1FF30]  }
0xa2: {  	[tilespmem:$0x1FDE0] =	vst v2;
	v2 =	vld [tilespmem:$0x1FF80];
	_ =	sdelay $0x3  }
0xa3: {  	v28 =	vadd.s32 v3, v0;
	v3 =	vld [tilespmem:$0x1FF40]  }
0xa4: {  	v2 =	vadd.s32 v2, v0  }
0xa5: {  	[tilespmem:$0x1FDF0] =	vst v2;
	v2 =	vld [tilespmem:$0x1FF90];
	_ =	sdelay $0x2  }
0xa6: {  	v27 =	vadd.s32 v3, v0;
	v3 =	vld [tilespmem:$0x1FF50];
	_ =	sdelay $0x1  }
0xa7: {  	v11 =	vld [tilespmem:s0+$0xFFFFFFE0];
	v2 =	vadd.s32 v2, v0  }
0xa8: {  	[tilespmem:$0x1FE00] =	vst v2;
	v2 =	vld [tilespmem:$0x1FFA0];
	_ =	sdelay $0x1  }
0xa9: {  	v26 =	vadd.s32 v3, v0;
	v3 =	vld [tilespmem:$0x1FFB0];
	_ =	sdelay $0x2  }
0xaa: {  	v2 =	vadd.s32 v2, v0  }
0xab: {  	[tilespmem:$0x1FE10] =	vst v2  }
0xac: {  	v12 =	vld [tilespmem:s0+$0xFFFFFFF0];
	v3 =	vadd.s32 v3, v0  }
0xad: {  	[tilespmem:$0x1FE20] =	vst v3;
	v3 =	vld [tilespmem:$0x1FFC0];
	_ =	sdelay $0x4  }
0xae: {  	v3 =	vadd.s32 v3, v0  }
0xaf: {  	[tilespmem:$0x1FE30] =	vst v3;
	v3 =	vld [tilespmem:$0x1FFD0];
	_ =	sdelay $0x4  }
0xb0: {  	v3 =	vadd.s32 v3, v0  }
0xb1: {  	[tilespmem:$0x1FE40] =	vst v3;
	v3 =	vld [tilespmem:$0x1FFE0];
	_ =	sdelay $0x3  }
0xb2: {  	v2 =	vadd.f32 v5, v1  }
0xb3: {  	s1 =	simm.s32 $0x0;
	v33 =	vadd.s32 v3, v0;
	v3 =	vld [tilespmem:$0x1FFF0]  }
0xb4: {  	(xrf2) =	vadd.scan.msk.f32 $0xffff, v2;
	v2 =	vmov s1  }
0xb5: {  	v22 =	vshrl.u32 v2, $0x3;
	v2 =	vmul.f32 v6, v6;
	v14 =	vld [tilespmem:s0+$0xFFFFFF80];
	_ =	sdelay $0x1  }
0xb6: {  	v23 =	vmul.f32 v4, v4  }
0xb7: {  	v32 =	vadd.s32 v3, v0;
	v0 =	vadd.f32 v4, v6  }
0xb8: {  	s2 =	simm.s32 $0x2;
	v7 =	vmul.f32 v5, v5;
	v23 =	vadd.f32 v23, v2;
	v2, _, _ =	vpop (xrf2);
	v3 =	vmul.f32 v1, v1  }
0xb9: {  	v39 =	vmov s2;
	v2 =	vperm.xlane v2, v16;
	v13 =	vld [tilespmem:s0+$0x0];
	v45 =	vadd.f32 v10, v14;
	(xrf2) =	vadd.scan.msk.f32 $0xffff, v0  }
0xba: {  	s18 =	simm.s32 $0x3;
	s19 =	simm.s32 $0x4;
	v41 =	vmul.f32 v12, v12;
	v15 =	vld [tilespmem:s0+$0x10];
	v43 =	vadd.f32 v7, v3;
	v3 =	vmul.f32 v11, v11  }
0xbb: {  	v62 =	vmov s18;
	v63 =	vmov s19;
	v49, _, _ =	vpop (xrf2);
	v52 =	vmul.f32 $3.125000000e-02, v2;
	v24 =	vld [tilespmem:s0+$0x20];
	(xrf2) =	vadd.scan.msk.f32 $0xffff, v45  }
0xbc: {  	v39 =	vshrl.u32 v39, $0x3;
	v42 =	vld [tilespmem:s0+$0x30];
	v50 =	vadd.f32 v41, v3;
	v3 =	vperm.xlane v49, v16  }
0xbd: {  	v40 =	vmul.f32 v10, v10;
	v46 =	vadd.f32 v12, v11;
	v37 =	vmul.f32 v52, v52;
	v54, _, _ =	vpop (xrf2);
	v44 =	vld [tilespmem:s0+$0x40]  }
0xbe: {  	v62 =	vshrl.u32 v62, $0x3;
	v59 =	vperm.xlane v54, v16;
	v3 =	vmul.f32 $3.125000000e-02, v3  }
0xbf: {  	v63 =	vshrl.u32 v63, $0x3;
	v47 =	vmul.f32 v13, v13;
	v48 =	vmul.f32 v15, v15;
	(xrf2) =	vadd.scan.msk.f32 $0xffff, v46  }
0xc0: {  	v2 =	vadd.f32 v15, v13;
	v35 =	vmul.f32 v24, v24;
	v3 =	vsub.f32 v3, v37  }
0xc1: {  	v9 =	vsub.f32 v9, v52;
	v36 =	vmul.f32 v42, v42;
	v60 =	vmul.f32 v14, v14  }
0xc2: {  	v38 =	vadd.f32 v42, v24;
	v58 =	vmul.f32 v44, v44;
	v7 =	vld [tilespmem:s0+$0x50];
	(xrf2) =	vadd.scan.msk.f32 $0xffff, v2;
	v3 =	vmax.f32 v3, $0.0e+00  }
0xc3: {  	s14 =	simm.s32 $0x1;
	v40 =	vadd.f32 v40, v60;
	v41 =	vmul.f32 $3.125000000e-02, v59;
	v2 =	vadd.f32 $9.999999960e-13, v3;
	v61, _, _ =	vpop (xrf2)  }
0xc4: {  	v0 =	vmov s14;
	v45 =	vadd.f32 v36, v35;
	(xrf2) =	vadd.scan.msk.f32 $0xffff, v38;
	v49 =	vperm.xlane v61, v16  }
0xc5: {  	v55 =	vmul.f32 v41, v41;
	v35 =	vsub.f32 v5, v41;
	v56 =	vmul.f32 $5.000000000e-01, v2;
	v5, _, _ =	vpop (xrf2)  }
0xc6: {  	v3 =	vshrl.u32 v2, $0x1;
	v5 =	vperm.xlane v5, v16;
	v49 =	vmul.f32 $3.125000000e-02, v49  }
0xc7: {  	v34 =	vsub.f32 v1, v41;
	v46 =	vadd.f32 v7, v44;
	v60 =	vsub.s32 $0x5F3759DF, v3  }
0xc8: {  	v61 =	vmul.f32 $3.125000000e-02, v5;
	v36 =	vsub.f32 v6, v49;
	v6 =	vmul.f32 v60, v56  }
0xc9: {  	(xrf2) =	vadd.scan.msk.f32 $0xffff, v46;
	v41 =	vsub.f32 v4, v49;
	v4 =	vshll.u32 v22, v19;
	v22 =	vshrl.u32 v0, $0x3;
	v0, _, _ =	vpop (xrf2)  }
0xca: {  	v53 =	vadd.f32 v48, v47;
	v5 =	vmul.f32 v60, v6;
	v6 =	vperm.xlane v0, v16  }
0xcb: {  	v51 =	vmul.f32 v7, v7;
	v37 =	vsub.f32 v14, v61;
	v2 =	vbroadcast v4, $0x0  }
0xcc: {  	(xrf2) =	vadd.scan.msk.f32 $0xffff, v40;
	v4 =	vsub.f32 v10, v61;
	v10, _, _ =	vpop (xrf2);
	v14 =	vsub.f32 $1.500000000e+00, v5;
	v6 =	vmul.f32 $3.125000000e-02, v6  }
0xcd: {  	v54 =	vadd.f32 v51, v58;
	v57 =	vmul.f32 v49, v49;
	(xrf2) =	vadd.scan.msk.f32 $0xffff, v43;
	v10 =	vperm.xlane v10, v16  }
0xce: {  	v58 =	vmul.f32 v61, v61;
	v14 =	vmul.f32 v60, v14;
	v46 =	vsub.f32 v12, v6;
	v12, _, _ =	vpop (xrf2)  }
0xcf: {  	v22 =	vshll.u32 v22, v19;
	v10 =	vmul.f32 $3.125000000e-02, v10;
	v12 =	vperm.xlane v12, v16  }
0xd0: {  	v40 =	vmul.f32 v6, v6;
	v47 =	vsub.f32 v11, v6;
	(xrf2) =	vadd.scan.msk.f32 $0xffff, v23;
	v6 =	vmul.f32 v14, v56  }
0xd1: {  	s20 =	simm.s32 $0x7;
	v11 =	vshll.u32 v39, v19;
	v60 =	vshll.u32 v62, v19;
	v48 =	vsub.f32 v13, v10  }
0xd2: {  	v49 =	vsub.f32 v15, v10;
	v15 =	vmov s20;
	v13 =	vmul.f32 v6, v14  }
0xd3: {  	v15 =	vshrl.u32 v15, $0x3;
	v56 =	vmul.f32 v10, v10;
	v10 =	vmul.f32 $3.125000000e-02, v12;
	v12, _, _ =	vpop (xrf2)  }
0xd4: {  	v39 =	vbroadcast v60, $0x0;
	(xrf2) =	vadd.scan.msk.f32 $0xffff, v50;
	v12 =	vperm.xlane v12, v16;
	v13 =	vsub.f32 $1.500000000e+00, v13  }
0xd5: {  	v6 =	vbroadcast v22, $0x0;
	v22 =	vmul.f32 v10, v10;
	v51 =	vsub.f32 v24, v10  }
0xd6: {  	v12 =	vmul.f32 $3.125000000e-02, v12;
	v13 =	vmul.f32 v13, v14;
	v14 =	vshll.u32 v15, v19;
	v15, _, _ =	vpop (xrf2);
	(xrf2) =	vadd.scan.msk.f32 $0xffff, v53  }
0xd7: {  	v50 =	vsub.f32 v42, v10;
	v15 =	vperm.xlane v15, v16;
	v14 =	vbroadcast v14, $0x0;
	v10, _, _ =	vpop (xrf2)  }
0xd8: {  	v43 =	vshll.u32 v63, v19;
	v24 =	vmul.f32 v12, v12;
	v23 =	vperm.xlane v10, v16  }
0xd9: {  	v62 =	vsub.f32 v8, v52;
	(xrf2) =	vadd.scan.msk.f32 $0xffff, v45;
	v61 =	vmul.f32 v13, v17;
	v15 =	vmul.f32 $3.125000000e-02, v15  }
0xda: {  	v13 =	vmul.f32 v13, v18;
	v8, _, _ =	vpop (xrf2);
	v52 =	vsub.f32 v44, v12;
	v23 =	vmul.f32 $3.125000000e-02, v23  }
0xdb: {  	v10 =	vadd.s32 v33, v14;
	v63 =	vperm.xlane v8, v16;
	v15 =	vsub.f32 v15, v58  }
0xdc: {  	(xrf2) =	vadd.scan.msk.f32 $0xffff, v54;
	v8 =	vadd.s32 v32, v14;
	v9 =	vmul.f32 v61, v9;
	v14 =	vsub.f32 v23, v55  }
0xdd: {  	v13 =	vmul.f32 v13, v62;
	v42 =	vmul.f32 $3.125000000e-02, v63;
	v15 =	vmax.f32 v15, $0.0e+00  }
0xde: {  	v9 =	vadd.f32 v9, v20;
	v23, _, _ =	vpop (xrf2);
	v15 =	vadd.f32 $9.999999960e-13, v15;
	v14 =	vmax.f32 v14, $0.0e+00  }
0xdf: {  	[tilespmem:$0x1FE50] =	vst v33;
	v33 =	vperm.xlane v23, v16;
	v23 =	vbroadcast v11, $0x0;
	v11 =	vadd.f32 $9.999999960e-13, v14  }
0xe0: {  	v14 =	vsub.f32 v42, v57;
	v38 =	vshrl.u32 v15, $0x1;
	v57, _, _ =	vpop (xrf2);
	v15 =	vmul.f32 $5.000000000e-01, v15  }
0xe1: {  	v44 =	vmul.f32 $3.125000000e-02, v33;
	v58 =	vshrl.u32 v11, $0x1;
	v45 =	vperm.xlane v57, v16  }
0xe2: {  	v14 =	vmax.f32 v14, $0.0e+00;
	v11 =	vmul.f32 $5.000000000e-01, v11;
	v42 =	vsub.s32 $0x5F3759DF, v38  }
0xe3: {  	v60, _, _ =	vpop (xrf2);
	v14 =	vadd.f32 $9.999999960e-13, v14;
	v54 =	vsub.s32 $0x5F3759DF, v58;
	v61 =	vmul.f32 v42, v15  }
0xe4: {  	v40 =	vsub.f32 v44, v40;
	v59 =	vmul.f32 $3.125000000e-02, v45;
	v45 =	vperm.xlane v60, v16  }
0xe5: {  	v55 =	vmul.f32 $5.000000000e-01, v14;
	v14 =	vshrl.u32 v14, $0x1;
	v53 =	vmul.f32 v42, v61  }
0xe6: {  	v62, _, _ =	vpop (xrf2);
	v40 =	vmax.f32 v40, $0.0e+00;
	v44 =	vsub.f32 v59, v56;
	v45 =	vmul.f32 $3.125000000e-02, v45  }
0xe7: {  	v14 =	vsub.s32 $0x5F3759DF, v14;
	v56 =	vperm.xlane v62, v16;
	v40 =	vadd.f32 $9.999999960e-13, v40  }
0xe8: {  	v33 =	vmul.f32 v14, v55;
	v62 =	vsub.f32 $1.500000000e+00, v53;
	v53 =	vsub.f32 v7, v12  }
0xe9: {  	v44 =	vmax.f32 v44, $0.0e+00;
	v22 =	vsub.f32 v45, v22;
	v56 =	vmul.f32 $3.125000000e-02, v56  }
0xea: {  	v63 =	vshrl.u32 v40, $0x1;
	v44 =	vadd.f32 $9.999999960e-13, v44;
	v45 =	vmul.f32 $5.000000000e-01, v40  }
0xeb: {  	v40 =	vmul.f32 v54, v11;
	v12 =	vmul.f32 v42, v62;
	v57 =	vsub.s32 $0x5F3759DF, v63  }
0xec: {  	v22 =	vmax.f32 v22, $0.0e+00;
	v24 =	vsub.f32 v56, v24;
	v56 =	vmul.f32 v14, v33  }
0xed: {  	[tilespmem:$0x1FE60] =	vst v32;
	v32 =	vshrl.u32 v44, $0x1;
	v59 =	vmul.f32 $5.000000000e-01, v44;
	v38 =	vmul.f32 v57, v45  }
0xee: {  	v22 =	vadd.f32 $9.999999960e-13, v22;
	v40 =	vmul.f32 v54, v40;
	v15 =	vmul.f32 v12, v15  }
0xef: {  	v44 =	vsub.s32 $0x5F3759DF, v32;
	v24 =	vmax.f32 v24, $0.0e+00;
	v56 =	vsub.f32 $1.500000000e+00, v56  }
0xf0: {  	v60 =	vshrl.u32 v22, $0x1;
	v22 =	vmul.f32 $5.000000000e-01, v22;
	v61 =	vmul.f32 v44, v59  }
0xf1: {  	v24 =	vadd.f32 $9.999999960e-13, v24;
	v40 =	vsub.f32 $1.500000000e+00, v40;
	v58 =	vmul.f32 v57, v38  }
0xf2: {  	v15 =	vmul.f32 v15, v12;
	v60 =	vsub.s32 $0x5F3759DF, v60;
	v14 =	vmul.f32 v14, v56  }
0xf3: {  	v7 =	vmul.f32 v60, v22;
	v63 =	vshrl.u32 v24, $0x1;
	v24 =	vmul.f32 $5.000000000e-01, v24  }
0xf4: {  	s1 =	simm.s32 $0x9;
	v13 =	vadd.f32 v13, v21;
	v54 =	vmul.f32 v54, v40;
	v33 =	vmul.f32 v44, v61  }
0xf5: {  	v58 =	vsub.f32 $1.500000000e+00, v58;
	v40 =	vbroadcast v43, $0x0;
	v43 =	vmov s1  }
0xf6: {  	v15 =	vsub.f32 $1.500000000e+00, v15;
	v62 =	vsub.s32 $0x5F3759DF, v63;
	v55 =	vmul.f32 v14, v55  }
0xf7: {  	s18 =	simm.s32 $0x8;
	v61 =	vadd.s32 v30, v2;
	v32 =	vmul.f32 v62, v24;
	v7 =	vmul.f32 v60, v7  }
0xf8: {  	s19 =	simm.s32 $0x6;
	v42 =	vsub.f32 $1.500000000e+00, v33;
	v56 =	vmul.f32 v57, v58;
	v33 =	vmov s18  }
0xf9: {  	[tilespmem:v10+s22+$0x0] =	vst.idx.msk $0xffff, v9;
	v11 =	vmul.f32 v54, v11;
	v12 =	vmul.f32 v15, v12;
	v15 =	vmov s19  }
0xfa: {  	[tilespmem:v8+s22+$0x0] =	vst.idx.msk $0xffff, v13;
	v57 =	vadd.s32 v27, v23;
	v55 =	vmul.f32 v55, v14;
	v8 =	vshrl.u32 v15, $0x3  }
0xfb: {  	s2 =	simm.s32 $0xA;
	v38 =	vmul.f32 v62, v32;
	v7 =	vsub.f32 $1.500000000e+00, v7;
	v58 =	vmul.f32 v44, v42  }
0xfc: {  	s14 =	simm.s32 $0x5;
	v42 =	vshrl.u32 v33, $0x3;
	v44 =	vmov s2;
	v11 =	vmul.f32 v11, v54  }
0xfd: {  	v33 =	vmov s14;
	v10 =	vmul.f32 v12, v17;
	v55 =	vsub.f32 $1.500000000e+00, v55  }
0xfe: {  	v0 =	vmul.f32 v12, v18;
	v32 =	vsub.f32 $1.500000000e+00, v38;
	v7 =	vmul.f32 v60, v7  }
0xff: {  	v9 =	vshrl.u32 v33, $0x3;
	v59 =	vmul.f32 v58, v59;
	v14 =	vmul.f32 v55, v14  }
0x100: {  	v11 =	vsub.f32 $1.500000000e+00, v11;
	v38 =	vmul.f32 v62, v32;
	v32 =	vmul.f32 v56, v45  }
0x101: {  	v55 =	vshll.u32 v9, v19;
	v22 =	vmul.f32 v7, v22;
	v59 =	vmul.f32 v59, v58  }
0x102: {  	v11 =	vmul.f32 v11, v54;
	v62 =	vadd.s32 v31, v2;
	v2 =	vmul.f32 v10, v37  }
0x103: {  	s7 =	simm.s32 $0xB;
	v54 =	vshll.u32 v8, v19;
	v8 =	vmul.f32 v0, v4;
	v3 =	vmul.f32 v14, v17  }
0x104: {  	v45 =	vmov s7;
	v24 =	vmul.f32 v38, v24;
	v60 =	vmul.f32 v32, v56  }
0x105: {  	v9 =	vmul.f32 v14, v18;
	v22 =	vmul.f32 v22, v7;
	v59 =	vsub.f32 $1.500000000e+00, v59  }
0x106: {  	v5 =	vmul.f32 v11, v18;
	v24 =	vmul.f32 v24, v38;
	v60 =	vsub.f32 $1.500000000e+00, v60  }
0x107: {  	[tilespmem:$0x1FE70] =	vst v31;
	v1 =	vmul.f32 v11, v17;
	v22 =	vsub.f32 $1.500000000e+00, v22;
	v58 =	vmul.f32 v59, v58  }
0x108: {  	[tilespmem:$0x1FE80] =	vst v30;
	v5 =	vmul.f32 v5, v35;
	v24 =	vsub.f32 $1.500000000e+00, v24;
	v56 =	vmul.f32 v60, v56  }
0x109: {  	[tilespmem:$0x1FE90] =	vst v29;
	v2 =	vadd.f32 v2, v20;
	v7 =	vmul.f32 v22, v7;
	v22 =	vmul.f32 v58, v17  }
0x10a: {  	s20 =	smul.u32 $0x22000, s3;
	[tilespmem:$0x1FEA0] =	vst v28;
	s19 =	simm.s32 $0x6580;
	v59 =	vadd.s32 v25, v39;
	v12 =	vmul.f32 v58, v18;
	v38 =	vmul.f32 v24, v38  }
0x10b: {  	v63 =	vld [tilespmem:s19+$0x60];
	[tilespmem:$0x1FEB0] =	vst v27;
	v60 =	vadd.s32 v29, v6;
	v24 =	vmul.f32 v56, v17;
	v14 =	vmul.f32 v56, v18  }
0x10c: {  	s7 =	sshrl.u32 s20, $0x2;
	v0 =	vld [tilespmem:s19+$0x70];
	[tilespmem:$0x1FEC0] =	vst v26;
	v58 =	vadd.s32 v26, v23;
	v13 =	vmul.f32 v7, v17;
	v11 =	vmul.f32 v7, v18  }
0x10d: {  	s20 =	simm.s32 $0x10;
	s1 =	sadd.s32 $0x10A00, s7;
	v4 =	vld [tilespmem:s19+$0xFFFFFF90];
	[tilespmem:$0x1FED0] =	vst v25;
	v56 =	vadd.s32 v28, v6;
	v6 =	vmul.f32 v1, v34;
	v1 =	vmul.f32 v3, v36  }
0x10e: {  	s0 =	sadd.s32 $0xE800, s7;
	s2 =	sadd.s32 $0xC600, s7;
	s14 =	sadd.s32 $0xA400, s7;
	v7 =	vld [tilespmem:s19+$0xFFFFFFA0];
	v15 =	vmul.f32 v38, v17;
	v10 =	vmul.f32 v38, v18;
	v18 =	vimm.s32 $0xF  }
.LBB2_3:
0x10f: {  	v23 =	vld [tilespmem:s19+$0xFFFFFFB0]  }
0x110: {  	v3 =	vld [tilespmem:s19+$0xFFFFFFC0]  }
0x111: {  	v46 =	vmul.f32 v14, v46;
	v14 =	vld [tilespmem:s19+$0xFFFFFFE0]  }
0x112: {  	v24 =	vmul.f32 v24, v47;
	v35 =	vld [tilespmem:s19+$0xFFFFFF80];
	v25 =	vadd.f32 v8, v21;
	v8 =	vmul.f32 v9, v41  }
0x113: {  	v47 =	vadd.f32 v6, v20;
	v26 =	vmul.f32 v22, v48;
	v41 =	vld [tilespmem:s19+$0xFFFFFFD0];
	v27 =	vmul.f32 v12, v49  }
0x114: {  	v22 =	vld [tilespmem:s19+$0xFFFFFFF0];
	v6 =	vadd.f32 v0, v63;
	v9 =	vmul.f32 v63, v63;
	v12 =	vmul.f32 v0, v0  }
0x115: {  	v51 =	vmul.f32 v13, v51;
	v5 =	vadd.f32 v5, v21;
	v1 =	vadd.f32 v1, v20;
	v13 =	vld [tilespmem:s19+$0x0]  }
0x116: {  	v31 =	vmul.f32 v11, v50;
	v11 =	vld [tilespmem:s19+$0x20];
	[tilespmem:v62+s22+$0x0] =	vst.idx.msk $0xffff, v2;
	(xrf2) =	vadd.scan.msk.f32 $0xffff, v6;
	v9 =	vadd.f32 v12, v9  }
0x117: {  	v36 =	vmul.f32 v7, v7;
	v29 =	vadd.f32 v23, v7;
	v6 =	vmul.f32 v23, v23;
	v12 =	vld [tilespmem:s19+$0x10]  }
0x118: {  	v33 =	vmul.f32 v15, v52;
	v30 =	vadd.f32 v8, v21;
	v8 =	vld [tilespmem:s19+$0x40];
	[tilespmem:v61+s22+$0x0] =	vst.idx.msk $0xffff, v25;
	(xrf2) =	vadd.scan.msk.f32 $0xffff, v9  }
0x119: {  	v37 =	vmul.f32 v3, v3;
	v48 =	vadd.f32 v6, v36;
	v6 =	vmul.f32 v41, v41;
	v9 =	vld [tilespmem:s19+$0x30];
	(xrf2) =	vadd.scan.msk.f32 $0xffff, v29  }
0x11a: {  	[tilespmem:v57+s22+$0x0] =	vst.idx.msk $0xffff, v1;
	v1 =	vld [tilespmem:$0x1FE10];
	v38 =	vmul.f32 v14, v14;
	v32 =	vadd.f32 v41, v3  }
0x11b: {  	v15 =	vmul.f32 v22, v22;
	v52 =	vmul.f32 v13, v13;
	v49 =	vadd.f32 v6, v37;
	v6 =	vld [tilespmem:s19+$0x50]  }
0x11c: {  	v61 =	vld [tilespmem:$0x1FE20];
	v29 =	vadd.f32 v46, v21;
	v46 =	vmul.f32 v10, v53;
	v10 =	vmul.f32 v12, v12  }
0x11d: {  	v24 =	vadd.f32 v24, v20;
	v50 =	vadd.f32 v15, v38;
	v15 =	vmul.f32 v11, v11  }
0x11e: {  	(xrf2) =	vadd.scan.msk.f32 $0xffff, v32;
	v32 =	vmul.f32 v8, v8;
	v52 =	vadd.f32 v10, v52;
	v10 =	vmul.f32 v9, v9  }
0x11f: {  	v2 =	vbroadcast v55, $0x0;
	[tilespmem:v60+s22+$0x0] =	vst.idx.msk $0xffff, v47;
	v26 =	vadd.f32 v26, v20;
	v16 =	vadd.f32 v4, v35  }
0x120: {  	v55 =	vld [tilespmem:$0x1FDF0];
	v25 =	vbroadcast v54, $0x0;
	[tilespmem:v58+s22+$0x0] =	vst.idx.msk $0xffff, v30;
	v15 =	vadd.f32 v10, v15;
	v10 =	vmul.f32 v6, v6;
	v53, _, _ =	vpop (xrf2)  }
0x121: {  	v57 =	vadd.s32 v1, v2;
	v30 =	vadd.s32 v61, v2;
	v2 =	vld [tilespmem:$0x1FE30];
	v53 =	vperm.xlane v53, v18  }
0x122: {  	v28 =	vmul.f32 v4, v4;
	v17 =	vmul.f32 v35, v35;
	v10 =	vadd.f32 v10, v32;
	v32, _, _ =	vpop (xrf2);
	(xrf2) =	vadd.scan.msk.f32 $0xffff, v16;
	v16 =	vld [tilespmem:$0x1FDE0]  }
0x123: {  	v27 =	vadd.f32 v27, v21;
	[tilespmem:v56+s22+$0x0] =	vst.idx.msk $0xffff, v5;
	v62 =	vperm.xlane v32, v18;
	v53 =	vmul.f32 $3.125000000e-02, v53;
	v54, _, _ =	vpop (xrf2)  }
0x124: {  	v5 =	vld [tilespmem:$0x1FE00];
	v34 =	vadd.f32 v22, v14;
	v32 =	vadd.f32 v46, v21;
	v46 =	vperm.xlane v54, v18  }
0x125: {  	v17 =	vadd.f32 v28, v17;
	v28 =	vmul.f32 $3.125000000e-02, v62;
	v62 =	vmul.f32 v53, v53  }
0x126: {  	[tilespmem:v59+s22+$0x0] =	vst.idx.msk $0xffff, v24;
	v47 =	vadd.s32 v55, v40;
	v36 =	vadd.f32 v12, v13;
	v1 =	vmul.f32 $3.125000000e-02, v46  }
0x127: {  	(xrf2) =	vadd.scan.msk.f32 $0xffff, v34;
	v16 =	vadd.s32 v16, v39;
	v28 =	vsub.f32 v28, v62;
	v62 =	vadd.s32 v2, v25  }
0x128: {  	v24 =	vmul.f32 v1, v1;
	v2 =	vsub.f32 v7, v1;
	v1 =	vsub.f32 v23, v1;
	v23 =	vld [tilespmem:$0x1FE40]  }
0x129: {  	v51 =	vadd.f32 v51, v20;
	v31 =	vadd.f32 v31, v21;
	v5 =	vadd.s32 v5, v40;
	v60, _, _ =	vpop (xrf2);
	(xrf2) =	vadd.scan.msk.f32 $0xffff, v36  }
0x12a: {  	v33 =	vadd.f32 v33, v20;
	v40 =	vperm.xlane v60, v18;
	v28 =	vmax.f32 v28, $0.0e+00  }
0x12b: {  	s7 =	sadd.s32 $0x4, s18;
	[tilespmem:v47+s22+$0x0] =	vst.idx.msk $0xffff, v26;
	v37 =	vadd.f32 v9, v11;
	v7 =	vadd.f32 $9.999999960e-13, v28  }
0x12c: {  	v56 =	vmov s7;
	v38 =	vadd.f32 v6, v8;
	[tilespmem:v16+s22+$0x0] =	vst.idx.msk $0xffff, v29;
	v16 =	vmul.f32 $3.125000000e-02, v40  }
0x12d: {  	(xrf2) =	vadd.scan.msk.f32 $0xffff, v37;
	v23 =	vadd.s32 v23, v25;
	v25 =	vshrl.u32 v7, $0x1;
	v7 =	vmul.f32 $5.000000000e-01, v7  }
0x12e: {  	v55 =	vshrl.u32 v43, $0x3;
	[tilespmem:v5+s22+$0x0] =	vst.idx.msk $0xffff, v27;
	v5, _, _ =	vpop (xrf2);
	(xrf2) =	vadd.scan.msk.f32 $0xffff, v38;
	v25 =	vsub.s32 $0x5F3759DF, v25  }
0x12f: {  	v61 =	vshrl.u32 v44, $0x3;
	v5 =	vperm.xlane v5, v18;
	v54 =	vmul.f32 v25, v7  }
0x130: {  	v27 =	vshll.u32 v42, v19;
	v26 =	vmul.f32 v16, v16;
	v3 =	vsub.f32 v3, v16  }
0x131: {  	s7 =	sadd.s32 $0x7, s18;
	v41 =	vsub.f32 v41, v16;
	v60 =	vmul.f32 $3.125000000e-02, v5;
	v16, _, _ =	vpop (xrf2);
	(xrf2) =	vadd.scan.msk.f32 $0xffff, v17;
	v5 =	vmul.f32 v25, v54  }
0x132: {  	v42 =	vshrl.u32 v56, $0x3;
	v56 =	vmov s7;
	[tilespmem:v62+s22+$0x0] =	vst.idx.msk $0xffff, v33;
	v62 =	vperm.xlane v16, v18  }
0x133: {  	v44 =	vshll.u32 v42, v19;
	v0 =	vsub.f32 v0, v53;
	v16, _, _ =	vpop (xrf2);
	(xrf2) =	vadd.scan.msk.f32 $0xffff, v48;
	v43 =	vsub.f32 $1.500000000e+00, v5  }
0x134: {  	v59 =	vsub.f32 v4, v60;
	v16 =	vperm.xlane v16, v18;
	v4 =	vmul.f32 $3.125000000e-02, v62  }
0x135: {  	v40 =	vshrl.u32 v45, $0x3;
	v5 =	vbroadcast v27, $0x0;
	v25 =	vmul.f32 v25, v43  }
0x136: {  	v17 =	vshll.u32 v55, v19;
	[tilespmem:v23+s22+$0x0] =	vst.idx.msk $0xffff, v32;
	v16 =	vmul.f32 $3.125000000e-02, v16;
	v27 =	vmul.f32 v4, v4  }
0x137: {  	v47 =	vsub.f32 v14, v4;
	v46 =	vsub.f32 v22, v4;
	v4 =	vmul.f32 v25, v7;
	v7, _, _ =	vpop (xrf2)  }
0x138: {  	v23 =	vmul.f32 v60, v60;
	(xrf2) =	vadd.scan.msk.f32 $0xffff, v49;
	v49 =	vsub.f32 v12, v16;
	v7 =	vperm.xlane v7, v18;
	v12, _, _ =	vpop (xrf2)  }
0x139: {  	v48 =	vsub.f32 v13, v16;
	v13 =	vmul.f32 v4, v25;
	v12 =	vperm.xlane v12, v18  }
0x13a: {  	[tilespmem:v57+s22+$0x0] =	vst.idx.msk $0xffff, v51;
	v58 =	vsub.f32 v35, v60;
	v32 =	vld [tilespmem:$0x1FEE0];
	v45 =	vmul.f32 v16, v16;
	v7 =	vmul.f32 $3.125000000e-02, v7  }
0x13b: {  	[tilespmem:v30+s22+$0x0] =	vst.idx.msk $0xffff, v31;
	v33 =	vld [tilespmem:$0x1FEF0];
	v4 =	vbroadcast v17, $0x0;
	v16, _, _ =	vpop (xrf2);
	v13 =	vsub.f32 $1.500000000e+00, v13;
	v12 =	vmul.f32 $3.125000000e-02, v12  }
0x13c: {  	v14 =	vshll.u32 v61, v19;
	(xrf2) =	vadd.scan.msk.f32 $0xffff, v50;
	v16 =	vperm.xlane v16, v18;
	v17 =	vmul.f32 v7, v7  }
0x13d: {  	(xrf2) =	vadd.scan.msk.f32 $0xffff, v52;
	v60, _, _ =	vpop (xrf2);
	v51 =	vsub.f32 v11, v7;
	v11 =	vshrl.u32 v56, $0x3;
	v13 =	vmul.f32 v13, v25  }
0x13e: {  	v57 =	vld [tilespmem:$0x1FE50];
	(xrf2) =	vadd.scan.msk.f32 $0xffff, v15;
	v50 =	vsub.f32 v9, v7;
	v31 =	vperm.xlane v60, v18;
	v11 =	vshll.u32 v11, v19  }
0x13f: {  	v7 =	vbroadcast v11, $0x0;
	v11 =	vsub.f32 v63, v53;
	v25 =	vmul.f32 v13, v32  }
0x140: {  	v22 =	vshll.u32 v40, v19;
	v16 =	vmul.f32 $3.125000000e-02, v16;
	v13 =	vmul.f32 v13, v33  }
0x141: {  	v52 =	vsub.f32 v8, v12;
	v8 =	vmul.f32 $3.125000000e-02, v31;
	v11 =	vmul.f32 v25, v11;
	v25 =	vld [tilespmem:$0x1FE60]  }
0x142: {  	v9 =	vmul.f32 v12, v12;
	v53 =	vsub.f32 v6, v12;
	v0 =	vmul.f32 v13, v0;
	v6, _, _ =	vpop (xrf2);
	(xrf2) =	vadd.scan.msk.f32 $0xffff, v10  }
0x143: {  	s7 =	sadd.s32 $0x1, s20;
	v12 =	vsub.f32 v16, v23;
	v30 =	vadd.s32 v57, v7;
	v8 =	vsub.f32 v8, v24  }
0x144: {  	v40 =	vbroadcast v44, $0x0;
	v43 =	vmov s7;
	v39 =	vbroadcast v22, $0x0  }
0x145: {  	v10 =	vmax.f32 v12, $0.0e+00;
	v13 =	vperm.xlane v6, v18;
	v8 =	vmax.f32 v8, $0.0e+00  }
0x146: {  	v11 =	vadd.f32 v11, v20;
	v15 =	vadd.f32 v0, v21;
	v0, _, _ =	vpop (xrf2);
	v7 =	vadd.s32 v25, v7  }
0x147: {  	s7 =	sadd.s32 $0x2, s20;
	v6 =	vbroadcast v14, $0x0;
	v8 =	vadd.f32 $9.999999960e-13, v8;
	v0 =	vperm.xlane v0, v18;
	v12, _, _ =	vpop (xrf2)  }
0x148: {  	v44 =	vmov s7;
	[tilespmem:v30+s22+$0x0] =	vst.idx.msk $0xffff, v11;
	v11 =	vmul.f32 $3.125000000e-02, v13;
	v12 =	vperm.xlane v12, v18;
	v14, _, _ =	vpop (xrf2)  }
0x149: {  	v13 =	vshrl.u32 v8, $0x1;
	v0 =	vmul.f32 $3.125000000e-02, v0;
	v14 =	vperm.xlane v14, v18  }
0x14a: {  	v8 =	vmul.f32 $5.000000000e-01, v8;
	v13 =	vsub.s32 $0x5F3759DF, v13;
	v12 =	vmul.f32 $3.125000000e-02, v12  }
0x14b: {  	s7 =	sadd.s32 $0x3, s20;
	v0 =	vsub.f32 v0, v27;
	v14 =	vmul.f32 $3.125000000e-02, v14;
	[tilespmem:v7+s22+$0x0] =	vst.idx.msk $0xffff, v15;
	v7 =	vadd.f32 $9.999999960e-13, v10  }
0x14c: {  	v10 =	vsub.f32 v11, v26;
	v12 =	vsub.f32 v12, v45;
	v22, _, _ =	vpop (xrf2);
	v45 =	vmov s7  }
0x14d: {  	v0 =	vmax.f32 v0, $0.0e+00;
	v22 =	vperm.xlane v22, v18;
	v14 =	vsub.f32 v14, v17  }
0x14e: {  	v17 =	vmul.f32 v13, v8;
	v11 =	vshrl.u32 v7, $0x1;
	v7 =	vmul.f32 $5.000000000e-01, v7  }
0x14f: {  	v10 =	vmax.f32 v10, $0.0e+00;
	v0 =	vadd.f32 $9.999999960e-13, v0;
	v12 =	vmax.f32 v12, $0.0e+00  }
0x150: {  	v10 =	vadd.f32 $9.999999960e-13, v10;
	v11 =	vsub.s32 $0x5F3759DF, v11;
	v12 =	vadd.f32 $9.999999960e-13, v12  }
0x151: {  	v22 =	vmul.f32 $3.125000000e-02, v22;
	v14 =	vmax.f32 v14, $0.0e+00;
	v17 =	vmul.f32 v13, v17  }
0x152: {  	v16 =	vmul.f32 v11, v7;
	v23 =	vshrl.u32 v0, $0x1;
	v0 =	vmul.f32 $5.000000000e-01, v0  }
0x153: {  	v14 =	vadd.f32 $9.999999960e-13, v14;
	v15 =	vshrl.u32 v10, $0x1;
	v10 =	vmul.f32 $5.000000000e-01, v10  }
0x154: {  	v23 =	vsub.s32 $0x5F3759DF, v23;
	v24 =	vshrl.u32 v12, $0x1;
	v12 =	vmul.f32 $5.000000000e-01, v12  }
0x155: {  	v9 =	vsub.f32 v22, v9;
	v17 =	vsub.f32 $1.500000000e+00, v17;
	v15 =	vsub.s32 $0x5F3759DF, v15  }
0x156: {  	v25 =	vmul.f32 v23, v0;
	v26 =	vshrl.u32 v14, $0x1;
	v14 =	vmul.f32 $5.000000000e-01, v14  }
0x157: {  	v24 =	vsub.s32 $0x5F3759DF, v24;
	v16 =	vmul.f32 v11, v16;
	v22 =	vmul.f32 v15, v10  }
0x158: {  	v9 =	vmax.f32 v9, $0.0e+00;
	v27 =	vmul.f32 v24, v12;
	v26 =	vsub.s32 $0x5F3759DF, v26  }
0x159: {  	v13 =	vmul.f32 v13, v17;
	v9 =	vadd.f32 $9.999999960e-13, v9;
	v61 =	vmul.f32 v26, v14  }
0x15a: {  	v25 =	vmul.f32 v23, v25;
	v16 =	vsub.f32 $1.500000000e+00, v16;
	v22 =	vmul.f32 v15, v22  }
0x15b: {  	v27 =	vmul.f32 v24, v27;
	v8 =	vmul.f32 v13, v8;
	v62 =	vshrl.u32 v9, $0x1  }
0x15c: {  	v9 =	vmul.f32 $5.000000000e-01, v9;
	v28 =	vmul.f32 v26, v61;
	v25 =	vsub.f32 $1.500000000e+00, v25  }
0x15d: {  	v11 =	vmul.f32 v11, v16;
	v29 =	vsub.s32 $0x5F3759DF, v62;
	v22 =	vsub.f32 $1.500000000e+00, v22  }
0x15e: {  	v27 =	vsub.f32 $1.500000000e+00, v27;
	v8 =	vmul.f32 v8, v13;
	v63 =	vmul.f32 v29, v9  }
0x15f: {  	v16 =	vsub.f32 $1.500000000e+00, v28;
	v17 =	vmul.f32 v23, v25;
	v7 =	vmul.f32 v11, v7  }
0x160: {  	v23 =	vmov s20;
	v15 =	vmul.f32 v15, v22;
	v30 =	vmul.f32 v29, v63  }
0x161: {  	v24 =	vmul.f32 v24, v27;
	v8 =	vsub.f32 $1.500000000e+00, v8;
	v16 =	vmul.f32 v26, v16  }
0x162: {  	v0 =	vmul.f32 v17, v0;
	v7 =	vmul.f32 v7, v11;
	v22 =	vsub.f32 $1.500000000e+00, v30  }
0x163: {  	s7 =	sadd.s32 $0x5, s18;
	v42 =	vshrl.u32 v23, $0x3;
	v10 =	vmul.f32 v15, v10;
	v12 =	vmul.f32 v24, v12  }
0x164: {  	v23 =	vmov s7;
	s7 =	sadd.s32 $0x6, s18;
	v8 =	vmul.f32 v8, v13;
	v22 =	vmul.f32 v29, v22  }
0x165: {  	v25 =	vmov s7;
	v14 =	vmul.f32 v16, v14;
	v0 =	vmul.f32 v0, v17  }
0x166: {  	v13 =	vshrl.u32 v23, $0x3;
	v10 =	vmul.f32 v10, v15;
	v9 =	vmul.f32 v22, v9  }
0x167: {  	v7 =	vsub.f32 $1.500000000e+00, v7;
	v12 =	vmul.f32 v12, v24;
	v14 =	vmul.f32 v14, v16  }
0x168: {  	v23 =	vmul.f32 v8, v32;
	v10 =	vsub.f32 $1.500000000e+00, v10;
	v9 =	vmul.f32 v9, v22  }
0x169: {  	v7 =	vmul.f32 v7, v11;
	v11 =	vsub.f32 $1.500000000e+00, v12;
	v12 =	vsub.f32 $1.500000000e+00, v14  }
0x16a: {  	v0 =	vsub.f32 $1.500000000e+00, v0;
	v10 =	vmul.f32 v10, v15;
	v9 =	vsub.f32 $1.500000000e+00, v9  }
0x16b: {  	v15 =	vmul.f32 v12, v16;
	v12 =	vshrl.u32 v25, $0x3;
	v25 =	vmul.f32 v8, v33;
	v8 =	vld [tilespmem:$0x1FE80]  }
0x16c: {  	v0 =	vmul.f32 v0, v17;
	v17 =	vmul.f32 v9, v22;
	v9 =	vld [tilespmem:$0x1FE70];
	_ =	sdelay $0x2  }
0x16d: {  	v11 =	vmul.f32 v11, v24  }
0x16e: {  	v24 =	vmul.f32 v0, v32;
	v14 =	vmul.f32 v0, v33;
	v0 =	vld [tilespmem:$0x1FEA0]  }
0x16f: {  	v61 =	vadd.s32 v8, v5;
	v62 =	vadd.s32 v9, v5;
	v5 =	vld [tilespmem:$0x1FE90];
	_ =	sdelay $0x3  }
0x170: {  	v56 =	vadd.s32 v0, v4;
	v0 =	vld [tilespmem:$0x1FEB0]  }
0x171: {  	v60 =	vadd.s32 v5, v4;
	v4 =	vld [tilespmem:$0x1FEC0];
	_ =	sdelay $0x2  }
0x172: {  	v16 =	vmul.f32 v7, v32  }
0x173: {  	v57 =	vadd.s32 v0, v6  }
0x174: {  	v5 =	vmul.f32 v16, v58;
	v58 =	vadd.s32 v4, v6;
	v6 =	vmul.f32 v23, v2;
	v2 =	vld [tilespmem:$0x1FED0]  }
0x175: {  	p0 =	slt.u32 s20, $0x78;
	v55 =	vshll.u32 v13, v19;
	v7 =	vmul.f32 v7, v33;
	v26 =	vmul.f32 v10, v32  }
.Ltmp4:
0x176: {  	s19 =	sadd.s32 $0x100, s19;
	v54 =	vshll.u32 v12, v19;
	v12 =	vmul.f32 v11, v33;
	v13 =	vmul.f32 v15, v32;
	(pc) =	sbr.rel @p0 .LBB2_3-.Ltmp4, $4  }
0x177: {  	v63 =	vld [tilespmem:s19+$0x60];
	v22 =	vmul.f32 v11, v32;
	v11 =	vmul.f32 v15, v33  }
0x178: {  	v8 =	vmul.f32 v7, v59;
	v7 =	vld [tilespmem:s19+$0xFFFFFFA0];
	v15 =	vmul.f32 v17, v32  }
0x179: {  	v9 =	vmul.f32 v10, v33;
	v10 =	vmul.f32 v17, v33;
	v0 =	vld [tilespmem:s19+$0x70];
	v59 =	vadd.s32 v2, v39  }
0x17a: {  	s18 =	smov.u32 s20;
	s20 =	sadd.s32 $0x8, s20;
	v4 =	vld [tilespmem:s19+$0xFFFFFF90];
	v2 =	vadd.f32 v5, v20;
	v5 =	vmul.f32 v25, v1;
	v1 =	vmul.f32 v26, v3  }
0x17b: {  	_ =	sdelay $0x2  }
0x17c: {  	v16 =	vmul.f32 v63, v63;
	v3 =	vadd.f32 v0, v63;
	v17 =	vmul.f32 v0, v0;
	_ =	sdelay $0x1  }
0x17d: {  	(xrf2) =	vadd.scan.msk.f32 $0xffff, v3;
	v3 =	vadd.f32 v17, v16;
	_ =	sdelay $0x1  }
0x17e: {  	(xrf2) =	vadd.scan.msk.f32 $0xffff, v3;
	_ =	sdelay $0x7  }
0x17f: {  	v3, _, _ =	vpop (xrf2)  }
0x180: {  	v3 =	vperm.xlane v3, v18  }
0x181: {  	v16, _, _ =	vpop (xrf2)  }
0x182: {  	v16 =	vperm.xlane v16, v18;
	v17 =	vmul.f32 $3.125000000e-02, v3;
	_ =	sdelay $0x1  }
0x183: {  	v3 =	vmul.f32 $3.125000000e-02, v16;
	v16 =	vmul.f32 v17, v17;
	_ =	sdelay $0x1  }
0x184: {  	v3 =	vsub.f32 v3, v16  }
0x185: {  	v16 =	vld [tilespmem:s19+$0xFFFFFFB0]  }
0x186: {  	v3 =	vmax.f32 v3, $0.0e+00  }
0x187: {  	v25 =	vld [tilespmem:s19+$0xFFFFFFC0];
	v3 =	vadd.f32 $9.999999960e-13, v3  }
0x188: {  	v26 =	vld [tilespmem:s19+$0xFFFFFFD0]  }
0x189: {  	v27 =	vld [tilespmem:s19+$0xFFFFFFE0];
	v23 =	vshrl.u32 v3, $0x1;
	v3 =	vmul.f32 $5.000000000e-01, v3  }
0x18a: {  	v28 =	vld [tilespmem:s19+$0xFFFFFFF0];
	v29 =	vsub.s32 $0x5F3759DF, v23;
	v23 =	vadd.f32 v16, v7  }
0x18b: {  	v30 =	vld [tilespmem:s19+$0x0];
	v32 =	vmul.f32 v29, v3  }
0x18c: {  	v31 =	vld [tilespmem:s19+$0x10];
	(xrf2) =	vadd.scan.msk.f32 $0xffff, v23;
	v23 =	vmul.f32 v9, v41  }
0x18d: {  	v33 =	vld [tilespmem:s19+$0xFFFFFF80];
	v9 =	vmul.f32 v24, v47;
	v32 =	vmul.f32 v29, v32  }
0x18e: {  	v34 =	vld [tilespmem:s19+$0x20]  }
0x18f: {  	v35 =	vld [tilespmem:s19+$0x30];
	[tilespmem:$0x1FC40] =	vst v9;
	v9 =	vmul.f32 v22, v48;
	v22 =	vadd.f32 v26, v25;
	v24 =	vsub.f32 $1.500000000e+00, v32;
	_ =	sdelay $0x1  }
0x190: {  	v41 =	vmul.f32 v12, v49;
	(xrf2) =	vadd.scan.msk.f32 $0xffff, v22;
	v12 =	vmul.f32 v29, v24  }
0x191: {  	v32 =	vld [tilespmem:s19+$0x40];
	[tilespmem:$0x1FC50] =	vst v9;
	v24 =	vadd.f32 v4, v33  }
0x192: {  	v50 =	vmul.f32 v11, v50;
	v11 =	vadd.f32 v28, v27;
	v36 =	vld [tilespmem:s19+$0x50];
	v3 =	vmul.f32 v12, v3  }
0x193: {  	v46 =	vmul.f32 v14, v46;
	v51 =	vmul.f32 v13, v51;
	v13 =	vadd.f32 v31, v30;
	(xrf2) =	vadd.scan.msk.f32 $0xffff, v24  }
0x194: {  	v52 =	vmul.f32 v15, v52;
	v15 =	vadd.f32 v35, v34;
	(xrf2) =	vadd.scan.msk.f32 $0xffff, v11;
	v3 =	vmul.f32 v3, v12  }
0x195: {  	v38 =	vsub.f32 v63, v17;
	v24 =	vmul.f32 v16, v16;
	(xrf2) =	vadd.scan.msk.f32 $0xffff, v13;
	v13 =	vmul.f32 v7, v7  }
0x196: {  	v22 =	vmul.f32 v33, v33;
	v11 =	vmul.f32 v4, v4;
	v37, _, _ =	vpop (xrf2);
	v3 =	vsub.f32 $1.500000000e+00, v3  }
0x197: {  	v48 =	vadd.f32 v36, v32;
	v13 =	vadd.f32 v24, v13;
	v24 =	vperm.xlane v37, v18  }
0x198: {  	v11 =	vadd.f32 v11, v22;
	(xrf2) =	vadd.scan.msk.f32 $0xffff, v15;
	v15 =	vmul.f32 v25, v25;
	v22 =	vmul.f32 v26, v26  }
0x199: {  	v63 =	vld [tilespmem:$0x1FEE0];
	v17 =	vsub.f32 v0, v17;
	(xrf2) =	vadd.scan.msk.f32 $0xffff, v48;
	v29 =	vmul.f32 v3, v12;
	v12 =	vmul.f32 $3.125000000e-02, v24  }
0x19a: {  	v15 =	vadd.f32 v22, v15;
	v22 =	vmul.f32 v28, v28;
	(xrf2) =	vadd.scan.msk.f32 $0xffff, v11;
	v11 =	vmul.f32 v27, v27;
	v3, _, _ =	vpop (xrf2)  }
0x19b: {  	v24 =	vmul.f32 v36, v36;
	(xrf2) =	vadd.scan.msk.f32 $0xffff, v13;
	v0 =	vsub.f32 v7, v12;
	v37 =	vperm.xlane v3, v18  }
0x19c: {  	v11 =	vadd.f32 v22, v11;
	(xrf2) =	vadd.scan.msk.f32 $0xffff, v15;
	v15 =	vmul.f32 v34, v34;
	v22 =	vmul.f32 v35, v35  }
0x19d: {  	v49 =	vmul.f32 v31, v31;
	[tilespmem:$0x1FC70] =	vst v0;
	v0 =	vsub.f32 v16, v12;
	v7 =	vmul.f32 $3.125000000e-02, v37  }
0x19e: {  	v48 =	vmul.f32 v29, v63;
	v22 =	vadd.f32 v22, v15;
	v15 =	vmul.f32 v32, v32;
	v47, _, _ =	vpop (xrf2)  }
0x19f: {  	v9 =	vmul.f32 v10, v53;
	v53 =	vperm.xlane v47, v18;
	[tilespmem:$0x1FC80] =	vst v0;
	v0 =	vsub.f32 v25, v7  }
0x1a0: {  	s7 =	sadd.s32 $0x7, s18;
	v13 =	vmul.f32 v30, v30;
	v14 =	vmul.f32 v48, v38;
	v10 =	vadd.f32 v24, v15;
	v24, _, _ =	vpop (xrf2)  }
0x1a1: {  	v37, _, _ =	vpop (xrf2);
	v38 =	vmul.f32 $3.125000000e-02, v53;
	[tilespmem:$0x1FC90] =	vst v0;
	v0 =	vsub.f32 v26, v7;
	v26 =	vmov s7  }
0x1a2: {  	v13 =	vadd.f32 v49, v13;
	v49 =	vmul.f32 v7, v7;
	v48, _, _ =	vpop (xrf2);
	v7 =	vshrl.u32 v26, $0x3  }
0x1a3: {  	v25, _, _ =	vpop (xrf2);
	[tilespmem:$0x1FCA0] =	vst v0;
	v47 =	vshll.u32 v7, v19;
	v0 =	vsub.f32 v33, v38  }
0x1a4: {  	v16 =	vmul.f32 v12, v12;
	v24 =	vperm.xlane v24, v18;
	v26, _, _ =	vpop (xrf2)  }
0x1a5: {  	v15 =	vsub.f32 v4, v38;
	v4 =	vmul.f32 v38, v38;
	v25 =	vperm.xlane v25, v18;
	v53, _, _ =	vpop (xrf2);
	[tilespmem:$0x1FC60] =	vst v0;
	v0 =	vld [tilespmem:$0x1FE50]  }
0x1a6: {  	(xrf2) =	vadd.scan.msk.f32 $0xffff, v11;
	v11 =	vbroadcast v47, $0x0;
	v26 =	vperm.xlane v26, v18;
	v47, _, _ =	vpop (xrf2)  }
0x1a7: {  	v33 =	vperm.xlane v53, v18;
	v47 =	vperm.xlane v47, v18  }
0x1a8: {  	(xrf2) =	vadd.scan.msk.f32 $0xffff, v13;
	v25 =	vmul.f32 $3.125000000e-02, v25;
	v26 =	vmul.f32 $3.125000000e-02, v26  }
0x1a9: {  	v33 =	vmul.f32 $3.125000000e-02, v33;
	v13 =	vmul.f32 $3.125000000e-02, v47  }
0x1aa: {  	(xrf2) =	vadd.scan.msk.f32 $0xffff, v22;
	v22 =	vsub.f32 v26, v4;
	v4 =	vmul.f32 $3.125000000e-02, v24;
	v53 =	vadd.s32 v0, v11;
	v0 =	vld [tilespmem:$0x1FE60]  }
0x1ab: {  	v16 =	vsub.f32 v33, v16;
	v24 =	vsub.f32 v13, v49;
	v13 =	vperm.xlane v48, v18  }
0x1ac: {  	v47 =	vsub.f32 v27, v4;
	v38 =	vsub.f32 v28, v4;
	v22 =	vmax.f32 v22, $0.0e+00  }
0x1ad: {  	(xrf2) =	vadd.scan.msk.f32 $0xffff, v10;
	v26 =	vmul.f32 v4, v4;
	v22 =	vadd.f32 $9.999999960e-13, v22;
	v16 =	vmax.f32 v16, $0.0e+00  }
0x1ae: {  	v4 =	vmul.f32 $3.125000000e-02, v13;
	v16 =	vadd.f32 $9.999999960e-13, v16;
	v24 =	vmax.f32 v24, $0.0e+00  }
0x1af: {  	v24 =	vadd.f32 $9.999999960e-13, v24;
	v7 =	vadd.s32 v0, v11;
	v11 =	vperm.xlane v37, v18  }
0x1b0: {  	v13 =	vsub.f32 v35, v4;
	v28 =	vmul.f32 v4, v4;
	v0 =	vsub.f32 v32, v25  }
0x1b1: {  	v35, _, _ =	vpop (xrf2);
	v33 =	vshrl.u32 v16, $0x1;
	v16 =	vmul.f32 $5.000000000e-01, v16;
	v11 =	vmul.f32 $3.125000000e-02, v11  }
0x1b2: {  	v33 =	vsub.s32 $0x5F3759DF, v33;
	[tilespmem:$0x1FCB0] =	vst v0;
	v0 =	vsub.f32 v36, v25;
	v25 =	vmul.f32 v25, v25;
	v36, _, _ =	vpop (xrf2)  }
0x1b3: {  	v3 =	vmul.f32 v33, v16;
	v32 =	vperm.xlane v36, v18;
	v48 =	vsub.f32 v30, v11  }
0x1b4: {  	v49 =	vsub.f32 v31, v11;
	v27 =	vmul.f32 v11, v11;
	v11 =	vsub.f32 v34, v4  }
0x1b5: {  	v36, _, _ =	vpop (xrf2);
	v30 =	vperm.xlane v35, v18;
	v31 =	vshrl.u32 v22, $0x1;
	v22 =	vmul.f32 $5.000000000e-01, v22  }
0x1b6: {  	v34 =	vperm.xlane v36, v18;
	v36 =	vshrl.u32 v24, $0x1;
	v24 =	vmul.f32 $5.000000000e-01, v24  }
0x1b7: {  	v37 =	vld [tilespmem:$0x1FEF0];
	[tilespmem:$0x1FCC0] =	vst v0;
	v32 =	vmul.f32 $3.125000000e-02, v32;
	v30 =	vmul.f32 $3.125000000e-02, v30;
	v0, _, _ =	vpop (xrf2)  }
0x1b8: {  	v31 =	vsub.s32 $0x5F3759DF, v31;
	v35 =	vsub.s32 $0x5F3759DF, v36;
	v0 =	vperm.xlane v0, v18  }
0x1b9: {  	v27 =	vsub.f32 v32, v27;
	v26 =	vsub.f32 v30, v26;
	v30 =	vmul.f32 v35, v24  }
0x1ba: {  	v3 =	vmul.f32 v33, v3;
	v36 =	vmul.f32 v31, v22  }
0x1bb: {  	v0 =	vmul.f32 $3.125000000e-02, v0;
	v27 =	vmax.f32 v27, $0.0e+00;
	v30 =	vmul.f32 v35, v30  }
0x1bc: {  	v29 =	vmul.f32 v29, v37;
	v36 =	vmul.f32 v31, v36;
	v27 =	vadd.f32 $9.999999960e-13, v27  }
0x1bd: {  	v0 =	vsub.f32 v0, v25;
	v25 =	vmax.f32 v26, $0.0e+00;
	v26 =	vsub.f32 $1.500000000e+00, v30  }
0x1be: {  	v34 =	vmul.f32 $3.125000000e-02, v34;
	v17 =	vmul.f32 v29, v17;
	v32 =	vsub.f32 $1.500000000e+00, v36  }
0x1bf: {  	v26 =	vmul.f32 v35, v26;
	v35 =	vshrl.u32 v27, $0x1;
	v27 =	vmul.f32 $5.000000000e-01, v27  }
0x1c0: {  	v28 =	vsub.f32 v34, v28;
	v29 =	vmul.f32 v31, v32;
	v31 =	vsub.s32 $0x5F3759DF, v35  }
0x1c1: {  	v8 =	vadd.f32 v8, v21;
	[tilespmem:v62+s22+$0x0] =	vst.idx.msk $0xffff, v2;
	v35 =	vmul.f32 v31, v27  }
0x1c2: {  	v6 =	vadd.f32 v6, v20;
	v3 =	vsub.f32 $1.500000000e+00, v3;
	v10 =	vld [tilespmem:$0x1FC40];
	v28 =	vmax.f32 v28, $0.0e+00  }
0x1c3: {  	v28 =	vadd.f32 $9.999999960e-13, v28;
	v0 =	vmax.f32 v0, $0.0e+00;
	v35 =	vmul.f32 v31, v35  }
0x1c4: {  	v4 =	vmul.f32 v33, v3;
	v25 =	vadd.f32 $9.999999960e-13, v25;
	v0 =	vadd.f32 $9.999999960e-13, v0  }
0x1c5: {  	v36 =	vshrl.u32 v28, $0x1;
	v28 =	vmul.f32 $5.000000000e-01, v28;
	v35 =	vsub.f32 $1.500000000e+00, v35  }
0x1c6: {  	v34 =	vshrl.u32 v25, $0x1;
	v32 =	vsub.s32 $0x5F3759DF, v36;
	v36 =	vshrl.u32 v0, $0x1  }
0x1c7: {  	v3 =	vmul.f32 $5.000000000e-01, v0;
	v2 =	vmul.f32 v31, v35;
	v31 =	vadd.f32 v10, v20;
	v10 =	vld [tilespmem:$0x1FC50];
	[tilespmem:v61+s22+$0x0] =	vst.idx.msk $0xffff, v8  }
0x1c8: {  	v30 =	vsub.s32 $0x5F3759DF, v34;
	v34 =	vsub.s32 $0x5F3759DF, v36;
	[tilespmem:v60+s22+$0x0] =	vst.idx.msk $0xffff, v6  }
0x1c9: {  	v36 =	vmul.f32 v32, v28;
	v0 =	vmul.f32 v34, v3;
	v12 =	vld [tilespmem:$0x1FDF0]  }
0x1ca: {  	v60 =	vld [tilespmem:$0x1FE10]  }
0x1cb: {  	v36 =	vmul.f32 v32, v36;
	v0 =	vmul.f32 v34, v0;
	v61 =	vld [tilespmem:$0x1FE20]  }
0x1cc: {  	v5 =	vadd.f32 v5, v21;
	v25 =	vmul.f32 $5.000000000e-01, v25;
	v35 =	vadd.f32 v10, v20;
	v10 =	vld [tilespmem:$0x1FDE0]  }
0x1cd: {  	v55 =	vbroadcast v55, $0x0;
	v36 =	vsub.f32 $1.500000000e+00, v36;
	v0 =	vsub.f32 $1.500000000e+00, v0  }
0x1ce: {  	v1 =	vadd.f32 v1, v20;
	v33 =	vmul.f32 v30, v25;
	v8 =	vadd.f32 v50, v21  }
0x1cf: {  	v32 =	vmul.f32 v32, v36;
	v36 =	vadd.f32 v51, v20;
	v62 =	vld [tilespmem:$0x1FE00];
	v0 =	vmul.f32 v34, v0  }
0x1d0: {  	v34 =	vadd.f32 v41, v21;
	v51 =	vadd.s32 v60, v55;
	v41 =	vadd.s32 v61, v55;
	v55 =	vld [tilespmem:$0x1FE30]  }
0x1d1: {  	v50 =	vadd.s32 v12, v40;
	v6 =	vadd.s32 v10, v39;
	v39 =	vbroadcast v54, $0x0;
	v54 =	vld [tilespmem:$0x1FE40];
	[tilespmem:v56+s22+$0x0] =	vst.idx.msk $0xffff, v5  }
0x1d2: {  	v14 =	vadd.f32 v14, v20;
	v33 =	vmul.f32 v30, v33;
	[tilespmem:v57+s22+$0x0] =	vst.idx.msk $0xffff, v1  }
0x1d3: {  	v23 =	vadd.f32 v23, v21;
	[tilespmem:v59+s22+$0x0] =	vst.idx.msk $0xffff, v31  }
0x1d4: {  	v33 =	vsub.f32 $1.500000000e+00, v33;
	v40 =	vadd.s32 v62, v40;
	[tilespmem:v53+s22+$0x0] =	vst.idx.msk $0xffff, v14  }
0x1d5: {  	v17 =	vadd.f32 v17, v21;
	[tilespmem:v58+s22+$0x0] =	vst.idx.msk $0xffff, v23  }
0x1d6: {  	v30 =	vmul.f32 v30, v33;
	v33 =	vadd.f32 v46, v21;
	[tilespmem:v50+s22+$0x0] =	vst.idx.msk $0xffff, v35  }
0x1d7: {  	v46 =	vadd.f32 v52, v20;
	[tilespmem:v51+s22+$0x0] =	vst.idx.msk $0xffff, v36;
	v52 =	vadd.s32 v55, v39  }
0x1d8: {  	[tilespmem:v7+s22+$0x0] =	vst.idx.msk $0xffff, v17;
	v39 =	vadd.s32 v54, v39  }
0x1d9: {  	[tilespmem:v40+s22+$0x0] =	vst.idx.msk $0xffff, v34  }
0x1da: {  	[tilespmem:v41+s22+$0x0] =	vst.idx.msk $0xffff, v8  }
0x1db: {  	v9 =	vadd.f32 v9, v21;
	[tilespmem:v6+s22+$0x0] =	vst.idx.msk $0xffff, v33  }
0x1dc: {  	v24 =	vmul.f32 v26, v24;
	[tilespmem:v52+s22+$0x0] =	vst.idx.msk $0xffff, v46  }
0x1dd: {  	v25 =	vmul.f32 v30, v25;
	v27 =	vmul.f32 v2, v27;
	[tilespmem:v39+s22+$0x0] =	vst.idx.msk $0xffff, v9  }
0x1de: {  	v24 =	vmul.f32 v24, v26;
	v7 =	vld [tilespmem:$0x1FE70]  }
0x1df: {  	v25 =	vmul.f32 v25, v30;
	v27 =	vmul.f32 v27, v2  }
0x1e0: {  	v5 =	vshll.u32 v42, v19;
	v8 =	vsub.f32 $1.500000000e+00, v24  }
0x1e1: {  	v5 =	vbroadcast v5, $0x0;
	v24 =	vsub.f32 $1.500000000e+00, v25;
	v25 =	vsub.f32 $1.500000000e+00, v27;
	_ =	sdelay $0x1  }
0x1e2: {  	v2 =	vmul.f32 v25, v2;
	v25 =	vadd.s32 v7, v5;
	v7 =	vld [tilespmem:$0x1FE80];
	_ =	sdelay $0x4  }
0x1e3: {  	v5 =	vadd.s32 v7, v5;
	v7 =	vld [tilespmem:$0x1FE90]  }
0x1e4: {  	v42 =	vshrl.u32 v43, $0x3  }
0x1e5: {  	v42 =	vshll.u32 v42, v19  }
0x1e6: {  	v42 =	vbroadcast v42, $0x0  }
0x1e7: {  	v22 =	vmul.f32 v29, v22  }
0x1e8: {  	v1 =	vshrl.u32 v45, $0x3;
	v45 =	vadd.s32 v7, v42;
	v7 =	vld [tilespmem:$0x1FEA0]  }
0x1e9: {  	v22 =	vmul.f32 v22, v29;
	v3 =	vmul.f32 v0, v3;
	_ =	sdelay $0x1  }
0x1ea: {  	v22 =	vsub.f32 $1.500000000e+00, v22;
	v3 =	vmul.f32 v3, v0  }
0x1eb: {  	v16 =	vmul.f32 v4, v16  }
0x1ec: {  	v22 =	vmul.f32 v22, v29;
	v3 =	vsub.f32 $1.500000000e+00, v3;
	v50 =	vadd.s32 v7, v42;
	v7 =	vld [tilespmem:$0x1FEB0]  }
0x1ed: {  	v16 =	vmul.f32 v16, v4;
	v56 =	vshrl.u32 v44, $0x3  }
0x1ee: {  	v0 =	vmul.f32 v3, v0;
	v3 =	vmul.f32 v22, v37;
	v23 =	vshll.u32 v56, v19  }
0x1ef: {  	v16 =	vsub.f32 $1.500000000e+00, v16;
	v23 =	vbroadcast v23, $0x0  }
0x1f0: {  	v3 =	vmul.f32 v3, v15;
	v15 =	vld [tilespmem:$0x1FC70]  }
0x1f1: {  	v4 =	vmul.f32 v16, v4;
	v52 =	vadd.s32 v7, v23;
	v7 =	vld [tilespmem:$0x1FC60]  }
0x1f2: {  	v14 =	vmul.f32 v24, v30  }
0x1f3: {  	v24 =	vmul.f32 v22, v63;
	v22 =	vmul.f32 v4, v63;
	_ =	sdelay $0x1  }
0x1f4: {  	v22 =	vmul.f32 v22, v15;
	v15 =	vld [tilespmem:$0x1FED0]  }
0x1f5: {  	v7 =	vmul.f32 v24, v7;
	v24 =	vld [tilespmem:$0x1FEC0];
	_ =	sdelay $0x1  }
0x1f6: {  	v1 =	vshll.u32 v1, v19  }
0x1f7: {  	v1 =	vbroadcast v1, $0x0;
	_ =	sdelay $0x1  }
0x1f8: {  	v23 =	vadd.s32 v24, v23;
	v24 =	vadd.s32 v15, v1;
	v15 =	vld [tilespmem:$0x1FC80];
	_ =	sdelay $0x2  }
0x1f9: {  	v4 =	vmul.f32 v4, v37;
	_ =	sdelay $0x1  }
0x1fa: {  	v4 =	vmul.f32 v4, v15;
	v15 =	vld [tilespmem:$0x1FC90]  }
0x1fb: {  	v8 =	vmul.f32 v8, v26  }
0x1fc: {  	v28 =	vmul.f32 v32, v28  }
0x1fd: {  	s20 =	sadd.s32 $0x4, s18;
	v26 =	vmul.f32 v8, v63  }
0x1fe: {  	v28 =	vmul.f32 v28, v32;
	v59 =	vmov s20  }
0x1ff: {  	v3 =	vadd.f32 v3, v21;
	v6 =	vshrl.u32 v59, $0x3;
	v15 =	vmul.f32 v26, v15;
	v26 =	vld [tilespmem:$0x1FCA0]  }
0x200: {  	v6 =	vshll.u32 v6, v19;
	v27 =	vmul.f32 v14, v63;
	v14 =	vmul.f32 v14, v37  }
0x201: {  	v8 =	vmul.f32 v8, v37;
	v9 =	vsub.f32 $1.500000000e+00, v28;
	v7 =	vadd.f32 v7, v20  }
0x202: {  	v46 =	vmul.f32 v2, v63;
	v14 =	vmul.f32 v14, v38;
	v22 =	vadd.f32 v22, v20  }
0x203: {  	v9 =	vmul.f32 v9, v32;
	v1 =	vadd.s32 v10, v1;
	[tilespmem:v25+s22+$0x0] =	vst.idx.msk $0xffff, v7  }
0x204: {  	v6 =	vbroadcast v6, $0x0;
	v4 =	vadd.f32 v4, v21;
	[tilespmem:v45+s22+$0x0] =	vst.idx.msk $0xffff, v22;
	v8 =	vmul.f32 v8, v26  }
0x205: {  	[tilespmem:v5+s22+$0x0] =	vst.idx.msk $0xffff, v3;
	v7 =	vadd.f32 v15, v20;
	v26 =	vmul.f32 v27, v47  }
0x206: {  	v10 =	vadd.s32 v12, v6;
	[tilespmem:v50+s22+$0x0] =	vst.idx.msk $0xffff, v4;
	v8 =	vadd.f32 v8, v21  }
0x207: {  	s19 =	sadd.s32 $0x5, s18;
	v4 =	vld [tilespmem:$0x1FCB0];
	[tilespmem:v52+s22+$0x0] =	vst.idx.msk $0xffff, v7;
	v27 =	vmul.f32 v46, v48;
	v5 =	vadd.f32 v26, v20  }
0x208: {  	v43 =	vmov s19;
	v51 =	vmul.f32 v9, v63;
	v7 =	vadd.f32 v14, v21;
	[tilespmem:v23+s22+$0x0] =	vst.idx.msk $0xffff, v8  }
0x209: {  	s20 =	sadd.s32 $0x6, s18;
	v16 =	vshrl.u32 v43, $0x3;
	v9 =	vmul.f32 v9, v37;
	v8 =	vadd.f32 v27, v20;
	[tilespmem:v24+s22+$0x0] =	vst.idx.msk $0xffff, v5  }
0x20a: {  	v44 =	vmov s20;
	v16 =	vshll.u32 v16, v19;
	v2 =	vmul.f32 v2, v37;
	[tilespmem:v1+s22+$0x0] =	vst.idx.msk $0xffff, v7  }
0x20b: {  	v17 =	vshrl.u32 v44, $0x3;
	v3 =	vmul.f32 v9, v13;
	v9 =	vbroadcast v16, $0x0;
	[tilespmem:v10+s22+$0x0] =	vst.idx.msk $0xffff, v8  }
0x20c: {  	v17 =	vshll.u32 v17, v19;
	v6 =	vadd.s32 v62, v6;
	v8 =	vld [tilespmem:$0x1FCC0]  }
0x20d: {  	v2 =	vmul.f32 v2, v49;
	v13 =	vbroadcast v17, $0x0;
	v14 =	vadd.s32 v60, v9  }
0x20e: {  	v53 =	vmul.f32 v0, v63;
	v11 =	vmul.f32 v51, v11;
	v9 =	vadd.s32 v61, v9  }
0x20f: {  	v0 =	vmul.f32 v0, v37;
	v2 =	vadd.f32 v2, v21;
	v5 =	vadd.s32 v55, v13  }
0x210: {  	v4 =	vmul.f32 v53, v4;
	v1 =	vadd.f32 v11, v20;
	v7 =	vadd.s32 v54, v13  }
0x211: {  	v3 =	vadd.f32 v3, v21;
	[tilespmem:v6+s22+$0x0] =	vst.idx.msk $0xffff, v2;
	v0 =	vmul.f32 v0, v8  }
0x212: {  	v2 =	vadd.f32 v4, v20;
	[tilespmem:v14+s22+$0x0] =	vst.idx.msk $0xffff, v1  }
0x213: {  	s15 =	sor.u32 $0x3, s15;
	[tilespmem:v9+s22+$0x0] =	vst.idx.msk $0xffff, v3;
	v0 =	vadd.f32 v0, v21  }
0x214: {  	s18 =	sshll.u32 s15, $0x7;
	[tilespmem:v5+s22+$0x0] =	vst.idx.msk $0xffff, v2  }
0x215: {  	s7 =	sand.u32 $0x3FFFFF80, s18;
	[tilespmem:v7+s22+$0x0] =	vst.idx.msk $0xffff, v0  }
0x216: {  	[tilespmem:s23], [sflag:$0x4] =	stream.indirect.gather [hbm4b:s6+s16], $0x20, s7, s16, $0xb8;
	[tilespmem:$0x1B440] =	vst v63  }
0x217: {  	_ =	swait.ge [sflag:s24], $0x1000  }
0x218: {  	[sflag:s24] =	ssyncset.done $0x0  }
0x219: {  	s18 =	simm.s32 $0x74F0;
	[sflag:s24] =	ssyncadd.s32 $0xFFFFF000  }
0x21a: {  	v9 =	vld [tilespmem:s18+$0xFFFFFFF0]  }
0x21b: {  	v8 =	vld [tilespmem:s18+$0x0];
	_ =	sdelay $0x3  }
0x21c: {  	v1 =	vld [tilespmem:$0x1FDD0]  }
0x21d: {  	s19 =	sor.u32 $0x1, s17;
	v2 =	vadd.f32 v8, v9;
	v3 =	vmul.f32 v9, v9;
	v4 =	vmul.f32 v8, v8  }
0x21e: {  	v0 =	vmov s19  }
0x21f: {  	v0 =	vmul.u32 $0x440, v0;
	(xrf2) =	vadd.scan.msk.f32 $0xffff, v2;
	v2 =	vadd.f32 v4, v3;
	v3 =	vld [tilespmem:$0x1FF00];
	_ =	sdelay $0x1  }
0x220: {  	v0 =	vadd.s32 v1, v0  }
0x221: {  	v0 =	vbroadcast v0, $0x0  }
0x222: {  	(xrf2) =	vadd.scan.msk.f32 $0xffff, v2;
	v2 =	vld [tilespmem:$0x1FF60]  }
0x223: {  	v31 =	vadd.s32 v3, v0;
	v3 =	vld [tilespmem:$0x1FF10];
	_ =	sdelay $0x2  }
0x224: {  	v5 =	vld [tilespmem:s18+$0xFFFFFF40]  }
0x225: {  	v25 =	vadd.s32 v2, v0;
	v2 =	vld [tilespmem:$0x1FF70]  }
0x226: {  	v30 =	vadd.s32 v3, v0;
	v3 =	vld [tilespmem:$0x1FF20]  }
0x227: {  	v6 =	vld [tilespmem:s18+$0xFFFFFF50]  }
0x228: {  	v10 =	vld [tilespmem:s18+$0xFFFFFF20]  }
0x229: {  	v1 =	vld [tilespmem:s18+$0xFFFFFF30]  }
0x22a: {  	v4 =	vld [tilespmem:s18+$0xFFFFFF60]  }
0x22b: {  	v2 =	vadd.s32 v2, v0;
	v29 =	vadd.s32 v3, v0;
	v3 =	vld [tilespmem:$0x1FF30]  }
0x22c: {  	[tilespmem:$0x1FCD0] =	vst v2;
	v2 =	vld [tilespmem:$0x1FF80];
	_ =	sdelay $0x3  }
0x22d: {  	v28 =	vadd.s32 v3, v0;
	v3 =	vld [tilespmem:$0x1FF40]  }
0x22e: {  	v2 =	vadd.s32 v2, v0  }
0x22f: {  	[tilespmem:$0x1FCE0] =	vst v2;
	v2 =	vld [tilespmem:$0x1FF90];
	_ =	sdelay $0x2  }
0x230: {  	v27 =	vadd.s32 v3, v0;
	v3 =	vld [tilespmem:$0x1FF50];
	_ =	sdelay $0x1  }
0x231: {  	v11 =	vld [tilespmem:s18+$0xFFFFFF70];
	v2 =	vadd.s32 v2, v0  }
0x232: {  	[tilespmem:$0x1FCF0] =	vst v2;
	v2 =	vld [tilespmem:$0x1FFA0];
	_ =	sdelay $0x1  }
0x233: {  	v26 =	vadd.s32 v3, v0;
	v3 =	vld [tilespmem:$0x1FFB0];
	_ =	sdelay $0x2  }
0x234: {  	v2 =	vadd.s32 v2, v0  }
0x235: {  	[tilespmem:$0x1FD00] =	vst v2  }
0x236: {  	v12 =	vld [tilespmem:s18+$0xFFFFFF80];
	v3 =	vadd.s32 v3, v0  }
0x237: {  	[tilespmem:$0x1FD10] =	vst v3;
	v3 =	vld [tilespmem:$0x1FFC0];
	_ =	sdelay $0x4  }
0x238: {  	v3 =	vadd.s32 v3, v0  }
0x239: {  	[tilespmem:$0x1FD20] =	vst v3;
	v3 =	vld [tilespmem:$0x1FFD0];
	_ =	sdelay $0x4  }
0x23a: {  	v3 =	vadd.s32 v3, v0  }
0x23b: {  	[tilespmem:$0x1FD30] =	vst v3;
	v3 =	vld [tilespmem:$0x1FFE0];
	_ =	sdelay $0x4  }
0x23c: {  	v2 =	vadd.f32 v5, v1;
	v33 =	vadd.s32 v3, v0;
	v3 =	vld [tilespmem:$0x1FFF0]  }
0x23d: {  	s20 =	simm.s32 $0x0  }
0x23e: {  	(xrf2) =	vadd.scan.msk.f32 $0xffff, v2;
	v2 =	vmov s20  }
0x23f: {  	v16 =	vshrl.u32 v2, $0x3;
	v2 =	vmul.f32 v6, v6;
	v14 =	vld [tilespmem:s18+$0xFFFFFF10]  }
0x240: {  	v13 =	vld [tilespmem:s18+$0xFFFFFF90]  }
0x241: {  	v17 =	vmul.f32 v4, v4;
	v32 =	vadd.s32 v3, v0;
	v0 =	vadd.f32 v4, v6  }
0x242: {  	v7 =	vmul.f32 v5, v5;
	v24 =	vmul.f32 v10, v10;
	s20 =	simm.s32 $0x2;
	v15 =	vld [tilespmem:s18+$0xFFFFFFA0]  }
0x243: {  	v23 =	vmov s20;
	v17 =	vadd.f32 v17, v2;
	v2, _, _ =	vpop (xrf2);
	v22 =	vld [tilespmem:s18+$0xFFFFFFB0];
	v3 =	vmul.f32 v1, v1;
	(xrf2) =	vadd.scan.msk.f32 $0xffff, v0  }
0x244: {  	v55 =	vmul.f32 v12, v12;
	v2 =	vperm.xlane v2, v18;
	v42 =	vld [tilespmem:s18+$0xFFFFFFD0];
	v56 =	vadd.f32 v10, v14  }
0x245: {  	v39 =	vld [tilespmem:s18+$0xFFFFFFC0];
	v60 =	vmul.f32 v13, v13;
	v40 =	vadd.f32 v7, v3;
	v3 =	vmul.f32 v11, v11  }
0x246: {  	v16 =	vshll.u32 v16, v19;
	v57 =	vadd.f32 v12, v11;
	v62, _, _ =	vpop (xrf2);
	v52 =	vmul.f32 $3.125000000e-02, v2;
	v7 =	vld [tilespmem:s18+$0xFFFFFFE0];
	(xrf2) =	vadd.scan.msk.f32 $0xffff, v56  }
0x247: {  	v61 =	vmul.f32 v15, v15;
	v50 =	vadd.f32 v55, v3;
	v3 =	vperm.xlane v62, v18  }
0x248: {  	v23 =	vshrl.u32 v23, $0x3;
	v36 =	vmul.f32 v52, v52;
	v34 =	vmul.f32 v22, v22  }
0x249: {  	v58 =	vmul.f32 v42, v42;
	v45 =	vadd.f32 v61, v60;
	v60, _, _ =	vpop (xrf2);
	(xrf2) =	vadd.scan.msk.f32 $0xffff, v57;
	v3 =	vmul.f32 $3.125000000e-02, v3  }
0x24a: {  	v2 =	vadd.f32 v15, v13;
	v35 =	vmul.f32 v39, v39;
	v61 =	vperm.xlane v60, v18  }
0x24b: {  	s19 =	simm.s32 $0x1;
	v38 =	vadd.f32 v39, v22;
	v59 =	vmul.f32 v7, v7;
	v3 =	vsub.f32 v3, v36  }
0x24c: {  	v43 =	vadd.f32 v35, v34;
	v0 =	vmov s19;
	s18 =	simm.s32 $0x4;
	v41 =	vmul.f32 $3.125000000e-02, v61;
	(xrf2) =	vadd.scan.msk.f32 $0xffff, v2  }
0x24d: {  	v60 =	vmov s18;
	v53 =	vadd.f32 v59, v58;
	v3 =	vmax.f32 v3, $0.0e+00;
	v58, _, _ =	vpop (xrf2)  }
0x24e: {  	v61 =	vshrl.u32 v0, $0x3;
	v2 =	vadd.f32 $9.999999960e-13, v3;
	(xrf2) =	vadd.scan.msk.f32 $0xffff, v38;
	v48 =	vperm.xlane v58, v18  }
0x24f: {  	v57 =	vmul.f32 v14, v14;
	v54 =	vmul.f32 v41, v41;
	v35 =	vsub.f32 v5, v41  }
0x250: {  	v3 =	vshrl.u32 v2, $0x1;
	v51 =	vmul.f32 $5.000000000e-01, v2;
	v5, _, _ =	vpop (xrf2);
	v48 =	vmul.f32 $3.125000000e-02, v48  }
0x251: {  	v62 =	vadd.f32 v7, v42;
	v47 =	vsub.s32 $0x5F3759DF, v3;
	v5 =	vperm.xlane v5, v18  }
0x252: {  	v34 =	vsub.f32 v1, v41;
	v36 =	vsub.f32 v6, v48;
	v6 =	vmul.f32 v47, v51  }
0x253: {  	s20 =	simm.s32 $0x3;
	v24 =	vadd.f32 v24, v57;
	(xrf2) =	vadd.scan.msk.f32 $0xffff, v62;
	v5 =	vmul.f32 $3.125000000e-02, v5;
	v41 =	vsub.f32 v4, v48;
	v4, _, _ =	vpop (xrf2)  }
0x254: {  	v59 =	vmov s20;
	v0 =	vmul.f32 v47, v6;
	v6 =	vperm.xlane v4, v18  }
0x255: {  	v38 =	vshrl.u32 v60, $0x3;
	v60 =	vmul.f32 v5, v5;
	v4 =	vsub.f32 v14, v5  }
0x256: {  	(xrf2) =	vadd.scan.msk.f32 $0xffff, v24;
	v5 =	vsub.f32 v10, v5;
	v10, _, _ =	vpop (xrf2);
	v14 =	vsub.f32 $1.500000000e+00, v0;
	v6 =	vmul.f32 $3.125000000e-02, v6  }
0x257: {  	v9 =	vsub.f32 v9, v52;
	v62 =	vshrl.u32 v59, $0x3;
	v10 =	vperm.xlane v10, v18  }
0x258: {  	v55 =	vmul.f32 v48, v48;
	(xrf2) =	vadd.scan.msk.f32 $0xffff, v40;
	v14 =	vmul.f32 v47, v14;
	v46 =	vsub.f32 v12, v6;
	v12, _, _ =	vpop (xrf2)  }
0x259: {  	v40 =	vshll.u32 v38, v19;
	v10 =	vmul.f32 $3.125000000e-02, v10;
	v12 =	vperm.xlane v12, v18  }
0x25a: {  	v24 =	vmul.f32 v6, v6;
	v47 =	vsub.f32 v11, v6;
	v6 =	vmul.f32 v14, v51  }
0x25b: {  	s19 =	simm.s32 $0x7;
	v0 =	vbroadcast v16, $0x0;
	v16 =	vshll.u32 v61, v19;
	(xrf2) =	vadd.scan.msk.f32 $0xffff, v17;
	v48 =	vsub.f32 v13, v10  }
0x25c: {  	v49 =	vsub.f32 v15, v10;
	v15 =	vmov s19;
	v13 =	vmul.f32 v6, v14  }
0x25d: {  	v61 =	vmul.f32 v10, v10;
	v15 =	vshrl.u32 v15, $0x3;
	v10 =	vmul.f32 $3.125000000e-02, v12;
	v12, _, _ =	vpop (xrf2)  }
0x25e: {  	v40 =	vbroadcast v40, $0x0;
	v12 =	vperm.xlane v12, v18;
	v13 =	vsub.f32 $1.500000000e+00, v13  }
0x25f: {  	v17 =	vshll.u32 v62, v19;
	v6 =	vbroadcast v16, $0x0;
	(xrf2) =	vadd.scan.msk.f32 $0xffff, v50;
	v16 =	vmul.f32 v10, v10  }
0x260: {  	v12 =	vmul.f32 $3.125000000e-02, v12;
	v13 =	vmul.f32 v13, v14;
	v14 =	vshll.u32 v15, v19;
	v15, _, _ =	vpop (xrf2)  }
0x261: {  	v50 =	vsub.f32 v39, v10;
	v39 =	vbroadcast v17, $0x0;
	(xrf2) =	vadd.scan.msk.f32 $0xffff, v45;
	v15 =	vperm.xlane v15, v18  }
0x262: {  	v51 =	vsub.f32 v22, v10;
	v14 =	vbroadcast v14, $0x0;
	v10, _, _ =	vpop (xrf2);
	v22 =	vmul.f32 v12, v12  }
0x263: {  	v11 =	vshll.u32 v23, v19;
	v23 =	vperm.xlane v10, v18;
	v62 =	vmul.f32 v13, v63  }
0x264: {  	(xrf2) =	vadd.scan.msk.f32 $0xffff, v43;
	v13 =	vmul.f32 v13, v37;
	v10 =	vadd.s32 v33, v14;
	v15 =	vmul.f32 $3.125000000e-02, v15  }
0x265: {  	[tilespmem:$0x1FD40] =	vst v33;
	v33 =	vsub.f32 v8, v52;
	v8, _, _ =	vpop (xrf2);
	v52 =	vsub.f32 v42, v12;
	v23 =	vmul.f32 $3.125000000e-02, v23  }
0x266: {  	(xrf2) =	vadd.scan.msk.f32 $0xffff, v53;
	v9 =	vmul.f32 v62, v9;
	v45 =	vperm.xlane v8, v18;
	v15 =	vsub.f32 v15, v60  }
0x267: {  	v8 =	vadd.s32 v32, v14;
	v13 =	vmul.f32 v13, v33;
	v14 =	vsub.f32 v23, v54  }
0x268: {  	v53 =	vmul.f32 $3.125000000e-02, v45;
	v9 =	vadd.f32 v9, v20;
	v15 =	vmax.f32 v15, $0.0e+00  }
0x269: {  	v13 =	vadd.f32 v13, v21;
	v23, _, _ =	vpop (xrf2);
	v15 =	vadd.f32 $9.999999960e-13, v15;
	v14 =	vmax.f32 v14, $0.0e+00  }
0x26a: {  	v54 =	vperm.xlane v23, v18;
	v23 =	vbroadcast v11, $0x0;
	v11 =	vadd.f32 $9.999999960e-13, v14  }
0x26b: {  	v14 =	vsub.f32 v53, v55;
	v17 =	vshrl.u32 v15, $0x1;
	v56, _, _ =	vpop (xrf2);
	v15 =	vmul.f32 $5.000000000e-01, v15  }
0x26c: {  	v55 =	vmul.f32 $3.125000000e-02, v54;
	v57 =	vshrl.u32 v11, $0x1;
	v43 =	vperm.xlane v56, v18  }
0x26d: {  	v14 =	vmax.f32 v14, $0.0e+00;
	v11 =	vmul.f32 $5.000000000e-01, v11;
	v17 =	vsub.s32 $0x5F3759DF, v17  }
0x26e: {  	v59, _, _ =	vpop (xrf2);
	v14 =	vadd.f32 $9.999999960e-13, v14;
	v45 =	vsub.s32 $0x5F3759DF, v57;
	v60 =	vmul.f32 v17, v15  }
0x26f: {  	v24 =	vsub.f32 v55, v24;
	v58 =	vmul.f32 $3.125000000e-02, v43;
	v43 =	vperm.xlane v59, v18  }
0x270: {  	v53, _, _ =	vpop (xrf2);
	v59 =	vadd.s32 v26, v23;
	v54 =	vmul.f32 $5.000000000e-01, v14;
	v14 =	vshrl.u32 v14, $0x1  }
0x271: {  	v53 =	vperm.xlane v53, v18;
	v44 =	vmul.f32 v17, v60;
	v24 =	vmax.f32 v24, $0.0e+00  }
0x272: {  	v42 =	vsub.f32 v58, v61;
	v43 =	vmul.f32 $3.125000000e-02, v43;
	v14 =	vsub.s32 $0x5F3759DF, v14  }
0x273: {  	v24 =	vadd.f32 $9.999999960e-13, v24;
	v53 =	vmul.f32 $3.125000000e-02, v53;
	v56 =	vmul.f32 v14, v54  }
0x274: {  	v44 =	vsub.f32 $1.500000000e+00, v44;
	v42 =	vmax.f32 v42, $0.0e+00;
	v16 =	vsub.f32 v43, v16  }
0x275: {  	v43 =	vmul.f32 v45, v11;
	v61 =	vshrl.u32 v24, $0x1;
	v42 =	vadd.f32 $9.999999960e-13, v42  }
0x276: {  	v24 =	vmul.f32 $5.000000000e-01, v24;
	v22 =	vsub.f32 v53, v22;
	v53 =	vsub.f32 v7, v12  }
0x277: {  	s18 =	simm.s32 $0x8;
	v12 =	vmul.f32 v17, v44;
	v55 =	vsub.s32 $0x5F3759DF, v61;
	v16 =	vmax.f32 v16, $0.0e+00  }
0x278: {  	v43 =	vmul.f32 v45, v43;
	v61 =	vmov s18;
	v62 =	vshrl.u32 v42, $0x1  }
0x279: {  	[tilespmem:$0x1FD50] =	vst v32;
	v57 =	vmul.f32 $5.000000000e-01, v42;
	v16 =	vadd.f32 $9.999999960e-13, v16;
	v32 =	vmul.f32 v55, v24  }
0x27a: {  	v22 =	vmax.f32 v22, $0.0e+00;
	v15 =	vmul.f32 v12, v15;
	v42 =	vsub.s32 $0x5F3759DF, v62  }
0x27b: {  	v22 =	vadd.f32 $9.999999960e-13, v22;
	v43 =	vsub.f32 $1.500000000e+00, v43;
	v62 =	vmul.f32 v14, v56  }
0x27c: {  	v33 =	vshrl.u32 v16, $0x1;
	v16 =	vmul.f32 $5.000000000e-01, v16;
	v38 =	vmul.f32 v42, v57  }
0x27d: {  	v32 =	vmul.f32 v55, v32;
	v15 =	vmul.f32 v15, v12;
	v60 =	vsub.s32 $0x5F3759DF, v33  }
0x27e: {  	v17 =	vshrl.u32 v22, $0x1;
	v22 =	vmul.f32 $5.000000000e-01, v22;
	v58 =	vmul.f32 v45, v43  }
0x27f: {  	v44 =	vsub.f32 $1.500000000e+00, v62;
	v7 =	vmul.f32 v60, v16;
	v17 =	vsub.s32 $0x5F3759DF, v17  }
0x280: {  	v38 =	vmul.f32 v42, v38;
	v56 =	vsub.f32 $1.500000000e+00, v32;
	v33 =	vmul.f32 v17, v22  }
0x281: {  	s19 =	simm.s32 $0xA;
	v15 =	vsub.f32 $1.500000000e+00, v15;
	v14 =	vmul.f32 v14, v44;
	v11 =	vmul.f32 v58, v11  }
0x282: {  	v44 =	vmov s19;
	v7 =	vmul.f32 v60, v7;
	v55 =	vmul.f32 v55, v56  }
0x283: {  	s19 =	simm.s32 $0x5;
	v45 =	vsub.f32 $1.500000000e+00, v38;
	v12 =	vmul.f32 v15, v12;
	v43 =	vmul.f32 v17, v33  }
0x284: {  	v32 =	vmov s19;
	v54 =	vmul.f32 v14, v54;
	v11 =	vmul.f32 v11, v58  }
0x285: {  	[tilespmem:v10+s22+$0x0] =	vst.idx.msk $0xffff, v9;
	v9 =	vshrl.u32 v32, $0x3;
	v7 =	vsub.f32 $1.500000000e+00, v7;
	v62 =	vmul.f32 v42, v45  }
0x286: {  	v42 =	vshrl.u32 v61, $0x3;
	v24 =	vmul.f32 v55, v24;
	v10 =	vmul.f32 v12, v63  }
0x287: {  	v61 =	vadd.s32 v30, v0;
	v43 =	vsub.f32 $1.500000000e+00, v43;
	v54 =	vmul.f32 v54, v14  }
0x288: {  	v11 =	vsub.f32 $1.500000000e+00, v11;
	v7 =	vmul.f32 v60, v7;
	v57 =	vmul.f32 v62, v57  }
0x289: {  	s20 =	simm.s32 $0x9;
	v24 =	vmul.f32 v24, v55;
	v60 =	vadd.s32 v29, v6;
	v2 =	vmul.f32 v10, v4  }
0x28a: {  	v17 =	vmul.f32 v17, v43;
	v43 =	vmov s20;
	v54 =	vsub.f32 $1.500000000e+00, v54  }
0x28b: {  	s20 =	simm.s32 $0xB;
	v11 =	vmul.f32 v11, v58;
	v58 =	vadd.s32 v27, v23;
	v16 =	vmul.f32 v7, v16  }
0x28c: {  	v45 =	vmov s20;
	v57 =	vmul.f32 v57, v62;
	v22 =	vmul.f32 v17, v22  }
0x28d: {  	v24 =	vsub.f32 $1.500000000e+00, v24;
	v14 =	vmul.f32 v54, v14;
	v38 =	vmul.f32 v11, v63  }
0x28e: {  	v1 =	vmul.f32 v11, v37;
	v16 =	vmul.f32 v16, v7;
	v57 =	vsub.f32 $1.500000000e+00, v57  }
0x28f: {  	v33 =	vmul.f32 v24, v55;
	v55 =	vshll.u32 v9, v19;
	v22 =	vmul.f32 v22, v17  }
0x290: {  	[tilespmem:v8+s22+$0x0] =	vst.idx.msk $0xffff, v13;
	v3 =	vmul.f32 v14, v63;
	v9 =	vmul.f32 v14, v37;
	v16 =	vsub.f32 $1.500000000e+00, v16  }
0x291: {  	[tilespmem:$0x1FD60] =	vst v31;
	v56 =	vmul.f32 v57, v62;
	v24 =	vmul.f32 v33, v63;
	v22 =	vsub.f32 $1.500000000e+00, v22  }
0x292: {  	[tilespmem:$0x1FD70] =	vst v30;
	s20 =	simm.s32 $0x6;
	v2 =	vadd.f32 v2, v20;
	v14 =	vmul.f32 v33, v37;
	v7 =	vmul.f32 v16, v7  }
0x293: {  	[tilespmem:$0x1FD80] =	vst v29;
	v15 =	vmov s20;
	v13 =	vmul.f32 v56, v37;
	v16 =	vmul.f32 v22, v17  }
0x294: {  	[tilespmem:$0x1FD90] =	vst v28;
	s19 =	simm.s32 $0x75F0;
	v62 =	vadd.s32 v31, v0;
	v17 =	vmul.f32 v12, v37;
	v22 =	vmul.f32 v56, v63  }
0x295: {  	v0 =	vld [tilespmem:s19+$0xFFFFFFF0];
	[tilespmem:$0x1FDA0] =	vst v27;
	v56 =	vadd.s32 v28, v6;
	v6 =	vmul.f32 v38, v34;
	v12 =	vmul.f32 v7, v63  }
0x296: {  	v8 =	vshrl.u32 v15, $0x3;
	v11 =	vmul.f32 v7, v37;
	v15 =	vmul.f32 v16, v63;
	v63 =	vld [tilespmem:s19+$0x0];
	[tilespmem:$0x1FDB0] =	vst v26  }
0x297: {  	v54 =	vshll.u32 v8, v19;
	v8 =	vmul.f32 v17, v5;
	v10 =	vmul.f32 v16, v37;
	v4 =	vld [tilespmem:s19+$0xFFFFFF20];
	[tilespmem:$0x1FDC0] =	vst v25  }
0x298: {  	s20 =	simm.s32 $0x10;
	v57 =	vadd.s32 v25, v39;
	v5 =	vmul.f32 v1, v35;
	v1 =	vmul.f32 v3, v36;
	v7 =	vld [tilespmem:s19+$0xFFFFFF30]  }
.LBB2_5:
0x299: {  	v23 =	vld [tilespmem:s19+$0xFFFFFF40]  }
0x29a: {  	v3 =	vld [tilespmem:s19+$0xFFFFFF50];
	v16 =	vadd.f32 v8, v21;
	v8 =	vmul.f32 v9, v41;
	v17 =	vmul.f32 v24, v47  }
0x29b: {  	v33 =	vld [tilespmem:s19+$0xFFFFFF10];
	v46 =	vmul.f32 v14, v46;
	v47 =	vmul.f32 v22, v48  }
0x29c: {  	v24 =	vadd.f32 v6, v20;
	v41 =	vld [tilespmem:s19+$0xFFFFFF60];
	v25 =	vmul.f32 v13, v49;
	v51 =	vmul.f32 v12, v51  }
0x29d: {  	v14 =	vld [tilespmem:s19+$0xFFFFFF70];
	v5 =	vadd.f32 v5, v21;
	v1 =	vadd.f32 v1, v20;
	v29 =	vmul.f32 v11, v50  }
0x29e: {  	v22 =	vld [tilespmem:s19+$0xFFFFFF80];
	v6 =	vadd.f32 v63, v0;
	v9 =	vmul.f32 v0, v0;
	v12 =	vmul.f32 v63, v63  }
0x29f: {  	v13 =	vld [tilespmem:s19+$0xFFFFFF90];
	v31 =	vmul.f32 v15, v52;
	[tilespmem:v62+s22+$0x0] =	vst.idx.msk $0xffff, v2;
	v28 =	vadd.f32 v8, v21  }
0x2a0: {  	v11 =	vld [tilespmem:s19+$0xFFFFFFB0];
	v17 =	vadd.f32 v17, v20;
	[tilespmem:v61+s22+$0x0] =	vst.idx.msk $0xffff, v16;
	(xrf2) =	vadd.scan.msk.f32 $0xffff, v6;
	v9 =	vadd.f32 v12, v9  }
0x2a1: {  	v35 =	vmul.f32 v7, v7;
	v27 =	vadd.f32 v23, v7;
	v6 =	vmul.f32 v23, v23;
	v12 =	vld [tilespmem:s19+$0xFFFFFFA0]  }
0x2a2: {  	v8 =	vld [tilespmem:s19+$0xFFFFFFD0];
	v47 =	vadd.f32 v47, v20;
	v25 =	vadd.f32 v25, v21;
	[tilespmem:v60+s22+$0x0] =	vst.idx.msk $0xffff, v24;
	(xrf2) =	vadd.scan.msk.f32 $0xffff, v9  }
0x2a3: {  	v36 =	vmul.f32 v3, v3;
	v48 =	vadd.f32 v6, v35;
	v6 =	vmul.f32 v41, v41;
	v9 =	vld [tilespmem:s19+$0xFFFFFFC0];
	(xrf2) =	vadd.scan.msk.f32 $0xffff, v27  }
0x2a4: {  	v16 =	vld [tilespmem:$0x1FCD0];
	[tilespmem:v58+s22+$0x0] =	vst.idx.msk $0xffff, v1;
	v30 =	vadd.f32 v41, v3;
	v37 =	vmul.f32 v14, v14  }
0x2a5: {  	v15 =	vmul.f32 v22, v22;
	v38 =	vmul.f32 v13, v13;
	v49 =	vadd.f32 v6, v36;
	v6 =	vld [tilespmem:s19+$0xFFFFFFE0]  }
0x2a6: {  	v1 =	vld [tilespmem:$0x1FD00];
	v27 =	vadd.f32 v46, v21;
	v46 =	vmul.f32 v10, v53;
	v10 =	vmul.f32 v12, v12  }
0x2a7: {  	v61 =	vld [tilespmem:$0x1FD10];
	[tilespmem:v56+s22+$0x0] =	vst.idx.msk $0xffff, v5;
	v50 =	vadd.f32 v15, v37;
	v15 =	vmul.f32 v11, v11;
	(xrf2) =	vadd.scan.msk.f32 $0xffff, v30  }
0x2a8: {  	v30 =	vmul.f32 v8, v8;
	v52 =	vadd.f32 v10, v38;
	v10 =	vmul.f32 v9, v9  }
0x2a9: {  	v2 =	vbroadcast v55, $0x0;
	v26 =	vmul.f32 v4, v4;
	[tilespmem:v59+s22+$0x0] =	vst.idx.msk $0xffff, v28;
	v32 =	vadd.f32 v22, v14  }
0x2aa: {  	v24 =	vld [tilespmem:$0x1FCE0];
	v37 =	vadd.f32 v4, v33;
	v15 =	vadd.f32 v10, v15;
	v10 =	vmul.f32 v6, v6;
	v53, _, _ =	vpop (xrf2)  }
0x2ab: {  	v5 =	vld [tilespmem:$0x1FCF0];
	v16 =	vadd.s32 v16, v39;
	v38 =	vmul.f32 v33, v33;
	v53 =	vperm.xlane v53, v18  }
0x2ac: {  	v58 =	vadd.s32 v1, v2;
	v28 =	vadd.s32 v61, v2;
	v10 =	vadd.f32 v10, v30;
	v30, _, _ =	vpop (xrf2)  }
0x2ad: {  	v2 =	vld [tilespmem:$0x1FD20];
	v26 =	vadd.f32 v26, v38;
	(xrf2) =	vadd.scan.msk.f32 $0xffff, v37;
	v30 =	vperm.xlane v30, v18;
	v53 =	vmul.f32 $3.125000000e-02, v53;
	v55, _, _ =	vpop (xrf2)  }
0x2ae: {  	v38 =	vadd.f32 v46, v21;
	v37 =	vbroadcast v54, $0x0;
	v46 =	vperm.xlane v55, v18  }
0x2af: {  	v24 =	vadd.s32 v24, v40;
	v30 =	vmul.f32 $3.125000000e-02, v30;
	v54 =	vmul.f32 v53, v53  }
0x2b0: {  	[tilespmem:v57+s22+$0x0] =	vst.idx.msk $0xffff, v17;
	v5 =	vadd.s32 v5, v40;
	(xrf2) =	vadd.scan.msk.f32 $0xffff, v32;
	v1 =	vmul.f32 $3.125000000e-02, v46  }
0x2b1: {  	v34 =	vadd.f32 v12, v13;
	[tilespmem:v16+s22+$0x0] =	vst.idx.msk $0xffff, v27;
	v60, _, _ =	vpop (xrf2);
	v30 =	vsub.f32 v30, v54  }
0x2b2: {  	v62 =	vadd.s32 v2, v37;
	v40 =	vperm.xlane v60, v18;
	v17 =	vmul.f32 v1, v1  }
0x2b3: {  	(xrf2) =	vadd.scan.msk.f32 $0xffff, v34;
	v2 =	vsub.f32 v7, v1;
	v1 =	vsub.f32 v23, v1;
	v23 =	vld [tilespmem:$0x1FD30];
	v30 =	vmax.f32 v30, $0.0e+00  }
0x2b4: {  	v35 =	vadd.f32 v9, v11;
	[tilespmem:v24+s22+$0x0] =	vst.idx.msk $0xffff, v47;
	v16 =	vmul.f32 $3.125000000e-02, v40;
	v7 =	vadd.f32 $9.999999960e-13, v30  }
0x2b5: {  	v51 =	vadd.f32 v51, v20;
	[tilespmem:v5+s22+$0x0] =	vst.idx.msk $0xffff, v25;
	v36 =	vadd.f32 v6, v8  }
0x2b6: {  	(xrf2) =	vadd.scan.msk.f32 $0xffff, v35;
	v25 =	vmul.f32 v16, v16;
	v24 =	vshrl.u32 v7, $0x1;
	v7 =	vmul.f32 $5.000000000e-01, v7  }
0x2b7: {  	v3 =	vsub.f32 v3, v16;
	v41 =	vsub.f32 v41, v16;
	v5, _, _ =	vpop (xrf2);
	v24 =	vsub.s32 $0x5F3759DF, v24  }
0x2b8: {  	v23 =	vadd.s32 v23, v37;
	v5 =	vperm.xlane v5, v18;
	v16 =	vmul.f32 v24, v7  }
0x2b9: {  	v29 =	vadd.f32 v29, v21;
	v31 =	vadd.f32 v31, v20;
	[tilespmem:v58+s22+$0x0] =	vst.idx.msk $0xffff, v51  }
0x2ba: {  	s7 =	sadd.s32 $0x4, s18;
	v27 =	vshll.u32 v42, v19;
	(xrf2) =	vadd.scan.msk.f32 $0xffff, v36;
	v42, _, _ =	vpop (xrf2);
	v5 =	vmul.f32 $3.125000000e-02, v5;
	v16 =	vmul.f32 v24, v16  }
0x2bb: {  	v56 =	vmov s7;
	[tilespmem:v28+s22+$0x0] =	vst.idx.msk $0xffff, v29;
	v29 =	vperm.xlane v42, v18  }
0x2bc: {  	[tilespmem:v62+s22+$0x0] =	vst.idx.msk $0xffff, v31;
	(xrf2) =	vadd.scan.msk.f32 $0xffff, v26;
	v57 =	vsub.f32 v33, v5;
	v16 =	vsub.f32 $1.500000000e+00, v16  }
0x2bd: {  	v26, _, _ =	vpop (xrf2);
	[tilespmem:v23+s22+$0x0] =	vst.idx.msk $0xffff, v38;
	v23 =	vmul.f32 v5, v5;
	v5 =	vsub.f32 v4, v5;
	v4 =	vmul.f32 $3.125000000e-02, v29  }
0x2be: {  	v39 =	vshrl.u32 v43, $0x3;
	v26 =	vperm.xlane v26, v18;
	v16 =	vmul.f32 v24, v16  }
0x2bf: {  	v43 =	vshrl.u32 v45, $0x3;
	(xrf2) =	vadd.scan.msk.f32 $0xffff, v48;
	v24 =	vmul.f32 v4, v4;
	v47 =	vsub.f32 v14, v4  }
0x2c0: {  	v46 =	vsub.f32 v22, v4;
	v22 =	vmul.f32 $3.125000000e-02, v26;
	v4 =	vmul.f32 v16, v7;
	v7, _, _ =	vpop (xrf2);
	(xrf2) =	vadd.scan.msk.f32 $0xffff, v49  }
0x2c1: {  	v32 =	vshrl.u32 v56, $0x3;
	v56 =	vbroadcast v27, $0x0;
	v27 =	vshll.u32 v39, v19  }
0x2c2: {  	v48 =	vsub.f32 v13, v22;
	v7 =	vperm.xlane v7, v18;
	v13 =	vmul.f32 v4, v16  }
0x2c3: {  	v45 =	vshll.u32 v32, v19;
	v32 =	vld [tilespmem:$0x1FEE0];
	v0 =	vsub.f32 v0, v53;
	v58 =	vmul.f32 v22, v22  }
0x2c4: {  	s7 =	sadd.s32 $0x7, s18;
	v49 =	vsub.f32 v12, v22;
	v12, _, _ =	vpop (xrf2);
	v7 =	vmul.f32 $3.125000000e-02, v7;
	v13 =	vsub.f32 $1.500000000e+00, v13  }
0x2c5: {  	v22 =	vmov s7;
	v4 =	vbroadcast v27, $0x0;
	v12 =	vperm.xlane v12, v18  }
0x2c6: {  	v51 =	vsub.f32 v11, v7;
	v11 =	vshrl.u32 v22, $0x3;
	v13 =	vmul.f32 v13, v16  }
0x2c7: {  	v33 =	vld [tilespmem:$0x1FEF0];
	v12 =	vmul.f32 $3.125000000e-02, v12;
	v27 =	vmul.f32 v7, v7;
	v11 =	vshll.u32 v11, v19  }
0x2c8: {  	(xrf2) =	vadd.scan.msk.f32 $0xffff, v50;
	v50 =	vsub.f32 v9, v7;
	v16, _, _ =	vpop (xrf2);
	v7 =	vbroadcast v11, $0x0;
	v11 =	vmul.f32 v13, v32  }
0x2c9: {  	v22 =	vld [tilespmem:$0x1FD40];
	v60, _, _ =	vpop (xrf2)  }
0x2ca: {  	v59 =	vsub.f32 v63, v53;
	v53 =	vsub.f32 v6, v12;
	v0 =	vmul.f32 v11, v0;
	v11 =	vld [tilespmem:$0x1FD50];
	v6, _, _ =	vpop (xrf2)  }
0x2cb: {  	v9 =	vmul.f32 v12, v12;
	(xrf2) =	vadd.scan.msk.f32 $0xffff, v52;
	v52 =	vsub.f32 v8, v12;
	v12 =	vperm.xlane v6, v18  }
0x2cc: {  	(xrf2) =	vadd.scan.msk.f32 $0xffff, v15;
	v13 =	vmul.f32 v13, v33  }
0x2cd: {  	v40 =	vshrl.u32 v44, $0x3;
	v16 =	vperm.xlane v16, v18;
	(xrf2) =	vadd.scan.msk.f32 $0xffff, v10;
	v10 =	vmul.f32 $3.125000000e-02, v12  }
0x2ce: {  	v31 =	vperm.xlane v60, v18;
	v22 =	vadd.s32 v22, v7;
	v8 =	vmul.f32 v13, v59  }
0x2cf: {  	v7 =	vadd.s32 v11, v7;
	v11 =	vmul.f32 $3.125000000e-02, v16;
	v10 =	vsub.f32 v10, v25  }
0x2d0: {  	v14 =	vshll.u32 v40, v19;
	v13 =	vmul.f32 $3.125000000e-02, v31;
	v0 =	vadd.f32 v0, v20  }
0x2d1: {  	v8 =	vadd.f32 v8, v21;
	v11 =	vsub.f32 v11, v23;
	v10 =	vmax.f32 v10, $0.0e+00  }
0x2d2: {  	v26 =	vshll.u32 v43, v19;
	v13 =	vsub.f32 v13, v17;
	v10 =	vadd.f32 $9.999999960e-13, v10  }
0x2d3: {  	v39 =	vbroadcast v26, $0x0;
	v6 =	vbroadcast v14, $0x0;
	[tilespmem:v22+s22+$0x0] =	vst.idx.msk $0xffff, v0;
	v0 =	vmax.f32 v11, $0.0e+00  }
0x2d4: {  	[tilespmem:v7+s22+$0x0] =	vst.idx.msk $0xffff, v8;
	v7, _, _ =	vpop (xrf2);
	v0 =	vadd.f32 $9.999999960e-13, v0;
	v8 =	vmax.f32 v13, $0.0e+00;
	v15 =	vshrl.u32 v10, $0x1  }
0x2d5: {  	v10 =	vmul.f32 $5.000000000e-01, v10;
	v7 =	vperm.xlane v7, v18;
	v8 =	vadd.f32 $9.999999960e-13, v8;
	v12, _, _ =	vpop (xrf2)  }
0x2d6: {  	v11 =	vshrl.u32 v0, $0x1;
	v0 =	vmul.f32 $5.000000000e-01, v0;
	v12 =	vperm.xlane v12, v18;
	v14, _, _ =	vpop (xrf2)  }
0x2d7: {  	v15 =	vsub.s32 $0x5F3759DF, v15;
	v7 =	vmul.f32 $3.125000000e-02, v7;
	v14 =	vperm.xlane v14, v18  }
0x2d8: {  	v13 =	vshrl.u32 v8, $0x1;
	v8 =	vmul.f32 $5.000000000e-01, v8;
	v12 =	vmul.f32 $3.125000000e-02, v12  }
0x2d9: {  	v11 =	vsub.s32 $0x5F3759DF, v11;
	v17, _, _ =	vpop (xrf2);
	v13 =	vsub.s32 $0x5F3759DF, v13;
	v14 =	vmul.f32 $3.125000000e-02, v14  }
0x2da: {  	v16 =	vmul.f32 v11, v0;
	v17 =	vperm.xlane v17, v18;
	v12 =	vsub.f32 v12, v58  }
0x2db: {  	v7 =	vsub.f32 v7, v24;
	v23 =	vmul.f32 v13, v8;
	v14 =	vsub.f32 v14, v27  }
0x2dc: {  	v17 =	vmul.f32 $3.125000000e-02, v17;
	v16 =	vmul.f32 v11, v16;
	v12 =	vmax.f32 v12, $0.0e+00  }
0x2dd: {  	v23 =	vmul.f32 v13, v23;
	v12 =	vadd.f32 $9.999999960e-13, v12;
	v14 =	vmax.f32 v14, $0.0e+00  }
0x2de: {  	v9 =	vsub.f32 v17, v9;
	v17 =	vmul.f32 v15, v10;
	v14 =	vadd.f32 $9.999999960e-13, v14  }
0x2df: {  	v16 =	vsub.f32 $1.500000000e+00, v16;
	v23 =	vsub.f32 $1.500000000e+00, v23;
	v24 =	vshrl.u32 v12, $0x1  }
0x2e0: {  	v12 =	vmul.f32 $5.000000000e-01, v12;
	v26 =	vshrl.u32 v14, $0x1;
	v14 =	vmul.f32 $5.000000000e-01, v14  }
0x2e1: {  	v17 =	vmul.f32 v15, v17;
	v24 =	vsub.s32 $0x5F3759DF, v24;
	v26 =	vsub.s32 $0x5F3759DF, v26  }
0x2e2: {  	v27 =	vmul.f32 v24, v12;
	v61 =	vmul.f32 v26, v14  }
0x2e3: {  	v11 =	vmul.f32 v11, v16;
	v13 =	vmul.f32 v13, v23  }
0x2e4: {  	v27 =	vmul.f32 v24, v27;
	v28 =	vmul.f32 v26, v61  }
0x2e5: {  	v40 =	vbroadcast v45, $0x0;
	v17 =	vsub.f32 $1.500000000e+00, v17;
	v0 =	vmul.f32 v11, v0  }
0x2e6: {  	s7 =	sadd.s32 $0x1, s20;
	v8 =	vmul.f32 v13, v8;
	v27 =	vsub.f32 $1.500000000e+00, v27;
	v16 =	vsub.f32 $1.500000000e+00, v28  }
0x2e7: {  	v43 =	vmov s7;
	s7 =	sadd.s32 $0x2, s20;
	v15 =	vmul.f32 v15, v17;
	v0 =	vmul.f32 v0, v11  }
0x2e8: {  	v44 =	vmov s7;
	s7 =	sadd.s32 $0x3, s20;
	v24 =	vmul.f32 v24, v27;
	v16 =	vmul.f32 v26, v16  }
0x2e9: {  	v45 =	vmov s7;
	v8 =	vmul.f32 v8, v13;
	v10 =	vmul.f32 v15, v10  }
0x2ea: {  	v23 =	vmov s20;
	v12 =	vmul.f32 v24, v12;
	v14 =	vmul.f32 v16, v14  }
0x2eb: {  	v42 =	vshrl.u32 v23, $0x3;
	v0 =	vsub.f32 $1.500000000e+00, v0;
	v10 =	vmul.f32 v10, v15  }
0x2ec: {  	s7 =	sadd.s32 $0x5, s18;
	v8 =	vsub.f32 $1.500000000e+00, v8;
	v12 =	vmul.f32 v12, v24;
	v14 =	vmul.f32 v14, v16  }
0x2ed: {  	v23 =	vmov s7;
	v0 =	vmul.f32 v0, v11;
	v10 =	vsub.f32 $1.500000000e+00, v10  }
0x2ee: {  	v8 =	vmul.f32 v8, v13;
	v11 =	vsub.f32 $1.500000000e+00, v12;
	v12 =	vsub.f32 $1.500000000e+00, v14  }
0x2ef: {  	v13 =	vshrl.u32 v23, $0x3;
	v23 =	vmul.f32 v0, v33;
	v10 =	vmul.f32 v10, v15  }
0x2f0: {  	v15 =	vmul.f32 v12, v16;
	v16 =	vmul.f32 v0, v32;
	v0 =	vld [tilespmem:$0x1FD60]  }
0x2f1: {  	v9 =	vmax.f32 v9, $0.0e+00  }
0x2f2: {  	v9 =	vadd.f32 $9.999999960e-13, v9;
	_ =	sdelay $0x1  }
0x2f3: {  	v62 =	vshrl.u32 v9, $0x1  }
0x2f4: {  	v29 =	vsub.s32 $0x5F3759DF, v62;
	v62 =	vadd.s32 v0, v56;
	v0 =	vld [tilespmem:$0x1FD70];
	_ =	sdelay $0x1  }
0x2f5: {  	v7 =	vmax.f32 v7, $0.0e+00  }
0x2f6: {  	v7 =	vadd.f32 $9.999999960e-13, v7;
	_ =	sdelay $0x1  }
0x2f7: {  	v22 =	vshrl.u32 v7, $0x1;
	v7 =	vmul.f32 $5.000000000e-01, v7;
	v61 =	vadd.s32 v0, v56;
	v0 =	vld [tilespmem:$0x1FD80]  }
0x2f8: {  	v22 =	vsub.s32 $0x5F3759DF, v22  }
0x2f9: {  	v25 =	vmul.f32 v22, v7;
	_ =	sdelay $0x1  }
0x2fa: {  	v9 =	vmul.f32 $5.000000000e-01, v9;
	v25 =	vmul.f32 v22, v25  }
0x2fb: {  	v60 =	vadd.s32 v0, v4;
	v0 =	vld [tilespmem:$0x1FD90]  }
0x2fc: {  	v63 =	vmul.f32 v29, v9;
	v25 =	vsub.f32 $1.500000000e+00, v25;
	_ =	sdelay $0x1  }
0x2fd: {  	v30 =	vmul.f32 v29, v63;
	v17 =	vmul.f32 v22, v25;
	_ =	sdelay $0x1  }
0x2fe: {  	v22 =	vsub.f32 $1.500000000e+00, v30;
	v7 =	vmul.f32 v17, v7;
	v56 =	vadd.s32 v0, v4;
	v4 =	vld [tilespmem:$0x1FDA0];
	_ =	sdelay $0x1  }
0x2ff: {  	v22 =	vmul.f32 v29, v22;
	v7 =	vmul.f32 v7, v17;
	_ =	sdelay $0x1  }
0x300: {  	v9 =	vmul.f32 v22, v9;
	v7 =	vsub.f32 $1.500000000e+00, v7  }
0x301: {  	s7 =	sadd.s32 $0x6, s18;
	v26 =	vmul.f32 v8, v33;
	v27 =	vmul.f32 v10, v32;
	v58 =	vadd.s32 v4, v6;
	v4 =	vld [tilespmem:$0x1FDB0]  }
0x302: {  	v25 =	vmov s7;
	v9 =	vmul.f32 v9, v22;
	v7 =	vmul.f32 v7, v17  }
0x303: {  	v11 =	vmul.f32 v11, v24;
	v12 =	vshrl.u32 v25, $0x3;
	v25 =	vmul.f32 v8, v32  }
0x304: {  	v24 =	vmul.f32 v7, v32;
	v14 =	vmul.f32 v7, v33  }
0x305: {  	v9 =	vsub.f32 $1.500000000e+00, v9;
	v8 =	vmul.f32 v23, v5;
	v5 =	vmul.f32 v26, v1  }
0x306: {  	p0 =	slt.u32 s20, $0x78;
	v1 =	vmul.f32 v27, v3;
	v59 =	vadd.s32 v4, v6;
	v6 =	vmul.f32 v25, v2;
	v2 =	vld [tilespmem:$0x1FDC0]  }
.Ltmp5:
0x307: {  	s19 =	sadd.s32 $0x100, s19;
	v17 =	vmul.f32 v9, v22;
	v9 =	vmul.f32 v10, v33;
	(pc) =	sbr.rel @p0 .LBB2_5-.Ltmp5, $4  }
0x308: {  	v63 =	vld [tilespmem:s19+$0x0];
	v55 =	vshll.u32 v13, v19;
	v22 =	vmul.f32 v11, v32;
	v13 =	vmul.f32 v11, v33  }
0x309: {  	v7 =	vld [tilespmem:s19+$0xFFFFFF30];
	v54 =	vshll.u32 v12, v19;
	v12 =	vmul.f32 v15, v32;
	v16 =	vmul.f32 v16, v57  }
0x30a: {  	v11 =	vmul.f32 v15, v33;
	v15 =	vmul.f32 v17, v32;
	v0 =	vld [tilespmem:s19+$0xFFFFFFF0]  }
0x30b: {  	s18 =	smov.u32 s20;
	s20 =	sadd.s32 $0x8, s20;
	v10 =	vmul.f32 v17, v33;
	v4 =	vld [tilespmem:s19+$0xFFFFFF20];
	v57 =	vadd.s32 v2, v39;
	v2 =	vadd.f32 v16, v20  }
0x30c: {  	_ =	sdelay $0x2  }
0x30d: {  	v17 =	vmul.f32 v63, v63;
	v3 =	vadd.f32 v63, v0;
	v16 =	vmul.f32 v0, v0;
	_ =	sdelay $0x1  }
0x30e: {  	(xrf2) =	vadd.scan.msk.f32 $0xffff, v3;
	v3 =	vadd.f32 v17, v16;
	_ =	sdelay $0x1  }
0x30f: {  	(xrf2) =	vadd.scan.msk.f32 $0xffff, v3;
	_ =	sdelay $0x7  }
0x310: {  	v3, _, _ =	vpop (xrf2)  }
0x311: {  	v3 =	vperm.xlane v3, v18  }
0x312: {  	v16, _, _ =	vpop (xrf2)  }
0x313: {  	v16 =	vperm.xlane v16, v18;
	v3 =	vmul.f32 $3.125000000e-02, v3;
	_ =	sdelay $0x1  }
0x314: {  	v16 =	vmul.f32 $3.125000000e-02, v16;
	v17 =	vmul.f32 v3, v3;
	_ =	sdelay $0x1  }
0x315: {  	v25 =	vld [tilespmem:s19+$0xFFFFFF50];
	v16 =	vsub.f32 v16, v17  }
0x316: {  	v17 =	vld [tilespmem:s19+$0xFFFFFF40]  }
0x317: {  	v26 =	vld [tilespmem:s19+$0xFFFFFF60];
	v16 =	vmax.f32 v16, $0.0e+00  }
0x318: {  	v27 =	vld [tilespmem:s19+$0xFFFFFF70];
	v16 =	vadd.f32 $9.999999960e-13, v16  }
0x319: {  	v28 =	vld [tilespmem:s19+$0xFFFFFF80]  }
0x31a: {  	v30 =	vld [tilespmem:s19+$0xFFFFFF90];
	v23 =	vshrl.u32 v16, $0x1;
	v16 =	vmul.f32 $5.000000000e-01, v16  }
0x31b: {  	v31 =	vld [tilespmem:s19+$0xFFFFFFA0];
	v41 =	vmul.f32 v9, v41;
	v29 =	vsub.s32 $0x5F3759DF, v23;
	v23 =	vadd.f32 v17, v7  }
0x31c: {  	v33 =	vld [tilespmem:s19+$0xFFFFFF10];
	v9 =	vmul.f32 v24, v47;
	v32 =	vmul.f32 v29, v16  }
0x31d: {  	v34 =	vld [tilespmem:s19+$0xFFFFFFC0];
	(xrf2) =	vadd.scan.msk.f32 $0xffff, v23  }
0x31e: {  	v23 =	vmul.f32 v29, v32;
	v32 =	vld [tilespmem:s19+$0xFFFFFFB0];
	[tilespmem:$0x1FAC0] =	vst v9;
	v9 =	vmul.f32 v22, v48  }
0x31f: {  	v22 =	vadd.f32 v26, v25  }
0x320: {  	v35 =	vld [tilespmem:s19+$0xFFFFFFD0];
	v24 =	vsub.f32 $1.500000000e+00, v23;
	[tilespmem:$0x1FAD0] =	vst v9  }
0x321: {  	v51 =	vmul.f32 v12, v51;
	(xrf2) =	vadd.scan.msk.f32 $0xffff, v22;
	v36 =	vld [tilespmem:s19+$0xFFFFFFE0]  }
0x322: {  	v23 =	vmul.f32 v13, v49;
	v13 =	vmul.f32 v29, v24;
	v24 =	vadd.f32 v4, v33  }
0x323: {  	v50 =	vmul.f32 v11, v50;
	v52 =	vmul.f32 v15, v52;
	v11 =	vadd.f32 v28, v27  }
0x324: {  	v15 =	vadd.f32 v31, v30;
	v22 =	vmul.f32 v33, v33;
	(xrf2) =	vadd.scan.msk.f32 $0xffff, v24;
	v12 =	vmul.f32 v13, v16  }
0x325: {  	v16 =	vadd.f32 v34, v32;
	v24 =	vmul.f32 v17, v17;
	(xrf2) =	vadd.scan.msk.f32 $0xffff, v11;
	v11 =	vmul.f32 v4, v4  }
0x326: {  	(xrf2) =	vadd.scan.msk.f32 $0xffff, v15;
	v15 =	vmul.f32 v7, v7;
	v49 =	vadd.f32 v36, v35;
	v12 =	vmul.f32 v12, v13  }
0x327: {  	v48 =	vsub.f32 v0, v3;
	v0 =	vld [tilespmem:$0x1FEE0];
	v11 =	vadd.f32 v11, v22;
	(xrf2) =	vadd.scan.msk.f32 $0xffff, v16;
	v16 =	vmul.f32 v25, v25;
	v37, _, _ =	vpop (xrf2)  }
0x328: {  	v15 =	vadd.f32 v24, v15;
	(xrf2) =	vadd.scan.msk.f32 $0xffff, v49;
	v24 =	vperm.xlane v37, v18;
	v12 =	vsub.f32 $1.500000000e+00, v12  }
0x329: {  	v22 =	vmul.f32 v26, v26;
	(xrf2) =	vadd.scan.msk.f32 $0xffff, v11;
	v11 =	vmul.f32 v27, v27  }
0x32a: {  	v29 =	vmul.f32 v12, v13;
	v12 =	vmul.f32 $3.125000000e-02, v24  }
0x32b: {  	v16 =	vadd.f32 v22, v16;
	v22 =	vmul.f32 v28, v28;
	v13, _, _ =	vpop (xrf2);
	v24 =	vmul.f32 v36, v36  }
0x32c: {  	(xrf2) =	vadd.scan.msk.f32 $0xffff, v15;
	v13 =	vperm.xlane v13, v18;
	v49 =	vmul.f32 v29, v0;
	v0 =	vsub.f32 v7, v12  }
0x32d: {  	v11 =	vadd.f32 v22, v11;
	(xrf2) =	vadd.scan.msk.f32 $0xffff, v16;
	v16 =	vmul.f32 v32, v32;
	v22 =	vmul.f32 v34, v34  }
0x32e: {  	v7 =	vmul.f32 $3.125000000e-02, v13;
	[tilespmem:$0x1FAF0] =	vst v0;
	v0 =	vsub.f32 v17, v12  }
0x32f: {  	v16 =	vadd.f32 v22, v16;
	v22 =	vmul.f32 v35, v35;
	v38, _, _ =	vpop (xrf2)  }
0x330: {  	v47 =	vmul.f32 v31, v31;
	v38 =	vperm.xlane v38, v18;
	[tilespmem:$0x1FB00] =	vst v0;
	v0 =	vsub.f32 v25, v7  }
0x331: {  	s7 =	sadd.s32 $0x7, s18;
	v9 =	vmul.f32 v10, v53;
	v15 =	vmul.f32 v30, v30;
	v10 =	vadd.f32 v24, v22;
	v24, _, _ =	vpop (xrf2)  }
0x332: {  	v37, _, _ =	vpop (xrf2);
	v38 =	vmul.f32 $3.125000000e-02, v38;
	[tilespmem:$0x1FB10] =	vst v0;
	v0 =	vsub.f32 v26, v7;
	v26 =	vmov s7  }
0x333: {  	v46 =	vmul.f32 v14, v46;
	v15 =	vadd.f32 v47, v15;
	v14 =	vmul.f32 v49, v48;
	v48, _, _ =	vpop (xrf2)  }
0x334: {  	v17 =	vmul.f32 v12, v12;
	v22 =	vsub.f32 v63, v3;
	v25, _, _ =	vpop (xrf2);
	[tilespmem:$0x1FB20] =	vst v0;
	v0 =	vsub.f32 v4, v38  }
0x335: {  	v49 =	vmul.f32 v7, v7;
	v24 =	vperm.xlane v24, v18;
	v7 =	vshrl.u32 v26, $0x3;
	v26, _, _ =	vpop (xrf2)  }
0x336: {  	v25 =	vperm.xlane v25, v18;
	v47 =	vshll.u32 v7, v19;
	v4 =	vmul.f32 v38, v38;
	v63, _, _ =	vpop (xrf2);
	[tilespmem:$0x1FAE0] =	vst v0;
	v0 =	vld [tilespmem:$0x1FD40]  }
0x337: {  	v7 =	vsub.f32 v33, v38;
	v26 =	vperm.xlane v26, v18;
	v33 =	vperm.xlane v63, v18;
	v63, _, _ =	vpop (xrf2)  }
0x338: {  	(xrf2) =	vadd.scan.msk.f32 $0xffff, v11;
	v11 =	vbroadcast v47, $0x0;
	v47 =	vperm.xlane v63, v18  }
0x339: {  	v8 =	vadd.f32 v8, v21;
	v25 =	vmul.f32 $3.125000000e-02, v25;
	v26 =	vmul.f32 $3.125000000e-02, v26  }
0x33a: {  	v6 =	vadd.f32 v6, v20;
	(xrf2) =	vadd.scan.msk.f32 $0xffff, v15;
	v33 =	vmul.f32 $3.125000000e-02, v33;
	v15 =	vmul.f32 $3.125000000e-02, v47  }
0x33b: {  	(xrf2) =	vadd.scan.msk.f32 $0xffff, v16;
	v16 =	vsub.f32 v26, v4;
	v4 =	vmul.f32 $3.125000000e-02, v24;
	v53 =	vadd.s32 v0, v11;
	v0 =	vld [tilespmem:$0x1FD50]  }
0x33c: {  	v47 =	vsub.f32 v35, v25;
	v17 =	vsub.f32 v33, v17  }
0x33d: {  	v24 =	vsub.f32 v15, v49;
	v15 =	vperm.xlane v48, v18;
	v13 =	vsub.f32 v27, v4  }
0x33e: {  	(xrf2) =	vadd.scan.msk.f32 $0xffff, v10;
	v38 =	vsub.f32 v28, v4;
	v26 =	vmul.f32 v4, v4;
	v17 =	vmax.f32 v17, $0.0e+00  }
0x33f: {  	v16 =	vmax.f32 v16, $0.0e+00;
	v4 =	vmul.f32 $3.125000000e-02, v15;
	v17 =	vadd.f32 $9.999999960e-13, v17  }
0x340: {  	v24 =	vmax.f32 v24, $0.0e+00;
	v63 =	vadd.s32 v0, v11;
	v11 =	vperm.xlane v37, v18  }
0x341: {  	v16 =	vadd.f32 $9.999999960e-13, v16;
	v24 =	vadd.f32 $9.999999960e-13, v24;
	v28 =	vmul.f32 v4, v4  }
0x342: {  	v33 =	vshrl.u32 v17, $0x1;
	v17 =	vmul.f32 $5.000000000e-01, v17;
	v11 =	vmul.f32 $3.125000000e-02, v11  }
0x343: {  	v0 =	vsub.f32 v36, v25;
	v25 =	vmul.f32 v25, v25;
	v33 =	vsub.s32 $0x5F3759DF, v33  }
0x344: {  	v35, _, _ =	vpop (xrf2);
	v3 =	vmul.f32 v33, v17;
	v48 =	vsub.f32 v30, v11;
	v49 =	vsub.f32 v31, v11  }
0x345: {  	v36, _, _ =	vpop (xrf2);
	v27 =	vmul.f32 v11, v11;
	v11 =	vsub.f32 v32, v4;
	v30 =	vperm.xlane v35, v18  }
0x346: {  	v31 =	vshrl.u32 v16, $0x1;
	v16 =	vmul.f32 $5.000000000e-01, v16;
	v32 =	vperm.xlane v36, v18;
	v36, _, _ =	vpop (xrf2)  }
0x347: {  	v15 =	vsub.f32 v34, v4;
	v3 =	vmul.f32 v33, v3;
	v34 =	vperm.xlane v36, v18  }
0x348: {  	[tilespmem:$0x1FB30] =	vst v0;
	v36 =	vshrl.u32 v24, $0x1;
	v24 =	vmul.f32 $5.000000000e-01, v24;
	v0, _, _ =	vpop (xrf2);
	v30 =	vmul.f32 $3.125000000e-02, v30  }
0x349: {  	v32 =	vmul.f32 $3.125000000e-02, v32;
	v35 =	vsub.s32 $0x5F3759DF, v36;
	v0 =	vperm.xlane v0, v18  }
0x34a: {  	v37 =	vld [tilespmem:$0x1FEF0];
	v31 =	vsub.s32 $0x5F3759DF, v31;
	v26 =	vsub.f32 v30, v26;
	v30 =	vmul.f32 v35, v24  }
0x34b: {  	v36 =	vmul.f32 v31, v16;
	v27 =	vsub.f32 v32, v27;
	v0 =	vmul.f32 $3.125000000e-02, v0  }
0x34c: {  	v3 =	vsub.f32 $1.500000000e+00, v3;
	v34 =	vmul.f32 $3.125000000e-02, v34;
	v30 =	vmul.f32 v35, v30  }
0x34d: {  	v36 =	vmul.f32 v31, v36;
	v0 =	vsub.f32 v0, v25;
	v27 =	vmax.f32 v27, $0.0e+00  }
0x34e: {  	v25 =	vmax.f32 v26, $0.0e+00;
	v27 =	vadd.f32 $9.999999960e-13, v27;
	v26 =	vsub.f32 $1.500000000e+00, v30  }
0x34f: {  	v29 =	vmul.f32 v29, v37;
	v28 =	vsub.f32 v34, v28;
	v32 =	vsub.f32 $1.500000000e+00, v36  }
0x350: {  	v26 =	vmul.f32 v35, v26;
	v35 =	vshrl.u32 v27, $0x1;
	v27 =	vmul.f32 $5.000000000e-01, v27  }
0x351: {  	v22 =	vmul.f32 v29, v22;
	v29 =	vmul.f32 v31, v32;
	v31 =	vsub.s32 $0x5F3759DF, v35  }
0x352: {  	[tilespmem:v62+s22+$0x0] =	vst.idx.msk $0xffff, v2;
	v25 =	vadd.f32 $9.999999960e-13, v25;
	v28 =	vmax.f32 v28, $0.0e+00;
	v35 =	vmul.f32 v31, v27  }
0x353: {  	v10 =	vld [tilespmem:$0x1FAC0];
	v4 =	vmul.f32 v33, v3;
	v28 =	vadd.f32 $9.999999960e-13, v28;
	v0 =	vmax.f32 v0, $0.0e+00  }
0x354: {  	v34 =	vshrl.u32 v25, $0x1;
	v0 =	vadd.f32 $9.999999960e-13, v0;
	v35 =	vmul.f32 v31, v35  }
0x355: {  	v25 =	vmul.f32 $5.000000000e-01, v25;
	v36 =	vshrl.u32 v28, $0x1;
	v28 =	vmul.f32 $5.000000000e-01, v28  }
0x356: {  	v32 =	vsub.s32 $0x5F3759DF, v36;
	v36 =	vshrl.u32 v0, $0x1;
	v35 =	vsub.f32 $1.500000000e+00, v35  }
0x357: {  	v30 =	vsub.s32 $0x5F3759DF, v34;
	v34 =	vsub.s32 $0x5F3759DF, v36;
	v36 =	vmul.f32 v32, v28  }
0x358: {  	v3 =	vmul.f32 $5.000000000e-01, v0;
	v2 =	vmul.f32 v31, v35;
	v31 =	vadd.f32 v10, v20;
	v10 =	vld [tilespmem:$0x1FAD0];
	[tilespmem:v61+s22+$0x0] =	vst.idx.msk $0xffff, v8  }
0x359: {  	v33 =	vmul.f32 v30, v25;
	v36 =	vmul.f32 v32, v36;
	[tilespmem:v60+s22+$0x0] =	vst.idx.msk $0xffff, v6  }
0x35a: {  	v0 =	vmul.f32 v34, v3;
	v12 =	vld [tilespmem:$0x1FCE0]  }
0x35b: {  	v33 =	vmul.f32 v30, v33;
	v36 =	vsub.f32 $1.500000000e+00, v36;
	v60 =	vld [tilespmem:$0x1FD00]  }
0x35c: {  	v5 =	vadd.f32 v5, v21;
	v0 =	vmul.f32 v34, v0;
	v61 =	vld [tilespmem:$0x1FD10]  }
0x35d: {  	v33 =	vsub.f32 $1.500000000e+00, v33;
	v32 =	vmul.f32 v32, v36;
	v36 =	vadd.f32 v10, v20;
	v10 =	vld [tilespmem:$0x1FCD0]  }
0x35e: {  	v1 =	vadd.f32 v1, v20;
	v55 =	vbroadcast v55, $0x0;
	v0 =	vsub.f32 $1.500000000e+00, v0  }
0x35f: {  	v23 =	vadd.f32 v23, v21;
	v17 =	vmul.f32 v4, v17;
	v30 =	vmul.f32 v30, v33  }
0x360: {  	v33 =	vadd.f32 v41, v21;
	v8 =	vadd.f32 v50, v21;
	v0 =	vmul.f32 v34, v0;
	v62 =	vld [tilespmem:$0x1FCF0]  }
0x361: {  	v34 =	vadd.f32 v51, v20;
	v51 =	vadd.s32 v60, v55;
	v41 =	vadd.s32 v61, v55;
	v55 =	vld [tilespmem:$0x1FD20]  }
0x362: {  	v50 =	vadd.s32 v12, v40;
	v6 =	vadd.s32 v10, v39;
	v39 =	vbroadcast v54, $0x0;
	v54 =	vld [tilespmem:$0x1FD30];
	[tilespmem:v56+s22+$0x0] =	vst.idx.msk $0xffff, v5  }
0x363: {  	v9 =	vadd.f32 v9, v21;
	v14 =	vadd.f32 v14, v20;
	[tilespmem:v58+s22+$0x0] =	vst.idx.msk $0xffff, v1  }
0x364: {  	v17 =	vmul.f32 v17, v4;
	v16 =	vmul.f32 v29, v16;
	[tilespmem:v57+s22+$0x0] =	vst.idx.msk $0xffff, v31  }
0x365: {  	v22 =	vadd.f32 v22, v21;
	v40 =	vadd.s32 v62, v40;
	[tilespmem:v53+s22+$0x0] =	vst.idx.msk $0xffff, v14  }
0x366: {  	v17 =	vsub.f32 $1.500000000e+00, v17;
	v24 =	vmul.f32 v26, v24;
	v16 =	vmul.f32 v16, v29;
	[tilespmem:v59+s22+$0x0] =	vst.idx.msk $0xffff, v33  }
0x367: {  	v35 =	vadd.f32 v46, v21;
	v46 =	vadd.f32 v52, v20;
	[tilespmem:v50+s22+$0x0] =	vst.idx.msk $0xffff, v36  }
0x368: {  	v3 =	vmul.f32 v0, v3;
	[tilespmem:v51+s22+$0x0] =	vst.idx.msk $0xffff, v34;
	v52 =	vadd.s32 v55, v39  }
0x369: {  	v4 =	vmul.f32 v17, v4;
	[tilespmem:v63+s22+$0x0] =	vst.idx.msk $0xffff, v22;
	v39 =	vadd.s32 v54, v39  }
0x36a: {  	v16 =	vsub.f32 $1.500000000e+00, v16;
	v27 =	vmul.f32 v2, v27;
	v3 =	vmul.f32 v3, v0;
	[tilespmem:v40+s22+$0x0] =	vst.idx.msk $0xffff, v23  }
0x36b: {  	v24 =	vmul.f32 v24, v26;
	v28 =	vmul.f32 v32, v28;
	[tilespmem:v41+s22+$0x0] =	vst.idx.msk $0xffff, v8  }
0x36c: {  	v16 =	vmul.f32 v16, v29;
	v27 =	vmul.f32 v27, v2;
	v3 =	vsub.f32 $1.500000000e+00, v3;
	[tilespmem:v6+s22+$0x0] =	vst.idx.msk $0xffff, v35  }
0x36d: {  	v25 =	vmul.f32 v30, v25;
	v28 =	vmul.f32 v28, v32;
	[tilespmem:v52+s22+$0x0] =	vst.idx.msk $0xffff, v46  }
0x36e: {  	v0 =	vmul.f32 v3, v0;
	v8 =	vsub.f32 $1.500000000e+00, v24;
	v24 =	vsub.f32 $1.500000000e+00, v27;
	[tilespmem:v39+s22+$0x0] =	vst.idx.msk $0xffff, v9  }
0x36f: {  	v3 =	vmul.f32 v16, v37;
	v5 =	vshll.u32 v42, v19;
	v42 =	vshrl.u32 v43, $0x3;
	v34 =	vld [tilespmem:$0x1FEE0]  }
0x370: {  	v56 =	vshrl.u32 v44, $0x3;
	v5 =	vbroadcast v5, $0x0;
	v2 =	vmul.f32 v24, v2;
	v24 =	vld [tilespmem:$0x1FD60]  }
0x371: {  	v1 =	vshrl.u32 v45, $0x3;
	v23 =	vmul.f32 v25, v30;
	v8 =	vmul.f32 v8, v26;
	v26 =	vld [tilespmem:$0x1FD70]  }
0x372: {  	s20 =	sadd.s32 $0x4, s18;
	v42 =	vshll.u32 v42, v19;
	v56 =	vshll.u32 v56, v19;
	v1 =	vshll.u32 v1, v19;
	v27 =	vld [tilespmem:$0x1FD80]  }
0x373: {  	v59 =	vmov s20;
	v42 =	vbroadcast v42, $0x0;
	v23 =	vsub.f32 $1.500000000e+00, v23;
	v41 =	vld [tilespmem:$0x1FD90]  }
0x374: {  	v58 =	vbroadcast v56, $0x0;
	v6 =	vshrl.u32 v59, $0x3;
	v9 =	vsub.f32 $1.500000000e+00, v28;
	v44 =	vld [tilespmem:$0x1FDA0]  }
0x375: {  	s20 =	sadd.s32 $0x6, s18;
	v1 =	vbroadcast v1, $0x0;
	v6 =	vshll.u32 v6, v19;
	v14 =	vmul.f32 v23, v30;
	v46 =	vld [tilespmem:$0x1FAE0]  }
0x376: {  	v25 =	vmov s20;
	v6 =	vbroadcast v6, $0x0;
	v50 =	vld [tilespmem:$0x1FAF0];
	v9 =	vmul.f32 v9, v32  }
0x377: {  	v22 =	vshrl.u32 v25, $0x3;
	v51 =	vld [tilespmem:$0x1FDC0];
	v23 =	vmul.f32 v16, v34;
	v16 =	vmul.f32 v4, v34  }
0x378: {  	v35 =	vld [tilespmem:$0x1FB00];
	v4 =	vmul.f32 v4, v37;
	v24 =	vadd.s32 v24, v5;
	v25 =	vmul.f32 v8, v34  }
0x379: {  	v52 =	vld [tilespmem:$0x1FB10];
	v8 =	vmul.f32 v8, v37;
	v5 =	vadd.s32 v26, v5;
	v26 =	vmul.f32 v14, v34  }
0x37a: {  	v14 =	vmul.f32 v14, v37;
	v27 =	vadd.s32 v27, v42;
	v40 =	vmul.f32 v2, v34  }
0x37b: {  	v29 =	vadd.s32 v41, v42;
	v32 =	vadd.s32 v44, v58;
	v7 =	vmul.f32 v23, v7;
	v23 =	vld [tilespmem:$0x1FDB0]  }
0x37c: {  	v53 =	vld [tilespmem:$0x1FB20];
	v3 =	vmul.f32 v3, v46;
	v31 =	vadd.s32 v51, v1;
	v16 =	vmul.f32 v16, v50  }
0x37d: {  	v1 =	vadd.s32 v10, v1;
	v10 =	vadd.s32 v12, v6;
	v7 =	vadd.f32 v7, v20  }
0x37e: {  	v4 =	vmul.f32 v4, v35;
	v25 =	vmul.f32 v25, v52;
	v16 =	vadd.f32 v16, v20  }
0x37f: {  	v3 =	vadd.f32 v3, v21;
	v13 =	vmul.f32 v26, v13;
	[tilespmem:v24+s22+$0x0] =	vst.idx.msk $0xffff, v7  }
0x380: {  	v4 =	vadd.f32 v4, v21;
	[tilespmem:v27+s22+$0x0] =	vst.idx.msk $0xffff, v16;
	v23 =	vadd.s32 v23, v58  }
0x381: {  	v8 =	vmul.f32 v8, v53;
	v7 =	vadd.f32 v25, v20;
	[tilespmem:v5+s22+$0x0] =	vst.idx.msk $0xffff, v3  }
0x382: {  	v14 =	vmul.f32 v14, v38;
	v5 =	vadd.f32 v13, v20;
	[tilespmem:v29+s22+$0x0] =	vst.idx.msk $0xffff, v4  }
0x383: {  	s19 =	sadd.s32 $0x5, s18;
	v26 =	vmul.f32 v40, v48;
	v8 =	vadd.f32 v8, v21;
	[tilespmem:v32+s22+$0x0] =	vst.idx.msk $0xffff, v7  }
0x384: {  	v36 =	vmov s19;
	v43 =	vmul.f32 v9, v34;
	v7 =	vadd.f32 v14, v21;
	[tilespmem:v31+s22+$0x0] =	vst.idx.msk $0xffff, v5  }
0x385: {  	v17 =	vshrl.u32 v36, $0x3;
	v9 =	vmul.f32 v9, v37;
	[tilespmem:v23+s22+$0x0] =	vst.idx.msk $0xffff, v8;
	v8 =	vadd.f32 v26, v20  }
0x386: {  	v17 =	vshll.u32 v17, v19;
	v2 =	vmul.f32 v2, v37;
	[tilespmem:v1+s22+$0x0] =	vst.idx.msk $0xffff, v7  }
0x387: {  	v3 =	vmul.f32 v9, v15;
	v9 =	vbroadcast v17, $0x0;
	[tilespmem:v10+s22+$0x0] =	vst.idx.msk $0xffff, v8  }
0x388: {  	v22 =	vshll.u32 v22, v19;
	v6 =	vadd.s32 v62, v6;
	v8 =	vld [tilespmem:$0x1FB30]  }
0x389: {  	v2 =	vmul.f32 v2, v49;
	v13 =	vbroadcast v22, $0x0;
	v14 =	vadd.s32 v60, v9  }
0x38a: {  	v45 =	vmul.f32 v0, v34;
	v11 =	vmul.f32 v43, v11;
	v9 =	vadd.s32 v61, v9  }
0x38b: {  	v0 =	vmul.f32 v0, v37;
	v2 =	vadd.f32 v2, v21;
	v5 =	vadd.s32 v55, v13  }
0x38c: {  	v4 =	vmul.f32 v45, v47;
	v1 =	vadd.f32 v11, v20;
	v7 =	vadd.s32 v54, v13  }
0x38d: {  	v3 =	vadd.f32 v3, v21;
	[tilespmem:v6+s22+$0x0] =	vst.idx.msk $0xffff, v2;
	v0 =	vmul.f32 v0, v8  }
0x38e: {  	p0 =	seq.s32 s30, $0x31;
	v2 =	vadd.f32 v4, v20;
	[tilespmem:v14+s22+$0x0] =	vst.idx.msk $0xffff, v1  }
0x38f: {  	s7 =	sshll.u32 @!p0 s30, $0x9;
	[tilespmem:v9+s22+$0x0] =	vst.idx.msk $0xffff, v3;
	v0 =	vadd.f32 v0, v21  }
0x390: {  	s18 =	sand.u32 @!p0 $0x3FFFFE00, s7;
	[tilespmem:v5+s22+$0x0] =	vst.idx.msk $0xffff, v2  }
0x391: {  	s19 =	simm.s32 @!p0 $0x80;
	s7 =	sadd.s32 @!p0 $0x200, s18;
	s20 =	simm.s32 @!p0 $0x6400;
	[tilespmem:v7+s22+$0x0] =	vst.idx.msk $0xffff, v0  }
0x392: {  	[tilespmem:s20], [sflag:$0x1] =	stream.indirect.gather @!p0 [hbm4b:s6+s19], $0x20, s7, s19, $0xb8;
	[tilespmem:$0x1B440] =	vst v63  }
0x393: {  	_ =	swait.ge [sflag:s25], $0x1000  }
0x394: {  	[sflag:s25] =	ssyncset.done $0x0  }
0x395: {  	s19 =	simm.s32 $0x84F0;
	[sflag:s25] =	ssyncadd.s32 $0xFFFFF000  }
0x396: {  	v9 =	vld [tilespmem:s19+$0xFFFFFFF0]  }
0x397: {  	v8 =	vld [tilespmem:s19+$0x0];
	_ =	sdelay $0x3  }
0x398: {  	v1 =	vld [tilespmem:$0x1FDD0]  }
0x399: {  	s17 =	sor.u32 $0x2, s17;
	v2 =	vadd.f32 v8, v9;
	v3 =	vmul.f32 v9, v9;
	v4 =	vmul.f32 v8, v8  }
0x39a: {  	v0 =	vmov s17  }
0x39b: {  	v0 =	vmul.u32 $0x440, v0;
	(xrf2) =	vadd.scan.msk.f32 $0xffff, v2;
	v2 =	vadd.f32 v4, v3;
	v3 =	vld [tilespmem:$0x1FF00];
	_ =	sdelay $0x1  }
0x39c: {  	v0 =	vadd.s32 v1, v0  }
0x39d: {  	v0 =	vbroadcast v0, $0x0  }
0x39e: {  	(xrf2) =	vadd.scan.msk.f32 $0xffff, v2;
	v2 =	vld [tilespmem:$0x1FF60]  }
0x39f: {  	v31 =	vadd.s32 v3, v0;
	v3 =	vld [tilespmem:$0x1FF10];
	_ =	sdelay $0x2  }
0x3a0: {  	v5 =	vld [tilespmem:s19+$0xFFFFFF40]  }
0x3a1: {  	v25 =	vadd.s32 v2, v0;
	v2 =	vld [tilespmem:$0x1FF70]  }
0x3a2: {  	v30 =	vadd.s32 v3, v0;
	v3 =	vld [tilespmem:$0x1FF20]  }
0x3a3: {  	v6 =	vld [tilespmem:s19+$0xFFFFFF50]  }
0x3a4: {  	v10 =	vld [tilespmem:s19+$0xFFFFFF20]  }
0x3a5: {  	v1 =	vld [tilespmem:s19+$0xFFFFFF30]  }
0x3a6: {  	v4 =	vld [tilespmem:s19+$0xFFFFFF60]  }
0x3a7: {  	v2 =	vadd.s32 v2, v0;
	v29 =	vadd.s32 v3, v0;
	v3 =	vld [tilespmem:$0x1FF30]  }
0x3a8: {  	[tilespmem:$0x1FB40] =	vst v2;
	v2 =	vld [tilespmem:$0x1FF80];
	_ =	sdelay $0x3  }
0x3a9: {  	v28 =	vadd.s32 v3, v0;
	v3 =	vld [tilespmem:$0x1FF40]  }
0x3aa: {  	v2 =	vadd.s32 v2, v0  }
0x3ab: {  	[tilespmem:$0x1FB50] =	vst v2;
	v2 =	vld [tilespmem:$0x1FF90];
	_ =	sdelay $0x2  }
0x3ac: {  	v27 =	vadd.s32 v3, v0;
	v3 =	vld [tilespmem:$0x1FF50];
	_ =	sdelay $0x1  }
0x3ad: {  	v11 =	vld [tilespmem:s19+$0xFFFFFF70];
	v2 =	vadd.s32 v2, v0  }
0x3ae: {  	[tilespmem:$0x1FB60] =	vst v2;
	v2 =	vld [tilespmem:$0x1FFA0];
	_ =	sdelay $0x1  }
0x3af: {  	v26 =	vadd.s32 v3, v0;
	v3 =	vld [tilespmem:$0x1FFB0];
	_ =	sdelay $0x2  }
0x3b0: {  	v2 =	vadd.s32 v2, v0  }
0x3b1: {  	[tilespmem:$0x1FB70] =	vst v2  }
0x3b2: {  	v12 =	vld [tilespmem:s19+$0xFFFFFF80];
	v3 =	vadd.s32 v3, v0  }
0x3b3: {  	[tilespmem:$0x1FB80] =	vst v3;
	v3 =	vld [tilespmem:$0x1FFC0];
	_ =	sdelay $0x4  }
0x3b4: {  	v3 =	vadd.s32 v3, v0  }
0x3b5: {  	[tilespmem:$0x1FB90] =	vst v3;
	v3 =	vld [tilespmem:$0x1FFD0];
	_ =	sdelay $0x4  }
0x3b6: {  	v3 =	vadd.s32 v3, v0  }
0x3b7: {  	[tilespmem:$0x1FBA0] =	vst v3;
	v3 =	vld [tilespmem:$0x1FFE0];
	_ =	sdelay $0x2  }
0x3b8: {  	v2 =	vadd.f32 v5, v1  }
0x3b9: {  	s20 =	simm.s32 $0x0  }
0x3ba: {  	(xrf2) =	vadd.scan.msk.f32 $0xffff, v2;
	v2 =	vmov s20;
	v33 =	vadd.s32 v3, v0;
	v3 =	vld [tilespmem:$0x1FFF0]  }
0x3bb: {  	v16 =	vshrl.u32 v2, $0x3;
	v2 =	vmul.f32 v6, v6;
	_ =	sdelay $0x1  }
0x3bc: {  	v17 =	vmul.f32 v4, v4;
	v14 =	vld [tilespmem:s19+$0xFFFFFF10];
	_ =	sdelay $0x1  }
0x3bd: {  	v17 =	vadd.f32 v17, v2;
	v2, _, _ =	vpop (xrf2);
	v13 =	vld [tilespmem:s19+$0xFFFFFF90];
	v32 =	vadd.s32 v3, v0;
	v0 =	vadd.f32 v4, v6  }
0x3be: {  	v7 =	vmul.f32 v5, v5;
	v2 =	vperm.xlane v2, v18;
	v15 =	vld [tilespmem:s19+$0xFFFFFFA0]  }
0x3bf: {  	v24 =	vmul.f32 v10, v10;
	s20 =	simm.s32 $0x2;
	v22 =	vld [tilespmem:s19+$0xFFFFFFB0];
	v3 =	vmul.f32 v1, v1;
	(xrf2) =	vadd.scan.msk.f32 $0xffff, v0  }
0x3c0: {  	v23 =	vmov s20;
	v52 =	vmul.f32 $3.125000000e-02, v2;
	v39 =	vld [tilespmem:s19+$0xFFFFFFC0];
	v57 =	vadd.f32 v10, v14  }
0x3c1: {  	v56 =	vmul.f32 v12, v12;
	v42 =	vld [tilespmem:s19+$0xFFFFFFD0];
	v40 =	vadd.f32 v7, v3;
	v3 =	vmul.f32 v11, v11  }
0x3c2: {  	v16 =	vshll.u32 v16, v19;
	v58 =	vadd.f32 v12, v11;
	v61, _, _ =	vpop (xrf2);
	v35 =	vmul.f32 v52, v52;
	(xrf2) =	vadd.scan.msk.f32 $0xffff, v57  }
0x3c3: {  	v59 =	vmul.f32 v13, v13;
	v50 =	vadd.f32 v56, v3;
	v3 =	vperm.xlane v61, v18  }
0x3c4: {  	v60 =	vmul.f32 v15, v15;
	v2 =	vadd.f32 v15, v13;
	v62 =	vmul.f32 v22, v22  }
0x3c5: {  	s20 =	simm.s32 $0x3;
	v63 =	vmul.f32 v39, v39;
	v36 =	vadd.f32 v39, v22;
	(xrf2) =	vadd.scan.msk.f32 $0xffff, v58;
	v3 =	vmul.f32 $3.125000000e-02, v3  }
0x3c6: {  	s17 =	simm.s32 $0x1;
	v55, _, _ =	vpop (xrf2);
	v38 =	vmul.f32 v42, v42;
	v45 =	vadd.f32 v60, v59;
	v60 =	vmov s20;
	v7 =	vld [tilespmem:s19+$0xFFFFFFE0]  }
0x3c7: {  	v0 =	vmov s17;
	v56 =	vperm.xlane v55, v18;
	v3 =	vsub.f32 v3, v35  }
0x3c8: {  	v43 =	vadd.f32 v63, v62;
	v63 =	vshrl.u32 v60, $0x3;
	v62 =	vshrl.u32 v0, $0x3;
	(xrf2) =	vadd.scan.msk.f32 $0xffff, v2  }
0x3c9: {  	s17 =	simm.s32 $0x4;
	v58 =	vmul.f32 v14, v14;
	v41 =	vmul.f32 $3.125000000e-02, v56;
	v3 =	vmax.f32 v3, $0.0e+00;
	v59, _, _ =	vpop (xrf2)  }
0x3ca: {  	v61 =	vmov s17;
	v2 =	vadd.f32 $9.999999960e-13, v3;
	(xrf2) =	vadd.scan.msk.f32 $0xffff, v36;
	v48 =	vperm.xlane v59, v18  }
0x3cb: {  	v54 =	vmul.f32 v7, v7;
	v57 =	vadd.f32 v7, v42;
	v36 =	vsub.f32 v5, v41  }
0x3cc: {  	v3 =	vshrl.u32 v2, $0x1;
	v51 =	vmul.f32 $5.000000000e-01, v2;
	v5, _, _ =	vpop (xrf2);
	v48 =	vmul.f32 $3.125000000e-02, v48  }
0x3cd: {  	v35 =	vsub.f32 v1, v41;
	v47 =	vsub.s32 $0x5F3759DF, v3;
	v5 =	vperm.xlane v5, v18  }
0x3ce: {  	v53 =	vadd.f32 v54, v38;
	v38 =	vsub.f32 v6, v48;
	v6 =	vmul.f32 v47, v51  }
0x3cf: {  	v54 =	vmul.f32 v41, v41;
	(xrf2) =	vadd.scan.msk.f32 $0xffff, v57;
	v5 =	vmul.f32 $3.125000000e-02, v5;
	v41 =	vsub.f32 v4, v48;
	v4, _, _ =	vpop (xrf2)  }
0x3d0: {  	v24 =	vadd.f32 v24, v58;
	v0 =	vmul.f32 v47, v6;
	v6 =	vperm.xlane v4, v18  }
0x3d1: {  	v60 =	vshrl.u32 v61, $0x3;
	v61 =	vmul.f32 v5, v5;
	v4 =	vsub.f32 v14, v5  }
0x3d2: {  	(xrf2) =	vadd.scan.msk.f32 $0xffff, v24;
	v5 =	vsub.f32 v10, v5;
	v10, _, _ =	vpop (xrf2);
	v14 =	vsub.f32 $1.500000000e+00, v0;
	v6 =	vmul.f32 $3.125000000e-02, v6  }
0x3d3: {  	v23 =	vshrl.u32 v23, $0x3;
	v9 =	vsub.f32 v9, v52;
	v10 =	vperm.xlane v10, v18  }
0x3d4: {  	v55 =	vmul.f32 v48, v48;
	(xrf2) =	vadd.scan.msk.f32 $0xffff, v40;
	v14 =	vmul.f32 v47, v14;
	v46 =	vsub.f32 v12, v6;
	v12, _, _ =	vpop (xrf2)  }
0x3d5: {  	v40 =	vshll.u32 v60, v19;
	v10 =	vmul.f32 $3.125000000e-02, v10;
	v12 =	vperm.xlane v12, v18  }
0x3d6: {  	v24 =	vmul.f32 v6, v6;
	v47 =	vsub.f32 v11, v6;
	v6 =	vmul.f32 v14, v51  }
0x3d7: {  	s19 =	simm.s32 $0x7;
	v0 =	vbroadcast v16, $0x0;
	v16 =	vshll.u32 v62, v19;
	(xrf2) =	vadd.scan.msk.f32 $0xffff, v17;
	v48 =	vsub.f32 v13, v10  }
0x3d8: {  	v49 =	vsub.f32 v15, v10;
	v15 =	vmov s19;
	v13 =	vmul.f32 v6, v14  }
0x3d9: {  	v62 =	vmul.f32 v10, v10;
	v15 =	vshrl.u32 v15, $0x3;
	v10 =	vmul.f32 $3.125000000e-02, v12;
	v12, _, _ =	vpop (xrf2)  }
0x3da: {  	v40 =	vbroadcast v40, $0x0;
	v12 =	vperm.xlane v12, v18;
	v13 =	vsub.f32 $1.500000000e+00, v13  }
0x3db: {  	v17 =	vshll.u32 v63, v19;
	v6 =	vbroadcast v16, $0x0;
	(xrf2) =	vadd.scan.msk.f32 $0xffff, v50;
	v16 =	vmul.f32 v10, v10  }
0x3dc: {  	v12 =	vmul.f32 $3.125000000e-02, v12;
	v13 =	vmul.f32 v13, v14;
	v14 =	vshll.u32 v15, v19;
	v15, _, _ =	vpop (xrf2)  }
0x3dd: {  	v50 =	vsub.f32 v39, v10;
	v39 =	vbroadcast v17, $0x0;
	(xrf2) =	vadd.scan.msk.f32 $0xffff, v45;
	v15 =	vperm.xlane v15, v18  }
0x3de: {  	v51 =	vsub.f32 v22, v10;
	v14 =	vbroadcast v14, $0x0;
	v10, _, _ =	vpop (xrf2);
	v22 =	vmul.f32 v12, v12  }
0x3df: {  	[tilespmem:$0x1FBB0] =	vst v33;
	v11 =	vshll.u32 v23, v19;
	v23 =	vperm.xlane v10, v18;
	v63 =	vmul.f32 v13, v34  }
0x3e0: {  	(xrf2) =	vadd.scan.msk.f32 $0xffff, v43;
	v13 =	vmul.f32 v13, v37;
	v10 =	vadd.s32 v33, v14;
	v15 =	vmul.f32 $3.125000000e-02, v15  }
0x3e1: {  	v33 =	vsub.f32 v8, v52;
	v8, _, _ =	vpop (xrf2);
	v52 =	vsub.f32 v42, v12;
	(xrf2) =	vadd.scan.msk.f32 $0xffff, v53;
	v23 =	vmul.f32 $3.125000000e-02, v23  }
0x3e2: {  	v9 =	vmul.f32 v63, v9;
	v45 =	vperm.xlane v8, v18;
	v15 =	vsub.f32 v15, v61  }
0x3e3: {  	v8 =	vadd.s32 v32, v14;
	v13 =	vmul.f32 v13, v33;
	v14 =	vsub.f32 v23, v54  }
0x3e4: {  	v53 =	vmul.f32 $3.125000000e-02, v45;
	v9 =	vadd.f32 v9, v20;
	v15 =	vmax.f32 v15, $0.0e+00  }
0x3e5: {  	v13 =	vadd.f32 v13, v21;
	v23, _, _ =	vpop (xrf2);
	v15 =	vadd.f32 $9.999999960e-13, v15;
	v14 =	vmax.f32 v14, $0.0e+00  }
0x3e6: {  	v54 =	vperm.xlane v23, v18;
	v23 =	vbroadcast v11, $0x0;
	v11 =	vadd.f32 $9.999999960e-13, v14  }
0x3e7: {  	v14 =	vsub.f32 v53, v55;
	v17 =	vshrl.u32 v15, $0x1;
	v57, _, _ =	vpop (xrf2);
	v15 =	vmul.f32 $5.000000000e-01, v15  }
0x3e8: {  	v56 =	vmul.f32 $3.125000000e-02, v54;
	v58 =	vshrl.u32 v11, $0x1;
	v43 =	vperm.xlane v57, v18  }
0x3e9: {  	v14 =	vmax.f32 v14, $0.0e+00;
	v11 =	vmul.f32 $5.000000000e-01, v11;
	v17 =	vsub.s32 $0x5F3759DF, v17  }
0x3ea: {  	v60, _, _ =	vpop (xrf2);
	v14 =	vadd.f32 $9.999999960e-13, v14;
	v45 =	vsub.s32 $0x5F3759DF, v58;
	v61 =	vmul.f32 v17, v15  }
0x3eb: {  	v24 =	vsub.f32 v56, v24;
	v59 =	vmul.f32 $3.125000000e-02, v43;
	v43 =	vperm.xlane v60, v18;
	v53, _, _ =	vpop (xrf2)  }
0x3ec: {  	s17 =	simm.s32 $0x8;
	v54 =	vmul.f32 $5.000000000e-01, v14;
	v14 =	vshrl.u32 v14, $0x1;
	v53 =	vperm.xlane v53, v18  }
0x3ed: {  	v44 =	vmul.f32 v17, v61;
	v61 =	vmov s17;
	v24 =	vmax.f32 v24, $0.0e+00  }
0x3ee: {  	v42 =	vsub.f32 v59, v62;
	v43 =	vmul.f32 $3.125000000e-02, v43;
	v14 =	vsub.s32 $0x5F3759DF, v14  }
0x3ef: {  	v59 =	vadd.s32 v26, v23;
	v24 =	vadd.f32 $9.999999960e-13, v24;
	v53 =	vmul.f32 $3.125000000e-02, v53  }
0x3f0: {  	v56 =	vmul.f32 v14, v54;
	v44 =	vsub.f32 $1.500000000e+00, v44;
	v42 =	vmax.f32 v42, $0.0e+00  }
0x3f1: {  	v16 =	vsub.f32 v43, v16;
	v43 =	vmul.f32 v45, v11;
	v62 =	vshrl.u32 v24, $0x1  }
0x3f2: {  	v42 =	vadd.f32 $9.999999960e-13, v42;
	v24 =	vmul.f32 $5.000000000e-01, v24;
	v22 =	vsub.f32 v53, v22  }
0x3f3: {  	v53 =	vsub.f32 v7, v12;
	v12 =	vmul.f32 v17, v44;
	v55 =	vsub.s32 $0x5F3759DF, v62  }
0x3f4: {  	v16 =	vmax.f32 v16, $0.0e+00;
	v43 =	vmul.f32 v45, v43;
	v62 =	vmul.f32 v14, v56  }
0x3f5: {  	v63 =	vshrl.u32 v42, $0x1;
	v57 =	vmul.f32 $5.000000000e-01, v42;
	v16 =	vadd.f32 $9.999999960e-13, v16  }
0x3f6: {  	v58 =	vmul.f32 v55, v24;
	v22 =	vmax.f32 v22, $0.0e+00;
	v15 =	vmul.f32 v12, v15  }
0x3f7: {  	v42 =	vsub.s32 $0x5F3759DF, v63;
	v22 =	vadd.f32 $9.999999960e-13, v22;
	v43 =	vsub.f32 $1.500000000e+00, v43  }
0x3f8: {  	[tilespmem:$0x1FBC0] =	vst v32;
	v32 =	vshrl.u32 v16, $0x1;
	v16 =	vmul.f32 $5.000000000e-01, v16;
	v33 =	vmul.f32 v42, v57  }
0x3f9: {  	v44 =	vsub.f32 $1.500000000e+00, v62;
	v63 =	vmul.f32 v55, v58;
	v15 =	vmul.f32 v15, v12  }
0x3fa: {  	s19 =	simm.s32 $0xA;
	v60 =	vsub.s32 $0x5F3759DF, v32;
	v17 =	vshrl.u32 v22, $0x1;
	v22 =	vmul.f32 $5.000000000e-01, v22  }
0x3fb: {  	v58 =	vmul.f32 v45, v43;
	v14 =	vmul.f32 v14, v44;
	v44 =	vmov s19  }
0x3fc: {  	v7 =	vmul.f32 v60, v16;
	v17 =	vsub.s32 $0x5F3759DF, v17;
	v33 =	vmul.f32 v42, v33  }
0x3fd: {  	s19 =	simm.s32 $0x5;
	v56 =	vsub.f32 $1.500000000e+00, v63;
	v15 =	vsub.f32 $1.500000000e+00, v15;
	v32 =	vmul.f32 v17, v22  }
0x3fe: {  	v63 =	vmov s19;
	v11 =	vmul.f32 v58, v11;
	v54 =	vmul.f32 v14, v54  }
0x3ff: {  	[tilespmem:v10+s22+$0x0] =	vst.idx.msk $0xffff, v9;
	v9 =	vshrl.u32 v63, $0x3;
	v7 =	vmul.f32 v60, v7;
	v55 =	vmul.f32 v55, v56  }
0x400: {  	v45 =	vsub.f32 $1.500000000e+00, v33;
	v12 =	vmul.f32 v15, v12;
	v43 =	vmul.f32 v17, v32  }
0x401: {  	v11 =	vmul.f32 v11, v58;
	v54 =	vmul.f32 v54, v14;
	v7 =	vsub.f32 $1.500000000e+00, v7  }
0x402: {  	v62 =	vmul.f32 v42, v45;
	v42 =	vshrl.u32 v61, $0x3;
	v24 =	vmul.f32 v55, v24  }
0x403: {  	v10 =	vmul.f32 v12, v34;
	v61 =	vadd.s32 v30, v0;
	v43 =	vsub.f32 $1.500000000e+00, v43  }
0x404: {  	v11 =	vsub.f32 $1.500000000e+00, v11;
	v7 =	vmul.f32 v60, v7;
	v57 =	vmul.f32 v62, v57  }
0x405: {  	v54 =	vsub.f32 $1.500000000e+00, v54;
	v24 =	vmul.f32 v24, v55;
	v2 =	vmul.f32 v10, v4  }
0x406: {  	s20 =	simm.s32 $0x9;
	v60 =	vadd.s32 v29, v6;
	v17 =	vmul.f32 v17, v43;
	v11 =	vmul.f32 v11, v58  }
0x407: {  	v43 =	vmov s20;
	v14 =	vmul.f32 v54, v14;
	v16 =	vmul.f32 v7, v16  }
0x408: {  	v58 =	vadd.s32 v27, v23;
	v57 =	vmul.f32 v57, v62;
	v22 =	vmul.f32 v17, v22  }
0x409: {  	s20 =	simm.s32 $0xB;
	v24 =	vsub.f32 $1.500000000e+00, v24;
	v33 =	vmul.f32 v11, v34;
	v1 =	vmul.f32 v11, v37  }
0x40a: {  	v45 =	vmov s20;
	v3 =	vmul.f32 v14, v34;
	v16 =	vmul.f32 v16, v7  }
0x40b: {  	v57 =	vsub.f32 $1.500000000e+00, v57;
	v32 =	vmul.f32 v24, v55;
	v22 =	vmul.f32 v22, v17  }
0x40c: {  	[tilespmem:v8+s22+$0x0] =	vst.idx.msk $0xffff, v13;
	v55 =	vshll.u32 v9, v19;
	v9 =	vmul.f32 v14, v37;
	v16 =	vsub.f32 $1.500000000e+00, v16  }
0x40d: {  	[tilespmem:$0x1FBD0] =	vst v31;
	v56 =	vmul.f32 v57, v62;
	v24 =	vmul.f32 v32, v34;
	v22 =	vsub.f32 $1.500000000e+00, v22  }
0x40e: {  	[tilespmem:$0x1FBE0] =	vst v30;
	s20 =	simm.s32 $0x6;
	v2 =	vadd.f32 v2, v20;
	v14 =	vmul.f32 v32, v37;
	v7 =	vmul.f32 v16, v7  }
0x40f: {  	[tilespmem:$0x1FBF0] =	vst v29;
	v15 =	vmov s20;
	v13 =	vmul.f32 v56, v37;
	v16 =	vmul.f32 v22, v17  }
0x410: {  	[tilespmem:$0x1FC00] =	vst v28;
	s19 =	simm.s32 $0x85F0;
	v62 =	vadd.s32 v31, v0;
	v17 =	vmul.f32 v12, v37;
	v22 =	vmul.f32 v56, v34  }
0x411: {  	v0 =	vld [tilespmem:s19+$0xFFFFFFF0];
	[tilespmem:$0x1FC10] =	vst v27;
	v56 =	vadd.s32 v28, v6;
	v6 =	vmul.f32 v33, v35;
	v12 =	vmul.f32 v7, v34  }
0x412: {  	v8 =	vshrl.u32 v15, $0x3;
	v63 =	vld [tilespmem:s19+$0x0];
	[tilespmem:$0x1FC20] =	vst v26;
	v11 =	vmul.f32 v7, v37;
	v15 =	vmul.f32 v16, v34  }
0x413: {  	v54 =	vshll.u32 v8, v19;
	v4 =	vld [tilespmem:s19+$0xFFFFFF20];
	[tilespmem:$0x1FC30] =	vst v25;
	v8 =	vmul.f32 v17, v5;
	v10 =	vmul.f32 v16, v37  }
0x414: {  	s20 =	simm.s32 $0x10;
	v57 =	vadd.s32 v25, v39;
	v7 =	vld [tilespmem:s19+$0xFFFFFF30];
	v5 =	vmul.f32 v1, v36;
	v1 =	vmul.f32 v3, v38  }
.LBB2_7:
0x415: {  	v23 =	vld [tilespmem:s19+$0xFFFFFF40]  }
0x416: {  	v3 =	vld [tilespmem:s19+$0xFFFFFF50]  }
0x417: {  	v33 =	vld [tilespmem:s19+$0xFFFFFF10];
	v16 =	vadd.f32 v8, v21;
	v8 =	vmul.f32 v9, v41  }
0x418: {  	v17 =	vmul.f32 v24, v47;
	v46 =	vmul.f32 v14, v46;
	v41 =	vld [tilespmem:s19+$0xFFFFFF60]  }
0x419: {  	v24 =	vadd.f32 v6, v20;
	v47 =	vmul.f32 v22, v48;
	v51 =	vmul.f32 v12, v51;
	v14 =	vld [tilespmem:s19+$0xFFFFFF70]  }
0x41a: {  	v22 =	vld [tilespmem:s19+$0xFFFFFF80];
	v6 =	vadd.f32 v63, v0;
	v9 =	vmul.f32 v0, v0;
	v12 =	vmul.f32 v63, v63  }
0x41b: {  	v25 =	vmul.f32 v13, v49;
	v13 =	vld [tilespmem:s19+$0xFFFFFF90]  }
0x41c: {  	v29 =	vmul.f32 v11, v50;
	v11 =	vld [tilespmem:s19+$0xFFFFFFB0];
	v31 =	vmul.f32 v15, v52;
	(xrf2) =	vadd.scan.msk.f32 $0xffff, v6;
	v9 =	vadd.f32 v12, v9  }
0x41d: {  	v1 =	vadd.f32 v1, v20;
	v35 =	vmul.f32 v7, v7;
	v6 =	vmul.f32 v23, v23;
	v12 =	vld [tilespmem:s19+$0xFFFFFFA0]  }
0x41e: {  	[tilespmem:v62+s22+$0x0] =	vst.idx.msk $0xffff, v2;
	v28 =	vadd.f32 v8, v21;
	v8 =	vld [tilespmem:s19+$0xFFFFFFD0];
	v27 =	vadd.f32 v23, v7;
	(xrf2) =	vadd.scan.msk.f32 $0xffff, v9  }
0x41f: {  	v36 =	vmul.f32 v3, v3;
	v48 =	vadd.f32 v6, v35;
	v6 =	vmul.f32 v41, v41;
	v9 =	vld [tilespmem:s19+$0xFFFFFFC0]  }
0x420: {  	[tilespmem:v61+s22+$0x0] =	vst.idx.msk $0xffff, v16;
	v30 =	vadd.f32 v41, v3;
	v37 =	vmul.f32 v14, v14  }
0x421: {  	v15 =	vmul.f32 v22, v22;
	v38 =	vmul.f32 v13, v13;
	(xrf2) =	vadd.scan.msk.f32 $0xffff, v27;
	v49 =	vadd.f32 v6, v36;
	v6 =	vld [tilespmem:s19+$0xFFFFFFE0]  }
0x422: {  	v27 =	vadd.f32 v46, v21;
	v46 =	vmul.f32 v10, v53;
	v10 =	vmul.f32 v12, v12  }
0x423: {  	v16 =	vld [tilespmem:$0x1FB40];
	[tilespmem:v58+s22+$0x0] =	vst.idx.msk $0xffff, v1;
	v50 =	vadd.f32 v15, v37;
	v15 =	vmul.f32 v11, v11  }
0x424: {  	v1 =	vld [tilespmem:$0x1FB70];
	(xrf2) =	vadd.scan.msk.f32 $0xffff, v30;
	v30 =	vmul.f32 v8, v8;
	v52 =	vadd.f32 v10, v38;
	v10 =	vmul.f32 v9, v9  }
0x425: {  	v5 =	vadd.f32 v5, v21;
	[tilespmem:v60+s22+$0x0] =	vst.idx.msk $0xffff, v24;
	v60 =	vld [tilespmem:$0x1FB80]  }
0x426: {  	v26 =	vmul.f32 v4, v4;
	v15 =	vadd.f32 v10, v15;
	v10 =	vmul.f32 v6, v6;
	v53, _, _ =	vpop (xrf2)  }
0x427: {  	v2 =	vbroadcast v55, $0x0;
	[tilespmem:v56+s22+$0x0] =	vst.idx.msk $0xffff, v5;
	v32 =	vadd.f32 v22, v14;
	v53 =	vperm.xlane v53, v18  }
0x428: {  	v24 =	vld [tilespmem:$0x1FB50];
	v37 =	vadd.f32 v4, v33;
	v16 =	vadd.s32 v16, v39;
	v10 =	vadd.f32 v10, v30;
	v30, _, _ =	vpop (xrf2)  }
0x429: {  	v5 =	vld [tilespmem:$0x1FB60];
	[tilespmem:v59+s22+$0x0] =	vst.idx.msk $0xffff, v28;
	v56 =	vadd.s32 v1, v2;
	v30 =	vperm.xlane v30, v18;
	v53 =	vmul.f32 $3.125000000e-02, v53  }
0x42a: {  	v28 =	vadd.s32 v60, v2;
	v38 =	vmul.f32 v33, v33;
	(xrf2) =	vadd.scan.msk.f32 $0xffff, v37;
	v37 =	vbroadcast v54, $0x0  }
0x42b: {  	v2 =	vld [tilespmem:$0x1FB90];
	v34 =	vadd.f32 v12, v13;
	v54, _, _ =	vpop (xrf2);
	v30 =	vmul.f32 $3.125000000e-02, v30;
	v62 =	vmul.f32 v53, v53  }
0x42c: {  	v26 =	vadd.f32 v26, v38;
	v38 =	vadd.f32 v46, v21;
	(xrf2) =	vadd.scan.msk.f32 $0xffff, v32;
	v46 =	vperm.xlane v54, v18  }
0x42d: {  	v17 =	vadd.f32 v17, v20;
	v24 =	vadd.s32 v24, v40;
	v30 =	vsub.f32 v30, v62  }
0x42e: {  	v47 =	vadd.f32 v47, v20;
	v5 =	vadd.s32 v5, v40;
	v58, _, _ =	vpop (xrf2);
	(xrf2) =	vadd.scan.msk.f32 $0xffff, v34;
	v1 =	vmul.f32 $3.125000000e-02, v46  }
0x42f: {  	v35 =	vadd.f32 v9, v11;
	v40 =	vperm.xlane v58, v18;
	v30 =	vmax.f32 v30, $0.0e+00  }
0x430: {  	s7 =	sadd.s32 $0x4, s17;
	[tilespmem:v57+s22+$0x0] =	vst.idx.msk $0xffff, v17;
	v61 =	vadd.s32 v2, v37;
	v2 =	vsub.f32 v7, v1;
	v7 =	vadd.f32 $9.999999960e-13, v30  }
0x431: {  	v55 =	vmov s7;
	v25 =	vadd.f32 v25, v21;
	[tilespmem:v16+s22+$0x0] =	vst.idx.msk $0xffff, v27;
	v16 =	vmul.f32 $3.125000000e-02, v40  }
0x432: {  	[tilespmem:v24+s22+$0x0] =	vst.idx.msk $0xffff, v47;
	(xrf2) =	vadd.scan.msk.f32 $0xffff, v35;
	v24 =	vshrl.u32 v7, $0x1;
	v7 =	vmul.f32 $5.000000000e-01, v7  }
0x433: {  	[tilespmem:v5+s22+$0x0] =	vst.idx.msk $0xffff, v25;
	v36 =	vadd.f32 v6, v8;
	v25 =	vmul.f32 v16, v16;
	v24 =	vsub.s32 $0x5F3759DF, v24  }
0x434: {  	v3 =	vsub.f32 v3, v16;
	v41 =	vsub.f32 v41, v16;
	v5, _, _ =	vpop (xrf2);
	v16 =	vmul.f32 v24, v7  }
0x435: {  	v51 =	vadd.f32 v51, v20;
	v31 =	vadd.f32 v31, v20;
	v62 =	vperm.xlane v5, v18  }
0x436: {  	v17 =	vmul.f32 v1, v1;
	v1 =	vsub.f32 v23, v1;
	v23 =	vld [tilespmem:$0x1FBA0];
	(xrf2) =	vadd.scan.msk.f32 $0xffff, v36;
	v5, _, _ =	vpop (xrf2);
	v16 =	vmul.f32 v24, v16  }
0x437: {  	v27 =	vshll.u32 v42, v19;
	v42 =	vperm.xlane v5, v18;
	v39 =	vmul.f32 $3.125000000e-02, v62  }
0x438: {  	[tilespmem:v56+s22+$0x0] =	vst.idx.msk $0xffff, v51;
	v56 =	vbroadcast v27, $0x0;
	(xrf2) =	vadd.scan.msk.f32 $0xffff, v26;
	v26, _, _ =	vpop (xrf2);
	v16 =	vsub.f32 $1.500000000e+00, v16  }
0x439: {  	v26 =	vperm.xlane v26, v18;
	v57 =	vsub.f32 v4, v39;
	v4 =	vmul.f32 $3.125000000e-02, v42  }
0x43a: {  	v32 =	vshrl.u32 v55, $0x3;
	v0 =	vsub.f32 v0, v53;
	v16 =	vmul.f32 v24, v16  }
0x43b: {  	v23 =	vadd.s32 v23, v37;
	(xrf2) =	vadd.scan.msk.f32 $0xffff, v48;
	v46 =	vsub.f32 v22, v4;
	v22 =	vmul.f32 $3.125000000e-02, v26  }
0x43c: {  	v47 =	vsub.f32 v14, v4;
	v24 =	vmul.f32 v4, v4;
	v4 =	vmul.f32 v16, v7;
	v7, _, _ =	vpop (xrf2);
	(xrf2) =	vadd.scan.msk.f32 $0xffff, v49  }
0x43d: {  	v37 =	vshrl.u32 v43, $0x3;
	v43 =	vshrl.u32 v45, $0x3;
	v45 =	vshll.u32 v32, v19  }
0x43e: {  	v48 =	vsub.f32 v13, v22;
	v7 =	vperm.xlane v7, v18;
	v13 =	vmul.f32 v4, v16  }
0x43f: {  	v32 =	vld [tilespmem:$0x1FEE0];
	v27 =	vshll.u32 v37, v19;
	v5 =	vsub.f32 v33, v39;
	v58 =	vmul.f32 v22, v22  }
0x440: {  	s7 =	sadd.s32 $0x7, s17;
	v49 =	vsub.f32 v12, v22;
	v12, _, _ =	vpop (xrf2);
	v7 =	vmul.f32 $3.125000000e-02, v7;
	v13 =	vsub.f32 $1.500000000e+00, v13  }
0x441: {  	v22 =	vmov s7;
	v4 =	vbroadcast v27, $0x0;
	v12 =	vperm.xlane v12, v18  }
0x442: {  	v51 =	vsub.f32 v11, v7;
	v11 =	vshrl.u32 v22, $0x3;
	v13 =	vmul.f32 v13, v16  }
0x443: {  	v33 =	vld [tilespmem:$0x1FEF0];
	v12 =	vmul.f32 $3.125000000e-02, v12;
	v27 =	vmul.f32 v7, v7;
	v11 =	vshll.u32 v11, v19  }
0x444: {  	(xrf2) =	vadd.scan.msk.f32 $0xffff, v50;
	v50 =	vsub.f32 v9, v7;
	v16, _, _ =	vpop (xrf2);
	v7 =	vbroadcast v11, $0x0;
	v11 =	vmul.f32 v13, v32  }
0x445: {  	v59 =	vsub.f32 v63, v53;
	v22 =	vld [tilespmem:$0x1FBB0];
	v60, _, _ =	vpop (xrf2)  }
0x446: {  	[tilespmem:v61+s22+$0x0] =	vst.idx.msk $0xffff, v31;
	v53 =	vsub.f32 v6, v12;
	v0 =	vmul.f32 v11, v0;
	v11 =	vld [tilespmem:$0x1FBC0];
	v6, _, _ =	vpop (xrf2)  }
0x447: {  	v9 =	vmul.f32 v12, v12;
	(xrf2) =	vadd.scan.msk.f32 $0xffff, v52;
	v52 =	vsub.f32 v8, v12;
	v12 =	vperm.xlane v6, v18  }
0x448: {  	[tilespmem:v23+s22+$0x0] =	vst.idx.msk $0xffff, v38;
	v23 =	vmul.f32 v39, v39;
	(xrf2) =	vadd.scan.msk.f32 $0xffff, v15;
	v13 =	vmul.f32 v13, v33  }
0x449: {  	v40 =	vshrl.u32 v44, $0x3;
	v16 =	vperm.xlane v16, v18;
	(xrf2) =	vadd.scan.msk.f32 $0xffff, v10;
	v10 =	vmul.f32 $3.125000000e-02, v12  }
0x44a: {  	v31 =	vperm.xlane v60, v18;
	v22 =	vadd.s32 v22, v7;
	v8 =	vmul.f32 v13, v59  }
0x44b: {  	v7 =	vadd.s32 v11, v7;
	v11 =	vmul.f32 $3.125000000e-02, v16;
	v10 =	vsub.f32 v10, v25  }
0x44c: {  	v14 =	vshll.u32 v40, v19;
	v13 =	vmul.f32 $3.125000000e-02, v31;
	v0 =	vadd.f32 v0, v20  }
0x44d: {  	v8 =	vadd.f32 v8, v21;
	v11 =	vsub.f32 v11, v23;
	v10 =	vmax.f32 v10, $0.0e+00  }
0x44e: {  	v26 =	vshll.u32 v43, v19;
	v13 =	vsub.f32 v13, v17;
	v10 =	vadd.f32 $9.999999960e-13, v10  }
0x44f: {  	v39 =	vbroadcast v26, $0x0;
	v6 =	vbroadcast v14, $0x0;
	[tilespmem:v22+s22+$0x0] =	vst.idx.msk $0xffff, v0;
	v0 =	vmax.f32 v11, $0.0e+00  }
0x450: {  	[tilespmem:v7+s22+$0x0] =	vst.idx.msk $0xffff, v8;
	v7, _, _ =	vpop (xrf2);
	v0 =	vadd.f32 $9.999999960e-13, v0;
	v8 =	vmax.f32 v13, $0.0e+00;
	v15 =	vshrl.u32 v10, $0x1  }
0x451: {  	v10 =	vmul.f32 $5.000000000e-01, v10;
	v7 =	vperm.xlane v7, v18;
	v8 =	vadd.f32 $9.999999960e-13, v8;
	v12, _, _ =	vpop (xrf2)  }
0x452: {  	v11 =	vshrl.u32 v0, $0x1;
	v0 =	vmul.f32 $5.000000000e-01, v0;
	v12 =	vperm.xlane v12, v18;
	v14, _, _ =	vpop (xrf2)  }
0x453: {  	v15 =	vsub.s32 $0x5F3759DF, v15;
	v7 =	vmul.f32 $3.125000000e-02, v7;
	v14 =	vperm.xlane v14, v18  }
0x454: {  	v13 =	vshrl.u32 v8, $0x1;
	v8 =	vmul.f32 $5.000000000e-01, v8;
	v12 =	vmul.f32 $3.125000000e-02, v12  }
0x455: {  	v11 =	vsub.s32 $0x5F3759DF, v11;
	v17, _, _ =	vpop (xrf2);
	v13 =	vsub.s32 $0x5F3759DF, v13;
	v14 =	vmul.f32 $3.125000000e-02, v14  }
0x456: {  	v16 =	vmul.f32 v11, v0;
	v17 =	vperm.xlane v17, v18;
	v12 =	vsub.f32 v12, v58  }
0x457: {  	v7 =	vsub.f32 v7, v24;
	v23 =	vmul.f32 v13, v8;
	v14 =	vsub.f32 v14, v27  }
0x458: {  	v17 =	vmul.f32 $3.125000000e-02, v17;
	v16 =	vmul.f32 v11, v16;
	v12 =	vmax.f32 v12, $0.0e+00  }
0x459: {  	v23 =	vmul.f32 v13, v23;
	v12 =	vadd.f32 $9.999999960e-13, v12;
	v14 =	vmax.f32 v14, $0.0e+00  }
0x45a: {  	v9 =	vsub.f32 v17, v9;
	v17 =	vmul.f32 v15, v10;
	v14 =	vadd.f32 $9.999999960e-13, v14  }
0x45b: {  	v16 =	vsub.f32 $1.500000000e+00, v16;
	v23 =	vsub.f32 $1.500000000e+00, v23;
	v24 =	vshrl.u32 v12, $0x1  }
0x45c: {  	v12 =	vmul.f32 $5.000000000e-01, v12;
	v26 =	vshrl.u32 v14, $0x1;
	v14 =	vmul.f32 $5.000000000e-01, v14  }
0x45d: {  	v17 =	vmul.f32 v15, v17;
	v24 =	vsub.s32 $0x5F3759DF, v24;
	v26 =	vsub.s32 $0x5F3759DF, v26  }
0x45e: {  	v29 =	vadd.f32 v29, v21;
	v27 =	vmul.f32 v24, v12;
	v61 =	vmul.f32 v26, v14  }
0x45f: {  	v11 =	vmul.f32 v11, v16;
	v13 =	vmul.f32 v13, v23  }
0x460: {  	[tilespmem:v28+s22+$0x0] =	vst.idx.msk $0xffff, v29;
	v27 =	vmul.f32 v24, v27;
	v28 =	vmul.f32 v26, v61  }
0x461: {  	v40 =	vbroadcast v45, $0x0;
	v17 =	vsub.f32 $1.500000000e+00, v17;
	v0 =	vmul.f32 v11, v0  }
0x462: {  	s7 =	sadd.s32 $0x1, s20;
	v8 =	vmul.f32 v13, v8;
	v27 =	vsub.f32 $1.500000000e+00, v27;
	v16 =	vsub.f32 $1.500000000e+00, v28  }
0x463: {  	v43 =	vmov s7;
	s7 =	sadd.s32 $0x2, s20;
	v15 =	vmul.f32 v15, v17;
	v0 =	vmul.f32 v0, v11  }
0x464: {  	v44 =	vmov s7;
	s7 =	sadd.s32 $0x3, s20;
	v24 =	vmul.f32 v24, v27;
	v16 =	vmul.f32 v26, v16  }
0x465: {  	v45 =	vmov s7;
	v8 =	vmul.f32 v8, v13;
	v10 =	vmul.f32 v15, v10  }
0x466: {  	v23 =	vmov s20;
	v12 =	vmul.f32 v24, v12;
	v14 =	vmul.f32 v16, v14  }
0x467: {  	v42 =	vshrl.u32 v23, $0x3;
	v0 =	vsub.f32 $1.500000000e+00, v0;
	v10 =	vmul.f32 v10, v15  }
0x468: {  	s7 =	sadd.s32 $0x5, s17;
	v8 =	vsub.f32 $1.500000000e+00, v8;
	v12 =	vmul.f32 v12, v24;
	v14 =	vmul.f32 v14, v16  }
0x469: {  	v23 =	vmov s7;
	v0 =	vmul.f32 v0, v11;
	v10 =	vsub.f32 $1.500000000e+00, v10  }
0x46a: {  	v8 =	vmul.f32 v8, v13;
	v11 =	vsub.f32 $1.500000000e+00, v12;
	v12 =	vsub.f32 $1.500000000e+00, v14  }
0x46b: {  	v13 =	vshrl.u32 v23, $0x3;
	v23 =	vmul.f32 v0, v33;
	v10 =	vmul.f32 v10, v15  }
0x46c: {  	v15 =	vmul.f32 v12, v16;
	v16 =	vmul.f32 v0, v32;
	v0 =	vld [tilespmem:$0x1FBD0]  }
0x46d: {  	v9 =	vmax.f32 v9, $0.0e+00  }
0x46e: {  	v9 =	vadd.f32 $9.999999960e-13, v9;
	_ =	sdelay $0x1  }
0x46f: {  	v62 =	vshrl.u32 v9, $0x1  }
0x470: {  	v29 =	vsub.s32 $0x5F3759DF, v62;
	v62 =	vadd.s32 v0, v56;
	v0 =	vld [tilespmem:$0x1FBE0];
	_ =	sdelay $0x2  }
0x471: {  	v7 =	vmax.f32 v7, $0.0e+00  }
0x472: {  	v7 =	vadd.f32 $9.999999960e-13, v7  }
0x473: {  	v61 =	vadd.s32 v0, v56;
	v0 =	vld [tilespmem:$0x1FBF0]  }
0x474: {  	v22 =	vshrl.u32 v7, $0x1;
	v7 =	vmul.f32 $5.000000000e-01, v7  }
0x475: {  	v22 =	vsub.s32 $0x5F3759DF, v22  }
0x476: {  	v25 =	vmul.f32 v22, v7;
	_ =	sdelay $0x1  }
0x477: {  	v9 =	vmul.f32 $5.000000000e-01, v9;
	v25 =	vmul.f32 v22, v25;
	v60 =	vadd.s32 v0, v4;
	v0 =	vld [tilespmem:$0x1FC00];
	_ =	sdelay $0x1  }
0x478: {  	v63 =	vmul.f32 v29, v9;
	v25 =	vsub.f32 $1.500000000e+00, v25;
	_ =	sdelay $0x1  }
0x479: {  	v30 =	vmul.f32 v29, v63;
	v17 =	vmul.f32 v22, v25  }
0x47a: {  	v56 =	vadd.s32 v0, v4;
	v4 =	vld [tilespmem:$0x1FC10]  }
0x47b: {  	v22 =	vsub.f32 $1.500000000e+00, v30;
	v7 =	vmul.f32 v17, v7;
	_ =	sdelay $0x1  }
0x47c: {  	v22 =	vmul.f32 v29, v22;
	v7 =	vmul.f32 v7, v17;
	_ =	sdelay $0x1  }
0x47d: {  	v9 =	vmul.f32 v22, v9;
	v7 =	vsub.f32 $1.500000000e+00, v7;
	v58 =	vadd.s32 v4, v6;
	v4 =	vld [tilespmem:$0x1FC20]  }
0x47e: {  	s7 =	sadd.s32 $0x6, s17;
	v26 =	vmul.f32 v8, v33  }
0x47f: {  	v25 =	vmov s7;
	v9 =	vmul.f32 v9, v22;
	v7 =	vmul.f32 v7, v17  }
0x480: {  	v27 =	vmul.f32 v10, v32;
	v12 =	vshrl.u32 v25, $0x3;
	v25 =	vmul.f32 v8, v32  }
0x481: {  	v9 =	vsub.f32 $1.500000000e+00, v9;
	v11 =	vmul.f32 v11, v24;
	v24 =	vmul.f32 v7, v32  }
0x482: {  	v14 =	vmul.f32 v7, v33;
	v59 =	vadd.s32 v4, v6;
	v6 =	vmul.f32 v25, v2;
	v2 =	vld [tilespmem:$0x1FC30]  }
0x483: {  	p1 =	slt.u32 s20, $0x78;
	v8 =	vmul.f32 v23, v57;
	v17 =	vmul.f32 v9, v22  }
.Ltmp6:
0x484: {  	s19 =	sadd.s32 $0x100, s19;
	v55 =	vshll.u32 v13, v19;
	v9 =	vmul.f32 v10, v33;
	v22 =	vmul.f32 v11, v32;
	(pc) =	sbr.rel @p1 .LBB2_7-.Ltmp6, $4  }
0x485: {  	v63 =	vld [tilespmem:s19+$0x0];
	v54 =	vshll.u32 v12, v19;
	v13 =	vmul.f32 v11, v33;
	v12 =	vmul.f32 v15, v32  }
0x486: {  	v7 =	vld [tilespmem:s19+$0xFFFFFF30];
	v11 =	vmul.f32 v15, v33;
	v5 =	vmul.f32 v16, v5  }
0x487: {  	v15 =	vmul.f32 v17, v32;
	v10 =	vmul.f32 v17, v33;
	v0 =	vld [tilespmem:s19+$0xFFFFFFF0];
	v57 =	vadd.s32 v2, v39  }
0x488: {  	s17 =	smov.u32 s20;
	s20 =	sadd.s32 $0x8, s20;
	v4 =	vld [tilespmem:s19+$0xFFFFFF20];
	v2 =	vadd.f32 v5, v20;
	v5 =	vmul.f32 v26, v1;
	v1 =	vmul.f32 v27, v3  }
0x489: {  	_ =	sdelay $0x2  }
0x48a: {  	v17 =	vmul.f32 v63, v63;
	v3 =	vadd.f32 v63, v0;
	v16 =	vmul.f32 v0, v0;
	_ =	sdelay $0x1  }
0x48b: {  	(xrf2) =	vadd.scan.msk.f32 $0xffff, v3;
	v3 =	vadd.f32 v17, v16;
	_ =	sdelay $0x1  }
0x48c: {  	(xrf2) =	vadd.scan.msk.f32 $0xffff, v3;
	_ =	sdelay $0x7  }
0x48d: {  	v3, _, _ =	vpop (xrf2)  }
0x48e: {  	v3 =	vperm.xlane v3, v18  }
0x48f: {  	v16, _, _ =	vpop (xrf2)  }
0x490: {  	v16 =	vperm.xlane v16, v18;
	v3 =	vmul.f32 $3.125000000e-02, v3;
	_ =	sdelay $0x1  }
0x491: {  	v16 =	vmul.f32 $3.125000000e-02, v16;
	v17 =	vmul.f32 v3, v3;
	_ =	sdelay $0x1  }
0x492: {  	v25 =	vld [tilespmem:s19+$0xFFFFFF50];
	v16 =	vsub.f32 v16, v17  }
0x493: {  	v17 =	vld [tilespmem:s19+$0xFFFFFF40]  }
0x494: {  	v26 =	vld [tilespmem:s19+$0xFFFFFF60];
	v16 =	vmax.f32 v16, $0.0e+00  }
0x495: {  	v27 =	vld [tilespmem:s19+$0xFFFFFF70];
	v16 =	vadd.f32 $9.999999960e-13, v16  }
0x496: {  	v28 =	vld [tilespmem:s19+$0xFFFFFF80]  }
0x497: {  	v30 =	vld [tilespmem:s19+$0xFFFFFF90];
	v23 =	vshrl.u32 v16, $0x1;
	v16 =	vmul.f32 $5.000000000e-01, v16  }
0x498: {  	v33 =	vld [tilespmem:s19+$0xFFFFFF10];
	v41 =	vmul.f32 v9, v41;
	v29 =	vsub.s32 $0x5F3759DF, v23;
	v23 =	vadd.f32 v17, v7  }
0x499: {  	v31 =	vld [tilespmem:s19+$0xFFFFFFA0];
	v9 =	vmul.f32 v24, v47;
	v32 =	vmul.f32 v29, v16  }
0x49a: {  	v34 =	vld [tilespmem:s19+$0xFFFFFFC0];
	(xrf2) =	vadd.scan.msk.f32 $0xffff, v23  }
0x49b: {  	v23 =	vmul.f32 v29, v32;
	v32 =	vld [tilespmem:s19+$0xFFFFFFB0];
	[tilespmem:$0x1F940] =	vst v9;
	v9 =	vmul.f32 v22, v48  }
0x49c: {  	v22 =	vadd.f32 v26, v25  }
0x49d: {  	v51 =	vmul.f32 v12, v51;
	v47 =	vadd.f32 v4, v33;
	v35 =	vld [tilespmem:s19+$0xFFFFFFD0];
	v24 =	vsub.f32 $1.500000000e+00, v23;
	[tilespmem:$0x1F950] =	vst v9  }
0x49e: {  	v50 =	vmul.f32 v11, v50;
	v52 =	vmul.f32 v15, v52;
	v11 =	vadd.f32 v28, v27;
	(xrf2) =	vadd.scan.msk.f32 $0xffff, v22;
	v36 =	vld [tilespmem:s19+$0xFFFFFFE0]  }
0x49f: {  	v23 =	vmul.f32 v13, v49;
	(xrf2) =	vadd.scan.msk.f32 $0xffff, v47;
	v13 =	vmul.f32 v29, v24  }
0x4a0: {  	v15 =	vadd.f32 v31, v30;
	v22 =	vmul.f32 v33, v33;
	(xrf2) =	vadd.scan.msk.f32 $0xffff, v11;
	v11 =	vmul.f32 v4, v4  }
0x4a1: {  	v48 =	vmul.f32 v17, v17;
	v12 =	vmul.f32 v13, v16  }
0x4a2: {  	(xrf2) =	vadd.scan.msk.f32 $0xffff, v15;
	v15 =	vmul.f32 v7, v7;
	v16 =	vadd.f32 v34, v32;
	v11 =	vadd.f32 v11, v22  }
0x4a3: {  	v22 =	vmul.f32 v26, v26;
	v49 =	vadd.f32 v36, v35;
	v12 =	vmul.f32 v12, v13  }
0x4a4: {  	v15 =	vadd.f32 v48, v15;
	v48 =	vsub.f32 v0, v3;
	v0 =	vld [tilespmem:$0x1FEE0];
	(xrf2) =	vadd.scan.msk.f32 $0xffff, v16;
	v16 =	vmul.f32 v25, v25;
	v37, _, _ =	vpop (xrf2)  }
0x4a5: {  	(xrf2) =	vadd.scan.msk.f32 $0xffff, v49;
	v38 =	vperm.xlane v37, v18;
	v12 =	vsub.f32 $1.500000000e+00, v12  }
0x4a6: {  	v16 =	vadd.f32 v22, v16;
	v22 =	vmul.f32 v28, v28;
	(xrf2) =	vadd.scan.msk.f32 $0xffff, v11;
	v11 =	vmul.f32 v27, v27  }
0x4a7: {  	(xrf2) =	vadd.scan.msk.f32 $0xffff, v15;
	v29 =	vmul.f32 v12, v13;
	v12 =	vmul.f32 $3.125000000e-02, v38  }
0x4a8: {  	v13, _, _ =	vpop (xrf2);
	v11 =	vadd.f32 v22, v11;
	(xrf2) =	vadd.scan.msk.f32 $0xffff, v16;
	v16 =	vmul.f32 v32, v32;
	v22 =	vmul.f32 v34, v34  }
0x4a9: {  	v13 =	vperm.xlane v13, v18;
	v49 =	vmul.f32 v29, v0;
	v0 =	vsub.f32 v7, v12  }
0x4aa: {  	v24 =	vmul.f32 v36, v36;
	v16 =	vadd.f32 v22, v16;
	v22 =	vmul.f32 v35, v35  }
0x4ab: {  	v9 =	vmul.f32 v10, v53;
	v7 =	vmul.f32 $3.125000000e-02, v13;
	[tilespmem:$0x1F970] =	vst v0;
	v0 =	vsub.f32 v17, v12  }
0x4ac: {  	v47 =	vmul.f32 v31, v31;
	v15 =	vmul.f32 v30, v30;
	v38, _, _ =	vpop (xrf2);
	v10 =	vadd.f32 v24, v22  }
0x4ad: {  	v38 =	vperm.xlane v38, v18;
	v22 =	vsub.f32 v63, v3;
	v63, _, _ =	vpop (xrf2);
	[tilespmem:$0x1F980] =	vst v0;
	v0 =	vsub.f32 v25, v7  }
0x4ae: {  	v46 =	vmul.f32 v14, v46;
	v15 =	vadd.f32 v47, v15;
	v37, _, _ =	vpop (xrf2)  }
0x4af: {  	s7 =	sadd.s32 $0x7, s17;
	v14 =	vmul.f32 v49, v48;
	v38 =	vmul.f32 $3.125000000e-02, v38;
	v48, _, _ =	vpop (xrf2);
	[tilespmem:$0x1F990] =	vst v0;
	v0 =	vsub.f32 v26, v7  }
0x4b0: {  	v47 =	vmov s7;
	v17 =	vmul.f32 v12, v12;
	v49 =	vmul.f32 v7, v7;
	v25, _, _ =	vpop (xrf2)  }
0x4b1: {  	v24 =	vperm.xlane v63, v18;
	v7 =	vshrl.u32 v47, $0x3;
	v53, _, _ =	vpop (xrf2);
	[tilespmem:$0x1F9A0] =	vst v0;
	v0 =	vsub.f32 v4, v38  }
0x4b2: {  	(xrf2) =	vadd.scan.msk.f32 $0xffff, v11;
	v47 =	vshll.u32 v7, v19;
	v25 =	vperm.xlane v25, v18;
	v26 =	vperm.xlane v53, v18;
	v63, _, _ =	vpop (xrf2)  }
0x4b3: {  	v7 =	vsub.f32 v33, v38;
	v11 =	vbroadcast v47, $0x0;
	v33 =	vperm.xlane v63, v18;
	v63, _, _ =	vpop (xrf2);
	[tilespmem:$0x1F960] =	vst v0;
	v0 =	vld [tilespmem:$0x1FBB0]  }
0x4b4: {  	v4 =	vmul.f32 v38, v38;
	v47 =	vperm.xlane v63, v18  }
0x4b5: {  	v8 =	vadd.f32 v8, v21;
	v26 =	vmul.f32 $3.125000000e-02, v26;
	v33 =	vmul.f32 $3.125000000e-02, v33  }
0x4b6: {  	v6 =	vadd.f32 v6, v20;
	(xrf2) =	vadd.scan.msk.f32 $0xffff, v15;
	v25 =	vmul.f32 $3.125000000e-02, v25;
	v15 =	vmul.f32 $3.125000000e-02, v47  }
0x4b7: {  	(xrf2) =	vadd.scan.msk.f32 $0xffff, v16;
	v16 =	vsub.f32 v26, v4;
	v4 =	vmul.f32 $3.125000000e-02, v24;
	v17 =	vsub.f32 v33, v17  }
0x4b8: {  	v47 =	vsub.f32 v35, v25;
	v24 =	vsub.f32 v15, v49;
	v53 =	vadd.s32 v0, v11;
	v0 =	vld [tilespmem:$0x1FBC0]  }
0x4b9: {  	v15 =	vperm.xlane v48, v18;
	v13 =	vsub.f32 v27, v4;
	v17 =	vmax.f32 v17, $0.0e+00  }
0x4ba: {  	v38 =	vsub.f32 v28, v4;
	v17 =	vadd.f32 $9.999999960e-13, v17  }
0x4bb: {  	v26 =	vmul.f32 v4, v4;
	v16 =	vmax.f32 v16, $0.0e+00;
	v4 =	vmul.f32 $3.125000000e-02, v15  }
0x4bc: {  	(xrf2) =	vadd.scan.msk.f32 $0xffff, v10;
	v24 =	vmax.f32 v24, $0.0e+00;
	v33 =	vshrl.u32 v17, $0x1;
	v17 =	vmul.f32 $5.000000000e-01, v17  }
0x4bd: {  	v33 =	vsub.s32 $0x5F3759DF, v33;
	v63 =	vadd.s32 v0, v11;
	v11 =	vperm.xlane v37, v18  }
0x4be: {  	v16 =	vadd.f32 $9.999999960e-13, v16;
	v24 =	vadd.f32 $9.999999960e-13, v24;
	v3 =	vmul.f32 v33, v17  }
0x4bf: {  	v15 =	vsub.f32 v34, v4;
	v28 =	vmul.f32 v4, v4;
	v11 =	vmul.f32 $3.125000000e-02, v11  }
0x4c0: {  	v35, _, _ =	vpop (xrf2);
	v0 =	vsub.f32 v36, v25;
	v25 =	vmul.f32 v25, v25;
	v37 =	vld [tilespmem:$0x1FEF0];
	v3 =	vmul.f32 v33, v3  }
0x4c1: {  	v36, _, _ =	vpop (xrf2);
	v48 =	vsub.f32 v30, v11;
	v49 =	vsub.f32 v31, v11;
	v27 =	vmul.f32 v11, v11  }
0x4c2: {  	v11 =	vsub.f32 v32, v4;
	v30 =	vperm.xlane v35, v18;
	v32 =	vperm.xlane v36, v18;
	v36, _, _ =	vpop (xrf2)  }
0x4c3: {  	v31 =	vshrl.u32 v16, $0x1;
	v16 =	vmul.f32 $5.000000000e-01, v16;
	v34 =	vperm.xlane v36, v18  }
0x4c4: {  	v36 =	vshrl.u32 v24, $0x1;
	v24 =	vmul.f32 $5.000000000e-01, v24;
	v30 =	vmul.f32 $3.125000000e-02, v30  }
0x4c5: {  	v29 =	vmul.f32 v29, v37;
	v32 =	vmul.f32 $3.125000000e-02, v32;
	v35 =	vsub.s32 $0x5F3759DF, v36  }
0x4c6: {  	[tilespmem:$0x1F9B0] =	vst v0;
	v31 =	vsub.s32 $0x5F3759DF, v31;
	v0, _, _ =	vpop (xrf2);
	v26 =	vsub.f32 v30, v26;
	v30 =	vmul.f32 v35, v24  }
0x4c7: {  	v36 =	vmul.f32 v31, v16;
	v0 =	vperm.xlane v0, v18;
	v27 =	vsub.f32 v32, v27  }
0x4c8: {  	v3 =	vsub.f32 $1.500000000e+00, v3;
	v34 =	vmul.f32 $3.125000000e-02, v34;
	v30 =	vmul.f32 v35, v30  }
0x4c9: {  	v22 =	vmul.f32 v29, v22;
	v36 =	vmul.f32 v31, v36;
	v27 =	vmax.f32 v27, $0.0e+00  }
0x4ca: {  	v0 =	vmul.f32 $3.125000000e-02, v0;
	v27 =	vadd.f32 $9.999999960e-13, v27;
	v32 =	vsub.f32 $1.500000000e+00, v30  }
0x4cb: {  	v28 =	vsub.f32 v34, v28;
	v34 =	vsub.f32 $1.500000000e+00, v36;
	v36 =	vmax.f32 v26, $0.0e+00  }
0x4cc: {  	v26 =	vmul.f32 v35, v32;
	v35 =	vshrl.u32 v27, $0x1;
	v27 =	vmul.f32 $5.000000000e-01, v27  }
0x4cd: {  	v0 =	vsub.f32 v0, v25;
	v29 =	vmul.f32 v31, v34;
	v31 =	vsub.s32 $0x5F3759DF, v35  }
0x4ce: {  	[tilespmem:v62+s22+$0x0] =	vst.idx.msk $0xffff, v2;
	v25 =	vadd.f32 $9.999999960e-13, v36;
	v28 =	vmax.f32 v28, $0.0e+00;
	v35 =	vmul.f32 v31, v27  }
0x4cf: {  	v10 =	vld [tilespmem:$0x1F940];
	v4 =	vmul.f32 v33, v3;
	v28 =	vadd.f32 $9.999999960e-13, v28;
	v0 =	vmax.f32 v0, $0.0e+00  }
0x4d0: {  	v34 =	vshrl.u32 v25, $0x1;
	v0 =	vadd.f32 $9.999999960e-13, v0;
	v35 =	vmul.f32 v31, v35  }
0x4d1: {  	v25 =	vmul.f32 $5.000000000e-01, v25;
	v36 =	vshrl.u32 v28, $0x1;
	v28 =	vmul.f32 $5.000000000e-01, v28  }
0x4d2: {  	v32 =	vsub.s32 $0x5F3759DF, v36;
	v36 =	vshrl.u32 v0, $0x1;
	v35 =	vsub.f32 $1.500000000e+00, v35  }
0x4d3: {  	v30 =	vsub.s32 $0x5F3759DF, v34;
	v34 =	vsub.s32 $0x5F3759DF, v36;
	v36 =	vmul.f32 v32, v28  }
0x4d4: {  	v3 =	vmul.f32 $5.000000000e-01, v0;
	v2 =	vmul.f32 v31, v35;
	v31 =	vadd.f32 v10, v20;
	v10 =	vld [tilespmem:$0x1F950];
	[tilespmem:v61+s22+$0x0] =	vst.idx.msk $0xffff, v8  }
0x4d5: {  	v33 =	vmul.f32 v30, v25;
	v36 =	vmul.f32 v32, v36;
	[tilespmem:v60+s22+$0x0] =	vst.idx.msk $0xffff, v6  }
0x4d6: {  	v0 =	vmul.f32 v34, v3;
	v12 =	vld [tilespmem:$0x1FB50]  }
0x4d7: {  	v33 =	vmul.f32 v30, v33;
	v36 =	vsub.f32 $1.500000000e+00, v36;
	v60 =	vld [tilespmem:$0x1FB70]  }
0x4d8: {  	v0 =	vmul.f32 v34, v0;
	v61 =	vld [tilespmem:$0x1FB80]  }
0x4d9: {  	v33 =	vsub.f32 $1.500000000e+00, v33;
	v32 =	vmul.f32 v32, v36;
	v36 =	vadd.f32 v10, v20;
	v10 =	vld [tilespmem:$0x1FB40]  }
0x4da: {  	v55 =	vbroadcast v55, $0x0;
	v0 =	vsub.f32 $1.500000000e+00, v0  }
0x4db: {  	v5 =	vadd.f32 v5, v21;
	v1 =	vadd.f32 v1, v20;
	v30 =	vmul.f32 v30, v33  }
0x4dc: {  	v33 =	vadd.f32 v41, v21;
	v8 =	vadd.f32 v50, v21;
	v0 =	vmul.f32 v34, v0;
	v62 =	vld [tilespmem:$0x1FB60]  }
0x4dd: {  	v34 =	vadd.f32 v51, v20;
	v51 =	vadd.s32 v60, v55;
	v41 =	vadd.s32 v61, v55;
	v55 =	vld [tilespmem:$0x1FB90]  }
0x4de: {  	v50 =	vadd.s32 v12, v40;
	v6 =	vadd.s32 v10, v39;
	v39 =	vbroadcast v54, $0x0;
	v54 =	vld [tilespmem:$0x1FBA0];
	[tilespmem:v56+s22+$0x0] =	vst.idx.msk $0xffff, v5  }
0x4df: {  	v23 =	vadd.f32 v23, v21;
	v14 =	vadd.f32 v14, v20;
	[tilespmem:v58+s22+$0x0] =	vst.idx.msk $0xffff, v1  }
0x4e0: {  	v17 =	vmul.f32 v4, v17;
	v22 =	vadd.f32 v22, v21;
	[tilespmem:v57+s22+$0x0] =	vst.idx.msk $0xffff, v31  }
0x4e1: {  	v16 =	vmul.f32 v29, v16;
	v40 =	vadd.s32 v62, v40;
	[tilespmem:v53+s22+$0x0] =	vst.idx.msk $0xffff, v14  }
0x4e2: {  	v17 =	vmul.f32 v17, v4;
	v24 =	vmul.f32 v26, v24;
	[tilespmem:v59+s22+$0x0] =	vst.idx.msk $0xffff, v33  }
0x4e3: {  	v16 =	vmul.f32 v16, v29;
	v35 =	vadd.f32 v46, v21;
	[tilespmem:v50+s22+$0x0] =	vst.idx.msk $0xffff, v36  }
0x4e4: {  	v17 =	vsub.f32 $1.500000000e+00, v17;
	v46 =	vadd.f32 v52, v20;
	[tilespmem:v51+s22+$0x0] =	vst.idx.msk $0xffff, v34;
	v52 =	vadd.s32 v55, v39  }
0x4e5: {  	v3 =	vmul.f32 v0, v3;
	[tilespmem:v63+s22+$0x0] =	vst.idx.msk $0xffff, v22;
	v39 =	vadd.s32 v54, v39  }
0x4e6: {  	v9 =	vadd.f32 v9, v21;
	v4 =	vmul.f32 v17, v4;
	[tilespmem:v40+s22+$0x0] =	vst.idx.msk $0xffff, v23  }
0x4e7: {  	v24 =	vmul.f32 v24, v26;
	v16 =	vsub.f32 $1.500000000e+00, v16;
	v3 =	vmul.f32 v3, v0;
	[tilespmem:v41+s22+$0x0] =	vst.idx.msk $0xffff, v8  }
0x4e8: {  	v27 =	vmul.f32 v2, v27;
	v28 =	vmul.f32 v32, v28;
	[tilespmem:v6+s22+$0x0] =	vst.idx.msk $0xffff, v35  }
0x4e9: {  	v16 =	vmul.f32 v16, v29;
	v25 =	vmul.f32 v30, v25;
	v3 =	vsub.f32 $1.500000000e+00, v3;
	[tilespmem:v52+s22+$0x0] =	vst.idx.msk $0xffff, v46  }
0x4ea: {  	v27 =	vmul.f32 v27, v2;
	v28 =	vmul.f32 v28, v32;
	v56 =	vshrl.u32 v44, $0x3;
	[tilespmem:v39+s22+$0x0] =	vst.idx.msk $0xffff, v9  }
0x4eb: {  	v0 =	vmul.f32 v3, v0;
	v3 =	vmul.f32 v16, v37;
	v59 =	vshll.u32 v56, v19;
	v34 =	vld [tilespmem:$0x1FEE0]  }
0x4ec: {  	s19 =	sadd.s32 $0x4, s17;
	v5 =	vshll.u32 v42, v19;
	v42 =	vshrl.u32 v43, $0x3;
	v31 =	vbroadcast v59, $0x0;
	v59 =	vld [tilespmem:$0x1FBD0]  }
0x4ed: {  	v1 =	vshrl.u32 v45, $0x3;
	v45 =	vmov s19;
	v58 =	vsub.f32 $1.500000000e+00, v27;
	v35 =	vld [tilespmem:$0x1FBE0]  }
0x4ee: {  	v5 =	vbroadcast v5, $0x0;
	v42 =	vshll.u32 v42, v19;
	v23 =	vmul.f32 v25, v30;
	v39 =	vld [tilespmem:$0x1FBF0]  }
0x4ef: {  	v1 =	vshll.u32 v1, v19;
	v42 =	vbroadcast v42, $0x0;
	v8 =	vsub.f32 $1.500000000e+00, v24;
	v41 =	vld [tilespmem:$0x1FC00]  }
0x4f0: {  	v1 =	vbroadcast v1, $0x0;
	v23 =	vsub.f32 $1.500000000e+00, v23;
	v9 =	vsub.f32 $1.500000000e+00, v28;
	v43 =	vld [tilespmem:$0x1FC10]  }
0x4f1: {  	v2 =	vmul.f32 v58, v2;
	v8 =	vmul.f32 v8, v26;
	v6 =	vshrl.u32 v45, $0x3;
	v45 =	vld [tilespmem:$0x1F960]  }
0x4f2: {  	v14 =	vmul.f32 v23, v30;
	v46 =	vld [tilespmem:$0x1F970];
	v9 =	vmul.f32 v9, v32  }
0x4f3: {  	v6 =	vshll.u32 v6, v19;
	v51 =	vld [tilespmem:$0x1F990];
	v23 =	vmul.f32 v16, v34;
	v16 =	vmul.f32 v4, v34  }
0x4f4: {  	v52 =	vld [tilespmem:$0x1F9A0];
	v4 =	vmul.f32 v4, v37;
	v24 =	vadd.s32 v59, v5;
	v63 =	vmul.f32 v8, v34  }
0x4f5: {  	v8 =	vmul.f32 v8, v37;
	v5 =	vadd.s32 v35, v5;
	v36 =	vmul.f32 v14, v34;
	v35 =	vld [tilespmem:$0x1F980]  }
0x4f6: {  	v14 =	vmul.f32 v14, v37;
	v27 =	vadd.s32 v39, v42;
	v7 =	vmul.f32 v23, v7;
	v23 =	vld [tilespmem:$0x1FC20]  }
0x4f7: {  	v50 =	vld [tilespmem:$0x1FC30];
	v40 =	vmul.f32 v2, v34;
	v29 =	vadd.s32 v41, v42;
	v3 =	vmul.f32 v3, v45  }
0x4f8: {  	v32 =	vadd.s32 v43, v31;
	v16 =	vmul.f32 v16, v46;
	v25 =	vmul.f32 v63, v51  }
0x4f9: {  	v8 =	vmul.f32 v8, v52;
	v3 =	vadd.f32 v3, v21;
	v7 =	vadd.f32 v7, v20  }
0x4fa: {  	v13 =	vmul.f32 v36, v13;
	v14 =	vmul.f32 v14, v38;
	v16 =	vadd.f32 v16, v20  }
0x4fb: {  	v4 =	vmul.f32 v4, v35;
	[tilespmem:v24+s22+$0x0] =	vst.idx.msk $0xffff, v7;
	v23 =	vadd.s32 v23, v31  }
0x4fc: {  	v6 =	vbroadcast v6, $0x0;
	v7 =	vadd.f32 v25, v20;
	[tilespmem:v27+s22+$0x0] =	vst.idx.msk $0xffff, v16;
	v31 =	vadd.s32 v50, v1  }
0x4fd: {  	v4 =	vadd.f32 v4, v21;
	[tilespmem:v5+s22+$0x0] =	vst.idx.msk $0xffff, v3;
	v1 =	vadd.s32 v10, v1  }
0x4fe: {  	v8 =	vadd.f32 v8, v21;
	v10 =	vadd.s32 v12, v6;
	[tilespmem:v32+s22+$0x0] =	vst.idx.msk $0xffff, v7  }
0x4ff: {  	s20 =	sadd.s32 $0x5, s17;
	v53 =	vmul.f32 v40, v48;
	v5 =	vadd.f32 v13, v20;
	[tilespmem:v29+s22+$0x0] =	vst.idx.msk $0xffff, v4  }
0x500: {  	v56 =	vmov s20;
	v42 =	vmul.f32 v9, v34;
	v7 =	vadd.f32 v14, v21;
	[tilespmem:v23+s22+$0x0] =	vst.idx.msk $0xffff, v8  }
0x501: {  	s17 =	sadd.s32 $0x6, s17;
	v17 =	vshrl.u32 v56, $0x3;
	v9 =	vmul.f32 v9, v37;
	v8 =	vadd.f32 v53, v20;
	[tilespmem:v31+s22+$0x0] =	vst.idx.msk $0xffff, v5  }
0x502: {  	v57 =	vmov s17;
	v17 =	vshll.u32 v17, v19;
	v2 =	vmul.f32 v2, v37;
	[tilespmem:v1+s22+$0x0] =	vst.idx.msk $0xffff, v7  }
0x503: {  	v22 =	vshrl.u32 v57, $0x3;
	v3 =	vmul.f32 v9, v15;
	v9 =	vbroadcast v17, $0x0;
	[tilespmem:v10+s22+$0x0] =	vst.idx.msk $0xffff, v8  }
0x504: {  	v22 =	vshll.u32 v22, v19;
	v6 =	vadd.s32 v62, v6;
	v8 =	vld [tilespmem:$0x1F9B0]  }
0x505: {  	v2 =	vmul.f32 v2, v49;
	v13 =	vbroadcast v22, $0x0;
	v14 =	vadd.s32 v60, v9  }
0x506: {  	v44 =	vmul.f32 v0, v34;
	v11 =	vmul.f32 v42, v11;
	v9 =	vadd.s32 v61, v9  }
0x507: {  	v0 =	vmul.f32 v0, v37;
	v2 =	vadd.f32 v2, v21;
	v5 =	vadd.s32 v55, v13  }
0x508: {  	v4 =	vmul.f32 v44, v47;
	v1 =	vadd.f32 v11, v20;
	v7 =	vadd.s32 v54, v13  }
0x509: {  	v3 =	vadd.f32 v3, v21;
	[tilespmem:v6+s22+$0x0] =	vst.idx.msk $0xffff, v2;
	v0 =	vmul.f32 v0, v8  }
0x50a: {  	v2 =	vadd.f32 v4, v20;
	[tilespmem:v14+s22+$0x0] =	vst.idx.msk $0xffff, v1  }
0x50b: {  	[tilespmem:v9+s22+$0x0] =	vst.idx.msk $0xffff, v3;
	v0 =	vadd.f32 v0, v21  }
0x50c: {  	[tilespmem:v5+s22+$0x0] =	vst.idx.msk $0xffff, v2  }
0x50d: {  	s7 =	sadd.s32 @!p0 $0x280, s18;
	s17 =	simm.s32 @!p0 $0x80;
	s19 =	simm.s32 @!p0 $0x7400;
	[tilespmem:v7+s22+$0x0] =	vst.idx.msk $0xffff, v0  }
0x50e: {  	[tilespmem:s19], [sflag:$0x2] =	stream.indirect.gather @!p0 [hbm4b:s6+s17], $0x20, s7, s17, $0xb8;
	[tilespmem:$0x1B440] =	vst v63  }
0x50f: {  	_ =	swait.ge [sflag:s26], $0x1000  }
0x510: {  	[sflag:s26] =	ssyncset.done $0x0  }
0x511: {  	s17 =	simm.s32 $0x94F0;
	[sflag:s26] =	ssyncadd.s32 $0xFFFFF000  }
0x512: {  	v9 =	vld [tilespmem:s17+$0xFFFFFFF0]  }
0x513: {  	v8 =	vld [tilespmem:s17+$0x0];
	_ =	sdelay $0x3  }
0x514: {  	v1 =	vld [tilespmem:$0x1FDD0]  }
0x515: {  	s19 =	sand.u32 $0x7, s15;
	v2 =	vadd.f32 v8, v9;
	v3 =	vmul.f32 v9, v9;
	v4 =	vmul.f32 v8, v8  }
0x516: {  	v0 =	vmov s19  }
0x517: {  	v0 =	vmul.u32 $0x440, v0;
	(xrf2) =	vadd.scan.msk.f32 $0xffff, v2;
	v2 =	vadd.f32 v4, v3;
	v3 =	vld [tilespmem:$0x1FF00];
	_ =	sdelay $0x1  }
0x518: {  	v0 =	vadd.s32 v1, v0  }
0x519: {  	v0 =	vbroadcast v0, $0x0  }
0x51a: {  	(xrf2) =	vadd.scan.msk.f32 $0xffff, v2;
	v2 =	vld [tilespmem:$0x1FF60]  }
0x51b: {  	v29 =	vadd.s32 v3, v0;
	v3 =	vld [tilespmem:$0x1FF10];
	_ =	sdelay $0x2  }
0x51c: {  	v5 =	vld [tilespmem:s17+$0xFFFFFF40]  }
0x51d: {  	v24 =	vadd.s32 v2, v0;
	v2 =	vld [tilespmem:$0x1FF70]  }
0x51e: {  	v30 =	vadd.s32 v3, v0;
	v3 =	vld [tilespmem:$0x1FF20]  }
0x51f: {  	v6 =	vld [tilespmem:s17+$0xFFFFFF50]  }
0x520: {  	v10 =	vld [tilespmem:s17+$0xFFFFFF20]  }
0x521: {  	v1 =	vld [tilespmem:s17+$0xFFFFFF30]  }
0x522: {  	v4 =	vld [tilespmem:s17+$0xFFFFFF60]  }
0x523: {  	v2 =	vadd.s32 v2, v0;
	v27 =	vadd.s32 v3, v0;
	v3 =	vld [tilespmem:$0x1FF30]  }
0x524: {  	[tilespmem:$0x1F9C0] =	vst v2;
	v2 =	vld [tilespmem:$0x1FF80];
	_ =	sdelay $0x3  }
0x525: {  	v28 =	vadd.s32 v3, v0;
	v3 =	vld [tilespmem:$0x1FF40]  }
0x526: {  	v2 =	vadd.s32 v2, v0  }
0x527: {  	[tilespmem:$0x1F9D0] =	vst v2;
	v2 =	vld [tilespmem:$0x1FF90];
	_ =	sdelay $0x2  }
0x528: {  	v25 =	vadd.s32 v3, v0;
	v3 =	vld [tilespmem:$0x1FF50];
	_ =	sdelay $0x1  }
0x529: {  	v11 =	vld [tilespmem:s17+$0xFFFFFF70];
	v2 =	vadd.s32 v2, v0  }
0x52a: {  	[tilespmem:$0x1F9E0] =	vst v2;
	v2 =	vld [tilespmem:$0x1FFA0];
	_ =	sdelay $0x1  }
0x52b: {  	v26 =	vadd.s32 v3, v0;
	v3 =	vld [tilespmem:$0x1FFB0];
	_ =	sdelay $0x2  }
0x52c: {  	v2 =	vadd.s32 v2, v0  }
0x52d: {  	[tilespmem:$0x1F9F0] =	vst v2  }
0x52e: {  	v12 =	vld [tilespmem:s17+$0xFFFFFF80];
	v3 =	vadd.s32 v3, v0  }
0x52f: {  	[tilespmem:$0x1FA00] =	vst v3;
	v3 =	vld [tilespmem:$0x1FFC0];
	_ =	sdelay $0x4  }
0x530: {  	v3 =	vadd.s32 v3, v0  }
0x531: {  	[tilespmem:$0x1FA10] =	vst v3;
	v3 =	vld [tilespmem:$0x1FFD0];
	_ =	sdelay $0x4  }
0x532: {  	v3 =	vadd.s32 v3, v0  }
0x533: {  	[tilespmem:$0x1FA20] =	vst v3;
	v3 =	vld [tilespmem:$0x1FFE0];
	_ =	sdelay $0x4  }
0x534: {  	v2 =	vadd.f32 v5, v1;
	v32 =	vadd.s32 v3, v0;
	v3 =	vld [tilespmem:$0x1FFF0]  }
0x535: {  	s20 =	simm.s32 $0x0  }
0x536: {  	(xrf2) =	vadd.scan.msk.f32 $0xffff, v2;
	v2 =	vmov s20  }
0x537: {  	v16 =	vshrl.u32 v2, $0x3;
	v2 =	vmul.f32 v6, v6;
	v14 =	vld [tilespmem:s17+$0xFFFFFF10];
	_ =	sdelay $0x1  }
0x538: {  	v17 =	vmul.f32 v4, v4;
	v31 =	vadd.s32 v3, v0;
	v0 =	vadd.f32 v4, v6  }
0x539: {  	v13 =	vld [tilespmem:s17+$0xFFFFFF90]  }
0x53a: {  	v7 =	vmul.f32 v5, v5;
	v17 =	vadd.f32 v17, v2;
	v2, _, _ =	vpop (xrf2);
	v15 =	vld [tilespmem:s17+$0xFFFFFFA0];
	v3 =	vmul.f32 v1, v1;
	(xrf2) =	vadd.scan.msk.f32 $0xffff, v0  }
0x53b: {  	v2 =	vperm.xlane v2, v18;
	v22 =	vld [tilespmem:s17+$0xFFFFFFB0];
	v55 =	vadd.f32 v10, v14  }
0x53c: {  	s19 =	simm.s32 $0x2;
	v54 =	vmul.f32 v12, v12;
	v39 =	vld [tilespmem:s17+$0xFFFFFFC0];
	v40 =	vadd.f32 v7, v3;
	v3 =	vmul.f32 v11, v11  }
0x53d: {  	v23 =	vmov s19;
	v59, _, _ =	vpop (xrf2);
	v51 =	vmul.f32 $3.125000000e-02, v2;
	v41 =	vld [tilespmem:s17+$0xFFFFFFD0];
	(xrf2) =	vadd.scan.msk.f32 $0xffff, v55  }
0x53e: {  	v38 =	vmul.f32 v10, v10;
	v42 =	vadd.f32 v54, v3;
	v3 =	vperm.xlane v59, v18  }
0x53f: {  	v56 =	vadd.f32 v12, v11;
	v62 =	vmul.f32 v51, v51;
	v57 =	vmul.f32 v13, v13;
	v7 =	vld [tilespmem:s17+$0xFFFFFFE0]  }
0x540: {  	v58 =	vmul.f32 v15, v15;
	v2 =	vadd.f32 v15, v13;
	v3 =	vmul.f32 $3.125000000e-02, v3  }
0x541: {  	v36, _, _ =	vpop (xrf2);
	v60 =	vmul.f32 v22, v22;
	v61 =	vmul.f32 v39, v39;
	v63 =	vadd.f32 v39, v22;
	(xrf2) =	vadd.scan.msk.f32 $0xffff, v56  }
0x542: {  	v33 =	vmul.f32 v41, v41;
	v56 =	vperm.xlane v36, v18;
	v3 =	vsub.f32 v3, v62  }
0x543: {  	v48 =	vadd.f32 v58, v57;
	v43 =	vadd.f32 v61, v60;
	v58 =	vmul.f32 v14, v14;
	(xrf2) =	vadd.scan.msk.f32 $0xffff, v2  }
0x544: {  	s20 =	simm.s32 $0x3;
	v44 =	vmul.f32 $3.125000000e-02, v56;
	v35 =	vmul.f32 v7, v7;
	v3 =	vmax.f32 v3, $0.0e+00;
	v59, _, _ =	vpop (xrf2)  }
0x545: {  	v60 =	vmov s20;
	v2 =	vadd.f32 $9.999999960e-13, v3;
	v49 =	vperm.xlane v59, v18  }
0x546: {  	v50 =	vshrl.u32 v60, $0x3;
	v52 =	vadd.f32 v35, v33;
	v35 =	vsub.f32 v5, v44  }
0x547: {  	s15 =	simm.s32 $0x1;
	v3 =	vshrl.u32 v2, $0x1;
	v62 =	vmul.f32 $5.000000000e-01, v2;
	v5, _, _ =	vpop (xrf2);
	v49 =	vmul.f32 $3.125000000e-02, v49  }
0x548: {  	v0 =	vmov s15;
	(xrf2) =	vadd.scan.msk.f32 $0xffff, v63;
	v63 =	vsub.s32 $0x5F3759DF, v3;
	v5 =	vperm.xlane v5, v18  }
0x549: {  	v36 =	vshrl.u32 v0, $0x3;
	v3 =	vsub.f32 v6, v49;
	v6 =	vmul.f32 v63, v62  }
0x54a: {  	v57 =	vadd.f32 v7, v41;
	v53 =	vmul.f32 v44, v44;
	v5 =	vmul.f32 $3.125000000e-02, v5  }
0x54b: {  	v33 =	vsub.f32 v1, v44;
	v44 =	vsub.f32 v4, v49;
	v4, _, _ =	vpop (xrf2);
	v0 =	vmul.f32 v63, v6  }
0x54c: {  	v38 =	vadd.f32 v38, v58;
	v6 =	vperm.xlane v4, v18;
	v4 =	vsub.f32 v14, v5  }
0x54d: {  	(xrf2) =	vadd.scan.msk.f32 $0xffff, v57;
	v60 =	vmul.f32 v5, v5;
	v5 =	vsub.f32 v10, v5;
	v10, _, _ =	vpop (xrf2);
	v14 =	vsub.f32 $1.500000000e+00, v0  }
0x54e: {  	v23 =	vshrl.u32 v23, $0x3;
	s15 =	simm.s32 $0x4;
	(xrf2) =	vadd.scan.msk.f32 $0xffff, v38;
	v10 =	vperm.xlane v10, v18;
	v6 =	vmul.f32 $3.125000000e-02, v6  }
0x54f: {  	v16 =	vshll.u32 v16, v19;
	v61 =	vmov s15;
	v14 =	vmul.f32 v63, v14  }
0x550: {  	v47 =	vshrl.u32 v61, $0x3;
	(xrf2) =	vadd.scan.msk.f32 $0xffff, v40;
	v10 =	vmul.f32 $3.125000000e-02, v10;
	v61 =	vmul.f32 v6, v6  }
0x551: {  	v46 =	vsub.f32 v11, v6;
	v45 =	vsub.f32 v12, v6;
	v6 =	vmul.f32 v14, v62  }
0x552: {  	v55 =	vmul.f32 v49, v49;
	v11 =	vshll.u32 v23, v19;
	v12, _, _ =	vpop (xrf2);
	(xrf2) =	vadd.scan.msk.f32 $0xffff, v17;
	v23 =	vshll.u32 v47, v19  }
0x553: {  	s17 =	simm.s32 $0x7;
	v12 =	vperm.xlane v12, v18;
	v47 =	vsub.f32 v13, v10;
	v13 =	vmul.f32 v6, v14  }
0x554: {  	v0 =	vbroadcast v16, $0x0;
	v49 =	vsub.f32 v15, v10;
	v15 =	vmov s17  }
0x555: {  	v16 =	vshll.u32 v36, v19;
	v15 =	vshrl.u32 v15, $0x3;
	v13 =	vsub.f32 $1.500000000e+00, v13  }
0x556: {  	v17 =	vshll.u32 v50, v19;
	v62 =	vmul.f32 v10, v10;
	v10 =	vmul.f32 $3.125000000e-02, v12  }
0x557: {  	v38 =	vbroadcast v17, $0x0;
	v12, _, _ =	vpop (xrf2);
	(xrf2) =	vadd.scan.msk.f32 $0xffff, v42;
	v13 =	vmul.f32 v13, v14;
	v14 =	vshll.u32 v15, v19  }
0x558: {  	v6 =	vbroadcast v16, $0x0;
	v16 =	vmul.f32 v10, v10;
	v50 =	vsub.f32 v22, v10;
	v15, _, _ =	vpop (xrf2)  }
0x559: {  	v22 =	vsub.f32 v9, v51;
	v12 =	vperm.xlane v12, v18;
	(xrf2) =	vadd.scan.msk.f32 $0xffff, v48;
	v15 =	vperm.xlane v15, v18  }
0x55a: {  	v48 =	vsub.f32 v39, v10;
	v10 =	vbroadcast v14, $0x0;
	v63 =	vmul.f32 v13, v34;
	v14, _, _ =	vpop (xrf2)  }
0x55b: {  	v12 =	vmul.f32 $3.125000000e-02, v12;
	v14 =	vperm.xlane v14, v18  }
0x55c: {  	v8 =	vsub.f32 v8, v51;
	v15 =	vmul.f32 $3.125000000e-02, v15;
	(xrf2) =	vadd.scan.msk.f32 $0xffff, v43;
	v51, _, _ =	vpop (xrf2);
	v43 =	vmul.f32 v63, v22  }
0x55d: {  	(xrf2) =	vadd.scan.msk.f32 $0xffff, v52;
	v22 =	vperm.xlane v51, v18;
	v14 =	vmul.f32 $3.125000000e-02, v14  }
0x55e: {  	v39 =	vmul.f32 v12, v12;
	v13 =	vmul.f32 v13, v37;
	v15 =	vsub.f32 v15, v60  }
0x55f: {  	v9 =	vadd.s32 v32, v10;
	v10 =	vadd.s32 v31, v10;
	v14 =	vsub.f32 v14, v53  }
0x560: {  	v8 =	vmul.f32 v13, v8;
	v51 =	vsub.f32 v41, v12;
	v13 =	vmax.f32 v15, $0.0e+00  }
0x561: {  	v15 =	vmul.f32 $3.125000000e-02, v22;
	v13 =	vadd.f32 $9.999999960e-13, v13;
	v22, _, _ =	vpop (xrf2);
	v14 =	vmax.f32 v14, $0.0e+00  }
0x562: {  	v53 =	vperm.xlane v22, v18;
	v22 =	vbroadcast v11, $0x0;
	v11 =	vadd.f32 $9.999999960e-13, v14  }
0x563: {  	v56, _, _ =	vpop (xrf2);
	v14 =	vsub.f32 v15, v55;
	v15 =	vshrl.u32 v13, $0x1;
	v13 =	vmul.f32 $5.000000000e-01, v13  }
0x564: {  	v8 =	vadd.f32 v8, v21;
	v41 =	vperm.xlane v56, v18;
	v17 =	vmul.f32 $3.125000000e-02, v53  }
0x565: {  	v15 =	vsub.s32 $0x5F3759DF, v15;
	v57 =	vshrl.u32 v11, $0x1;
	v11 =	vmul.f32 $5.000000000e-01, v11  }
0x566: {  	v14 =	vmax.f32 v14, $0.0e+00;
	v58 =	vmul.f32 $3.125000000e-02, v41;
	v59, _, _ =	vpop (xrf2);
	v60 =	vmul.f32 v15, v13  }
0x567: {  	v17 =	vsub.f32 v17, v61;
	v14 =	vadd.f32 $9.999999960e-13, v14;
	v42 =	vsub.s32 $0x5F3759DF, v57;
	v61, _, _ =	vpop (xrf2)  }
0x568: {  	v41 =	vperm.xlane v59, v18;
	v40 =	vsub.f32 v58, v62;
	v54 =	vperm.xlane v61, v18  }
0x569: {  	v52 =	vmul.f32 v15, v60;
	v17 =	vmax.f32 v17, $0.0e+00;
	v53 =	vmul.f32 $5.000000000e-01, v14  }
0x56a: {  	v14 =	vshrl.u32 v14, $0x1;
	v41 =	vmul.f32 $3.125000000e-02, v41;
	v17 =	vadd.f32 $9.999999960e-13, v17  }
0x56b: {  	[tilespmem:$0x1FA30] =	vst v32;
	v14 =	vsub.s32 $0x5F3759DF, v14;
	v40 =	vmax.f32 v40, $0.0e+00;
	v32 =	vsub.f32 $1.500000000e+00, v52  }
0x56c: {  	v54 =	vmul.f32 $3.125000000e-02, v54;
	v52 =	vsub.f32 v7, v12;
	v40 =	vadd.f32 $9.999999960e-13, v40  }
0x56d: {  	v16 =	vsub.f32 v41, v16;
	v41 =	vmul.f32 v42, v11;
	v62 =	vshrl.u32 v17, $0x1  }
0x56e: {  	v17 =	vmul.f32 $5.000000000e-01, v17;
	v39 =	vsub.f32 v54, v39;
	v54 =	vmul.f32 v14, v53  }
0x56f: {  	v12 =	vmul.f32 v15, v32;
	v55 =	vsub.s32 $0x5F3759DF, v62;
	v63 =	vshrl.u32 v40, $0x1  }
0x570: {  	v16 =	vmax.f32 v16, $0.0e+00;
	v40 =	vmul.f32 $5.000000000e-01, v40;
	v41 =	vmul.f32 v42, v41  }
0x571: {  	v56 =	vsub.s32 $0x5F3759DF, v63;
	v16 =	vadd.f32 $9.999999960e-13, v16;
	v57 =	vmul.f32 v55, v17  }
0x572: {  	v39 =	vmax.f32 v39, $0.0e+00;
	v13 =	vmul.f32 v12, v13;
	v59 =	vmul.f32 v56, v40  }
0x573: {  	v39 =	vadd.f32 $9.999999960e-13, v39;
	v63 =	vsub.f32 $1.500000000e+00, v41;
	v41 =	vmul.f32 v14, v54  }
0x574: {  	[tilespmem:$0x1FA40] =	vst v31;
	v31 =	vshrl.u32 v16, $0x1;
	v16 =	vmul.f32 $5.000000000e-01, v16;
	v13 =	vmul.f32 v13, v12  }
0x575: {  	v58 =	vsub.s32 $0x5F3759DF, v31;
	v15 =	vshrl.u32 v39, $0x1;
	v60 =	vmul.f32 $5.000000000e-01, v39  }
0x576: {  	v31 =	vmul.f32 v55, v57;
	v57 =	vadd.f32 v43, v20;
	v61 =	vmul.f32 v42, v63  }
0x577: {  	s19 =	simm.s32 $0x9;
	s20 =	simm.s32 $0xA;
	v59 =	vmul.f32 v56, v59;
	v41 =	vsub.f32 $1.500000000e+00, v41;
	v39 =	vbroadcast v23, $0x0  }
0x578: {  	v42 =	vmov s19;
	v43 =	vmov s20;
	v15 =	vsub.s32 $0x5F3759DF, v15  }
0x579: {  	v7 =	vmul.f32 v58, v16;
	v13 =	vsub.f32 $1.500000000e+00, v13;
	v32 =	vmul.f32 v15, v60  }
0x57a: {  	v62 =	vsub.f32 $1.500000000e+00, v31;
	v14 =	vmul.f32 v14, v41;
	v11 =	vmul.f32 v61, v11  }
0x57b: {  	v23 =	vsub.f32 $1.500000000e+00, v59;
	[tilespmem:v9+s22+$0x0] =	vst.idx.msk $0xffff, v57;
	v59 =	vadd.s32 v27, v6;
	v7 =	vmul.f32 v58, v7  }
0x57c: {  	s20 =	simm.s32 $0x6;
	v57 =	vadd.s32 v24, v38;
	v12 =	vmul.f32 v13, v12;
	v63 =	vmul.f32 v15, v32  }
0x57d: {  	s15 =	simm.s32 $0x8;
	v13 =	vmov s20;
	v55 =	vmul.f32 v55, v62;
	v23 =	vmul.f32 v56, v23  }
0x57e: {  	s19 =	simm.s32 $0x5;
	v32 =	vmov s15;
	v53 =	vmul.f32 v14, v53;
	v11 =	vmul.f32 v11, v61  }
0x57f: {  	v62 =	vmov s19;
	v7 =	vsub.f32 $1.500000000e+00, v7;
	v41 =	vshrl.u32 v32, $0x3  }
0x580: {  	v32 =	vmul.f32 v12, v37;
	v31 =	vsub.f32 $1.500000000e+00, v63;
	v17 =	vmul.f32 v55, v17  }
0x581: {  	[tilespmem:v10+s22+$0x0] =	vst.idx.msk $0xffff, v8;
	v8 =	vshrl.u32 v13, $0x3;
	v36 =	vmul.f32 v23, v40;
	v53 =	vmul.f32 v53, v14  }
0x582: {  	v11 =	vsub.f32 $1.500000000e+00, v11;
	v7 =	vmul.f32 v58, v7;
	v15 =	vmul.f32 v15, v31  }
0x583: {  	v17 =	vmul.f32 v17, v55;
	v54 =	vmul.f32 v36, v23;
	v53 =	vsub.f32 $1.500000000e+00, v53  }
0x584: {  	v9 =	vshrl.u32 v62, $0x3;
	v11 =	vmul.f32 v11, v61;
	v16 =	vmul.f32 v7, v16  }
0x585: {  	v60 =	vmul.f32 v15, v60;
	v17 =	vsub.f32 $1.500000000e+00, v17;
	v14 =	vmul.f32 v53, v14  }
0x586: {  	s17 =	simm.s32 $0xB;
	v54 =	vsub.f32 $1.500000000e+00, v54;
	v36 =	vmul.f32 v11, v34;
	v1 =	vmul.f32 v11, v37  }
0x587: {  	v40 =	vmov s17;
	v16 =	vmul.f32 v16, v7;
	v56 =	vmul.f32 v60, v15  }
0x588: {  	v53 =	vshll.u32 v8, v19;
	v17 =	vmul.f32 v17, v55;
	v55 =	vmul.f32 v54, v23  }
0x589: {  	v2 =	vmul.f32 v14, v34;
	v23 =	vmul.f32 v14, v37;
	v16 =	vsub.f32 $1.500000000e+00, v16  }
0x58a: {  	[tilespmem:$0x1FA50] =	vst v29;
	v63 =	vsub.f32 $1.500000000e+00, v56;
	v8 =	vmul.f32 v17, v34;
	v13 =	vmul.f32 v17, v37  }
0x58b: {  	[tilespmem:$0x1FA60] =	vst v30;
	v61 =	vadd.s32 v29, v0;
	v7 =	vmul.f32 v16, v7;
	v16 =	vmul.f32 v12, v34  }
0x58c: {  	[tilespmem:$0x1FA70] =	vst v27;
	v54 =	vshll.u32 v9, v19;
	v12 =	vmul.f32 v55, v37;
	v31 =	vmul.f32 v63, v15  }
0x58d: {  	[tilespmem:$0x1FA80] =	vst v28;
	s17 =	simm.s32 $0x95F0;
	v15 =	vmul.f32 v55, v34;
	v55 =	vadd.s32 v28, v6;
	v6 =	vmul.f32 v36, v33  }
0x58e: {  	v60 =	vadd.s32 v30, v0;
	v0 =	vld [tilespmem:s17+$0xFFFFFFF0];
	[tilespmem:$0x1FA90] =	vst v25;
	v11 =	vmul.f32 v7, v34;
	v9 =	vmul.f32 v7, v37  }
0x58f: {  	v58 =	vadd.s32 v26, v22;
	v62 =	vld [tilespmem:s17+$0x0];
	[tilespmem:$0x1FAA0] =	vst v26;
	v16 =	vmul.f32 v16, v4;
	v7 =	vmul.f32 v32, v5  }
0x590: {  	v56 =	vadd.s32 v25, v22;
	v4 =	vld [tilespmem:s17+$0xFFFFFF20];
	v5 =	vmul.f32 v1, v35;
	[tilespmem:$0x1FAB0] =	vst v24;
	v1 =	vmul.f32 v2, v3  }
0x591: {  	s19 =	simm.s32 $0x10;
	v10 =	vmul.f32 v31, v34;
	v14 =	vmul.f32 v31, v37;
	v63 =	vld [tilespmem:s17+$0xFFFFFF30];
	v2 =	vadd.f32 v16, v20  }
.LBB2_9:
0x592: {  	v22 =	vld [tilespmem:s17+$0xFFFFFF40]  }
0x593: {  	v3 =	vld [tilespmem:s17+$0xFFFFFF50];
	v16 =	vadd.f32 v7, v21;
	v7 =	vmul.f32 v23, v44  }
0x594: {  	v17 =	vmul.f32 v8, v46;
	v45 =	vmul.f32 v13, v45;
	v44 =	vld [tilespmem:s17+$0xFFFFFF60]  }
0x595: {  	v23 =	vadd.f32 v6, v20;
	v46 =	vmul.f32 v15, v47;
	v50 =	vmul.f32 v11, v50;
	v13 =	vld [tilespmem:s17+$0xFFFFFF70]  }
0x596: {  	v15 =	vld [tilespmem:s17+$0xFFFFFF80];
	v6 =	vadd.f32 v62, v0;
	v8 =	vmul.f32 v0, v0;
	v11 =	vmul.f32 v62, v62  }
0x597: {  	v24 =	vmul.f32 v12, v49;
	v12 =	vld [tilespmem:s17+$0xFFFFFF90]  }
0x598: {  	v28 =	vmul.f32 v9, v48;
	v9 =	vld [tilespmem:s17+$0xFFFFFFB0];
	(xrf2) =	vadd.scan.msk.f32 $0xffff, v6;
	v8 =	vadd.f32 v11, v8  }
0x599: {  	v34 =	vmul.f32 v63, v63;
	v6 =	vmul.f32 v22, v22;
	v11 =	vld [tilespmem:s17+$0xFFFFFFA0]  }
0x59a: {  	v5 =	vadd.f32 v5, v21;
	v30 =	vmul.f32 v10, v51;
	v27 =	vadd.f32 v7, v21;
	v7 =	vld [tilespmem:s17+$0xFFFFFFD0];
	(xrf2) =	vadd.scan.msk.f32 $0xffff, v8  }
0x59b: {  	v35 =	vmul.f32 v3, v3;
	v47 =	vadd.f32 v6, v34;
	v6 =	vmul.f32 v44, v44;
	v8 =	vld [tilespmem:s17+$0xFFFFFFC0]  }
0x59c: {  	v26 =	vadd.f32 v22, v63;
	v36 =	vmul.f32 v13, v13;
	v10 =	vmul.f32 v15, v15  }
0x59d: {  	v29 =	vadd.f32 v44, v3;
	v49 =	vadd.f32 v6, v35;
	v6 =	vld [tilespmem:s17+$0xFFFFFFE0]  }
0x59e: {  	v37 =	vmul.f32 v12, v12;
	v48 =	vadd.f32 v10, v36;
	(xrf2) =	vadd.scan.msk.f32 $0xffff, v26;
	v10 =	vmul.f32 v11, v11  }
0x59f: {  	v32 =	vld [tilespmem:s17+$0xFFFFFF10];
	v26 =	vadd.f32 v45, v21;
	v45 =	vmul.f32 v14, v52;
	v14 =	vmul.f32 v9, v9  }
0x5a0: {  	(xrf2) =	vadd.scan.msk.f32 $0xffff, v29;
	v29 =	vmul.f32 v7, v7;
	v51 =	vadd.f32 v10, v37;
	v10 =	vmul.f32 v8, v8  }
0x5a1: {  	v1 =	vadd.f32 v1, v20;
	[tilespmem:v61+s22+$0x0] =	vst.idx.msk $0xffff, v2;
	v17 =	vadd.f32 v17, v20  }
0x5a2: {  	[tilespmem:v60+s22+$0x0] =	vst.idx.msk $0xffff, v16;
	v16 =	vld [tilespmem:$0x1F9C0];
	v14 =	vadd.f32 v10, v14;
	v10 =	vmul.f32 v6, v6;
	v52, _, _ =	vpop (xrf2)  }
0x5a3: {  	v46 =	vadd.f32 v46, v20;
	[tilespmem:v59+s22+$0x0] =	vst.idx.msk $0xffff, v23;
	v23 =	vld [tilespmem:$0x1F9D0];
	v52 =	vperm.xlane v52, v18  }
0x5a4: {  	v2 =	vbroadcast v54, $0x0;
	[tilespmem:v55+s22+$0x0] =	vst.idx.msk $0xffff, v5;
	v5 =	vld [tilespmem:$0x1F9E0];
	v36 =	vadd.f32 v4, v32;
	v10 =	vadd.f32 v10, v29;
	v29, _, _ =	vpop (xrf2)  }
0x5a5: {  	s7 =	sadd.s32 $0x4, s15;
	v24 =	vadd.f32 v24, v21;
	[tilespmem:v56+s22+$0x0] =	vst.idx.msk $0xffff, v1;
	v1 =	vld [tilespmem:$0x1F9F0];
	v29 =	vperm.xlane v29, v18;
	v52 =	vmul.f32 $3.125000000e-02, v52  }
0x5a6: {  	v54 =	vmov s7;
	v50 =	vadd.f32 v50, v20;
	v31 =	vadd.f32 v15, v13;
	(xrf2) =	vadd.scan.msk.f32 $0xffff, v36  }
0x5a7: {  	v59 =	vld [tilespmem:$0x1FA00];
	v16 =	vadd.s32 v16, v38;
	v29 =	vmul.f32 $3.125000000e-02, v29;
	v61 =	vmul.f32 v52, v52  }
0x5a8: {  	v23 =	vadd.s32 v23, v39;
	v33 =	vadd.f32 v11, v12;
	v36 =	vbroadcast v53, $0x0;
	v53, _, _ =	vpop (xrf2);
	(xrf2) =	vadd.scan.msk.f32 $0xffff, v31  }
0x5a9: {  	v25 =	vmul.f32 v4, v4;
	v5 =	vadd.s32 v5, v39;
	v29 =	vsub.f32 v29, v61  }
0x5aa: {  	[tilespmem:v58+s22+$0x0] =	vst.idx.msk $0xffff, v27;
	v55 =	vadd.s32 v1, v2;
	v37 =	vmul.f32 v32, v32;
	v56, _, _ =	vpop (xrf2);
	(xrf2) =	vadd.scan.msk.f32 $0xffff, v33  }
0x5ab: {  	[tilespmem:v57+s22+$0x0] =	vst.idx.msk $0xffff, v17;
	v34 =	vadd.f32 v8, v9;
	v39 =	vperm.xlane v56, v18;
	v29 =	vmax.f32 v29, $0.0e+00  }
0x5ac: {  	v27 =	vadd.s32 v59, v2;
	v2 =	vld [tilespmem:$0x1FA10];
	[tilespmem:v16+s22+$0x0] =	vst.idx.msk $0xffff, v26;
	v25 =	vadd.f32 v25, v37;
	v29 =	vadd.f32 $9.999999960e-13, v29  }
0x5ad: {  	[tilespmem:v23+s22+$0x0] =	vst.idx.msk $0xffff, v46;
	v37 =	vadd.f32 v45, v21;
	v45 =	vperm.xlane v53, v18;
	v16 =	vmul.f32 $3.125000000e-02, v39  }
0x5ae: {  	[tilespmem:v5+s22+$0x0] =	vst.idx.msk $0xffff, v24;
	v35 =	vadd.f32 v6, v7;
	v23 =	vshrl.u32 v29, $0x1;
	v61 =	vmul.f32 $5.000000000e-01, v29  }
0x5af: {  	(xrf2) =	vadd.scan.msk.f32 $0xffff, v34;
	v1 =	vmul.f32 $3.125000000e-02, v45;
	v24 =	vmul.f32 v16, v16;
	v23 =	vsub.s32 $0x5F3759DF, v23  }
0x5b0: {  	v3 =	vsub.f32 v3, v16;
	v44 =	vsub.f32 v44, v16;
	v5, _, _ =	vpop (xrf2);
	v16 =	vmul.f32 v23, v61  }
0x5b1: {  	v60 =	vadd.s32 v2, v36;
	v2 =	vsub.f32 v63, v1;
	v63 =	vperm.xlane v5, v18  }
0x5b2: {  	v17 =	vmul.f32 v1, v1;
	v1 =	vsub.f32 v22, v1;
	v22 =	vld [tilespmem:$0x1FA20];
	v5, _, _ =	vpop (xrf2);
	v16 =	vmul.f32 v23, v16  }
0x5b3: {  	v38 =	vshrl.u32 v42, $0x3;
	(xrf2) =	vadd.scan.msk.f32 $0xffff, v35;
	v42 =	vperm.xlane v5, v18;
	v39 =	vmul.f32 $3.125000000e-02, v63  }
0x5b4: {  	[tilespmem:v55+s22+$0x0] =	vst.idx.msk $0xffff, v50;
	v31 =	vshrl.u32 v54, $0x3;
	v50, _, _ =	vpop (xrf2);
	v16 =	vsub.f32 $1.500000000e+00, v16  }
0x5b5: {  	v54 =	vperm.xlane v50, v18;
	v57 =	vsub.f32 v4, v39;
	v4 =	vmul.f32 $3.125000000e-02, v42  }
0x5b6: {  	v16 =	vmul.f32 v23, v16  }
0x5b7: {  	v22 =	vadd.s32 v22, v36;
	(xrf2) =	vadd.scan.msk.f32 $0xffff, v25;
	v56 =	vmul.f32 $3.125000000e-02, v54;
	v46 =	vsub.f32 v13, v4  }
0x5b8: {  	(xrf2) =	vadd.scan.msk.f32 $0xffff, v47;
	v45 =	vsub.f32 v15, v4;
	v23 =	vmul.f32 v4, v4;
	v4 =	vmul.f32 v16, v61  }
0x5b9: {  	v30 =	vadd.f32 v30, v20;
	v0 =	vsub.f32 v0, v52;
	v36 =	vshll.u32 v41, v19;
	v58, _, _ =	vpop (xrf2);
	(xrf2) =	vadd.scan.msk.f32 $0xffff, v49  }
0x5ba: {  	v25 =	vperm.xlane v58, v18;
	v47 =	vsub.f32 v12, v56;
	v12 =	vmul.f32 v4, v16  }
0x5bb: {  	v41 =	vshrl.u32 v43, $0x3;
	v43 =	vshrl.u32 v40, $0x3;
	v5 =	vsub.f32 v32, v39;
	v32 =	vld [tilespmem:$0x1FEE0]  }
0x5bc: {  	v33 =	vld [tilespmem:$0x1FEF0];
	[tilespmem:v60+s22+$0x0] =	vst.idx.msk $0xffff, v30;
	v49 =	vsub.f32 v11, v56;
	v11 =	vmul.f32 $3.125000000e-02, v25;
	v12 =	vsub.f32 $1.500000000e+00, v12  }
0x5bd: {  	v59 =	vshll.u32 v43, v19;
	[tilespmem:v22+s22+$0x0] =	vst.idx.msk $0xffff, v37;
	v22 =	vmul.f32 v39, v39;
	v15, _, _ =	vpop (xrf2);
	(xrf2) =	vadd.scan.msk.f32 $0xffff, v48  }
0x5be: {  	s20 =	sadd.s32 $0x7, s15;
	v43 =	vsub.f32 v62, v52;
	v63 =	vmul.f32 v11, v11;
	v12 =	vmul.f32 v12, v16  }
0x5bf: {  	v50 =	vsub.f32 v9, v11;
	v61 =	vmov s20;
	v15 =	vperm.xlane v15, v18  }
0x5c0: {  	v48 =	vsub.f32 v8, v11;
	v9 =	vshrl.u32 v61, $0x3;
	v11 =	vmul.f32 v12, v32  }
0x5c1: {  	v42 =	vld [tilespmem:$0x1FA30];
	v9 =	vshll.u32 v9, v19;
	v15 =	vmul.f32 $3.125000000e-02, v15;
	v16, _, _ =	vpop (xrf2);
	v12 =	vmul.f32 v12, v33  }
0x5c2: {  	v8 =	vbroadcast v9, $0x0;
	v54, _, _ =	vpop (xrf2);
	v0 =	vmul.f32 v11, v0;
	v11 =	vld [tilespmem:$0x1FA40]  }
0x5c3: {  	v52 =	vsub.f32 v6, v15;
	(xrf2) =	vadd.scan.msk.f32 $0xffff, v51;
	v51 =	vsub.f32 v7, v15;
	v6, _, _ =	vpop (xrf2);
	v7 =	vmul.f32 v12, v43  }
0x5c4: {  	v60 =	vshll.u32 v31, v19;
	(xrf2) =	vadd.scan.msk.f32 $0xffff, v14;
	v31 =	vperm.xlane v54, v18;
	v14 =	vperm.xlane v6, v18  }
0x5c5: {  	v28 =	vadd.f32 v28, v21;
	v9 =	vmul.f32 v15, v15;
	v16 =	vperm.xlane v16, v18;
	(xrf2) =	vadd.scan.msk.f32 $0xffff, v10  }
0x5c6: {  	v25 =	vadd.s32 v42, v8;
	v12 =	vmul.f32 $3.125000000e-02, v31;
	v10 =	vmul.f32 $3.125000000e-02, v14  }
0x5c7: {  	v15 =	vadd.f32 v7, v21;
	v7, _, _ =	vpop (xrf2);
	v8 =	vadd.s32 v11, v8;
	v11 =	vmul.f32 $3.125000000e-02, v16  }
0x5c8: {  	v0 =	vadd.f32 v0, v20;
	v10 =	vsub.f32 v10, v24;
	v7 =	vperm.xlane v7, v18  }
0x5c9: {  	v53 =	vshll.u32 v38, v19;
	v12 =	vsub.f32 v12, v17;
	v11 =	vsub.f32 v11, v22  }
0x5ca: {  	v38 =	vbroadcast v59, $0x0;
	v10 =	vmax.f32 v10, $0.0e+00;
	v7 =	vmul.f32 $3.125000000e-02, v7  }
0x5cb: {  	v39 =	vbroadcast v60, $0x0;
	[tilespmem:v25+s22+$0x0] =	vst.idx.msk $0xffff, v0;
	v10 =	vadd.f32 $9.999999960e-13, v10;
	v0 =	vmax.f32 v11, $0.0e+00  }
0x5cc: {  	v29 =	vmul.f32 v56, v56;
	v7 =	vsub.f32 v7, v23;
	v0 =	vadd.f32 $9.999999960e-13, v0  }
0x5cd: {  	[tilespmem:v8+s22+$0x0] =	vst.idx.msk $0xffff, v15;
	v8 =	vmax.f32 v12, $0.0e+00;
	v12, _, _ =	vpop (xrf2);
	v15 =	vshrl.u32 v10, $0x1;
	v10 =	vmul.f32 $5.000000000e-01, v10  }
0x5ce: {  	v12 =	vperm.xlane v12, v18;
	v14, _, _ =	vpop (xrf2);
	v7 =	vmax.f32 v7, $0.0e+00;
	v11 =	vshrl.u32 v0, $0x1  }
0x5cf: {  	v0 =	vmul.f32 $5.000000000e-01, v0;
	v14 =	vperm.xlane v14, v18;
	v7 =	vadd.f32 $9.999999960e-13, v7;
	v17, _, _ =	vpop (xrf2)  }
0x5d0: {  	v11 =	vsub.s32 $0x5F3759DF, v11;
	v12 =	vmul.f32 $3.125000000e-02, v12;
	v17 =	vperm.xlane v17, v18  }
0x5d1: {  	v15 =	vsub.s32 $0x5F3759DF, v15;
	v16 =	vmul.f32 v11, v0;
	v14 =	vmul.f32 $3.125000000e-02, v14  }
0x5d2: {  	v22 =	vshrl.u32 v7, $0x1;
	v7 =	vmul.f32 $5.000000000e-01, v7;
	v12 =	vsub.f32 v12, v29  }
0x5d3: {  	v22 =	vsub.s32 $0x5F3759DF, v22;
	v17 =	vmul.f32 $3.125000000e-02, v17;
	v14 =	vsub.f32 v14, v63  }
0x5d4: {  	v58 =	vmul.f32 v22, v7;
	v16 =	vmul.f32 v11, v16;
	v12 =	vmax.f32 v12, $0.0e+00  }
0x5d5: {  	v9 =	vsub.f32 v17, v9;
	v17 =	vmul.f32 v15, v10;
	v12 =	vadd.f32 $9.999999960e-13, v12  }
0x5d6: {  	v14 =	vmax.f32 v14, $0.0e+00;
	v25 =	vmul.f32 v22, v58;
	v16 =	vsub.f32 $1.500000000e+00, v16  }
0x5d7: {  	v14 =	vadd.f32 $9.999999960e-13, v14;
	v9 =	vmax.f32 v9, $0.0e+00;
	v17 =	vmul.f32 v15, v17  }
0x5d8: {  	v56 =	vshrl.u32 v12, $0x1;
	v12 =	vmul.f32 $5.000000000e-01, v12;
	v9 =	vadd.f32 $9.999999960e-13, v9  }
0x5d9: {  	v24 =	vsub.s32 $0x5F3759DF, v56;
	v59 =	vshrl.u32 v14, $0x1;
	v14 =	vmul.f32 $5.000000000e-01, v14  }
0x5da: {  	v26 =	vsub.s32 $0x5F3759DF, v59;
	v62 =	vshrl.u32 v9, $0x1;
	v9 =	vmul.f32 $5.000000000e-01, v9  }
0x5db: {  	v60 =	vmul.f32 v24, v12;
	v61 =	vmul.f32 v26, v14;
	v29 =	vsub.s32 $0x5F3759DF, v62  }
0x5dc: {  	v11 =	vmul.f32 v11, v16;
	v63 =	vmul.f32 v29, v9  }
0x5dd: {  	[tilespmem:v27+s22+$0x0] =	vst.idx.msk $0xffff, v28;
	v17 =	vsub.f32 $1.500000000e+00, v17;
	v27 =	vmul.f32 v24, v60;
	v28 =	vmul.f32 v26, v61  }
0x5de: {  	v25 =	vsub.f32 $1.500000000e+00, v25;
	v0 =	vmul.f32 v11, v0;
	v30 =	vmul.f32 v29, v63  }
0x5df: {  	v15 =	vmul.f32 v15, v17;
	v27 =	vsub.f32 $1.500000000e+00, v27;
	v16 =	vsub.f32 $1.500000000e+00, v28  }
0x5e0: {  	v17 =	vmul.f32 v22, v25;
	v0 =	vmul.f32 v0, v11;
	v22 =	vsub.f32 $1.500000000e+00, v30  }
0x5e1: {  	v24 =	vmul.f32 v24, v27;
	v16 =	vmul.f32 v26, v16  }
0x5e2: {  	v7 =	vmul.f32 v17, v7;
	v22 =	vmul.f32 v29, v22  }
0x5e3: {  	v12 =	vmul.f32 v24, v12;
	v14 =	vmul.f32 v16, v14  }
0x5e4: {  	v7 =	vmul.f32 v7, v17;
	v9 =	vmul.f32 v22, v9  }
0x5e5: {  	v0 =	vsub.f32 $1.500000000e+00, v0;
	v12 =	vmul.f32 v12, v24;
	v14 =	vmul.f32 v14, v16  }
0x5e6: {  	v7 =	vsub.f32 $1.500000000e+00, v7;
	v9 =	vmul.f32 v9, v22  }
0x5e7: {  	v0 =	vmul.f32 v0, v11;
	v11 =	vsub.f32 $1.500000000e+00, v12;
	v12 =	vsub.f32 $1.500000000e+00, v14  }
0x5e8: {  	v7 =	vmul.f32 v7, v17;
	v9 =	vsub.f32 $1.500000000e+00, v9  }
0x5e9: {  	v14 =	vmul.f32 v12, v16;
	v16 =	vmul.f32 v0, v32  }
0x5ea: {  	v17 =	vmul.f32 v9, v22;
	v22 =	vmul.f32 v0, v33;
	v0 =	vld [tilespmem:$0x1FA50];
	_ =	sdelay $0x2  }
0x5eb: {  	v55 =	vbroadcast v36, $0x0;
	_ =	sdelay $0x1  }
0x5ec: {  	v61 =	vadd.s32 v0, v55;
	v0 =	vld [tilespmem:$0x1FA60];
	_ =	sdelay $0x2  }
0x5ed: {  	v13 =	vshll.u32 v41, v19;
	v8 =	vadd.f32 $9.999999960e-13, v8  }
0x5ee: {  	v6 =	vbroadcast v13, $0x0  }
0x5ef: {  	v13 =	vshrl.u32 v8, $0x1;
	v8 =	vmul.f32 $5.000000000e-01, v8;
	v60 =	vadd.s32 v0, v55;
	v0 =	vld [tilespmem:$0x1FA70]  }
0x5f0: {  	v13 =	vsub.s32 $0x5F3759DF, v13  }
0x5f1: {  	v23 =	vmul.f32 v13, v8  }
0x5f2: {  	v4 =	vbroadcast v53, $0x0  }
0x5f3: {  	v23 =	vmul.f32 v13, v23  }
0x5f4: {  	v59 =	vadd.s32 v0, v4;
	v0 =	vld [tilespmem:$0x1FA80]  }
0x5f5: {  	v23 =	vsub.f32 $1.500000000e+00, v23;
	_ =	sdelay $0x1  }
0x5f6: {  	v13 =	vmul.f32 v13, v23;
	_ =	sdelay $0x1  }
0x5f7: {  	v8 =	vmul.f32 v13, v8;
	v55 =	vadd.s32 v0, v4;
	v4 =	vld [tilespmem:$0x1FA90]  }
0x5f8: {  	s20 =	sadd.s32 $0x1, s19;
	v10 =	vmul.f32 v15, v10  }
0x5f9: {  	v42 =	vmov s20;
	s20 =	sadd.s32 $0x2, s19;
	v8 =	vmul.f32 v8, v13  }
0x5fa: {  	v43 =	vmov s20;
	s20 =	sadd.s32 $0x3, s19;
	v10 =	vmul.f32 v10, v15  }
0x5fb: {  	v40 =	vmov s20;
	v8 =	vsub.f32 $1.500000000e+00, v8  }
0x5fc: {  	s20 =	sadd.s32 $0x5, s15;
	v23 =	vmov s19;
	v10 =	vsub.f32 $1.500000000e+00, v10;
	v56 =	vadd.s32 v4, v6;
	v4 =	vld [tilespmem:$0x1FAA0]  }
0x5fd: {  	v41 =	vshrl.u32 v23, $0x3;
	v23 =	vmov s20;
	s20 =	sadd.s32 $0x6, s15;
	v8 =	vmul.f32 v8, v13  }
0x5fe: {  	v34 =	vmov s20;
	v10 =	vmul.f32 v10, v15  }
0x5ff: {  	v13 =	vshrl.u32 v23, $0x3;
	v35 =	vmul.f32 v8, v32;
	v36 =	vmul.f32 v8, v33  }
0x600: {  	v54 =	vshll.u32 v13, v19;
	v37 =	vmul.f32 v10, v32;
	v23 =	vmul.f32 v10, v33  }
0x601: {  	v11 =	vmul.f32 v11, v24;
	v58 =	vadd.s32 v4, v6;
	v6 =	vmul.f32 v35, v2;
	v2 =	vld [tilespmem:$0x1FAB0]  }
0x602: {  	p1 =	slt.u32 s19, $0x78;
	v8 =	vmul.f32 v7, v32;
	v13 =	vmul.f32 v7, v33;
	v12 =	vshrl.u32 v34, $0x3  }
.Ltmp7:
0x603: {  	s17 =	sadd.s32 $0x100, s17;
	v53 =	vshll.u32 v12, v19;
	v15 =	vmul.f32 v11, v32;
	v12 =	vmul.f32 v11, v33;
	(pc) =	sbr.rel @p1 .LBB2_9-.Ltmp7, $4  }
0x604: {  	v62 =	vld [tilespmem:s17+$0x0];
	v11 =	vmul.f32 v14, v32;
	v9 =	vmul.f32 v14, v33  }
0x605: {  	v63 =	vld [tilespmem:s17+$0xFFFFFF30];
	v5 =	vmul.f32 v16, v5;
	v10 =	vmul.f32 v17, v32  }
0x606: {  	v14 =	vmul.f32 v17, v33;
	v7 =	vmul.f32 v22, v57;
	v0 =	vld [tilespmem:s17+$0xFFFFFFF0];
	v57 =	vadd.s32 v2, v38  }
0x607: {  	s15 =	smov.u32 s19;
	s19 =	sadd.s32 $0x8, s19;
	v4 =	vld [tilespmem:s17+$0xFFFFFF20];
	v2 =	vadd.f32 v5, v20;
	v5 =	vmul.f32 v36, v1;
	v1 =	vmul.f32 v37, v3  }
0x608: {  	_ =	sdelay $0x2  }
0x609: {  	v17 =	vmul.f32 v62, v62;
	v3 =	vadd.f32 v62, v0;
	v16 =	vmul.f32 v0, v0;
	_ =	sdelay $0x1  }
0x60a: {  	(xrf2) =	vadd.scan.msk.f32 $0xffff, v3;
	v34 =	vadd.f32 v17, v16;
	_ =	sdelay $0x1  }
0x60b: {  	(xrf2) =	vadd.scan.msk.f32 $0xffff, v34;
	_ =	sdelay $0x7  }
0x60c: {  	v35, _, _ =	vpop (xrf2)  }
0x60d: {  	v3 =	vperm.xlane v35, v18  }
0x60e: {  	v16, _, _ =	vpop (xrf2)  }
0x60f: {  	v16 =	vperm.xlane v16, v18;
	v17 =	vmul.f32 $3.125000000e-02, v3;
	_ =	sdelay $0x1  }
0x610: {  	v36 =	vmul.f32 $3.125000000e-02, v16;
	v16 =	vmul.f32 v17, v17;
	_ =	sdelay $0x1  }
0x611: {  	v3 =	vsub.f32 v36, v16;
	_ =	sdelay $0x1  }
0x612: {  	v3 =	vmax.f32 v3, $0.0e+00  }
0x613: {  	v16 =	vld [tilespmem:s17+$0xFFFFFF40];
	v3 =	vadd.f32 $9.999999960e-13, v3  }
0x614: {  	v24 =	vld [tilespmem:s17+$0xFFFFFF50]  }
0x615: {  	v25 =	vld [tilespmem:s17+$0xFFFFFF60];
	v22 =	vshrl.u32 v3, $0x1;
	v26 =	vmul.f32 $5.000000000e-01, v3  }
0x616: {  	v27 =	vld [tilespmem:s17+$0xFFFFFF70];
	v37 =	vsub.s32 $0x5F3759DF, v22  }
0x617: {  	v28 =	vld [tilespmem:s17+$0xFFFFFF80];
	v22 =	vmul.f32 v37, v26  }
0x618: {  	v29 =	vld [tilespmem:s17+$0xFFFFFF90];
	v31 =	vadd.f32 v16, v63  }
0x619: {  	v30 =	vld [tilespmem:s17+$0xFFFFFFA0];
	v22 =	vmul.f32 v37, v22  }
0x61a: {  	v32 =	vld [tilespmem:s17+$0xFFFFFF10];
	(xrf2) =	vadd.scan.msk.f32 $0xffff, v31  }
0x61b: {  	v33 =	vld [tilespmem:s17+$0xFFFFFFB0];
	v35 =	vmul.f32 v23, v44;
	v22 =	vsub.f32 $1.500000000e+00, v22  }
0x61c: {  	v46 =	vmul.f32 v8, v46;
	v13 =	vmul.f32 v13, v45;
	v31 =	vld [tilespmem:s17+$0xFFFFFFC0]  }
0x61d: {  	v45 =	vmul.f32 v15, v47;
	v34 =	vmul.f32 v37, v22;
	v22 =	vld [tilespmem:s17+$0xFFFFFFD0];
	[tilespmem:$0x1F8D0] =	vst v35  }
0x61e: {  	v49 =	vmul.f32 v12, v49;
	v50 =	vmul.f32 v11, v50;
	v23 =	vadd.f32 v25, v24;
	v44 =	vld [tilespmem:s17+$0xFFFFFFE0]  }
0x61f: {  	v11 =	vmul.f32 v25, v25;
	v3 =	vmul.f32 v32, v32;
	v37 =	vadd.f32 v4, v32  }
0x620: {  	v15 =	vadd.f32 v28, v27;
	(xrf2) =	vadd.scan.msk.f32 $0xffff, v23;
	v35 =	vmul.f32 v16, v16;
	v36 =	vmul.f32 v34, v26  }
0x621: {  	v47 =	vadd.f32 v30, v29;
	(xrf2) =	vadd.scan.msk.f32 $0xffff, v37;
	v37 =	vmul.f32 v9, v48;
	v48 =	vmul.f32 v10, v51  }
0x622: {  	v23 =	vadd.f32 v31, v33;
	v51 =	vmul.f32 v14, v52;
	(xrf2) =	vadd.scan.msk.f32 $0xffff, v15;
	v15 =	vmul.f32 v4, v4  }
0x623: {  	v8 =	vmul.f32 v36, v34;
	(xrf2) =	vadd.scan.msk.f32 $0xffff, v47;
	v47 =	vmul.f32 v63, v63;
	v36 =	vadd.f32 v44, v22  }
0x624: {  	v26 =	vmul.f32 v29, v29;
	v52, _, _ =	vpop (xrf2);
	v15 =	vadd.f32 v15, v3;
	(xrf2) =	vadd.scan.msk.f32 $0xffff, v23;
	v3 =	vmul.f32 v24, v24  }
0x625: {  	[tilespmem:$0x1F8E0] =	vst v37;
	v9 =	vperm.xlane v52, v18;
	v47 =	vadd.f32 v35, v47;
	(xrf2) =	vadd.scan.msk.f32 $0xffff, v36  }
0x626: {  	v37 =	vmul.f32 v22, v22;
	v8 =	vsub.f32 $1.500000000e+00, v8;
	v10 =	vadd.f32 v11, v3;
	v11 =	vmovc v22;
	v22 =	vld [tilespmem:$0x1FEE0];
	(xrf2) =	vadd.scan.msk.f32 $0xffff, v15  }
0x627: {  	v23 =	vmul.f32 v28, v28;
	v35 =	vmul.f32 v33, v33;
	(xrf2) =	vadd.scan.msk.f32 $0xffff, v47  }
0x628: {  	v8 =	vmul.f32 v8, v34;
	v34 =	vmul.f32 v30, v30  }
0x629: {  	v14 =	vsub.f32 v0, v17;
	v36 =	vmul.f32 v31, v31;
	v15 =	vmul.f32 v27, v27  }
0x62a: {  	v12, _, _ =	vpop (xrf2);
	v52 =	vmul.f32 v44, v44;
	v9 =	vmul.f32 $3.125000000e-02, v9;
	v26 =	vadd.f32 v34, v26  }
0x62b: {  	v34 =	vadd.f32 v36, v35;
	v15 =	vadd.f32 v23, v15;
	v23, _, _ =	vpop (xrf2);
	v3 =	vmul.f32 v8, v22  }
0x62c: {  	s7 =	sadd.s32 $0x7, s15;
	[tilespmem:$0x1F900] =	vst v51;
	v36 =	vadd.f32 v52, v37;
	v37 =	vperm.xlane v12, v18;
	v12 =	vsub.f32 v63, v9;
	v51, _, _ =	vpop (xrf2)  }
0x62d: {  	[tilespmem:$0x1F8F0] =	vst v48;
	v47 =	vsub.f32 v16, v9;
	v35, _, _ =	vpop (xrf2);
	v48 =	vmul.f32 v3, v14;
	v14 =	vmov s7  }
0x62e: {  	v52, _, _ =	vpop (xrf2)  }
0x62f: {  	[tilespmem:$0x1F910] =	vst v12;
	v0 =	vperm.xlane v23, v18;
	v12 =	vshrl.u32 v14, $0x3;
	v23, _, _ =	vpop (xrf2)  }
0x630: {  	v17 =	vsub.f32 v62, v17;
	v16 =	vmul.f32 v9, v9;
	v9 =	vshll.u32 v12, v19;
	v14, _, _ =	vpop (xrf2)  }
0x631: {  	[tilespmem:$0x1F920] =	vst v47;
	v0 =	vmul.f32 $3.125000000e-02, v0;
	v62 =	vbroadcast v9, $0x0;
	v47, _, _ =	vpop (xrf2);
	(xrf2) =	vadd.scan.msk.f32 $0xffff, v10  }
0x632: {  	v9 =	vld [tilespmem:$0x1FA30];
	v23 =	vperm.xlane v23, v18;
	v63 =	vperm.xlane v14, v18;
	(xrf2) =	vadd.scan.msk.f32 $0xffff, v15  }
0x633: {  	v14 =	vsub.f32 v4, v0;
	v4 =	vmul.f32 v0, v0;
	v3 =	vperm.xlane v47, v18;
	(xrf2) =	vadd.scan.msk.f32 $0xffff, v26;
	v26 =	vld [tilespmem:$0x1FA40]  }
0x634: {  	v12 =	vmul.f32 $3.125000000e-02, v63;
	v63 =	vperm.xlane v35, v18  }
0x635: {  	v15 =	vsub.f32 v32, v0;
	v47 =	vmul.f32 $3.125000000e-02, v37;
	v0 =	vperm.xlane v52, v18  }
0x636: {  	v3 =	vmul.f32 $3.125000000e-02, v3;
	v32 =	vsub.f32 v12, v4;
	v12 =	vmul.f32 $3.125000000e-02, v63  }
0x637: {  	v9 =	vadd.s32 v9, v62;
	(xrf2) =	vadd.scan.msk.f32 $0xffff, v34;
	v52 =	vsub.f32 v25, v47;
	v25 =	vmul.f32 v47, v47  }
0x638: {  	(xrf2) =	vadd.scan.msk.f32 $0xffff, v36;
	v3 =	vsub.f32 v3, v16;
	v36 =	vsub.f32 v29, v12;
	v10 =	vadd.s32 v26, v62  }
0x639: {  	v62 =	vperm.xlane v51, v18;
	v51 =	vsub.f32 v24, v47;
	v24 =	vmul.f32 $3.125000000e-02, v0  }
0x63a: {  	v47 =	vsub.f32 v30, v12;
	v26 =	vmul.f32 v12, v12;
	v12 =	vld [tilespmem:$0x1FEF0];
	v3 =	vmax.f32 v3, $0.0e+00  }
0x63b: {  	v23 =	vmul.f32 $3.125000000e-02, v23;
	v3 =	vadd.f32 $9.999999960e-13, v3  }
0x63c: {  	v32 =	vmax.f32 v32, $0.0e+00;
	v16 =	vmul.f32 $3.125000000e-02, v62;
	v63 =	vsub.f32 v33, v24  }
0x63d: {  	v31 =	vsub.f32 v31, v24;
	v24 =	vmul.f32 v24, v24;
	v33, _, _ =	vpop (xrf2);
	v4 =	vmul.f32 $5.000000000e-01, v3  }
0x63e: {  	v62 =	vsub.f32 v27, v16;
	v37 =	vsub.f32 v28, v16;
	v28 =	vperm.xlane v33, v18  }
0x63f: {  	v16 =	vmul.f32 v16, v16;
	v27 =	vadd.f32 $9.999999960e-13, v32;
	v34, _, _ =	vpop (xrf2);
	v8 =	vmul.f32 v8, v12  }
0x640: {  	v32 =	vshrl.u32 v3, $0x1;
	v29 =	vperm.xlane v34, v18;
	v35, _, _ =	vpop (xrf2);
	v28 =	vmul.f32 $3.125000000e-02, v28  }
0x641: {  	[tilespmem:$0x1F930] =	vst v31;
	v32 =	vsub.s32 $0x5F3759DF, v32;
	v30 =	vmul.f32 $5.000000000e-01, v27;
	v31 =	vperm.xlane v35, v18  }
0x642: {  	v27 =	vshrl.u32 v27, $0x1;
	v0, _, _ =	vpop (xrf2);
	v35 =	vmul.f32 v32, v4;
	v29 =	vmul.f32 $3.125000000e-02, v29  }
0x643: {  	v27 =	vsub.s32 $0x5F3759DF, v27;
	v33 =	vperm.xlane v0, v18;
	v8 =	vmul.f32 v8, v17  }
0x644: {  	v3, _, _ =	vpop (xrf2);
	v31 =	vmul.f32 $3.125000000e-02, v31;
	v25 =	vsub.f32 v28, v25;
	v28 =	vmul.f32 v27, v30  }
0x645: {  	v3 =	vperm.xlane v3, v18;
	v0 =	vmul.f32 $3.125000000e-02, v33  }
0x646: {  	v16 =	vsub.f32 v29, v16;
	v26 =	vsub.f32 v31, v26;
	v28 =	vmul.f32 v27, v28  }
0x647: {  	v31 =	vmul.f32 v32, v35;
	v25 =	vmax.f32 v25, $0.0e+00;
	v24 =	vsub.f32 v0, v24  }
0x648: {  	v0 =	vmul.f32 $3.125000000e-02, v3;
	v3 =	vmul.f32 v23, v23;
	v25 =	vadd.f32 $9.999999960e-13, v25  }
0x649: {  	v16 =	vmax.f32 v16, $0.0e+00;
	v28 =	vsub.f32 $1.500000000e+00, v28;
	v31 =	vsub.f32 $1.500000000e+00, v31  }
0x64a: {  	v16 =	vadd.f32 $9.999999960e-13, v16;
	v26 =	vmax.f32 v26, $0.0e+00;
	v17 =	vsub.f32 v0, v3  }
0x64b: {  	v0 =	vshrl.u32 v25, $0x1;
	v25 =	vmul.f32 $5.000000000e-01, v25;
	v26 =	vadd.f32 $9.999999960e-13, v26  }
0x64c: {  	v24 =	vmax.f32 v24, $0.0e+00;
	v27 =	vmul.f32 v27, v28;
	v28 =	vmul.f32 v32, v31  }
0x64d: {  	v29 =	vsub.s32 $0x5F3759DF, v0;
	v31 =	vshrl.u32 v16, $0x1;
	v24 =	vadd.f32 $9.999999960e-13, v24  }
0x64e: {  	v16 =	vmul.f32 $5.000000000e-01, v16;
	v3 =	vshrl.u32 v26, $0x1;
	v0 =	vmul.f32 v29, v25  }
0x64f: {  	v32 =	vsub.s32 $0x5F3759DF, v3;
	v3 =	vshrl.u32 v24, $0x1;
	v24 =	vmul.f32 $5.000000000e-01, v24  }
0x650: {  	v31 =	vsub.s32 $0x5F3759DF, v31;
	v33 =	vmul.f32 v29, v0;
	v34 =	vsub.s32 $0x5F3759DF, v3  }
0x651: {  	v6 =	vadd.f32 v6, v20;
	v35 =	vmul.f32 v31, v16;
	v3 =	vmul.f32 v34, v24  }
0x652: {  	v7 =	vadd.f32 v7, v21;
	[tilespmem:v61+s22+$0x0] =	vst.idx.msk $0xffff, v2;
	v17 =	vmax.f32 v17, $0.0e+00;
	v33 =	vsub.f32 $1.500000000e+00, v33  }
0x653: {  	[tilespmem:v59+s22+$0x0] =	vst.idx.msk $0xffff, v6;
	v17 =	vadd.f32 $9.999999960e-13, v17;
	v35 =	vmul.f32 v31, v35;
	v3 =	vmul.f32 v34, v3  }
0x654: {  	v5 =	vadd.f32 v5, v21;
	[tilespmem:v60+s22+$0x0] =	vst.idx.msk $0xffff, v7;
	v26 =	vmul.f32 $5.000000000e-01, v26;
	v2 =	vmul.f32 v29, v33  }
0x655: {  	v18 =	vld [tilespmem:$0x1F8D0];
	v33 =	vsub.f32 $1.500000000e+00, v35;
	v35 =	vshrl.u32 v17, $0x1;
	v3 =	vsub.f32 $1.500000000e+00, v3  }
0x656: {  	v7 =	vsub.s32 $0x5F3759DF, v35;
	v35 =	vld [tilespmem:$0x1F9C0];
	[tilespmem:v55+s22+$0x0] =	vst.idx.msk $0xffff, v5  }
0x657: {  	v0 =	vmul.f32 v32, v26;
	v3 =	vmul.f32 v34, v3;
	v34 =	vld [tilespmem:$0x1F9D0];
	_ =	sdelay $0x1  }
0x658: {  	v0 =	vmul.f32 v32, v0;
	_ =	sdelay $0x1  }
0x659: {  	v1 =	vadd.f32 v1, v20;
	v0 =	vsub.f32 $1.500000000e+00, v0;
	v38 =	vadd.s32 v35, v38  }
0x65a: {  	v61 =	vadd.f32 v18, v21;
	v55 =	vadd.s32 v34, v39  }
0x65b: {  	v0 =	vmul.f32 v32, v0;
	v32 =	vadd.f32 v46, v20;
	[tilespmem:v56+s22+$0x0] =	vst.idx.msk $0xffff, v1  }
0x65c: {  	v56 =	vadd.f32 v13, v21;
	[tilespmem:v58+s22+$0x0] =	vst.idx.msk $0xffff, v61  }
0x65d: {  	v61 =	vadd.f32 v45, v20;
	[tilespmem:v57+s22+$0x0] =	vst.idx.msk $0xffff, v32  }
0x65e: {  	[tilespmem:v38+s22+$0x0] =	vst.idx.msk $0xffff, v56  }
0x65f: {  	[tilespmem:v55+s22+$0x0] =	vst.idx.msk $0xffff, v61  }
0x660: {  	v6 =	vmul.f32 v31, v33;
	v33 =	vld [tilespmem:$0x1F9E0]  }
0x661: {  	v31 =	vld [tilespmem:$0x1F9F0];
	_ =	sdelay $0x2  }
0x662: {  	v18 =	vsub.f32 v11, v23;
	v1 =	vsub.f32 v44, v23;
	v23 =	vbroadcast v54, $0x0  }
0x663: {  	v38 =	vadd.s32 v33, v39  }
0x664: {  	v16 =	vmul.f32 v6, v16;
	v39 =	vadd.s32 v31, v23  }
0x665: {  	v30 =	vmul.f32 v27, v30;
	v17 =	vmul.f32 $5.000000000e-01, v17  }
0x666: {  	v44 =	vadd.f32 v49, v21;
	v16 =	vmul.f32 v16, v6  }
0x667: {  	v30 =	vmul.f32 v30, v27;
	v60 =	vmul.f32 v7, v17;
	v45 =	vadd.f32 v50, v20;
	v32 =	vld [tilespmem:$0x1FA00]  }
0x668: {  	v16 =	vsub.f32 $1.500000000e+00, v16;
	[tilespmem:v38+s22+$0x0] =	vst.idx.msk $0xffff, v44  }
0x669: {  	v4 =	vmul.f32 v28, v4;
	v29 =	vmul.f32 v7, v60;
	v60 =	vsub.f32 $1.500000000e+00, v30;
	v30 =	vld [tilespmem:$0x1FA10];
	[tilespmem:v39+s22+$0x0] =	vst.idx.msk $0xffff, v45  }
0x66a: {  	v6 =	vmul.f32 v16, v6;
	v16 =	vld [tilespmem:$0x1F8E0]  }
0x66b: {  	v4 =	vmul.f32 v4, v28  }
0x66c: {  	v23 =	vadd.s32 v32, v23  }
0x66d: {  	v4 =	vsub.f32 $1.500000000e+00, v4;
	_ =	sdelay $0x1  }
0x66e: {  	v4 =	vmul.f32 v4, v28;
	v28 =	vld [tilespmem:$0x1FA20];
	v16 =	vadd.f32 v16, v21  }
0x66f: {  	v25 =	vmul.f32 v2, v25  }
0x670: {  	v11 =	vbroadcast v53, $0x0;
	v46 =	vsub.f32 $1.500000000e+00, v29;
	v50 =	vld [tilespmem:$0x1F8F0];
	[tilespmem:v23+s22+$0x0] =	vst.idx.msk $0xffff, v16  }
0x671: {  	v59 =	vmul.f32 v25, v2;
	v16 =	vld [tilespmem:$0x1F900]  }
0x672: {  	v5 =	vmul.f32 v7, v46;
	v46 =	vadd.s32 v30, v11  }
0x673: {  	v13 =	vsub.f32 $1.500000000e+00, v59;
	v7 =	vadd.s32 v28, v11;
	_ =	sdelay $0x1  }
0x674: {  	v2 =	vmul.f32 v13, v2;
	v13 =	vadd.f32 v50, v20  }
0x675: {  	v16 =	vadd.f32 v16, v21  }
0x676: {  	v17 =	vmul.f32 v5, v17;
	v23 =	vshrl.u32 v42, $0x3;
	[tilespmem:v46+s22+$0x0] =	vst.idx.msk $0xffff, v13  }
0x677: {  	v23 =	vshll.u32 v23, v19;
	[tilespmem:v7+s22+$0x0] =	vst.idx.msk $0xffff, v16;
	v16 =	vadd.f32 v48, v20  }
0x678: {  	v17 =	vmul.f32 v17, v5;
	v55 =	vbroadcast v23, $0x0;
	v23 =	vld [tilespmem:$0x1FA50]  }
0x679: {  	v25 =	vmul.f32 v60, v27;
	v56 =	vld [tilespmem:$0x1FA60];
	[tilespmem:v9+s22+$0x0] =	vst.idx.msk $0xffff, v16  }
0x67a: {  	v17 =	vsub.f32 $1.500000000e+00, v17;
	v16 =	vld [tilespmem:$0x1FA70]  }
0x67b: {  	v8 =	vadd.f32 v8, v21;
	v58 =	vmul.f32 v25, v12;
	v59 =	vld [tilespmem:$0x1FA80]  }
0x67c: {  	v26 =	vmul.f32 v0, v26;
	v5 =	vmul.f32 v17, v5;
	v61 =	vld [tilespmem:$0x1FA90]  }
0x67d: {  	v17 =	vshll.u32 v41, v19;
	v9 =	vmul.f32 v58, v14;
	v14 =	vld [tilespmem:$0x1FAA0];
	[tilespmem:v10+s22+$0x0] =	vst.idx.msk $0xffff, v8  }
0x67e: {  	v53 =	vshrl.u32 v43, $0x3;
	v24 =	vmul.f32 v3, v24;
	v17 =	vbroadcast v17, $0x0;
	v8 =	vld [tilespmem:$0x1F910]  }
0x67f: {  	v54 =	vshll.u32 v53, v19;
	v26 =	vmul.f32 v26, v0;
	v57 =	vmul.f32 v25, v22  }
0x680: {  	v60 =	vmul.f32 v4, v22;
	v4 =	vmul.f32 v4, v12;
	v23 =	vadd.s32 v23, v17  }
0x681: {  	v24 =	vmul.f32 v24, v3;
	v15 =	vmul.f32 v57, v15;
	v17 =	vadd.s32 v56, v17  }
0x682: {  	v27 =	vshrl.u32 v40, $0x3;
	v26 =	vsub.f32 $1.500000000e+00, v26;
	v16 =	vadd.s32 v16, v55  }
0x683: {  	v49 =	vsub.f32 $1.500000000e+00, v24;
	v15 =	vadd.f32 v15, v20;
	v8 =	vmul.f32 v60, v8  }
0x684: {  	v40 =	vshll.u32 v27, v19;
	v0 =	vmul.f32 v26, v0;
	v9 =	vadd.f32 v9, v21  }
0x685: {  	s17 =	sadd.s32 $0x4, s15;
	v3 =	vmul.f32 v49, v3;
	[tilespmem:v23+s22+$0x0] =	vst.idx.msk $0xffff, v15;
	v8 =	vadd.f32 v8, v20  }
0x686: {  	v26 =	vmov s17;
	v38 =	vmul.f32 v2, v22;
	v2 =	vmul.f32 v2, v12;
	v29 =	vld [tilespmem:$0x1F920];
	[tilespmem:v17+s22+$0x0] =	vst.idx.msk $0xffff, v9  }
0x687: {  	v44 =	vbroadcast v40, $0x0;
	v39 =	vshrl.u32 v26, $0x3;
	v7 =	vbroadcast v54, $0x0;
	[tilespmem:v16+s22+$0x0] =	vst.idx.msk $0xffff, v8  }
0x688: {  	v41 =	vmul.f32 v38, v51;
	v2 =	vmul.f32 v2, v52;
	v43 =	vshll.u32 v39, v19;
	v15 =	vld [tilespmem:$0x1FAB0]  }
0x689: {  	v49 =	vadd.s32 v35, v44;
	v24 =	vadd.s32 v61, v7;
	v8 =	vbroadcast v43, $0x0  }
0x68a: {  	v2 =	vadd.f32 v2, v21;
	v46 =	vmul.f32 v0, v22;
	v7 =	vadd.s32 v14, v7  }
0x68b: {  	v11 =	vadd.f32 v41, v20;
	v42 =	vmul.f32 v6, v22;
	v52 =	vadd.s32 v34, v8  }
0x68c: {  	v6 =	vmul.f32 v6, v12;
	v50 =	vmul.f32 v46, v36;
	v13 =	vadd.s32 v59, v55  }
0x68d: {  	v45 =	vmul.f32 v42, v62;
	v4 =	vmul.f32 v4, v29;
	v15 =	vadd.s32 v15, v44  }
0x68e: {  	v0 =	vmul.f32 v0, v12;
	v56 =	vadd.f32 v50, v20;
	[tilespmem:v24+s22+$0x0] =	vst.idx.msk $0xffff, v11  }
0x68f: {  	s20 =	sadd.s32 $0x6, s15;
	v48 =	vmul.f32 v6, v37;
	[tilespmem:v7+s22+$0x0] =	vst.idx.msk $0xffff, v2;
	v4 =	vadd.f32 v4, v21  }
0x690: {  	v53 =	vmov s20;
	v10 =	vadd.f32 v45, v20;
	[tilespmem:v52+s22+$0x0] =	vst.idx.msk $0xffff, v56  }
0x691: {  	s19 =	sadd.s32 $0x5, s15;
	v0 =	vmul.f32 v0, v47;
	v2 =	vshrl.u32 v53, $0x3;
	[tilespmem:v13+s22+$0x0] =	vst.idx.msk $0xffff, v4;
	v4 =	vadd.f32 v48, v21  }
0x692: {  	v51 =	vmov s19;
	v2 =	vshll.u32 v2, v19;
	[tilespmem:v15+s22+$0x0] =	vst.idx.msk $0xffff, v10  }
0x693: {  	v0 =	vadd.f32 v0, v21;
	v54 =	vshrl.u32 v51, $0x3;
	v2 =	vbroadcast v2, $0x0;
	[tilespmem:v49+s22+$0x0] =	vst.idx.msk $0xffff, v4  }
0x694: {  	v59 =	vmul.f32 v5, v22;
	v7 =	vshll.u32 v54, v19;
	v8 =	vadd.s32 v33, v8;
	v58 =	vld [tilespmem:$0x1F930]  }
0x695: {  	v5 =	vmul.f32 v5, v12;
	v7 =	vbroadcast v7, $0x0;
	v60 =	vadd.s32 v30, v2  }
0x696: {  	v55 =	vmul.f32 v3, v22;
	v9 =	vmul.f32 v59, v18;
	v2 =	vadd.s32 v28, v2  }
0x697: {  	v3 =	vmul.f32 v3, v12;
	v61 =	vmul.f32 v5, v1;
	v57 =	vadd.s32 v31, v7  }
0x698: {  	v7 =	vadd.s32 v32, v7;
	v4 =	vmul.f32 v55, v63;
	v63 =	vadd.f32 v9, v20  }
0x699: {  	[tilespmem:v8+s22+$0x0] =	vst.idx.msk $0xffff, v0;
	v0 =	vadd.f32 v61, v21;
	v3 =	vmul.f32 v3, v58  }
0x69a: {  	v4 =	vadd.f32 v4, v20;
	[tilespmem:v60+s22+$0x0] =	vst.idx.msk $0xffff, v63  }
0x69b: {  	[tilespmem:v2+s22+$0x0] =	vst.idx.msk $0xffff, v0;
	v62 =	vadd.f32 v3, v21  }
0x69c: {  	[tilespmem:v57+s22+$0x0] =	vst.idx.msk $0xffff, v4  }
0x69d: {  	s15 =	simm.s32 @!p0 $0x80;
	s7 =	sadd.s32 @!p0 $0x300, s18;
	s17 =	simm.s32 @!p0 $0x8400;
	[tilespmem:v7+s22+$0x0] =	vst.idx.msk $0xffff, v62  }
0x69e: {  	[tilespmem:s17], [sflag:$0x3] =	stream.indirect.gather @!p0 [hbm4b:s6+s15], $0x20, s7, s15, $0xb8;
	[tilespmem:$0x1B440] =	vst v63  }
0x69f: {  	s7 =	sand.u32 @!p0 $0x1, s30  }
0x6a0: {  	p1 =	seq.s32 @!p0 s7, $0x0  }
0x6a1: {  	p0 =	por p0, !p1  }
.Ltmp8:
0x6a2: {  	_ = 	snop;
	(pc) =	sbr.rel @!p0 .LBB2_20-.Ltmp8, $2  }
0x6a3: {  	_ =	sdelay $0x2  }
0x6a4: {  	v17 =	vmov v22;
	v18 =	vmov v12  }
0x6a5: {  	s7 =	sadd.s32 s8, s31  }
0x6a6: {  	s15 =	sshll.u32 s7, $0xA;
	s7 =	sshll.u32 s7, $0xC  }
0x6a7: {  	s15 =	sand.u32 $0xC00, s15;
	s7 =	sand.u32 $0xFFFC000, s7  }
0x6a8: {  	s17 =	sor.u32 s15, s7  }
0x6a9: {  	s19 =	simm.s32 $0x10;
	s18 =	sadd.s32 s4, s17  }
0x6aa: {  	s20 =	sadd.s32 $0x88, s14;
	s15 =	sadd.s32 $0x5, s3;
	s7 =	sadd.s32 $0x0, s18  }
.LBB2_12:
0x6ab: {  	[hbm4b:s7+s5] =	stream.linear.scatter [tilespmem:s14], [sflag:s15], $0x80, $0x38;
	[tilespmem:$0x1B440] =	vst v63  }
0x6ac: {  	s7 =	smov.u32 s19;
	s14 =	smov.u32 s20;
	p0 =	sne.s32 s19, $0x3F0  }
.Ltmp9:
0x6ad: {  	s19 =	sadd.s32 $0x10, s19;
	(pc) =	sbr.rel @p0 .LBB2_12-.Ltmp9, $2  }
0x6ae: {  	_ =	sdelay $0x2  }
0x6af: {  	s20 =	sadd.s32 $0x88, s20;
	s7 =	sadd.s32 s7, s18  }
0x6b0: {  	[hbm4b:s7+s5] =	stream.linear.scatter [tilespmem:s14], [sflag:s15], $0x80, $0x38;
	[tilespmem:$0x1B440] =	vst v63  }
0x6b1: {  	s14 =	sadd.s32 s17, s9  }
0x6b2: {  	s18 =	simm.s32 $0x10;
	s19 =	sadd.s32 $0x88, s2;
	s7 =	sadd.s32 $0x0, s14  }
.LBB2_14:
0x6b3: {  	[hbm4b:s7+s5] =	stream.linear.scatter [tilespmem:s2], [sflag:s15], $0x80, $0x38;
	[tilespmem:$0x1B440] =	vst v63  }
0x6b4: {  	s7 =	smov.u32 s18;
	s2 =	smov.u32 s19;
	p0 =	sne.s32 s18, $0x3F0  }
.Ltmp10:
0x6b5: {  	s18 =	sadd.s32 $0x10, s18;
	(pc) =	sbr.rel @p0 .LBB2_14-.Ltmp10, $2  }
0x6b6: {  	_ =	sdelay $0x2  }
0x6b7: {  	s19 =	sadd.s32 $0x88, s19;
	s7 =	sadd.s32 s7, s14  }
0x6b8: {  	[hbm4b:s7+s5] =	stream.linear.scatter [tilespmem:s2], [sflag:s15], $0x80, $0x38;
	[tilespmem:$0x1B440] =	vst v63  }
0x6b9: {  	s2 =	sadd.s32 s17, s10  }
0x6ba: {  	s14 =	simm.s32 $0x10;
	s18 =	sadd.s32 $0x88, s0;
	s7 =	sadd.s32 $0x0, s2  }
.LBB2_16:
0x6bb: {  	[hbm4b:s7+s5] =	stream.linear.scatter [tilespmem:s0], [sflag:s15], $0x80, $0x38;
	[tilespmem:$0x1B440] =	vst v63  }
0x6bc: {  	s7 =	smov.u32 s14;
	s0 =	smov.u32 s18;
	p0 =	sne.s32 s14, $0x3F0  }
.Ltmp11:
0x6bd: {  	s14 =	sadd.s32 $0x10, s14;
	(pc) =	sbr.rel @p0 .LBB2_16-.Ltmp11, $2  }
0x6be: {  	_ =	sdelay $0x2  }
0x6bf: {  	s18 =	sadd.s32 $0x88, s18;
	s7 =	sadd.s32 s7, s2  }
0x6c0: {  	[hbm4b:s7+s5] =	stream.linear.scatter [tilespmem:s0], [sflag:s15], $0x80, $0x38;
	[tilespmem:$0x1B440] =	vst v63  }
0x6c1: {  	s0 =	sadd.s32 s17, s11  }
0x6c2: {  	s2 =	simm.s32 $0x10;
	s14 =	sadd.s32 $0x88, s1;
	s7 =	sadd.s32 $0x0, s0  }
.LBB2_18:
0x6c3: {  	[hbm4b:s7+s5] =	stream.linear.scatter [tilespmem:s1], [sflag:s15], $0x80, $0x38;
	[tilespmem:$0x1B440] =	vst v63  }
0x6c4: {  	s7 =	smov.u32 s2;
	s1 =	smov.u32 s14;
	p0 =	sne.s32 s2, $0x3F0  }
.Ltmp12:
0x6c5: {  	s2 =	sadd.s32 $0x10, s2;
	(pc) =	sbr.rel @p0 .LBB2_18-.Ltmp12, $2  }
0x6c6: {  	_ =	sdelay $0x2  }
0x6c7: {  	s14 =	sadd.s32 $0x88, s14;
	s7 =	sadd.s32 s7, s0  }
0x6c8: {  	[hbm4b:s7+s5] =	stream.linear.scatter [tilespmem:s1], [sflag:s15], $0x80, $0x38;
	[tilespmem:$0x1B440] =	vst v63  }
0x6c9: {  	p0 =	seq.s32 s31, $0x0  }
0x6ca: {  	s0 =	sxor.u32 @!p0 $0x1, s3  }
0x6cb: {  	s0 =	sadd.s32 @!p0 $0x5, s0  }
0x6cc: {  	_ =	swait.ge @!p0 [sflag:s0], $0x2000  }
0x6cd: {  	[sflag:s0] =	ssyncset.done @!p0 $0x0  }
0x6ce: {  	[sflag:s0] =	ssyncadd.s32 @!p0 $0xFFFFE000  }
0x6cf: {  	_ =	swait.ge @!p0 [sflag:s0], $0x2000  }
0x6d0: {  	[sflag:s0] =	ssyncset.done @!p0 $0x0  }
0x6d1: {  	[sflag:s0] =	ssyncadd.s32 @!p0 $0xFFFFE000  }
0x6d2: {  	_ =	swait.ge @!p0 [sflag:s0], $0x2000  }
.Ltmp13:
0x6d3: {  	[sflag:s0] =	ssyncset.done @!p0 $0x0;
	(pc) =	sbr.rel .LBB2_20-.Ltmp13, $4  }
0x6d4: {  	[sflag:s0] =	ssyncadd.s32 @!p0 $0xFFFFE000  }
0x6d5: {  	_ =	swait.ge @!p0 [sflag:s0], $0x2000  }
0x6d6: {  	[sflag:s0] =	ssyncset.done @!p0 $0x0  }
0x6d7: {  	[sflag:s0] =	ssyncadd.s32 @!p0 $0xFFFFE000  }
.LBB2_22:
0x6d8: {  	_ =	sfence.sel $0x180000  }
0x6d9: {  	[bflag:$0x0] =	sbarrier.arrive $0xFFFF  }
0x6da: {  	_ =	strace $0x90000047  }
0x6db: {  	s0 =	stileid.u32;
	[bflag:$0x2] =	sbarrier.arrive $0xFFFF  }
0x6dc: {  	p0 =	sne.s32 s0, $0x0;
	s0 =	rddreg [dreg:$0x4]  }
0x6dd: {  	s0 =	sadd.s32 @!p0 $0x100000, s0  }
0x6de: {  	[sflag:s0] =	ssyncadd.tile.s32 @!p0 $0x1;
	_ =	shalt  }
.Lfunc_end2:
_tile_overlayer_lowered:
.L_overlay_start_2:
0x6df: {  	(tag) =	ssettag $0x2  }
0x6e0: {  	s0 =	rddreg [dreg:$0x0];
	s2 =	stileid.u32  }
0x6e1: {  	s1 =	rddreg [dreg:$0x1];
	p0 =	sne.s32 s2, $0x0  }
0x6e2: {  	s3 =	rddreg [dreg:$0x2];
	[bflag:$0x3] =	sbarrier.arrive $0xFFFF;
	s2 =	simm.s32 @!p0 $0x1C07  }
0x6e3: {  	[timem:s3], [sflag:s2] =	dma.local @!p0 [hbm:s0], s1  }
0x6e4: {  	s0 =	simm.s32 @!p0 $0x7  }
0x6e5: {  	_ =	swait.ge @!p0 [sflag:s0], s1  }
0x6e6: {  	s1 =	ssub.s32 @!p0 $0x0, s1;
	[sflag:s0] =	ssyncset.done @!p0 $0x0  }
0x6e7: {  	[sflag:s0] =	ssyncadd.s32 @!p0 s1  }
0x6e8: {  	[bflag:$0x3] =	sbarrier.arrive $0xFFFF  }
0x6e9: {  	_ =	shalt  }

</sc_bundles>
